<compile_context>
chip_gen: v7x
topology: tpu7x:2x2x1
jax: 0.10.2.dev20260603
libtpu: 0.0.44.dev20260713+nightly
codegen_flags: <defaults>
</compile_context>

<pallas_src>
import jax
import jax.numpy as jnp
from jax import lax
from jax.experimental import pallas as pl
from jax.experimental.pallas import tpu as pltpu
from jax.experimental.pallas import tpu_sc as plsc

_N = 10000
_E = 320000
_FIN = 128
_HID = 64
_NCLS = 40

_NC = 2
_NS = 16
_NW = _NC * _NS
_NPAD = 10240
_SL = _NPAD // _NS
_K = 128
_NCHUNK = _E // _K
_FULL = _NCHUNK // _NW
_REM = _NCHUNK - _FULL * _NW


def _mesh():
  return plsc.VectorSubcoreMesh(
      core_axis_name="c", subcore_axis_name="s", num_cores=_NC,
      num_subcores=_NS)


_SC_PARAMS = pltpu.CompilerParams(use_tc_tiling_on_sc=False)


_DK = 26


def _deg_body(ei_hbm, degp_hbm, dbuf, onesv, zbuf, acc, sem):
  cid = lax.axis_index("c")
  sid = lax.axis_index("s")
  wid = cid * _NS + sid

  pltpu.sync_copy(ei_hbm.at[1, pl.ds(wid * _FULL, _FULL)],
                  dbuf.at[pl.ds(0, _FULL)])

  @pl.when(wid < _REM)
  def _():
    pltpu.sync_copy(ei_hbm.at[1, pl.ds(_NW * _FULL + wid, 1)],
                    dbuf.at[pl.ds(_FULL, 1)])

  def _fill_z(i, c):
    zbuf[pl.ds(i * 16, 16)] = jnp.zeros((16,), jnp.float32)
    return c
  lax.fori_loop(0, _SL // 16, _fill_z, 0)

  def _fill_o(i, c):
    onesv[pl.ds(i * 16, 16)] = jnp.ones((16,), jnp.float32)
    return c
  lax.fori_loop(0, _K // 16, _fill_o, 0)

  pltpu.sync_copy(zbuf, acc.at[pl.ds(sid * _SL, _SL)])
  plsc.subcore_barrier()

  def _round(r, c):
    def _fire(j, c2):
      pltpu.async_copy(onesv, acc.at[dbuf.at[r * _DK + j]], sem, add=True)
      return c2
    lax.fori_loop(0, _DK, _fire, 0)

    def _drain(j, c2):
      pltpu.make_async_copy(onesv, acc.at[dbuf.at[r * _DK + j]], sem).wait()
      return c2
    lax.fori_loop(0, _DK, _drain, 0)
    return c
  lax.fori_loop(0, _FULL // _DK, _round, 0)

  @pl.when(wid < _REM)
  def _():
    pltpu.sync_copy(onesv, acc.at[dbuf.at[_FULL]], add=True)

  plsc.subcore_barrier()
  pltpu.sync_copy(acc.at[pl.ds(sid * _SL, _SL)],
                  degp_hbm.at[cid, pl.ds(sid * _SL, _SL)])


_deg_call = pl.kernel(
    _deg_body,
    out_type=jax.ShapeDtypeStruct((_NC, _NPAD), jnp.float32),
    mesh=_mesh(),
    compiler_params=_SC_PARAMS,
    scratch_types=[
        pltpu.VMEM((_FULL + 1, _K), jnp.int32),
        pltpu.VMEM((_K,), jnp.float32),
        pltpu.VMEM((_SL,), jnp.float32),
        pltpu.VMEM_SHARED((_NPAD,), jnp.float32),
        pltpu.SemaphoreType.DMA,
    ],
)


def _make_agg(d, _NBUF, _LOOK):
  _SKIP = _NBUF - _LOOK
  _TRIPS = _FULL // _NBUF

  def _agg_body(h_hbm, ei_hbm, outp, sbuf, dbuf, rows, zrows, acc, *sems):
    cid = lax.axis_index("c")
    sid = lax.axis_index("s")
    wid = cid * _NS + sid
    gsem = list(sems[:_NBUF])
    ssem = list(sems[_NBUF:])
    base = wid * _FULL

    ld_s = pltpu.async_copy(ei_hbm.at[0, pl.ds(base, _FULL)],
                            sbuf.at[pl.ds(0, _FULL)], gsem[0])
    ld_d = pltpu.async_copy(ei_hbm.at[1, pl.ds(base, _FULL)],
                            dbuf.at[pl.ds(0, _FULL)], gsem[1])

    @pl.when(wid < _REM)
    def _():
      pltpu.sync_copy(ei_hbm.at[0, pl.ds(_NW * _FULL + wid, 1)],
                      sbuf.at[pl.ds(_FULL, 1)])
      pltpu.sync_copy(ei_hbm.at[1, pl.ds(_NW * _FULL + wid, 1)],
                      dbuf.at[pl.ds(_FULL, 1)])

    offs = list(range(0, d - 15, 16))
    if d % 16 != 0:
      offs.append(d - 16)
    for i in range(32):
      for j in offs:
        zrows[i, pl.ds(j, 16)] = jnp.zeros((16,), jnp.float32)

    def _zero(t, c):
      pltpu.sync_copy(zrows, acc.at[pl.ds(sid * _SL + t * 32, 32)])
      return c
    lax.fori_loop(0, _SL // 32, _zero, 0)
    ld_s.wait()
    ld_d.wait()
    plsc.subcore_barrier()

    for b in range(_LOOK):
      pltpu.async_copy(h_hbm.at[sbuf.at[b]], rows.at[b], gsem[b])

    def _trip(t, carry):
      for b in range(_NBUF):
        c = t * _NBUF + b
        bg = (b + _LOOK) % _NBUF
        pltpu.make_async_copy(h_hbm.at[sbuf.at[c]], rows.at[b],
                              gsem[b]).wait()
        pltpu.async_copy(rows.at[b], acc.at[dbuf.at[c]], ssem[b], add=True)

        def _wait_old():
          pltpu.make_async_copy(rows.at[bg], acc.at[dbuf.at[c]],
                                ssem[bg]).wait()

        def _issue_gather():
          pltpu.async_copy(h_hbm.at[sbuf.at[c + _LOOK]], rows.at[bg],
                           gsem[bg])

        if b < _SKIP:
          @pl.when(t > 0)
          def _w():
            _wait_old()
          _issue_gather()
        else:
          _wait_old()

          @pl.when(t < _TRIPS - 1)
          def _g():
            _issue_gather()
      return carry
    lax.fori_loop(0, _TRIPS, _trip, 0)

    for b in range(_LOOK, _NBUF):
      pltpu.make_async_copy(rows.at[b], acc.at[dbuf.at[0]], ssem[b]).wait()

    @pl.when(wid < _REM)
    def _():
      pltpu.async_copy(h_hbm.at[sbuf.at[_FULL]], rows.at[0], gsem[0]).wait()
      pltpu.sync_copy(rows.at[0], acc.at[dbuf.at[_FULL]], add=True)

    plsc.subcore_barrier()
    pltpu.sync_copy(acc.at[pl.ds(sid * _SL, _SL)],
                    outp.at[cid, pl.ds(sid * _SL, _SL)])

  return pl.kernel(
      _agg_body,
      out_type=jax.ShapeDtypeStruct((_NC, _NPAD, d), jnp.float32),
      mesh=_mesh(),
      compiler_params=_SC_PARAMS,
      scratch_types=[
          pltpu.VMEM((_FULL + 1, _K), jnp.int32),
          pltpu.VMEM((_FULL + 1, _K), jnp.int32),
          pltpu.VMEM((_NBUF, _K, d), jnp.float32),
          pltpu.VMEM((32, d), jnp.float32),
          pltpu.VMEM_SHARED((_NPAD, d), jnp.float32),
      ] + [pltpu.SemaphoreType.DMA] * (2 * _NBUF),
  )


_agg64 = _make_agg(_HID, 6, 5)
_agg40 = _make_agg(_NCLS, 6, 5)


_BR = 5120
_GRID = (_N + _BR - 1) // _BR


def _mm1_body(x_ref, w_ref, degp_ref, o_ref):
  s = lax.rsqrt(degp_ref[0, :] + degp_ref[1, :] + 1.0)
  h = jnp.dot(x_ref[...], w_ref[...], preferred_element_type=jnp.float32)
  o_ref[...] = h * s[:, None]


def _mm1(x, w1, degp):
  return pl.pallas_call(
      _mm1_body,
      grid=(_GRID,),
      in_specs=[
          pl.BlockSpec((_BR, _FIN), lambda i: (i, 0)),
          pl.BlockSpec((_FIN, _HID), lambda i: (0, 0)),
          pl.BlockSpec((_NC, _BR), lambda i: (0, i)),
      ],
      out_specs=pl.BlockSpec((_BR, _HID), lambda i: (i, 0)),
      out_shape=jax.ShapeDtypeStruct((_NPAD, _HID), jnp.float32),
  )(x, w1, degp)


def _mm2_body(degp_ref, p_ref, h_ref, b_ref, w_ref, o_ref):
  s = lax.rsqrt(degp_ref[0, :] + degp_ref[1, :] + 1.0)
  t = (p_ref[0] + p_ref[1] + h_ref[...]) * s[:, None] + b_ref[...]
  z = jnp.maximum(t, 0.0)
  o_ref[...] = jnp.dot(
      z, w_ref[...], preferred_element_type=jnp.float32) * s[:, None]


def _mm2(degp, p, h1, b1r, w2):
  return pl.pallas_call(
      _mm2_body,
      grid=(_GRID,),
      in_specs=[
          pl.BlockSpec((_NC, _BR), lambda i: (0, i)),
          pl.BlockSpec((_NC, _BR, _HID), lambda i: (0, i, 0)),
          pl.BlockSpec((_BR, _HID), lambda i: (i, 0)),
          pl.BlockSpec((1, _HID), lambda i: (0, 0)),
          pl.BlockSpec((_HID, _NCLS), lambda i: (0, 0)),
      ],
      out_specs=pl.BlockSpec((_BR, _NCLS), lambda i: (i, 0)),
      out_shape=jax.ShapeDtypeStruct((_NPAD, _NCLS), jnp.float32),
  )(degp, p, h1, b1r, w2)


def _fin_body(degp_ref, p_ref, h_ref, b_ref, o_ref):
  s = lax.rsqrt(degp_ref[0, :] + degp_ref[1, :] + 1.0)
  u = (p_ref[0] + p_ref[1] + h_ref[...]) * s[:, None] + b_ref[...]
  m = jnp.max(u, axis=1, keepdims=True)
  lse = jnp.log(jnp.sum(jnp.exp(u - m), axis=1, keepdims=True)) + m
  o_ref[...] = u - lse


def _fin(degp, p, h2, b2r):
  return pl.pallas_call(
      _fin_body,
      grid=(_GRID,),
      in_specs=[
          pl.BlockSpec((_NC, _BR), lambda i: (0, i)),
          pl.BlockSpec((_NC, _BR, _NCLS), lambda i: (0, i, 0)),
          pl.BlockSpec((_BR, _NCLS), lambda i: (i, 0)),
          pl.BlockSpec((1, _NCLS), lambda i: (0, 0)),
      ],
      out_specs=pl.BlockSpec((_BR, _NCLS), lambda i: (i, 0)),
      out_shape=jax.ShapeDtypeStruct((_N, _NCLS), jnp.float32),
  )(degp, p, h2, b2r)


@jax.jit
def kernel(x, edge_index, W1, b1, W2, b2):
  ei3 = edge_index.astype(jnp.int32).reshape(2, _NCHUNK, _K)
  b1r = b1.reshape(1, _HID)
  b2r = b2.reshape(1, _NCLS)

  degp = _deg_call(ei3)
  h1 = _mm1(x, W1, degp)
  p1 = _agg64(h1, ei3)
  h2 = _mm2(degp, p1, h1, b1r, W2)
  p2 = _agg40(h2, ei3)
  return _fin(degp, p2, h2, b2r)

# --- scband reference (transcript-rebuilt; emitter-appended) ---
"""Pipeline reference for scband-gcn-3453153706769 (READ-ONLY COPY).

The authoritative reference and input builder live on the scoring server;
editing this copy changes nothing except your own understanding.
"""

import jax, jax.numpy as jnp
import numpy as np

N = 10000
E = 320000
F_IN = 128
HID = 64
NCLS = 40


def setup_inputs(seed: int = 0) -> dict:
    key = jax.random.key(seed)
    k1, k2, k3, k4, k5, k6 = jax.random.split(key, 6)
    x = jax.random.normal(k1, (N, F_IN), dtype=jnp.float32)
    edge_index = jax.random.randint(k2, (2, E), 0, N)
    W1 = jax.random.normal(k3, (F_IN, HID), dtype=jnp.float32) * (1.0 / np.sqrt(F_IN))
    b1 = jnp.zeros((HID,), dtype=jnp.float32)
    W2 = jax.random.normal(k4, (HID, NCLS), dtype=jnp.float32) * (1.0 / np.sqrt(HID))
    b2 = jnp.zeros((NCLS,), dtype=jnp.float32)
    return {"x": x, "edge_index": edge_index, "W1": W1, "b1": b1, "W2": W2, "b2": b2}


def _gcn_conv(x, edge_index, W, b):
    # PyG GCNConv: add self-loops, symmetric normalization D^-1/2 (A+I) D^-1/2 X W + b
    src = edge_index[0]
    dst = edge_index[1]
    loop = jnp.arange(N, dtype=src.dtype)
    src = jnp.concatenate([src, loop])
    dst = jnp.concatenate([dst, loop])
    deg = jnp.zeros((N,), dtype=x.dtype).at[dst].add(1.0)
    deg_inv_sqrt = jnp.where(deg > 0, jax.lax.rsqrt(jnp.maximum(deg, 1e-12)), 0.0)
    norm = deg_inv_sqrt[src] * deg_inv_sqrt[dst]
    h = x @ W
    msg = h[src] * norm[:, None]
    out = jnp.zeros((N, W.shape[1]), dtype=x.dtype).at[dst].add(msg)
    return out + b


def reference(x, edge_index, W1, b1, W2, b2):
    h = _gcn_conv(x, edge_index, W1, b1)
    h = jax.nn.relu(h)
    # dropout is identity in eval mode (training=False)
    h = _gcn_conv(h, edge_index, W2, b2)
    return jax.nn.log_softmax(h, axis=1)

if __name__ == "__main__":
    import jax
    _d = setup_inputs()
    print(jax.jit(kernel)(*tuple(_d.values())))

</pallas_src>

<mosaic_0001>
#map = affine_map<(d0, d1) -> (0, 0, 0)>
#map1 = affine_map<(d0, d1) -> (0, 0)>
module attributes {stable_mosaic.version = 14 : i64} {
  func.func @_deg_body(%arg0: i32, %arg1: i32, %arg2: memref<2x2500x128xi32, #tpu.memory_space<hbm>>, %arg3: memref<2x10240xf32, #tpu.memory_space<hbm>>, %arg4: memref<79x128xi32, #tpu.memory_space<vmem>>, %arg5: memref<128xf32, #tpu.memory_space<vmem>>, %arg6: memref<640xf32, #tpu.memory_space<vmem>>, %arg7: memref<10240xf32, #tpu.memory_space<vmem_shared>>, %arg8: memref<!tpu.dma_semaphore, #tpu.memory_space<semaphore_mem>>) attributes {dimension_semantics = [#tpu.dimension_semantics<core_parallel>, #tpu.dimension_semantics<subcore_parallel>], iteration_bounds = array<i64: 2, 16>, scalar_prefetch = 0 : i64, scratch_operands = 5 : i64, tpu.core_type = #tpu.core_type<sc_vector_subcore>, window_params = [{transform_indices = #map}, {transform_indices = #map1}]} {
    %mul3A = arith.constant 16 : i32
    %mul3A_0 = arith.muli %arg0, %mul3A : i32
    %add3A = arith.addi %mul3A_0, %arg1 : i32
    %mul3A_1 = arith.constant 78 : i32
    %mul3A_2 = arith.muli %add3A, %mul3A_1 : i32
    %run_scoped3A = arith.constant 1 : i32
    "tpu.region"() ({
      %run_scoped3A_34 = tpu.sem_alloc : memref<!tpu.dma_semaphore, #tpu.memory_space<semaphore_mem>>
      %dma_start3A = arith.constant 0 : i32
      %dma_start3A_35 = arith.constant 0 : i32
      %dma_start3A_36 = tpu.memref_slice %arg4[%dma_start3A, %dma_start3A_35] : memref<79x128xi32, #tpu.memory_space<vmem>> -> memref<78x128xi32, #tpu.memory_space<vmem>>
      %dma_start3A_37 = arith.constant 0 : i32
      %dma_start3A_38 = tpu.memref_slice %arg2[%run_scoped3A, %mul3A_2, %dma_start3A_37] : memref<2x2500x128xi32, #tpu.memory_space<hbm>> -> memref<1x78x128xi32, #tpu.memory_space<hbm>>
      %dma_start3A_39 = tpu.memref_squeeze %dma_start3A_38 : memref<1x78x128xi32, #tpu.memory_space<hbm>> -> memref<78x128xi32, #tpu.memory_space<hbm>>
      %dma_start3A_40 = arith.constant 0 : i32
      %dma_start3A_41 = arith.constant 0 : i32
      %dma_start3A_42 = tpu.memref_slice %arg4[%dma_start3A_40, %dma_start3A_41] : memref<79x128xi32, #tpu.memory_space<vmem>> -> memref<78x128xi32, #tpu.memory_space<vmem>>
      %dma_start3A_43 = arith.constant 0 : i32
      %dma_start3A_44 = tpu.memref_slice %arg2[%run_scoped3A, %mul3A_2, %dma_start3A_43] : memref<2x2500x128xi32, #tpu.memory_space<hbm>> -> memref<1x78x128xi32, #tpu.memory_space<hbm>>
      %dma_start3A_45 = tpu.memref_squeeze %dma_start3A_44 : memref<1x78x128xi32, #tpu.memory_space<hbm>> -> memref<78x128xi32, #tpu.memory_space<hbm>>
      tpu.enqueue_dma source(%dma_start3A_45 : memref<78x128xi32, #tpu.memory_space<hbm>>) target(%dma_start3A_42 : memref<78x128xi32, #tpu.memory_space<vmem>>) target_semaphore(%run_scoped3A_34 : memref<!tpu.dma_semaphore, #tpu.memory_space<semaphore_mem>>)
      %dma_wait3A = arith.constant 0 : i32
      %dma_wait3A_46 = arith.constant 0 : i32
      %dma_wait3A_47 = tpu.memref_slice %arg4[%dma_wait3A, %dma_wait3A_46] : memref<79x128xi32, #tpu.memory_space<vmem>> -> memref<78x128xi32, #tpu.memory_space<vmem>>
      %dma_wait3A_48 = arith.constant 0 : i32
      %dma_wait3A_49 = tpu.memref_slice %arg2[%run_scoped3A, %mul3A_2, %dma_wait3A_48] : memref<2x2500x128xi32, #tpu.memory_space<hbm>> -> memref<1x78x128xi32, #tpu.memory_space<hbm>>
      %dma_wait3A_50 = tpu.memref_squeeze %dma_wait3A_49 : memref<1x78x128xi32, #tpu.memory_space<hbm>> -> memref<78x128xi32, #tpu.memory_space<hbm>>
      %dma_wait3A_51 = arith.constant 0 : i32
      %dma_wait3A_52 = arith.constant 0 : i32
      %dma_wait3A_53 = tpu.memref_slice %arg4[%dma_wait3A_51, %dma_wait3A_52] : memref<79x128xi32, #tpu.memory_space<vmem>> -> memref<78x128xi32, #tpu.memory_space<vmem>>
      %dma_wait3A_54 = arith.constant 0 : i32
      %dma_wait3A_55 = tpu.memref_slice %arg2[%run_scoped3A, %mul3A_2, %dma_wait3A_54] : memref<2x2500x128xi32, #tpu.memory_space<hbm>> -> memref<1x78x128xi32, #tpu.memory_space<hbm>>
      %dma_wait3A_56 = tpu.memref_squeeze %dma_wait3A_55 : memref<1x78x128xi32, #tpu.memory_space<hbm>> -> memref<78x128xi32, #tpu.memory_space<hbm>>
      tpu.wait_dma2 semaphore(%run_scoped3A_34 : memref<!tpu.dma_semaphore, #tpu.memory_space<semaphore_mem>>) src(%dma_wait3A_56 : memref<78x128xi32, #tpu.memory_space<hbm>>) dst(%dma_wait3A_53 : memref<78x128xi32, #tpu.memory_space<vmem>>)
      tpu.yield
    }) : () -> ()
    %lt3A = arith.constant 4 : i32
    %lt3A_3 = arith.cmpi slt, %add3A, %lt3A : i32
    %convert_element_type3A = arith.extui %lt3A_3 : i1 to i32
    %cond3A = arith.constant 0 : i32
    %cond3A_4 = arith.cmpi ne, %convert_element_type3A, %cond3A : i32
    scf.if %cond3A_4 {
      %add3A_34 = arith.constant 2496 : i32
      %add3A_35 = arith.addi %add3A_34, %add3A : i32
      %run_scoped3A_36 = arith.constant 1 : i32
      "tpu.region"() ({
        %run_scoped3A_37 = tpu.sem_alloc : memref<!tpu.dma_semaphore, #tpu.memory_space<semaphore_mem>>
        %dma_start3A = arith.constant 78 : i32
        %dma_start3A_38 = arith.constant 0 : i32
        %dma_start3A_39 = tpu.memref_slice %arg4[%dma_start3A, %dma_start3A_38] : memref<79x128xi32, #tpu.memory_space<vmem>> -> memref<1x128xi32, #tpu.memory_space<vmem>>
        %dma_start3A_40 = arith.constant 0 : i32
        %dma_start3A_41 = tpu.memref_slice %arg2[%run_scoped3A_36, %add3A_35, %dma_start3A_40] : memref<2x2500x128xi32, #tpu.memory_space<hbm>> -> memref<1x1x128xi32, #tpu.memory_space<hbm>>
        %dma_start3A_42 = tpu.memref_squeeze %dma_start3A_41 : memref<1x1x128xi32, #tpu.memory_space<hbm>> -> memref<1x128xi32, #tpu.memory_space<hbm>>
        %dma_start3A_43 = arith.constant 78 : i32
        %dma_start3A_44 = arith.constant 0 : i32
        %dma_start3A_45 = tpu.memref_slice %arg4[%dma_start3A_43, %dma_start3A_44] : memref<79x128xi32, #tpu.memory_space<vmem>> -> memref<1x128xi32, #tpu.memory_space<vmem>>
        %dma_start3A_46 = arith.constant 0 : i32
        %dma_start3A_47 = tpu.memref_slice %arg2[%run_scoped3A_36, %add3A_35, %dma_start3A_46] : memref<2x2500x128xi32, #tpu.memory_space<hbm>> -> memref<1x1x128xi32, #tpu.memory_space<hbm>>
        %dma_start3A_48 = tpu.memref_squeeze %dma_start3A_47 : memref<1x1x128xi32, #tpu.memory_space<hbm>> -> memref<1x128xi32, #tpu.memory_space<hbm>>
        tpu.enqueue_dma source(%dma_start3A_48 : memref<1x128xi32, #tpu.memory_space<hbm>>) target(%dma_start3A_45 : memref<1x128xi32, #tpu.memory_space<vmem>>) target_semaphore(%run_scoped3A_37 : memref<!tpu.dma_semaphore, #tpu.memory_space<semaphore_mem>>)
        %dma_wait3A = arith.constant 78 : i32
        %dma_wait3A_49 = arith.constant 0 : i32
        %dma_wait3A_50 = tpu.memref_slice %arg4[%dma_wait3A, %dma_wait3A_49] : memref<79x128xi32, #tpu.memory_space<vmem>> -> memref<1x128xi32, #tpu.memory_space<vmem>>
        %dma_wait3A_51 = arith.constant 0 : i32
        %dma_wait3A_52 = tpu.memref_slice %arg2[%run_scoped3A_36, %add3A_35, %dma_wait3A_51] : memref<2x2500x128xi32, #tpu.memory_space<hbm>> -> memref<1x1x128xi32, #tpu.memory_space<hbm>>
        %dma_wait3A_53 = tpu.memref_squeeze %dma_wait3A_52 : memref<1x1x128xi32, #tpu.memory_space<hbm>> -> memref<1x128xi32, #tpu.memory_space<hbm>>
        %dma_wait3A_54 = arith.constant 78 : i32
        %dma_wait3A_55 = arith.constant 0 : i32
        %dma_wait3A_56 = tpu.memref_slice %arg4[%dma_wait3A_54, %dma_wait3A_55] : memref<79x128xi32, #tpu.memory_space<vmem>> -> memref<1x128xi32, #tpu.memory_space<vmem>>
        %dma_wait3A_57 = arith.constant 0 : i32
        %dma_wait3A_58 = tpu.memref_slice %arg2[%run_scoped3A_36, %add3A_35, %dma_wait3A_57] : memref<2x2500x128xi32, #tpu.memory_space<hbm>> -> memref<1x1x128xi32, #tpu.memory_space<hbm>>
        %dma_wait3A_59 = tpu.memref_squeeze %dma_wait3A_58 : memref<1x1x128xi32, #tpu.memory_space<hbm>> -> memref<1x128xi32, #tpu.memory_space<hbm>>
        tpu.wait_dma2 semaphore(%run_scoped3A_37 : memref<!tpu.dma_semaphore, #tpu.memory_space<semaphore_mem>>) src(%dma_wait3A_59 : memref<1x128xi32, #tpu.memory_space<hbm>>) dst(%dma_wait3A_56 : memref<1x128xi32, #tpu.memory_space<vmem>>)
        tpu.yield
      }) : () -> ()
    } else {
    }
    %scan3A = arith.constant 0 : i32
    %scan3A_5 = arith.constant 0 : i32
    %scan3A_6 = arith.constant 40 : i32
    %scan3A_7 = arith.addi %scan3A_5, %scan3A_6 : i32
    %scan3A_8 = arith.constant 1 : i32
    scf.for %scan3A_34 = %scan3A_5 to %scan3A_7 step %scan3A_8  : i32 {
      %broadcast_in_dim3A = arith.constant 0.000000e+00 : f32
      %broadcast_in_dim3A_35 = vector.broadcast %broadcast_in_dim3A : f32 to vector<16xf32>
      %mul3A_36 = arith.constant 16 : i32
      %mul3A_37 = arith.muli %scan3A_34, %mul3A_36 : i32
      %swap3A = arith.index_cast %mul3A_37 : i32 to index
      %swap3A_38 = tpu.vector_load %arg6[%swap3A] {strides = array<i32>} : memref<640xf32, #tpu.memory_space<vmem>>, vector<16xf32>,
      %swap3A_39 = vector.shape_cast %swap3A_38 : vector<16xf32> to vector<16xf32>
      %swap3A_40 = vector.shape_cast %broadcast_in_dim3A_35 : vector<16xf32> to vector<16xf32>
      tpu.vector_store %arg6[%swap3A], %swap3A_40 {strides = array<i32>} : memref<640xf32, #tpu.memory_space<vmem>>, vector<16xf32>,
    }
    %scan3A_9 = arith.constant 40 : i32
    %scan3A_10 = arith.constant 0 : i32
    %scan3A_11 = arith.constant 0 : i32
    %scan3A_12 = arith.constant 8 : i32
    %scan3A_13 = arith.addi %scan3A_11, %scan3A_12 : i32
    %scan3A_14 = arith.constant 1 : i32
    scf.for %scan3A_34 = %scan3A_11 to %scan3A_13 step %scan3A_14  : i32 {
      %broadcast_in_dim3A = arith.constant 1.000000e+00 : f32
      %broadcast_in_dim3A_35 = vector.broadcast %broadcast_in_dim3A : f32 to vector<16xf32>
      %mul3A_36 = arith.constant 16 : i32
      %mul3A_37 = arith.muli %scan3A_34, %mul3A_36 : i32
      %swap3A = arith.index_cast %mul3A_37 : i32 to index
      %swap3A_38 = tpu.vector_load %arg5[%swap3A] {strides = array<i32>} : memref<128xf32, #tpu.memory_space<vmem>>, vector<16xf32>,
      %swap3A_39 = vector.shape_cast %swap3A_38 : vector<16xf32> to vector<16xf32>
      %swap3A_40 = vector.shape_cast %broadcast_in_dim3A_35 : vector<16xf32> to vector<16xf32>
      tpu.vector_store %arg5[%swap3A], %swap3A_40 {strides = array<i32>} : memref<128xf32, #tpu.memory_space<vmem>>, vector<16xf32>,
    }
    %scan3A_15 = arith.constant 8 : i32
    %mul3A_16 = arith.constant 640 : i32
    %mul3A_17 = arith.muli %arg1, %mul3A_16 : i32
    "tpu.region"() ({
      %run_scoped3A_34 = tpu.sem_alloc : memref<!tpu.dma_semaphore, #tpu.memory_space<semaphore_mem>>
      %dma_start3A = tpu.memref_slice %arg7[%mul3A_17] : memref<10240xf32, #tpu.memory_space<vmem_shared>> -> memref<640xf32, #tpu.memory_space<vmem_shared>>
      %dma_start3A_35 = tpu.memref_slice %arg7[%mul3A_17] : memref<10240xf32, #tpu.memory_space<vmem_shared>> -> memref<640xf32, #tpu.memory_space<vmem_shared>>
      tpu.enqueue_dma source(%arg6 : memref<640xf32, #tpu.memory_space<vmem>>) target(%dma_start3A_35 : memref<640xf32, #tpu.memory_space<vmem_shared>>) target_semaphore(%run_scoped3A_34 : memref<!tpu.dma_semaphore, #tpu.memory_space<semaphore_mem>>)
      %dma_wait3A = tpu.memref_slice %arg7[%mul3A_17] : memref<10240xf32, #tpu.memory_space<vmem_shared>> -> memref<640xf32, #tpu.memory_space<vmem_shared>>
      %dma_wait3A_36 = tpu.memref_slice %arg7[%mul3A_17] : memref<10240xf32, #tpu.memory_space<vmem_shared>> -> memref<640xf32, #tpu.memory_space<vmem_shared>>
      tpu.wait_dma2 semaphore(%run_scoped3A_34 : memref<!tpu.dma_semaphore, #tpu.memory_space<semaphore_mem>>) src(%arg6 : memref<640xf32, #tpu.memory_space<vmem>>) dst(%dma_wait3A_36 : memref<640xf32, #tpu.memory_space<vmem_shared>>)
      tpu.yield
    }) : () -> ()
    %barrier3A = arith.constant 0 : index
    tpu.barrier barrier_id(%barrier3A)
    %scan3A_18 = arith.constant 0 : i32
    %scan3A_19 = arith.constant 0 : i32
    %scan3A_20 = arith.constant 3 : i32
    %scan3A_21 = arith.addi %scan3A_19, %scan3A_20 : i32
    %scan3A_22 = arith.constant 1 : i32
    scf.for %scan3A_34 = %scan3A_19 to %scan3A_21 step %scan3A_22  : i32 {
      %scan3A_35 = arith.constant 0 : i32
      %scan3A_36 = arith.constant 0 : i32
      %scan3A_37 = arith.constant 26 : i32
      %scan3A_38 = arith.addi %scan3A_36, %scan3A_37 : i32
      %scan3A_39 = arith.constant 1 : i32
      scf.for %scan3A_47 = %scan3A_36 to %scan3A_38 step %scan3A_39  : i32 {
        %mul3A_48 = arith.constant 26 : i32
        %mul3A_49 = arith.muli %scan3A_34, %mul3A_48 : i32
        %add3A_50 = arith.addi %mul3A_49, %scan3A_47 : i32
        %dma_start3A = arith.constant 0 : i32
        %dma_start3A_51 = tpu.memref_slice %arg4[%add3A_50, %dma_start3A] : memref<79x128xi32, #tpu.memory_space<vmem>> -> memref<1x128xi32, #tpu.memory_space<vmem>>
        %dma_start3A_52 = tpu.memref_squeeze %dma_start3A_51 : memref<1x128xi32, #tpu.memory_space<vmem>> -> memref<128xi32, #tpu.memory_space<vmem>>
        %dma_start3A_53 = arith.constant 0 : i32
        %dma_start3A_54 = tpu.memref_slice %arg7[%dma_start3A_53] : memref<10240xf32, #tpu.memory_space<vmem_shared>> -> memref<10240xf32, #tpu.memory_space<vmem_shared>>
        tpu.enqueue_indirect_dma source(%arg5 : memref<128xf32, #tpu.memory_space<vmem>>) target(%dma_start3A_54 : memref<10240xf32, #tpu.memory_space<vmem_shared>>) offsets(%dma_start3A_52 : memref<128xi32, #tpu.memory_space<vmem>>) semaphore(%arg8 : memref<!tpu.dma_semaphore, #tpu.memory_space<semaphore_mem>>) {add = true}
      }
      %scan3A_40 = arith.constant 26 : i32
      %scan3A_41 = arith.constant 0 : i32
      %scan3A_42 = arith.constant 0 : i32
      %scan3A_43 = arith.constant 26 : i32
      %scan3A_44 = arith.addi %scan3A_42, %scan3A_43 : i32
      %scan3A_45 = arith.constant 1 : i32
      scf.for %scan3A_47 = %scan3A_42 to %scan3A_44 step %scan3A_45  : i32 {
        %mul3A_48 = arith.constant 26 : i32
        %mul3A_49 = arith.muli %scan3A_34, %mul3A_48 : i32
        %add3A_50 = arith.addi %mul3A_49, %scan3A_47 : i32
        %dma_wait3A = arith.constant 0 : i32
        %dma_wait3A_51 = tpu.memref_slice %arg4[%add3A_50, %dma_wait3A] : memref<79x128xi32, #tpu.memory_space<vmem>> -> memref<1x128xi32, #tpu.memory_space<vmem>>
        %dma_wait3A_52 = tpu.memref_squeeze %dma_wait3A_51 : memref<1x128xi32, #tpu.memory_space<vmem>> -> memref<128xi32, #tpu.memory_space<vmem>>
        %dma_wait3A_53 = arith.constant 0 : i32
        %dma_wait3A_54 = tpu.memref_slice %arg7[%dma_wait3A_53] : memref<10240xf32, #tpu.memory_space<vmem_shared>> -> memref<10240xf32, #tpu.memory_space<vmem_shared>>
        tpu.wait_indirect_dma semaphore(%arg8 : memref<!tpu.dma_semaphore, #tpu.memory_space<semaphore_mem>>) src(%arg5 : memref<128xf32, #tpu.memory_space<vmem>>) dst(%dma_wait3A_54 : memref<10240xf32, #tpu.memory_space<vmem_shared>>)
      }
      %scan3A_46 = arith.constant 26 : i32
    }
    %scan3A_23 = arith.constant 3 : i32
    %lt3A_24 = arith.constant 4 : i32
    %lt3A_25 = arith.cmpi slt, %add3A, %lt3A_24 : i32
    %convert_element_type3A_26 = arith.extui %lt3A_25 : i1 to i32
    %cond3A_27 = arith.constant 0 : i32
    %cond3A_28 = arith.cmpi ne, %convert_element_type3A_26, %cond3A_27 : i32
    scf.if %cond3A_28 {
      %run_scoped3A_34 = arith.constant 78 : i32
      "tpu.region"() ({
        %run_scoped3A_35 = tpu.sem_alloc : memref<!tpu.dma_semaphore, #tpu.memory_space<semaphore_mem>>
        %dma_start3A = arith.constant 0 : i32
        %dma_start3A_36 = tpu.memref_slice %arg4[%run_scoped3A_34, %dma_start3A] : memref<79x128xi32, #tpu.memory_space<vmem>> -> memref<1x128xi32, #tpu.memory_space<vmem>>
        %dma_start3A_37 = tpu.memref_squeeze %dma_start3A_36 : memref<1x128xi32, #tpu.memory_space<vmem>> -> memref<128xi32, #tpu.memory_space<vmem>>
        %dma_start3A_38 = arith.constant 0 : i32
        %dma_start3A_39 = tpu.memref_slice %arg7[%dma_start3A_38] : memref<10240xf32, #tpu.memory_space<vmem_shared>> -> memref<10240xf32, #tpu.memory_space<vmem_shared>>
        tpu.enqueue_indirect_dma source(%arg5 : memref<128xf32, #tpu.memory_space<vmem>>) target(%dma_start3A_39 : memref<10240xf32, #tpu.memory_space<vmem_shared>>) offsets(%dma_start3A_37 : memref<128xi32, #tpu.memory_space<vmem>>) semaphore(%run_scoped3A_35 : memref<!tpu.dma_semaphore, #tpu.memory_space<semaphore_mem>>) {add = true}
        %dma_wait3A = arith.constant 0 : i32
        %dma_wait3A_40 = tpu.memref_slice %arg4[%run_scoped3A_34, %dma_wait3A] : memref<79x128xi32, #tpu.memory_space<vmem>> -> memref<1x128xi32, #tpu.memory_space<vmem>>
        %dma_wait3A_41 = tpu.memref_squeeze %dma_wait3A_40 : memref<1x128xi32, #tpu.memory_space<vmem>> -> memref<128xi32, #tpu.memory_space<vmem>>
        %dma_wait3A_42 = arith.constant 0 : i32
        %dma_wait3A_43 = tpu.memref_slice %arg7[%dma_wait3A_42] : memref<10240xf32, #tpu.memory_space<vmem_shared>> -> memref<10240xf32, #tpu.memory_space<vmem_shared>>
        tpu.wait_indirect_dma semaphore(%run_scoped3A_35 : memref<!tpu.dma_semaphore, #tpu.memory_space<semaphore_mem>>) src(%arg5 : memref<128xf32, #tpu.memory_space<vmem>>) dst(%dma_wait3A_43 : memref<10240xf32, #tpu.memory_space<vmem_shared>>)
        tpu.yield
      }) : () -> ()
    } else {
    }
    %barrier3A_29 = arith.constant 0 : index
    tpu.barrier barrier_id(%barrier3A_29)
    %mul3A_30 = arith.constant 640 : i32
    %mul3A_31 = arith.muli %arg1, %mul3A_30 : i32
    %mul3A_32 = arith.constant 640 : i32
    %mul3A_33 = arith.muli %arg1, %mul3A_32 : i32
    "tpu.region"() ({
      %run_scoped3A_34 = tpu.sem_alloc : memref<!tpu.dma_semaphore, #tpu.memory_space<semaphore_mem>>
      %dma_start3A = tpu.memref_slice %arg3[%arg0, %mul3A_33] : memref<2x10240xf32, #tpu.memory_space<hbm>> -> memref<1x640xf32, #tpu.memory_space<hbm>>
      %dma_start3A_35 = tpu.memref_squeeze %dma_start3A : memref<1x640xf32, #tpu.memory_space<hbm>> -> memref<640xf32, #tpu.memory_space<hbm>>
      %dma_start3A_36 = tpu.memref_slice %arg7[%mul3A_31] : memref<10240xf32, #tpu.memory_space<vmem_shared>> -> memref<640xf32, #tpu.memory_space<vmem_shared>>
      tpu.enqueue_dma source(%dma_start3A_36 : memref<640xf32, #tpu.memory_space<vmem_shared>>) target(%dma_start3A_35 : memref<640xf32, #tpu.memory_space<hbm>>) target_semaphore(%run_scoped3A_34 : memref<!tpu.dma_semaphore, #tpu.memory_space<semaphore_mem>>)
      %dma_wait3A = tpu.memref_slice %arg3[%arg0, %mul3A_33] : memref<2x10240xf32, #tpu.memory_space<hbm>> -> memref<1x640xf32, #tpu.memory_space<hbm>>
      %dma_wait3A_37 = tpu.memref_squeeze %dma_wait3A : memref<1x640xf32, #tpu.memory_space<hbm>> -> memref<640xf32, #tpu.memory_space<hbm>>
      %dma_wait3A_38 = tpu.memref_slice %arg7[%mul3A_31] : memref<10240xf32, #tpu.memory_space<vmem_shared>> -> memref<640xf32, #tpu.memory_space<vmem_shared>>
      tpu.wait_dma2 semaphore(%run_scoped3A_34 : memref<!tpu.dma_semaphore, #tpu.memory_space<semaphore_mem>>) src(%dma_wait3A_38 : memref<640xf32, #tpu.memory_space<vmem_shared>>) dst(%dma_wait3A_37 : memref<640xf32, #tpu.memory_space<hbm>>)
      tpu.yield
    }) : () -> ()
    return
  }
}

#map = affine_map<(d0, d1) -> (0, 0)>
#map1 = affine_map<(d0, d1) -> (0, 0, 0)>
module attributes {stable_mosaic.version = 14 : i64} {
  func.func @_agg_body(%arg0: i32, %arg1: i32, %arg2: memref<10240x40xf32, #tpu.memory_space<hbm>>, %arg3: memref<2x2500x128xi32, #tpu.memory_space<hbm>>, %arg4: memref<2x10240x40xf32, #tpu.memory_space<hbm>>, %arg5: memref<79x128xi32, #tpu.memory_space<vmem>>, %arg6: memref<79x128xi32, #tpu.memory_space<vmem>>, %arg7: memref<6x128x40xf32, #tpu.memory_space<vmem>>, %arg8: memref<32x40xf32, #tpu.memory_space<vmem>>, %arg9: memref<10240x40xf32, #tpu.memory_space<vmem_shared>>, %arg10: memref<!tpu.dma_semaphore, #tpu.memory_space<semaphore_mem>>, %arg11: memref<!tpu.dma_semaphore, #tpu.memory_space<semaphore_mem>>, %arg12: memref<!tpu.dma_semaphore, #tpu.memory_space<semaphore_mem>>, %arg13: memref<!tpu.dma_semaphore, #tpu.memory_space<semaphore_mem>>, %arg14: memref<!tpu.dma_semaphore, #tpu.memory_space<semaphore_mem>>, %arg15: memref<!tpu.dma_semaphore, #tpu.memory_space<semaphore_mem>>, %arg16: memref<!tpu.dma_semaphore, #tpu.memory_space<semaphore_mem>>, %arg17: memref<!tpu.dma_semaphore, #tpu.memory_space<semaphore_mem>>, %arg18: memref<!tpu.dma_semaphore, #tpu.memory_space<semaphore_mem>>, %arg19: memref<!tpu.dma_semaphore, #tpu.memory_space<semaphore_mem>>, %arg20: memref<!tpu.dma_semaphore, #tpu.memory_space<semaphore_mem>>, %arg21: memref<!tpu.dma_semaphore, #tpu.memory_space<semaphore_mem>>) attributes {dimension_semantics = [#tpu.dimension_semantics<core_parallel>, #tpu.dimension_semantics<subcore_parallel>], iteration_bounds = array<i64: 2, 16>, scalar_prefetch = 0 : i64, scratch_operands = 17 : i64, tpu.core_type = #tpu.core_type<sc_vector_subcore>, window_params = [{transform_indices = #map}, {transform_indices = #map1}, {transform_indices = #map1}]} {
    %mul3A = arith.constant 16 : i32
    %mul3A_0 = arith.muli %arg0, %mul3A : i32
    %add3A = arith.addi %mul3A_0, %arg1 : i32
    %mul3A_1 = arith.constant 78 : i32
    %mul3A_2 = arith.muli %add3A, %mul3A_1 : i32
    %dma_start3A = arith.constant 0 : i32
    %dma_start3A_3 = arith.constant 0 : i32
    %dma_start3A_4 = arith.constant 0 : i32
    %dma_start3A_5 = tpu.memref_slice %arg5[%dma_start3A_3, %dma_start3A_4] : memref<79x128xi32, #tpu.memory_space<vmem>> -> memref<78x128xi32, #tpu.memory_space<vmem>>
    %dma_start3A_6 = arith.constant 0 : i32
    %dma_start3A_7 = tpu.memref_slice %arg3[%dma_start3A, %mul3A_2, %dma_start3A_6] : memref<2x2500x128xi32, #tpu.memory_space<hbm>> -> memref<1x78x128xi32, #tpu.memory_space<hbm>>
    %dma_start3A_8 = tpu.memref_squeeze %dma_start3A_7 : memref<1x78x128xi32, #tpu.memory_space<hbm>> -> memref<78x128xi32, #tpu.memory_space<hbm>>
    %dma_start3A_9 = arith.constant 0 : i32
    %dma_start3A_10 = arith.constant 0 : i32
    %dma_start3A_11 = tpu.memref_slice %arg5[%dma_start3A_9, %dma_start3A_10] : memref<79x128xi32, #tpu.memory_space<vmem>> -> memref<78x128xi32, #tpu.memory_space<vmem>>
    %dma_start3A_12 = arith.constant 0 : i32
    %dma_start3A_13 = tpu.memref_slice %arg3[%dma_start3A, %mul3A_2, %dma_start3A_12] : memref<2x2500x128xi32, #tpu.memory_space<hbm>> -> memref<1x78x128xi32, #tpu.memory_space<hbm>>
    %dma_start3A_14 = tpu.memref_squeeze %dma_start3A_13 : memref<1x78x128xi32, #tpu.memory_space<hbm>> -> memref<78x128xi32, #tpu.memory_space<hbm>>
    tpu.enqueue_dma source(%dma_start3A_14 : memref<78x128xi32, #tpu.memory_space<hbm>>) target(%dma_start3A_11 : memref<78x128xi32, #tpu.memory_space<vmem>>) target_semaphore(%arg10 : memref<!tpu.dma_semaphore, #tpu.memory_space<semaphore_mem>>)
    %dma_start3A_15 = arith.constant 1 : i32
    %dma_start3A_16 = arith.constant 0 : i32
    %dma_start3A_17 = arith.constant 0 : i32
    %dma_start3A_18 = tpu.memref_slice %arg6[%dma_start3A_16, %dma_start3A_17] : memref<79x128xi32, #tpu.memory_space<vmem>> -> memref<78x128xi32, #tpu.memory_space<vmem>>
    %dma_start3A_19 = arith.constant 0 : i32
    %dma_start3A_20 = tpu.memref_slice %arg3[%dma_start3A_15, %mul3A_2, %dma_start3A_19] : memref<2x2500x128xi32, #tpu.memory_space<hbm>> -> memref<1x78x128xi32, #tpu.memory_space<hbm>>
    %dma_start3A_21 = tpu.memref_squeeze %dma_start3A_20 : memref<1x78x128xi32, #tpu.memory_space<hbm>> -> memref<78x128xi32, #tpu.memory_space<hbm>>
    %dma_start3A_22 = arith.constant 0 : i32
    %dma_start3A_23 = arith.constant 0 : i32
    %dma_start3A_24 = tpu.memref_slice %arg6[%dma_start3A_22, %dma_start3A_23] : memref<79x128xi32, #tpu.memory_space<vmem>> -> memref<78x128xi32, #tpu.memory_space<vmem>>
    %dma_start3A_25 = arith.constant 0 : i32
    %dma_start3A_26 = tpu.memref_slice %arg3[%dma_start3A_15, %mul3A_2, %dma_start3A_25] : memref<2x2500x128xi32, #tpu.memory_space<hbm>> -> memref<1x78x128xi32, #tpu.memory_space<hbm>>
    %dma_start3A_27 = tpu.memref_squeeze %dma_start3A_26 : memref<1x78x128xi32, #tpu.memory_space<hbm>> -> memref<78x128xi32, #tpu.memory_space<hbm>>
    tpu.enqueue_dma source(%dma_start3A_27 : memref<78x128xi32, #tpu.memory_space<hbm>>) target(%dma_start3A_24 : memref<78x128xi32, #tpu.memory_space<vmem>>) target_semaphore(%arg11 : memref<!tpu.dma_semaphore, #tpu.memory_space<semaphore_mem>>)
    %lt3A = arith.constant 4 : i32
    %lt3A_28 = arith.cmpi slt, %add3A, %lt3A : i32
    %convert_element_type3A = arith.extui %lt3A_28 : i1 to i32
    %cond3A = arith.constant 0 : i32
    %cond3A_29 = arith.cmpi ne, %convert_element_type3A, %cond3A : i32
    scf.if %cond3A_29 {
      %add3A_914 = arith.constant 2496 : i32
      %add3A_915 = arith.addi %add3A_914, %add3A : i32
      %run_scoped3A = arith.constant 0 : i32
      "tpu.region"() ({
        %run_scoped3A_919 = tpu.sem_alloc : memref<!tpu.dma_semaphore, #tpu.memory_space<semaphore_mem>>
        %dma_start3A_920 = arith.constant 78 : i32
        %dma_start3A_921 = arith.constant 0 : i32
        %dma_start3A_922 = tpu.memref_slice %arg5[%dma_start3A_920, %dma_start3A_921] : memref<79x128xi32, #tpu.memory_space<vmem>> -> memref<1x128xi32, #tpu.memory_space<vmem>>
        %dma_start3A_923 = arith.constant 0 : i32
        %dma_start3A_924 = tpu.memref_slice %arg3[%run_scoped3A, %add3A_915, %dma_start3A_923] : memref<2x2500x128xi32, #tpu.memory_space<hbm>> -> memref<1x1x128xi32, #tpu.memory_space<hbm>>
        %dma_start3A_925 = tpu.memref_squeeze %dma_start3A_924 : memref<1x1x128xi32, #tpu.memory_space<hbm>> -> memref<1x128xi32, #tpu.memory_space<hbm>>
        %dma_start3A_926 = arith.constant 78 : i32
        %dma_start3A_927 = arith.constant 0 : i32
        %dma_start3A_928 = tpu.memref_slice %arg5[%dma_start3A_926, %dma_start3A_927] : memref<79x128xi32, #tpu.memory_space<vmem>> -> memref<1x128xi32, #tpu.memory_space<vmem>>
        %dma_start3A_929 = arith.constant 0 : i32
        %dma_start3A_930 = tpu.memref_slice %arg3[%run_scoped3A, %add3A_915, %dma_start3A_929] : memref<2x2500x128xi32, #tpu.memory_space<hbm>> -> memref<1x1x128xi32, #tpu.memory_space<hbm>>
        %dma_start3A_931 = tpu.memref_squeeze %dma_start3A_930 : memref<1x1x128xi32, #tpu.memory_space<hbm>> -> memref<1x128xi32, #tpu.memory_space<hbm>>
        tpu.enqueue_dma source(%dma_start3A_931 : memref<1x128xi32, #tpu.memory_space<hbm>>) target(%dma_start3A_928 : memref<1x128xi32, #tpu.memory_space<vmem>>) target_semaphore(%run_scoped3A_919 : memref<!tpu.dma_semaphore, #tpu.memory_space<semaphore_mem>>)
        %dma_wait3A_932 = arith.constant 78 : i32
        %dma_wait3A_933 = arith.constant 0 : i32
        %dma_wait3A_934 = tpu.memref_slice %arg5[%dma_wait3A_932, %dma_wait3A_933] : memref<79x128xi32, #tpu.memory_space<vmem>> -> memref<1x128xi32, #tpu.memory_space<vmem>>
        %dma_wait3A_935 = arith.constant 0 : i32
        %dma_wait3A_936 = tpu.memref_slice %arg3[%run_scoped3A, %add3A_915, %dma_wait3A_935] : memref<2x2500x128xi32, #tpu.memory_space<hbm>> -> memref<1x1x128xi32, #tpu.memory_space<hbm>>
        %dma_wait3A_937 = tpu.memref_squeeze %dma_wait3A_936 : memref<1x1x128xi32, #tpu.memory_space<hbm>> -> memref<1x128xi32, #tpu.memory_space<hbm>>
        %dma_wait3A_938 = arith.constant 78 : i32
        %dma_wait3A_939 = arith.constant 0 : i32
        %dma_wait3A_940 = tpu.memref_slice %arg5[%dma_wait3A_938, %dma_wait3A_939] : memref<79x128xi32, #tpu.memory_space<vmem>> -> memref<1x128xi32, #tpu.memory_space<vmem>>
        %dma_wait3A_941 = arith.constant 0 : i32
        %dma_wait3A_942 = tpu.memref_slice %arg3[%run_scoped3A, %add3A_915, %dma_wait3A_941] : memref<2x2500x128xi32, #tpu.memory_space<hbm>> -> memref<1x1x128xi32, #tpu.memory_space<hbm>>
        %dma_wait3A_943 = tpu.memref_squeeze %dma_wait3A_942 : memref<1x1x128xi32, #tpu.memory_space<hbm>> -> memref<1x128xi32, #tpu.memory_space<hbm>>
        tpu.wait_dma2 semaphore(%run_scoped3A_919 : memref<!tpu.dma_semaphore, #tpu.memory_space<semaphore_mem>>) src(%dma_wait3A_943 : memref<1x128xi32, #tpu.memory_space<hbm>>) dst(%dma_wait3A_940 : memref<1x128xi32, #tpu.memory_space<vmem>>)
        tpu.yield
      }) : () -> ()
      %add3A_916 = arith.constant 2496 : i32
      %add3A_917 = arith.addi %add3A_916, %add3A : i32
      %run_scoped3A_918 = arith.constant 1 : i32
      "tpu.region"() ({
        %run_scoped3A_919 = tpu.sem_alloc : memref<!tpu.dma_semaphore, #tpu.memory_space<semaphore_mem>>
        %dma_start3A_920 = arith.constant 78 : i32
        %dma_start3A_921 = arith.constant 0 : i32
        %dma_start3A_922 = tpu.memref_slice %arg6[%dma_start3A_920, %dma_start3A_921] : memref<79x128xi32, #tpu.memory_space<vmem>> -> memref<1x128xi32, #tpu.memory_space<vmem>>
        %dma_start3A_923 = arith.constant 0 : i32
        %dma_start3A_924 = tpu.memref_slice %arg3[%run_scoped3A_918, %add3A_917, %dma_start3A_923] : memref<2x2500x128xi32, #tpu.memory_space<hbm>> -> memref<1x1x128xi32, #tpu.memory_space<hbm>>
        %dma_start3A_925 = tpu.memref_squeeze %dma_start3A_924 : memref<1x1x128xi32, #tpu.memory_space<hbm>> -> memref<1x128xi32, #tpu.memory_space<hbm>>
        %dma_start3A_926 = arith.constant 78 : i32
        %dma_start3A_927 = arith.constant 0 : i32
        %dma_start3A_928 = tpu.memref_slice %arg6[%dma_start3A_926, %dma_start3A_927] : memref<79x128xi32, #tpu.memory_space<vmem>> -> memref<1x128xi32, #tpu.memory_space<vmem>>
        %dma_start3A_929 = arith.constant 0 : i32
        %dma_start3A_930 = tpu.memref_slice %arg3[%run_scoped3A_918, %add3A_917, %dma_start3A_929] : memref<2x2500x128xi32, #tpu.memory_space<hbm>> -> memref<1x1x128xi32, #tpu.memory_space<hbm>>
        %dma_start3A_931 = tpu.memref_squeeze %dma_start3A_930 : memref<1x1x128xi32, #tpu.memory_space<hbm>> -> memref<1x128xi32, #tpu.memory_space<hbm>>
        tpu.enqueue_dma source(%dma_start3A_931 : memref<1x128xi32, #tpu.memory_space<hbm>>) target(%dma_start3A_928 : memref<1x128xi32, #tpu.memory_space<vmem>>) target_semaphore(%run_scoped3A_919 : memref<!tpu.dma_semaphore, #tpu.memory_space<semaphore_mem>>)
        %dma_wait3A_932 = arith.constant 78 : i32
        %dma_wait3A_933 = arith.constant 0 : i32
        %dma_wait3A_934 = tpu.memref_slice %arg6[%dma_wait3A_932, %dma_wait3A_933] : memref<79x128xi32, #tpu.memory_space<vmem>> -> memref<1x128xi32, #tpu.memory_space<vmem>>
        %dma_wait3A_935 = arith.constant 0 : i32
        %dma_wait3A_936 = tpu.memref_slice %arg3[%run_scoped3A_918, %add3A_917, %dma_wait3A_935] : memref<2x2500x128xi32, #tpu.memory_space<hbm>> -> memref<1x1x128xi32, #tpu.memory_space<hbm>>
        %dma_wait3A_937 = tpu.memref_squeeze %dma_wait3A_936 : memref<1x1x128xi32, #tpu.memory_space<hbm>> -> memref<1x128xi32, #tpu.memory_space<hbm>>
        %dma_wait3A_938 = arith.constant 78 : i32
        %dma_wait3A_939 = arith.constant 0 : i32
        %dma_wait3A_940 = tpu.memref_slice %arg6[%dma_wait3A_938, %dma_wait3A_939] : memref<79x128xi32, #tpu.memory_space<vmem>> -> memref<1x128xi32, #tpu.memory_space<vmem>>
        %dma_wait3A_941 = arith.constant 0 : i32
        %dma_wait3A_942 = tpu.memref_slice %arg3[%run_scoped3A_918, %add3A_917, %dma_wait3A_941] : memref<2x2500x128xi32, #tpu.memory_space<hbm>> -> memref<1x1x128xi32, #tpu.memory_space<hbm>>
        %dma_wait3A_943 = tpu.memref_squeeze %dma_wait3A_942 : memref<1x1x128xi32, #tpu.memory_space<hbm>> -> memref<1x128xi32, #tpu.memory_space<hbm>>
        tpu.wait_dma2 semaphore(%run_scoped3A_919 : memref<!tpu.dma_semaphore, #tpu.memory_space<semaphore_mem>>) src(%dma_wait3A_943 : memref<1x128xi32, #tpu.memory_space<hbm>>) dst(%dma_wait3A_940 : memref<1x128xi32, #tpu.memory_space<vmem>>)
        tpu.yield
      }) : () -> ()
    } else {
    }
    %broadcast_in_dim3A = arith.constant 0.000000e+00 : f32
    %broadcast_in_dim3A_30 = vector.broadcast %broadcast_in_dim3A : f32 to vector<16xf32>
    %swap3A = arith.constant 0 : i32
    %swap3A_31 = arith.index_cast %swap3A : i32 to index
    %swap3A_32 = arith.constant 0 : index
    %swap3A_33 = tpu.vector_load %arg8[%swap3A_31, %swap3A_32] {strides = array<i32>} : memref<32x40xf32, #tpu.memory_space<vmem>>, vector<1x16xf32>,
    %swap3A_34 = vector.shape_cast %swap3A_33 : vector<1x16xf32> to vector<16xf32>
    %swap3A_35 = vector.shape_cast %broadcast_in_dim3A_30 : vector<16xf32> to vector<1x16xf32>
    tpu.vector_store %arg8[%swap3A_31, %swap3A_32], %swap3A_35 {strides = array<i32>} : memref<32x40xf32, #tpu.memory_space<vmem>>, vector<1x16xf32>,
    %broadcast_in_dim3A_36 = arith.constant 0.000000e+00 : f32
    %broadcast_in_dim3A_37 = vector.broadcast %broadcast_in_dim3A_36 : f32 to vector<16xf32>
    %swap3A_38 = arith.constant 0 : i32
    %swap3A_39 = arith.index_cast %swap3A_38 : i32 to index
    %swap3A_40 = arith.constant 16 : index
    %swap3A_41 = tpu.vector_load %arg8[%swap3A_39, %swap3A_40] {strides = array<i32>} : memref<32x40xf32, #tpu.memory_space<vmem>>, vector<1x16xf32>,
    %swap3A_42 = vector.shape_cast %swap3A_41 : vector<1x16xf32> to vector<16xf32>
    %swap3A_43 = vector.shape_cast %broadcast_in_dim3A_37 : vector<16xf32> to vector<1x16xf32>
    tpu.vector_store %arg8[%swap3A_39, %swap3A_40], %swap3A_43 {strides = array<i32>} : memref<32x40xf32, #tpu.memory_space<vmem>>, vector<1x16xf32>,
    %broadcast_in_dim3A_44 = arith.constant 0.000000e+00 : f32
    %broadcast_in_dim3A_45 = vector.broadcast %broadcast_in_dim3A_44 : f32 to vector<16xf32>
    %swap3A_46 = arith.constant 0 : i32
    %swap3A_47 = arith.index_cast %swap3A_46 : i32 to index
    %swap3A_48 = arith.constant 24 : index
    %swap3A_49 = tpu.vector_load %arg8[%swap3A_47, %swap3A_48] {strides = array<i32>} : memref<32x40xf32, #tpu.memory_space<vmem>>, vector<1x16xf32>,
    %swap3A_50 = vector.shape_cast %swap3A_49 : vector<1x16xf32> to vector<16xf32>
    %swap3A_51 = vector.shape_cast %broadcast_in_dim3A_45 : vector<16xf32> to vector<1x16xf32>
    tpu.vector_store %arg8[%swap3A_47, %swap3A_48], %swap3A_51 {strides = array<i32>} : memref<32x40xf32, #tpu.memory_space<vmem>>, vector<1x16xf32>,
    %broadcast_in_dim3A_52 = arith.constant 0.000000e+00 : f32
    %broadcast_in_dim3A_53 = vector.broadcast %broadcast_in_dim3A_52 : f32 to vector<16xf32>
    %swap3A_54 = arith.constant 1 : i32
    %swap3A_55 = arith.index_cast %swap3A_54 : i32 to index
    %swap3A_56 = arith.constant 0 : index
    %swap3A_57 = tpu.vector_load %arg8[%swap3A_55, %swap3A_56] {strides = array<i32>} : memref<32x40xf32, #tpu.memory_space<vmem>>, vector<1x16xf32>,
    %swap3A_58 = vector.shape_cast %swap3A_57 : vector<1x16xf32> to vector<16xf32>
    %swap3A_59 = vector.shape_cast %broadcast_in_dim3A_53 : vector<16xf32> to vector<1x16xf32>
    tpu.vector_store %arg8[%swap3A_55, %swap3A_56], %swap3A_59 {strides = array<i32>} : memref<32x40xf32, #tpu.memory_space<vmem>>, vector<1x16xf32>,
    %broadcast_in_dim3A_60 = arith.constant 0.000000e+00 : f32
    %broadcast_in_dim3A_61 = vector.broadcast %broadcast_in_dim3A_60 : f32 to vector<16xf32>
    %swap3A_62 = arith.constant 1 : i32
    %swap3A_63 = arith.index_cast %swap3A_62 : i32 to index
    %swap3A_64 = arith.constant 16 : index
    %swap3A_65 = tpu.vector_load %arg8[%swap3A_63, %swap3A_64] {strides = array<i32>} : memref<32x40xf32, #tpu.memory_space<vmem>>, vector<1x16xf32>,
    %swap3A_66 = vector.shape_cast %swap3A_65 : vector<1x16xf32> to vector<16xf32>
    %swap3A_67 = vector.shape_cast %broadcast_in_dim3A_61 : vector<16xf32> to vector<1x16xf32>
    tpu.vector_store %arg8[%swap3A_63, %swap3A_64], %swap3A_67 {strides = array<i32>} : memref<32x40xf32, #tpu.memory_space<vmem>>, vector<1x16xf32>,
    %broadcast_in_dim3A_68 = arith.constant 0.000000e+00 : f32
    %broadcast_in_dim3A_69 = vector.broadcast %broadcast_in_dim3A_68 : f32 to vector<16xf32>
    %swap3A_70 = arith.constant 1 : i32
    %swap3A_71 = arith.index_cast %swap3A_70 : i32 to index
    %swap3A_72 = arith.constant 24 : index
    %swap3A_73 = tpu.vector_load %arg8[%swap3A_71, %swap3A_72] {strides = array<i32>} : memref<32x40xf32, #tpu.memory_space<vmem>>, vector<1x16xf32>,
    %swap3A_74 = vector.shape_cast %swap3A_73 : vector<1x16xf32> to vector<16xf32>
    %swap3A_75 = vector.shape_cast %broadcast_in_dim3A_69 : vector<16xf32> to vector<1x16xf32>
    tpu.vector_store %arg8[%swap3A_71, %swap3A_72], %swap3A_75 {strides = array<i32>} : memref<32x40xf32, #tpu.memory_space<vmem>>, vector<1x16xf32>,
    %broadcast_in_dim3A_76 = arith.constant 0.000000e+00 : f32
    %broadcast_in_dim3A_77 = vector.broadcast %broadcast_in_dim3A_76 : f32 to vector<16xf32>
    %swap3A_78 = arith.constant 2 : i32
    %swap3A_79 = arith.index_cast %swap3A_78 : i32 to index
    %swap3A_80 = arith.constant 0 : index
    %swap3A_81 = tpu.vector_load %arg8[%swap3A_79, %swap3A_80] {strides = array<i32>} : memref<32x40xf32, #tpu.memory_space<vmem>>, vector<1x16xf32>,
    %swap3A_82 = vector.shape_cast %swap3A_81 : vector<1x16xf32> to vector<16xf32>
    %swap3A_83 = vector.shape_cast %broadcast_in_dim3A_77 : vector<16xf32> to vector<1x16xf32>
    tpu.vector_store %arg8[%swap3A_79, %swap3A_80], %swap3A_83 {strides = array<i32>} : memref<32x40xf32, #tpu.memory_space<vmem>>, vector<1x16xf32>,
    %broadcast_in_dim3A_84 = arith.constant 0.000000e+00 : f32
    %broadcast_in_dim3A_85 = vector.broadcast %broadcast_in_dim3A_84 : f32 to vector<16xf32>
    %swap3A_86 = arith.constant 2 : i32
    %swap3A_87 = arith.index_cast %swap3A_86 : i32 to index
    %swap3A_88 = arith.constant 16 : index
    %swap3A_89 = tpu.vector_load %arg8[%swap3A_87, %swap3A_88] {strides = array<i32>} : memref<32x40xf32, #tpu.memory_space<vmem>>, vector<1x16xf32>,
    %swap3A_90 = vector.shape_cast %swap3A_89 : vector<1x16xf32> to vector<16xf32>
    %swap3A_91 = vector.shape_cast %broadcast_in_dim3A_85 : vector<16xf32> to vector<1x16xf32>
    tpu.vector_store %arg8[%swap3A_87, %swap3A_88], %swap3A_91 {strides = array<i32>} : memref<32x40xf32, #tpu.memory_space<vmem>>, vector<1x16xf32>,
    %broadcast_in_dim3A_92 = arith.constant 0.000000e+00 : f32
    %broadcast_in_dim3A_93 = vector.broadcast %broadcast_in_dim3A_92 : f32 to vector<16xf32>
    %swap3A_94 = arith.constant 2 : i32
    %swap3A_95 = arith.index_cast %swap3A_94 : i32 to index
    %swap3A_96 = arith.constant 24 : index
    %swap3A_97 = tpu.vector_load %arg8[%swap3A_95, %swap3A_96] {strides = array<i32>} : memref<32x40xf32, #tpu.memory_space<vmem>>, vector<1x16xf32>,
    %swap3A_98 = vector.shape_cast %swap3A_97 : vector<1x16xf32> to vector<16xf32>
    %swap3A_99 = vector.shape_cast %broadcast_in_dim3A_93 : vector<16xf32> to vector<1x16xf32>
    tpu.vector_store %arg8[%swap3A_95, %swap3A_96], %swap3A_99 {strides = array<i32>} : memref<32x40xf32, #tpu.memory_space<vmem>>, vector<1x16xf32>,
    %broadcast_in_dim3A_100 = arith.constant 0.000000e+00 : f32
    %broadcast_in_dim3A_101 = vector.broadcast %broadcast_in_dim3A_100 : f32 to vector<16xf32>
    %swap3A_102 = arith.constant 3 : i32
    %swap3A_103 = arith.index_cast %swap3A_102 : i32 to index
    %swap3A_104 = arith.constant 0 : index
    %swap3A_105 = tpu.vector_load %arg8[%swap3A_103, %swap3A_104] {strides = array<i32>} : memref<32x40xf32, #tpu.memory_space<vmem>>, vector<1x16xf32>,
    %swap3A_106 = vector.shape_cast %swap3A_105 : vector<1x16xf32> to vector<16xf32>
    %swap3A_107 = vector.shape_cast %broadcast_in_dim3A_101 : vector<16xf32> to vector<1x16xf32>
    tpu.vector_store %arg8[%swap3A_103, %swap3A_104], %swap3A_107 {strides = array<i32>} : memref<32x40xf32, #tpu.memory_space<vmem>>, vector<1x16xf32>,
    %broadcast_in_dim3A_108 = arith.constant 0.000000e+00 : f32
    %broadcast_in_dim3A_109 = vector.broadcast %broadcast_in_dim3A_108 : f32 to vector<16xf32>
    %swap3A_110 = arith.constant 3 : i32
    %swap3A_111 = arith.index_cast %swap3A_110 : i32 to index
    %swap3A_112 = arith.constant 16 : index
    %swap3A_113 = tpu.vector_load %arg8[%swap3A_111, %swap3A_112] {strides = array<i32>} : memref<32x40xf32, #tpu.memory_space<vmem>>, vector<1x16xf32>,
    %swap3A_114 = vector.shape_cast %swap3A_113 : vector<1x16xf32> to vector<16xf32>
    %swap3A_115 = vector.shape_cast %broadcast_in_dim3A_109 : vector<16xf32> to vector<1x16xf32>
    tpu.vector_store %arg8[%swap3A_111, %swap3A_112], %swap3A_115 {strides = array<i32>} : memref<32x40xf32, #tpu.memory_space<vmem>>, vector<1x16xf32>,
    %broadcast_in_dim3A_116 = arith.constant 0.000000e+00 : f32
    %broadcast_in_dim3A_117 = vector.broadcast %broadcast_in_dim3A_116 : f32 to vector<16xf32>
    %swap3A_118 = arith.constant 3 : i32
    %swap3A_119 = arith.index_cast %swap3A_118 : i32 to index
    %swap3A_120 = arith.constant 24 : index
    %swap3A_121 = tpu.vector_load %arg8[%swap3A_119, %swap3A_120] {strides = array<i32>} : memref<32x40xf32, #tpu.memory_space<vmem>>, vector<1x16xf32>,
    %swap3A_122 = vector.shape_cast %swap3A_121 : vector<1x16xf32> to vector<16xf32>
    %swap3A_123 = vector.shape_cast %broadcast_in_dim3A_117 : vector<16xf32> to vector<1x16xf32>
    tpu.vector_store %arg8[%swap3A_119, %swap3A_120], %swap3A_123 {strides = array<i32>} : memref<32x40xf32, #tpu.memory_space<vmem>>, vector<1x16xf32>,
    %broadcast_in_dim3A_124 = arith.constant 0.000000e+00 : f32
    %broadcast_in_dim3A_125 = vector.broadcast %broadcast_in_dim3A_124 : f32 to vector<16xf32>
    %swap3A_126 = arith.constant 4 : i32
    %swap3A_127 = arith.index_cast %swap3A_126 : i32 to index
    %swap3A_128 = arith.constant 0 : index
    %swap3A_129 = tpu.vector_load %arg8[%swap3A_127, %swap3A_128] {strides = array<i32>} : memref<32x40xf32, #tpu.memory_space<vmem>>, vector<1x16xf32>,
    %swap3A_130 = vector.shape_cast %swap3A_129 : vector<1x16xf32> to vector<16xf32>
    %swap3A_131 = vector.shape_cast %broadcast_in_dim3A_125 : vector<16xf32> to vector<1x16xf32>
    tpu.vector_store %arg8[%swap3A_127, %swap3A_128], %swap3A_131 {strides = array<i32>} : memref<32x40xf32, #tpu.memory_space<vmem>>, vector<1x16xf32>,
    %broadcast_in_dim3A_132 = arith.constant 0.000000e+00 : f32
    %broadcast_in_dim3A_133 = vector.broadcast %broadcast_in_dim3A_132 : f32 to vector<16xf32>
    %swap3A_134 = arith.constant 4 : i32
    %swap3A_135 = arith.index_cast %swap3A_134 : i32 to index
    %swap3A_136 = arith.constant 16 : index
    %swap3A_137 = tpu.vector_load %arg8[%swap3A_135, %swap3A_136] {strides = array<i32>} : memref<32x40xf32, #tpu.memory_space<vmem>>, vector<1x16xf32>,
    %swap3A_138 = vector.shape_cast %swap3A_137 : vector<1x16xf32> to vector<16xf32>
    %swap3A_139 = vector.shape_cast %broadcast_in_dim3A_133 : vector<16xf32> to vector<1x16xf32>
    tpu.vector_store %arg8[%swap3A_135, %swap3A_136], %swap3A_139 {strides = array<i32>} : memref<32x40xf32, #tpu.memory_space<vmem>>, vector<1x16xf32>,
    %broadcast_in_dim3A_140 = arith.constant 0.000000e+00 : f32
    %broadcast_in_dim3A_141 = vector.broadcast %broadcast_in_dim3A_140 : f32 to vector<16xf32>
    %swap3A_142 = arith.constant 4 : i32
    %swap3A_143 = arith.index_cast %swap3A_142 : i32 to index
    %swap3A_144 = arith.constant 24 : index
    %swap3A_145 = tpu.vector_load %arg8[%swap3A_143, %swap3A_144] {strides = array<i32>} : memref<32x40xf32, #tpu.memory_space<vmem>>, vector<1x16xf32>,
    %swap3A_146 = vector.shape_cast %swap3A_145 : vector<1x16xf32> to vector<16xf32>
    %swap3A_147 = vector.shape_cast %broadcast_in_dim3A_141 : vector<16xf32> to vector<1x16xf32>
    tpu.vector_store %arg8[%swap3A_143, %swap3A_144], %swap3A_147 {strides = array<i32>} : memref<32x40xf32, #tpu.memory_space<vmem>>, vector<1x16xf32>,
    %broadcast_in_dim3A_148 = arith.constant 0.000000e+00 : f32
    %broadcast_in_dim3A_149 = vector.broadcast %broadcast_in_dim3A_148 : f32 to vector<16xf32>
    %swap3A_150 = arith.constant 5 : i32
    %swap3A_151 = arith.index_cast %swap3A_150 : i32 to index
    %swap3A_152 = arith.constant 0 : index
    %swap3A_153 = tpu.vector_load %arg8[%swap3A_151, %swap3A_152] {strides = array<i32>} : memref<32x40xf32, #tpu.memory_space<vmem>>, vector<1x16xf32>,
    %swap3A_154 = vector.shape_cast %swap3A_153 : vector<1x16xf32> to vector<16xf32>
    %swap3A_155 = vector.shape_cast %broadcast_in_dim3A_149 : vector<16xf32> to vector<1x16xf32>
    tpu.vector_store %arg8[%swap3A_151, %swap3A_152], %swap3A_155 {strides = array<i32>} : memref<32x40xf32, #tpu.memory_space<vmem>>, vector<1x16xf32>,
    %broadcast_in_dim3A_156 = arith.constant 0.000000e+00 : f32
    %broadcast_in_dim3A_157 = vector.broadcast %broadcast_in_dim3A_156 : f32 to vector<16xf32>
    %swap3A_158 = arith.constant 5 : i32
    %swap3A_159 = arith.index_cast %swap3A_158 : i32 to index
    %swap3A_160 = arith.constant 16 : index
    %swap3A_161 = tpu.vector_load %arg8[%swap3A_159, %swap3A_160] {strides = array<i32>} : memref<32x40xf32, #tpu.memory_space<vmem>>, vector<1x16xf32>,
    %swap3A_162 = vector.shape_cast %swap3A_161 : vector<1x16xf32> to vector<16xf32>
    %swap3A_163 = vector.shape_cast %broadcast_in_dim3A_157 : vector<16xf32> to vector<1x16xf32>
    tpu.vector_store %arg8[%swap3A_159, %swap3A_160], %swap3A_163 {strides = array<i32>} : memref<32x40xf32, #tpu.memory_space<vmem>>, vector<1x16xf32>,
    %broadcast_in_dim3A_164 = arith.constant 0.000000e+00 : f32
    %broadcast_in_dim3A_165 = vector.broadcast %broadcast_in_dim3A_164 : f32 to vector<16xf32>
    %swap3A_166 = arith.constant 5 : i32
    %swap3A_167 = arith.index_cast %swap3A_166 : i32 to index
    %swap3A_168 = arith.constant 24 : index
    %swap3A_169 = tpu.vector_load %arg8[%swap3A_167, %swap3A_168] {strides = array<i32>} : memref<32x40xf32, #tpu.memory_space<vmem>>, vector<1x16xf32>,
    %swap3A_170 = vector.shape_cast %swap3A_169 : vector<1x16xf32> to vector<16xf32>
    %swap3A_171 = vector.shape_cast %broadcast_in_dim3A_165 : vector<16xf32> to vector<1x16xf32>
    tpu.vector_store %arg8[%swap3A_167, %swap3A_168], %swap3A_171 {strides = array<i32>} : memref<32x40xf32, #tpu.memory_space<vmem>>, vector<1x16xf32>,
    %broadcast_in_dim3A_172 = arith.constant 0.000000e+00 : f32
    %broadcast_in_dim3A_173 = vector.broadcast %broadcast_in_dim3A_172 : f32 to vector<16xf32>
    %swap3A_174 = arith.constant 6 : i32
    %swap3A_175 = arith.index_cast %swap3A_174 : i32 to index
    %swap3A_176 = arith.constant 0 : index
    %swap3A_177 = tpu.vector_load %arg8[%swap3A_175, %swap3A_176] {strides = array<i32>} : memref<32x40xf32, #tpu.memory_space<vmem>>, vector<1x16xf32>,
    %swap3A_178 = vector.shape_cast %swap3A_177 : vector<1x16xf32> to vector<16xf32>
    %swap3A_179 = vector.shape_cast %broadcast_in_dim3A_173 : vector<16xf32> to vector<1x16xf32>
    tpu.vector_store %arg8[%swap3A_175, %swap3A_176], %swap3A_179 {strides = array<i32>} : memref<32x40xf32, #tpu.memory_space<vmem>>, vector<1x16xf32>,
    %broadcast_in_dim3A_180 = arith.constant 0.000000e+00 : f32
    %broadcast_in_dim3A_181 = vector.broadcast %broadcast_in_dim3A_180 : f32 to vector<16xf32>
    %swap3A_182 = arith.constant 6 : i32
    %swap3A_183 = arith.index_cast %swap3A_182 : i32 to index
    %swap3A_184 = arith.constant 16 : index
    %swap3A_185 = tpu.vector_load %arg8[%swap3A_183, %swap3A_184] {strides = array<i32>} : memref<32x40xf32, #tpu.memory_space<vmem>>, vector<1x16xf32>,
    %swap3A_186 = vector.shape_cast %swap3A_185 : vector<1x16xf32> to vector<16xf32>
    %swap3A_187 = vector.shape_cast %broadcast_in_dim3A_181 : vector<16xf32> to vector<1x16xf32>
    tpu.vector_store %arg8[%swap3A_183, %swap3A_184], %swap3A_187 {strides = array<i32>} : memref<32x40xf32, #tpu.memory_space<vmem>>, vector<1x16xf32>,
    %broadcast_in_dim3A_188 = arith.constant 0.000000e+00 : f32
    %broadcast_in_dim3A_189 = vector.broadcast %broadcast_in_dim3A_188 : f32 to vector<16xf32>
    %swap3A_190 = arith.constant 6 : i32
    %swap3A_191 = arith.index_cast %swap3A_190 : i32 to index
    %swap3A_192 = arith.constant 24 : index
    %swap3A_193 = tpu.vector_load %arg8[%swap3A_191, %swap3A_192] {strides = array<i32>} : memref<32x40xf32, #tpu.memory_space<vmem>>, vector<1x16xf32>,
    %swap3A_194 = vector.shape_cast %swap3A_193 : vector<1x16xf32> to vector<16xf32>
    %swap3A_195 = vector.shape_cast %broadcast_in_dim3A_189 : vector<16xf32> to vector<1x16xf32>
    tpu.vector_store %arg8[%swap3A_191, %swap3A_192], %swap3A_195 {strides = array<i32>} : memref<32x40xf32, #tpu.memory_space<vmem>>, vector<1x16xf32>,
    %broadcast_in_dim3A_196 = arith.constant 0.000000e+00 : f32
    %broadcast_in_dim3A_197 = vector.broadcast %broadcast_in_dim3A_196 : f32 to vector<16xf32>
    %swap3A_198 = arith.constant 7 : i32
    %swap3A_199 = arith.index_cast %swap3A_198 : i32 to index
    %swap3A_200 = arith.constant 0 : index
    %swap3A_201 = tpu.vector_load %arg8[%swap3A_199, %swap3A_200] {strides = array<i32>} : memref<32x40xf32, #tpu.memory_space<vmem>>, vector<1x16xf32>,
    %swap3A_202 = vector.shape_cast %swap3A_201 : vector<1x16xf32> to vector<16xf32>
    %swap3A_203 = vector.shape_cast %broadcast_in_dim3A_197 : vector<16xf32> to vector<1x16xf32>
    tpu.vector_store %arg8[%swap3A_199, %swap3A_200], %swap3A_203 {strides = array<i32>} : memref<32x40xf32, #tpu.memory_space<vmem>>, vector<1x16xf32>,
    %broadcast_in_dim3A_204 = arith.constant 0.000000e+00 : f32
    %broadcast_in_dim3A_205 = vector.broadcast %broadcast_in_dim3A_204 : f32 to vector<16xf32>
    %swap3A_206 = arith.constant 7 : i32
    %swap3A_207 = arith.index_cast %swap3A_206 : i32 to index
    %swap3A_208 = arith.constant 16 : index
    %swap3A_209 = tpu.vector_load %arg8[%swap3A_207, %swap3A_208] {strides = array<i32>} : memref<32x40xf32, #tpu.memory_space<vmem>>, vector<1x16xf32>,
    %swap3A_210 = vector.shape_cast %swap3A_209 : vector<1x16xf32> to vector<16xf32>
    %swap3A_211 = vector.shape_cast %broadcast_in_dim3A_205 : vector<16xf32> to vector<1x16xf32>
    tpu.vector_store %arg8[%swap3A_207, %swap3A_208], %swap3A_211 {strides = array<i32>} : memref<32x40xf32, #tpu.memory_space<vmem>>, vector<1x16xf32>,
    %broadcast_in_dim3A_212 = arith.constant 0.000000e+00 : f32
    %broadcast_in_dim3A_213 = vector.broadcast %broadcast_in_dim3A_212 : f32 to vector<16xf32>
    %swap3A_214 = arith.constant 7 : i32
    %swap3A_215 = arith.index_cast %swap3A_214 : i32 to index
    %swap3A_216 = arith.constant 24 : index
    %swap3A_217 = tpu.vector_load %arg8[%swap3A_215, %swap3A_216] {strides = array<i32>} : memref<32x40xf32, #tpu.memory_space<vmem>>, vector<1x16xf32>,
    %swap3A_218 = vector.shape_cast %swap3A_217 : vector<1x16xf32> to vector<16xf32>
    %swap3A_219 = vector.shape_cast %broadcast_in_dim3A_213 : vector<16xf32> to vector<1x16xf32>
    tpu.vector_store %arg8[%swap3A_215, %swap3A_216], %swap3A_219 {strides = array<i32>} : memref<32x40xf32, #tpu.memory_space<vmem>>, vector<1x16xf32>,
    %broadcast_in_dim3A_220 = arith.constant 0.000000e+00 : f32
    %broadcast_in_dim3A_221 = vector.broadcast %broadcast_in_dim3A_220 : f32 to vector<16xf32>
    %swap3A_222 = arith.constant 8 : i32
    %swap3A_223 = arith.index_cast %swap3A_222 : i32 to index
    %swap3A_224 = arith.constant 0 : index
    %swap3A_225 = tpu.vector_load %arg8[%swap3A_223, %swap3A_224] {strides = array<i32>} : memref<32x40xf32, #tpu.memory_space<vmem>>, vector<1x16xf32>,
    %swap3A_226 = vector.shape_cast %swap3A_225 : vector<1x16xf32> to vector<16xf32>
    %swap3A_227 = vector.shape_cast %broadcast_in_dim3A_221 : vector<16xf32> to vector<1x16xf32>
    tpu.vector_store %arg8[%swap3A_223, %swap3A_224], %swap3A_227 {strides = array<i32>} : memref<32x40xf32, #tpu.memory_space<vmem>>, vector<1x16xf32>,
    %broadcast_in_dim3A_228 = arith.constant 0.000000e+00 : f32
    %broadcast_in_dim3A_229 = vector.broadcast %broadcast_in_dim3A_228 : f32 to vector<16xf32>
    %swap3A_230 = arith.constant 8 : i32
    %swap3A_231 = arith.index_cast %swap3A_230 : i32 to index
    %swap3A_232 = arith.constant 16 : index
    %swap3A_233 = tpu.vector_load %arg8[%swap3A_231, %swap3A_232] {strides = array<i32>} : memref<32x40xf32, #tpu.memory_space<vmem>>, vector<1x16xf32>,
    %swap3A_234 = vector.shape_cast %swap3A_233 : vector<1x16xf32> to vector<16xf32>
    %swap3A_235 = vector.shape_cast %broadcast_in_dim3A_229 : vector<16xf32> to vector<1x16xf32>
    tpu.vector_store %arg8[%swap3A_231, %swap3A_232], %swap3A_235 {strides = array<i32>} : memref<32x40xf32, #tpu.memory_space<vmem>>, vector<1x16xf32>,
    %broadcast_in_dim3A_236 = arith.constant 0.000000e+00 : f32
    %broadcast_in_dim3A_237 = vector.broadcast %broadcast_in_dim3A_236 : f32 to vector<16xf32>
    %swap3A_238 = arith.constant 8 : i32
    %swap3A_239 = arith.index_cast %swap3A_238 : i32 to index
    %swap3A_240 = arith.constant 24 : index
    %swap3A_241 = tpu.vector_load %arg8[%swap3A_239, %swap3A_240] {strides = array<i32>} : memref<32x40xf32, #tpu.memory_space<vmem>>, vector<1x16xf32>,
    %swap3A_242 = vector.shape_cast %swap3A_241 : vector<1x16xf32> to vector<16xf32>
    %swap3A_243 = vector.shape_cast %broadcast_in_dim3A_237 : vector<16xf32> to vector<1x16xf32>
    tpu.vector_store %arg8[%swap3A_239, %swap3A_240], %swap3A_243 {strides = array<i32>} : memref<32x40xf32, #tpu.memory_space<vmem>>, vector<1x16xf32>,
    %broadcast_in_dim3A_244 = arith.constant 0.000000e+00 : f32
    %broadcast_in_dim3A_245 = vector.broadcast %broadcast_in_dim3A_244 : f32 to vector<16xf32>
    %swap3A_246 = arith.constant 9 : i32
    %swap3A_247 = arith.index_cast %swap3A_246 : i32 to index
    %swap3A_248 = arith.constant 0 : index
    %swap3A_249 = tpu.vector_load %arg8[%swap3A_247, %swap3A_248] {strides = array<i32>} : memref<32x40xf32, #tpu.memory_space<vmem>>, vector<1x16xf32>,
    %swap3A_250 = vector.shape_cast %swap3A_249 : vector<1x16xf32> to vector<16xf32>
    %swap3A_251 = vector.shape_cast %broadcast_in_dim3A_245 : vector<16xf32> to vector<1x16xf32>
    tpu.vector_store %arg8[%swap3A_247, %swap3A_248], %swap3A_251 {strides = array<i32>} : memref<32x40xf32, #tpu.memory_space<vmem>>, vector<1x16xf32>,
    %broadcast_in_dim3A_252 = arith.constant 0.000000e+00 : f32
    %broadcast_in_dim3A_253 = vector.broadcast %broadcast_in_dim3A_252 : f32 to vector<16xf32>
    %swap3A_254 = arith.constant 9 : i32
    %swap3A_255 = arith.index_cast %swap3A_254 : i32 to index
    %swap3A_256 = arith.constant 16 : index
    %swap3A_257 = tpu.vector_load %arg8[%swap3A_255, %swap3A_256] {strides = array<i32>} : memref<32x40xf32, #tpu.memory_space<vmem>>, vector<1x16xf32>,
    %swap3A_258 = vector.shape_cast %swap3A_257 : vector<1x16xf32> to vector<16xf32>
    %swap3A_259 = vector.shape_cast %broadcast_in_dim3A_253 : vector<16xf32> to vector<1x16xf32>
    tpu.vector_store %arg8[%swap3A_255, %swap3A_256], %swap3A_259 {strides = array<i32>} : memref<32x40xf32, #tpu.memory_space<vmem>>, vector<1x16xf32>,
    %broadcast_in_dim3A_260 = arith.constant 0.000000e+00 : f32
    %broadcast_in_dim3A_261 = vector.broadcast %broadcast_in_dim3A_260 : f32 to vector<16xf32>
    %swap3A_262 = arith.constant 9 : i32
    %swap3A_263 = arith.index_cast %swap3A_262 : i32 to index
    %swap3A_264 = arith.constant 24 : index
    %swap3A_265 = tpu.vector_load %arg8[%swap3A_263, %swap3A_264] {strides = array<i32>} : memref<32x40xf32, #tpu.memory_space<vmem>>, vector<1x16xf32>,
    %swap3A_266 = vector.shape_cast %swap3A_265 : vector<1x16xf32> to vector<16xf32>
    %swap3A_267 = vector.shape_cast %broadcast_in_dim3A_261 : vector<16xf32> to vector<1x16xf32>
    tpu.vector_store %arg8[%swap3A_263, %swap3A_264], %swap3A_267 {strides = array<i32>} : memref<32x40xf32, #tpu.memory_space<vmem>>, vector<1x16xf32>,
    %broadcast_in_dim3A_268 = arith.constant 0.000000e+00 : f32
    %broadcast_in_dim3A_269 = vector.broadcast %broadcast_in_dim3A_268 : f32 to vector<16xf32>
    %swap3A_270 = arith.constant 10 : i32
    %swap3A_271 = arith.index_cast %swap3A_270 : i32 to index
    %swap3A_272 = arith.constant 0 : index
    %swap3A_273 = tpu.vector_load %arg8[%swap3A_271, %swap3A_272] {strides = array<i32>} : memref<32x40xf32, #tpu.memory_space<vmem>>, vector<1x16xf32>,
    %swap3A_274 = vector.shape_cast %swap3A_273 : vector<1x16xf32> to vector<16xf32>
    %swap3A_275 = vector.shape_cast %broadcast_in_dim3A_269 : vector<16xf32> to vector<1x16xf32>
    tpu.vector_store %arg8[%swap3A_271, %swap3A_272], %swap3A_275 {strides = array<i32>} : memref<32x40xf32, #tpu.memory_space<vmem>>, vector<1x16xf32>,
    %broadcast_in_dim3A_276 = arith.constant 0.000000e+00 : f32
    %broadcast_in_dim3A_277 = vector.broadcast %broadcast_in_dim3A_276 : f32 to vector<16xf32>
    %swap3A_278 = arith.constant 10 : i32
    %swap3A_279 = arith.index_cast %swap3A_278 : i32 to index
    %swap3A_280 = arith.constant 16 : index
    %swap3A_281 = tpu.vector_load %arg8[%swap3A_279, %swap3A_280] {strides = array<i32>} : memref<32x40xf32, #tpu.memory_space<vmem>>, vector<1x16xf32>,
    %swap3A_282 = vector.shape_cast %swap3A_281 : vector<1x16xf32> to vector<16xf32>
    %swap3A_283 = vector.shape_cast %broadcast_in_dim3A_277 : vector<16xf32> to vector<1x16xf32>
    tpu.vector_store %arg8[%swap3A_279, %swap3A_280], %swap3A_283 {strides = array<i32>} : memref<32x40xf32, #tpu.memory_space<vmem>>, vector<1x16xf32>,
    %broadcast_in_dim3A_284 = arith.constant 0.000000e+00 : f32
    %broadcast_in_dim3A_285 = vector.broadcast %broadcast_in_dim3A_284 : f32 to vector<16xf32>
    %swap3A_286 = arith.constant 10 : i32
    %swap3A_287 = arith.index_cast %swap3A_286 : i32 to index
    %swap3A_288 = arith.constant 24 : index
    %swap3A_289 = tpu.vector_load %arg8[%swap3A_287, %swap3A_288] {strides = array<i32>} : memref<32x40xf32, #tpu.memory_space<vmem>>, vector<1x16xf32>,
    %swap3A_290 = vector.shape_cast %swap3A_289 : vector<1x16xf32> to vector<16xf32>
    %swap3A_291 = vector.shape_cast %broadcast_in_dim3A_285 : vector<16xf32> to vector<1x16xf32>
    tpu.vector_store %arg8[%swap3A_287, %swap3A_288], %swap3A_291 {strides = array<i32>} : memref<32x40xf32, #tpu.memory_space<vmem>>, vector<1x16xf32>,
    %broadcast_in_dim3A_292 = arith.constant 0.000000e+00 : f32
    %broadcast_in_dim3A_293 = vector.broadcast %broadcast_in_dim3A_292 : f32 to vector<16xf32>
    %swap3A_294 = arith.constant 11 : i32
    %swap3A_295 = arith.index_cast %swap3A_294 : i32 to index
    %swap3A_296 = arith.constant 0 : index
    %swap3A_297 = tpu.vector_load %arg8[%swap3A_295, %swap3A_296] {strides = array<i32>} : memref<32x40xf32, #tpu.memory_space<vmem>>, vector<1x16xf32>,
    %swap3A_298 = vector.shape_cast %swap3A_297 : vector<1x16xf32> to vector<16xf32>
    %swap3A_299 = vector.shape_cast %broadcast_in_dim3A_293 : vector<16xf32> to vector<1x16xf32>
    tpu.vector_store %arg8[%swap3A_295, %swap3A_296], %swap3A_299 {strides = array<i32>} : memref<32x40xf32, #tpu.memory_space<vmem>>, vector<1x16xf32>,
    %broadcast_in_dim3A_300 = arith.constant 0.000000e+00 : f32
    %broadcast_in_dim3A_301 = vector.broadcast %broadcast_in_dim3A_300 : f32 to vector<16xf32>
    %swap3A_302 = arith.constant 11 : i32
    %swap3A_303 = arith.index_cast %swap3A_302 : i32 to index
    %swap3A_304 = arith.constant 16 : index
    %swap3A_305 = tpu.vector_load %arg8[%swap3A_303, %swap3A_304] {strides = array<i32>} : memref<32x40xf32, #tpu.memory_space<vmem>>, vector<1x16xf32>,
    %swap3A_306 = vector.shape_cast %swap3A_305 : vector<1x16xf32> to vector<16xf32>
    %swap3A_307 = vector.shape_cast %broadcast_in_dim3A_301 : vector<16xf32> to vector<1x16xf32>
    tpu.vector_store %arg8[%swap3A_303, %swap3A_304], %swap3A_307 {strides = array<i32>} : memref<32x40xf32, #tpu.memory_space<vmem>>, vector<1x16xf32>,
    %broadcast_in_dim3A_308 = arith.constant 0.000000e+00 : f32
    %broadcast_in_dim3A_309 = vector.broadcast %broadcast_in_dim3A_308 : f32 to vector<16xf32>
    %swap3A_310 = arith.constant 11 : i32
    %swap3A_311 = arith.index_cast %swap3A_310 : i32 to index
    %swap3A_312 = arith.constant 24 : index
    %swap3A_313 = tpu.vector_load %arg8[%swap3A_311, %swap3A_312] {strides = array<i32>} : memref<32x40xf32, #tpu.memory_space<vmem>>, vector<1x16xf32>,
    %swap3A_314 = vector.shape_cast %swap3A_313 : vector<1x16xf32> to vector<16xf32>
    %swap3A_315 = vector.shape_cast %broadcast_in_dim3A_309 : vector<16xf32> to vector<1x16xf32>
    tpu.vector_store %arg8[%swap3A_311, %swap3A_312], %swap3A_315 {strides = array<i32>} : memref<32x40xf32, #tpu.memory_space<vmem>>, vector<1x16xf32>,
    %broadcast_in_dim3A_316 = arith.constant 0.000000e+00 : f32
    %broadcast_in_dim3A_317 = vector.broadcast %broadcast_in_dim3A_316 : f32 to vector<16xf32>
    %swap3A_318 = arith.constant 12 : i32
    %swap3A_319 = arith.index_cast %swap3A_318 : i32 to index
    %swap3A_320 = arith.constant 0 : index
    %swap3A_321 = tpu.vector_load %arg8[%swap3A_319, %swap3A_320] {strides = array<i32>} : memref<32x40xf32, #tpu.memory_space<vmem>>, vector<1x16xf32>,
    %swap3A_322 = vector.shape_cast %swap3A_321 : vector<1x16xf32> to vector<16xf32>
    %swap3A_323 = vector.shape_cast %broadcast_in_dim3A_317 : vector<16xf32> to vector<1x16xf32>
    tpu.vector_store %arg8[%swap3A_319, %swap3A_320], %swap3A_323 {strides = array<i32>} : memref<32x40xf32, #tpu.memory_space<vmem>>, vector<1x16xf32>,
    %broadcast_in_dim3A_324 = arith.constant 0.000000e+00 : f32
    %broadcast_in_dim3A_325 = vector.broadcast %broadcast_in_dim3A_324 : f32 to vector<16xf32>
    %swap3A_326 = arith.constant 12 : i32
    %swap3A_327 = arith.index_cast %swap3A_326 : i32 to index
    %swap3A_328 = arith.constant 16 : index
    %swap3A_329 = tpu.vector_load %arg8[%swap3A_327, %swap3A_328] {strides = array<i32>} : memref<32x40xf32, #tpu.memory_space<vmem>>, vector<1x16xf32>,
    %swap3A_330 = vector.shape_cast %swap3A_329 : vector<1x16xf32> to vector<16xf32>
    %swap3A_331 = vector.shape_cast %broadcast_in_dim3A_325 : vector<16xf32> to vector<1x16xf32>
    tpu.vector_store %arg8[%swap3A_327, %swap3A_328], %swap3A_331 {strides = array<i32>} : memref<32x40xf32, #tpu.memory_space<vmem>>, vector<1x16xf32>,
    %broadcast_in_dim3A_332 = arith.constant 0.000000e+00 : f32
    %broadcast_in_dim3A_333 = vector.broadcast %broadcast_in_dim3A_332 : f32 to vector<16xf32>
    %swap3A_334 = arith.constant 12 : i32
    %swap3A_335 = arith.index_cast %swap3A_334 : i32 to index
    %swap3A_336 = arith.constant 24 : index
    %swap3A_337 = tpu.vector_load %arg8[%swap3A_335, %swap3A_336] {strides = array<i32>} : memref<32x40xf32, #tpu.memory_space<vmem>>, vector<1x16xf32>,
    %swap3A_338 = vector.shape_cast %swap3A_337 : vector<1x16xf32> to vector<16xf32>
    %swap3A_339 = vector.shape_cast %broadcast_in_dim3A_333 : vector<16xf32> to vector<1x16xf32>
    tpu.vector_store %arg8[%swap3A_335, %swap3A_336], %swap3A_339 {strides = array<i32>} : memref<32x40xf32, #tpu.memory_space<vmem>>, vector<1x16xf32>,
    %broadcast_in_dim3A_340 = arith.constant 0.000000e+00 : f32
    %broadcast_in_dim3A_341 = vector.broadcast %broadcast_in_dim3A_340 : f32 to vector<16xf32>
    %swap3A_342 = arith.constant 13 : i32
    %swap3A_343 = arith.index_cast %swap3A_342 : i32 to index
    %swap3A_344 = arith.constant 0 : index
    %swap3A_345 = tpu.vector_load %arg8[%swap3A_343, %swap3A_344] {strides = array<i32>} : memref<32x40xf32, #tpu.memory_space<vmem>>, vector<1x16xf32>,
    %swap3A_346 = vector.shape_cast %swap3A_345 : vector<1x16xf32> to vector<16xf32>
    %swap3A_347 = vector.shape_cast %broadcast_in_dim3A_341 : vector<16xf32> to vector<1x16xf32>
    tpu.vector_store %arg8[%swap3A_343, %swap3A_344], %swap3A_347 {strides = array<i32>} : memref<32x40xf32, #tpu.memory_space<vmem>>, vector<1x16xf32>,
    %broadcast_in_dim3A_348 = arith.constant 0.000000e+00 : f32
    %broadcast_in_dim3A_349 = vector.broadcast %broadcast_in_dim3A_348 : f32 to vector<16xf32>
    %swap3A_350 = arith.constant 13 : i32
    %swap3A_351 = arith.index_cast %swap3A_350 : i32 to index
    %swap3A_352 = arith.constant 16 : index
    %swap3A_353 = tpu.vector_load %arg8[%swap3A_351, %swap3A_352] {strides = array<i32>} : memref<32x40xf32, #tpu.memory_space<vmem>>, vector<1x16xf32>,
    %swap3A_354 = vector.shape_cast %swap3A_353 : vector<1x16xf32> to vector<16xf32>
    %swap3A_355 = vector.shape_cast %broadcast_in_dim3A_349 : vector<16xf32> to vector<1x16xf32>
    tpu.vector_store %arg8[%swap3A_351, %swap3A_352], %swap3A_355 {strides = array<i32>} : memref<32x40xf32, #tpu.memory_space<vmem>>, vector<1x16xf32>,
    %broadcast_in_dim3A_356 = arith.constant 0.000000e+00 : f32
    %broadcast_in_dim3A_357 = vector.broadcast %broadcast_in_dim3A_356 : f32 to vector<16xf32>
    %swap3A_358 = arith.constant 13 : i32
    %swap3A_359 = arith.index_cast %swap3A_358 : i32 to index
    %swap3A_360 = arith.constant 24 : index
    %swap3A_361 = tpu.vector_load %arg8[%swap3A_359, %swap3A_360] {strides = array<i32>} : memref<32x40xf32, #tpu.memory_space<vmem>>, vector<1x16xf32>,
    %swap3A_362 = vector.shape_cast %swap3A_361 : vector<1x16xf32> to vector<16xf32>
    %swap3A_363 = vector.shape_cast %broadcast_in_dim3A_357 : vector<16xf32> to vector<1x16xf32>
    tpu.vector_store %arg8[%swap3A_359, %swap3A_360], %swap3A_363 {strides = array<i32>} : memref<32x40xf32, #tpu.memory_space<vmem>>, vector<1x16xf32>,
    %broadcast_in_dim3A_364 = arith.constant 0.000000e+00 : f32
    %broadcast_in_dim3A_365 = vector.broadcast %broadcast_in_dim3A_364 : f32 to vector<16xf32>
    %swap3A_366 = arith.constant 14 : i32
    %swap3A_367 = arith.index_cast %swap3A_366 : i32 to index
    %swap3A_368 = arith.constant 0 : index
    %swap3A_369 = tpu.vector_load %arg8[%swap3A_367, %swap3A_368] {strides = array<i32>} : memref<32x40xf32, #tpu.memory_space<vmem>>, vector<1x16xf32>,
    %swap3A_370 = vector.shape_cast %swap3A_369 : vector<1x16xf32> to vector<16xf32>
    %swap3A_371 = vector.shape_cast %broadcast_in_dim3A_365 : vector<16xf32> to vector<1x16xf32>
    tpu.vector_store %arg8[%swap3A_367, %swap3A_368], %swap3A_371 {strides = array<i32>} : memref<32x40xf32, #tpu.memory_space<vmem>>, vector<1x16xf32>,
    %broadcast_in_dim3A_372 = arith.constant 0.000000e+00 : f32
    %broadcast_in_dim3A_373 = vector.broadcast %broadcast_in_dim3A_372 : f32 to vector<16xf32>
    %swap3A_374 = arith.constant 14 : i32
    %swap3A_375 = arith.index_cast %swap3A_374 : i32 to index
    %swap3A_376 = arith.constant 16 : index
    %swap3A_377 = tpu.vector_load %arg8[%swap3A_375, %swap3A_376] {strides = array<i32>} : memref<32x40xf32, #tpu.memory_space<vmem>>, vector<1x16xf32>,
    %swap3A_378 = vector.shape_cast %swap3A_377 : vector<1x16xf32> to vector<16xf32>
    %swap3A_379 = vector.shape_cast %broadcast_in_dim3A_373 : vector<16xf32> to vector<1x16xf32>
    tpu.vector_store %arg8[%swap3A_375, %swap3A_376], %swap3A_379 {strides = array<i32>} : memref<32x40xf32, #tpu.memory_space<vmem>>, vector<1x16xf32>,
    %broadcast_in_dim3A_380 = arith.constant 0.000000e+00 : f32
    %broadcast_in_dim3A_381 = vector.broadcast %broadcast_in_dim3A_380 : f32 to vector<16xf32>
    %swap3A_382 = arith.constant 14 : i32
    %swap3A_383 = arith.index_cast %swap3A_382 : i32 to index
    %swap3A_384 = arith.constant 24 : index
    %swap3A_385 = tpu.vector_load %arg8[%swap3A_383, %swap3A_384] {strides = array<i32>} : memref<32x40xf32, #tpu.memory_space<vmem>>, vector<1x16xf32>,
    %swap3A_386 = vector.shape_cast %swap3A_385 : vector<1x16xf32> to vector<16xf32>
    %swap3A_387 = vector.shape_cast %broadcast_in_dim3A_381 : vector<16xf32> to vector<1x16xf32>
    tpu.vector_store %arg8[%swap3A_383, %swap3A_384], %swap3A_387 {strides = array<i32>} : memref<32x40xf32, #tpu.memory_space<vmem>>, vector<1x16xf32>,
    %broadcast_in_dim3A_388 = arith.constant 0.000000e+00 : f32
    %broadcast_in_dim3A_389 = vector.broadcast %broadcast_in_dim3A_388 : f32 to vector<16xf32>
    %swap3A_390 = arith.constant 15 : i32
    %swap3A_391 = arith.index_cast %swap3A_390 : i32 to index
    %swap3A_392 = arith.constant 0 : index
    %swap3A_393 = tpu.vector_load %arg8[%swap3A_391, %swap3A_392] {strides = array<i32>} : memref<32x40xf32, #tpu.memory_space<vmem>>, vector<1x16xf32>,
    %swap3A_394 = vector.shape_cast %swap3A_393 : vector<1x16xf32> to vector<16xf32>
    %swap3A_395 = vector.shape_cast %broadcast_in_dim3A_389 : vector<16xf32> to vector<1x16xf32>
    tpu.vector_store %arg8[%swap3A_391, %swap3A_392], %swap3A_395 {strides = array<i32>} : memref<32x40xf32, #tpu.memory_space<vmem>>, vector<1x16xf32>,
    %broadcast_in_dim3A_396 = arith.constant 0.000000e+00 : f32
    %broadcast_in_dim3A_397 = vector.broadcast %broadcast_in_dim3A_396 : f32 to vector<16xf32>
    %swap3A_398 = arith.constant 15 : i32
    %swap3A_399 = arith.index_cast %swap3A_398 : i32 to index
    %swap3A_400 = arith.constant 16 : index
    %swap3A_401 = tpu.vector_load %arg8[%swap3A_399, %swap3A_400] {strides = array<i32>} : memref<32x40xf32, #tpu.memory_space<vmem>>, vector<1x16xf32>,
    %swap3A_402 = vector.shape_cast %swap3A_401 : vector<1x16xf32> to vector<16xf32>
    %swap3A_403 = vector.shape_cast %broadcast_in_dim3A_397 : vector<16xf32> to vector<1x16xf32>
    tpu.vector_store %arg8[%swap3A_399, %swap3A_400], %swap3A_403 {strides = array<i32>} : memref<32x40xf32, #tpu.memory_space<vmem>>, vector<1x16xf32>,
    %broadcast_in_dim3A_404 = arith.constant 0.000000e+00 : f32
    %broadcast_in_dim3A_405 = vector.broadcast %broadcast_in_dim3A_404 : f32 to vector<16xf32>
    %swap3A_406 = arith.constant 15 : i32
    %swap3A_407 = arith.index_cast %swap3A_406 : i32 to index
    %swap3A_408 = arith.constant 24 : index
    %swap3A_409 = tpu.vector_load %arg8[%swap3A_407, %swap3A_408] {strides = array<i32>} : memref<32x40xf32, #tpu.memory_space<vmem>>, vector<1x16xf32>,
    %swap3A_410 = vector.shape_cast %swap3A_409 : vector<1x16xf32> to vector<16xf32>
    %swap3A_411 = vector.shape_cast %broadcast_in_dim3A_405 : vector<16xf32> to vector<1x16xf32>
    tpu.vector_store %arg8[%swap3A_407, %swap3A_408], %swap3A_411 {strides = array<i32>} : memref<32x40xf32, #tpu.memory_space<vmem>>, vector<1x16xf32>,
    %broadcast_in_dim3A_412 = arith.constant 0.000000e+00 : f32
    %broadcast_in_dim3A_413 = vector.broadcast %broadcast_in_dim3A_412 : f32 to vector<16xf32>
    %swap3A_414 = arith.constant 16 : i32
    %swap3A_415 = arith.index_cast %swap3A_414 : i32 to index
    %swap3A_416 = arith.constant 0 : index
    %swap3A_417 = tpu.vector_load %arg8[%swap3A_415, %swap3A_416] {strides = array<i32>} : memref<32x40xf32, #tpu.memory_space<vmem>>, vector<1x16xf32>,
    %swap3A_418 = vector.shape_cast %swap3A_417 : vector<1x16xf32> to vector<16xf32>
    %swap3A_419 = vector.shape_cast %broadcast_in_dim3A_413 : vector<16xf32> to vector<1x16xf32>
    tpu.vector_store %arg8[%swap3A_415, %swap3A_416], %swap3A_419 {strides = array<i32>} : memref<32x40xf32, #tpu.memory_space<vmem>>, vector<1x16xf32>,
    %broadcast_in_dim3A_420 = arith.constant 0.000000e+00 : f32
    %broadcast_in_dim3A_421 = vector.broadcast %broadcast_in_dim3A_420 : f32 to vector<16xf32>
    %swap3A_422 = arith.constant 16 : i32
    %swap3A_423 = arith.index_cast %swap3A_422 : i32 to index
    %swap3A_424 = arith.constant 16 : index
    %swap3A_425 = tpu.vector_load %arg8[%swap3A_423, %swap3A_424] {strides = array<i32>} : memref<32x40xf32, #tpu.memory_space<vmem>>, vector<1x16xf32>,
    %swap3A_426 = vector.shape_cast %swap3A_425 : vector<1x16xf32> to vector<16xf32>
    %swap3A_427 = vector.shape_cast %broadcast_in_dim3A_421 : vector<16xf32> to vector<1x16xf32>
    tpu.vector_store %arg8[%swap3A_423, %swap3A_424], %swap3A_427 {strides = array<i32>} : memref<32x40xf32, #tpu.memory_space<vmem>>, vector<1x16xf32>,
    %broadcast_in_dim3A_428 = arith.constant 0.000000e+00 : f32
    %broadcast_in_dim3A_429 = vector.broadcast %broadcast_in_dim3A_428 : f32 to vector<16xf32>
    %swap3A_430 = arith.constant 16 : i32
    %swap3A_431 = arith.index_cast %swap3A_430 : i32 to index
    %swap3A_432 = arith.constant 24 : index
    %swap3A_433 = tpu.vector_load %arg8[%swap3A_431, %swap3A_432] {strides = array<i32>} : memref<32x40xf32, #tpu.memory_space<vmem>>, vector<1x16xf32>,
    %swap3A_434 = vector.shape_cast %swap3A_433 : vector<1x16xf32> to vector<16xf32>
    %swap3A_435 = vector.shape_cast %broadcast_in_dim3A_429 : vector<16xf32> to vector<1x16xf32>
    tpu.vector_store %arg8[%swap3A_431, %swap3A_432], %swap3A_435 {strides = array<i32>} : memref<32x40xf32, #tpu.memory_space<vmem>>, vector<1x16xf32>,
    %broadcast_in_dim3A_436 = arith.constant 0.000000e+00 : f32
    %broadcast_in_dim3A_437 = vector.broadcast %broadcast_in_dim3A_436 : f32 to vector<16xf32>
    %swap3A_438 = arith.constant 17 : i32
    %swap3A_439 = arith.index_cast %swap3A_438 : i32 to index
    %swap3A_440 = arith.constant 0 : index
    %swap3A_441 = tpu.vector_load %arg8[%swap3A_439, %swap3A_440] {strides = array<i32>} : memref<32x40xf32, #tpu.memory_space<vmem>>, vector<1x16xf32>,
    %swap3A_442 = vector.shape_cast %swap3A_441 : vector<1x16xf32> to vector<16xf32>
    %swap3A_443 = vector.shape_cast %broadcast_in_dim3A_437 : vector<16xf32> to vector<1x16xf32>
    tpu.vector_store %arg8[%swap3A_439, %swap3A_440], %swap3A_443 {strides = array<i32>} : memref<32x40xf32, #tpu.memory_space<vmem>>, vector<1x16xf32>,
    %broadcast_in_dim3A_444 = arith.constant 0.000000e+00 : f32
    %broadcast_in_dim3A_445 = vector.broadcast %broadcast_in_dim3A_444 : f32 to vector<16xf32>
    %swap3A_446 = arith.constant 17 : i32
    %swap3A_447 = arith.index_cast %swap3A_446 : i32 to index
    %swap3A_448 = arith.constant 16 : index
    %swap3A_449 = tpu.vector_load %arg8[%swap3A_447, %swap3A_448] {strides = array<i32>} : memref<32x40xf32, #tpu.memory_space<vmem>>, vector<1x16xf32>,
    %swap3A_450 = vector.shape_cast %swap3A_449 : vector<1x16xf32> to vector<16xf32>
    %swap3A_451 = vector.shape_cast %broadcast_in_dim3A_445 : vector<16xf32> to vector<1x16xf32>
    tpu.vector_store %arg8[%swap3A_447, %swap3A_448], %swap3A_451 {strides = array<i32>} : memref<32x40xf32, #tpu.memory_space<vmem>>, vector<1x16xf32>,
    %broadcast_in_dim3A_452 = arith.constant 0.000000e+00 : f32
    %broadcast_in_dim3A_453 = vector.broadcast %broadcast_in_dim3A_452 : f32 to vector<16xf32>
    %swap3A_454 = arith.constant 17 : i32
    %swap3A_455 = arith.index_cast %swap3A_454 : i32 to index
    %swap3A_456 = arith.constant 24 : index
    %swap3A_457 = tpu.vector_load %arg8[%swap3A_455, %swap3A_456] {strides = array<i32>} : memref<32x40xf32, #tpu.memory_space<vmem>>, vector<1x16xf32>,
    %swap3A_458 = vector.shape_cast %swap3A_457 : vector<1x16xf32> to vector<16xf32>
    %swap3A_459 = vector.shape_cast %broadcast_in_dim3A_453 : vector<16xf32> to vector<1x16xf32>
    tpu.vector_store %arg8[%swap3A_455, %swap3A_456], %swap3A_459 {strides = array<i32>} : memref<32x40xf32, #tpu.memory_space<vmem>>, vector<1x16xf32>,
    %broadcast_in_dim3A_460 = arith.constant 0.000000e+00 : f32
    %broadcast_in_dim3A_461 = vector.broadcast %broadcast_in_dim3A_460 : f32 to vector<16xf32>
    %swap3A_462 = arith.constant 18 : i32
    %swap3A_463 = arith.index_cast %swap3A_462 : i32 to index
    %swap3A_464 = arith.constant 0 : index
    %swap3A_465 = tpu.vector_load %arg8[%swap3A_463, %swap3A_464] {strides = array<i32>} : memref<32x40xf32, #tpu.memory_space<vmem>>, vector<1x16xf32>,
    %swap3A_466 = vector.shape_cast %swap3A_465 : vector<1x16xf32> to vector<16xf32>
    %swap3A_467 = vector.shape_cast %broadcast_in_dim3A_461 : vector<16xf32> to vector<1x16xf32>
    tpu.vector_store %arg8[%swap3A_463, %swap3A_464], %swap3A_467 {strides = array<i32>} : memref<32x40xf32, #tpu.memory_space<vmem>>, vector<1x16xf32>,
    %broadcast_in_dim3A_468 = arith.constant 0.000000e+00 : f32
    %broadcast_in_dim3A_469 = vector.broadcast %broadcast_in_dim3A_468 : f32 to vector<16xf32>
    %swap3A_470 = arith.constant 18 : i32
    %swap3A_471 = arith.index_cast %swap3A_470 : i32 to index
    %swap3A_472 = arith.constant 16 : index
    %swap3A_473 = tpu.vector_load %arg8[%swap3A_471, %swap3A_472] {strides = array<i32>} : memref<32x40xf32, #tpu.memory_space<vmem>>, vector<1x16xf32>,
    %swap3A_474 = vector.shape_cast %swap3A_473 : vector<1x16xf32> to vector<16xf32>
    %swap3A_475 = vector.shape_cast %broadcast_in_dim3A_469 : vector<16xf32> to vector<1x16xf32>
    tpu.vector_store %arg8[%swap3A_471, %swap3A_472], %swap3A_475 {strides = array<i32>} : memref<32x40xf32, #tpu.memory_space<vmem>>, vector<1x16xf32>,
    %broadcast_in_dim3A_476 = arith.constant 0.000000e+00 : f32
    %broadcast_in_dim3A_477 = vector.broadcast %broadcast_in_dim3A_476 : f32 to vector<16xf32>
    %swap3A_478 = arith.constant 18 : i32
    %swap3A_479 = arith.index_cast %swap3A_478 : i32 to index
    %swap3A_480 = arith.constant 24 : index
    %swap3A_481 = tpu.vector_load %arg8[%swap3A_479, %swap3A_480] {strides = array<i32>} : memref<32x40xf32, #tpu.memory_space<vmem>>, vector<1x16xf32>,
    %swap3A_482 = vector.shape_cast %swap3A_481 : vector<1x16xf32> to vector<16xf32>
    %swap3A_483 = vector.shape_cast %broadcast_in_dim3A_477 : vector<16xf32> to vector<1x16xf32>
    tpu.vector_store %arg8[%swap3A_479, %swap3A_480], %swap3A_483 {strides = array<i32>} : memref<32x40xf32, #tpu.memory_space<vmem>>, vector<1x16xf32>,
    %broadcast_in_dim3A_484 = arith.constant 0.000000e+00 : f32
    %broadcast_in_dim3A_485 = vector.broadcast %broadcast_in_dim3A_484 : f32 to vector<16xf32>
    %swap3A_486 = arith.constant 19 : i32
    %swap3A_487 = arith.index_cast %swap3A_486 : i32 to index
    %swap3A_488 = arith.constant 0 : index
    %swap3A_489 = tpu.vector_load %arg8[%swap3A_487, %swap3A_488] {strides = array<i32>} : memref<32x40xf32, #tpu.memory_space<vmem>>, vector<1x16xf32>,
    %swap3A_490 = vector.shape_cast %swap3A_489 : vector<1x16xf32> to vector<16xf32>
    %swap3A_491 = vector.shape_cast %broadcast_in_dim3A_485 : vector<16xf32> to vector<1x16xf32>
    tpu.vector_store %arg8[%swap3A_487, %swap3A_488], %swap3A_491 {strides = array<i32>} : memref<32x40xf32, #tpu.memory_space<vmem>>, vector<1x16xf32>,
    %broadcast_in_dim3A_492 = arith.constant 0.000000e+00 : f32
    %broadcast_in_dim3A_493 = vector.broadcast %broadcast_in_dim3A_492 : f32 to vector<16xf32>
    %swap3A_494 = arith.constant 19 : i32
    %swap3A_495 = arith.index_cast %swap3A_494 : i32 to index
    %swap3A_496 = arith.constant 16 : index
    %swap3A_497 = tpu.vector_load %arg8[%swap3A_495, %swap3A_496] {strides = array<i32>} : memref<32x40xf32, #tpu.memory_space<vmem>>, vector<1x16xf32>,
    %swap3A_498 = vector.shape_cast %swap3A_497 : vector<1x16xf32> to vector<16xf32>
    %swap3A_499 = vector.shape_cast %broadcast_in_dim3A_493 : vector<16xf32> to vector<1x16xf32>
    tpu.vector_store %arg8[%swap3A_495, %swap3A_496], %swap3A_499 {strides = array<i32>} : memref<32x40xf32, #tpu.memory_space<vmem>>, vector<1x16xf32>,
    %broadcast_in_dim3A_500 = arith.constant 0.000000e+00 : f32
    %broadcast_in_dim3A_501 = vector.broadcast %broadcast_in_dim3A_500 : f32 to vector<16xf32>
    %swap3A_502 = arith.constant 19 : i32
    %swap3A_503 = arith.index_cast %swap3A_502 : i32 to index
    %swap3A_504 = arith.constant 24 : index
    %swap3A_505 = tpu.vector_load %arg8[%swap3A_503, %swap3A_504] {strides = array<i32>} : memref<32x40xf32, #tpu.memory_space<vmem>>, vector<1x16xf32>,
    %swap3A_506 = vector.shape_cast %swap3A_505 : vector<1x16xf32> to vector<16xf32>
    %swap3A_507 = vector.shape_cast %broadcast_in_dim3A_501 : vector<16xf32> to vector<1x16xf32>
    tpu.vector_store %arg8[%swap3A_503, %swap3A_504], %swap3A_507 {strides = array<i32>} : memref<32x40xf32, #tpu.memory_space<vmem>>, vector<1x16xf32>,
    %broadcast_in_dim3A_508 = arith.constant 0.000000e+00 : f32
    %broadcast_in_dim3A_509 = vector.broadcast %broadcast_in_dim3A_508 : f32 to vector<16xf32>
    %swap3A_510 = arith.constant 20 : i32
    %swap3A_511 = arith.index_cast %swap3A_510 : i32 to index
    %swap3A_512 = arith.constant 0 : index
    %swap3A_513 = tpu.vector_load %arg8[%swap3A_511, %swap3A_512] {strides = array<i32>} : memref<32x40xf32, #tpu.memory_space<vmem>>, vector<1x16xf32>,
    %swap3A_514 = vector.shape_cast %swap3A_513 : vector<1x16xf32> to vector<16xf32>
    %swap3A_515 = vector.shape_cast %broadcast_in_dim3A_509 : vector<16xf32> to vector<1x16xf32>
    tpu.vector_store %arg8[%swap3A_511, %swap3A_512], %swap3A_515 {strides = array<i32>} : memref<32x40xf32, #tpu.memory_space<vmem>>, vector<1x16xf32>,
    %broadcast_in_dim3A_516 = arith.constant 0.000000e+00 : f32
    %broadcast_in_dim3A_517 = vector.broadcast %broadcast_in_dim3A_516 : f32 to vector<16xf32>
    %swap3A_518 = arith.constant 20 : i32
    %swap3A_519 = arith.index_cast %swap3A_518 : i32 to index
    %swap3A_520 = arith.constant 16 : index
    %swap3A_521 = tpu.vector_load %arg8[%swap3A_519, %swap3A_520] {strides = array<i32>} : memref<32x40xf32, #tpu.memory_space<vmem>>, vector<1x16xf32>,
    %swap3A_522 = vector.shape_cast %swap3A_521 : vector<1x16xf32> to vector<16xf32>
    %swap3A_523 = vector.shape_cast %broadcast_in_dim3A_517 : vector<16xf32> to vector<1x16xf32>
    tpu.vector_store %arg8[%swap3A_519, %swap3A_520], %swap3A_523 {strides = array<i32>} : memref<32x40xf32, #tpu.memory_space<vmem>>, vector<1x16xf32>,
    %broadcast_in_dim3A_524 = arith.constant 0.000000e+00 : f32
    %broadcast_in_dim3A_525 = vector.broadcast %broadcast_in_dim3A_524 : f32 to vector<16xf32>
    %swap3A_526 = arith.constant 20 : i32
    %swap3A_527 = arith.index_cast %swap3A_526 : i32 to index
    %swap3A_528 = arith.constant 24 : index
    %swap3A_529 = tpu.vector_load %arg8[%swap3A_527, %swap3A_528] {strides = array<i32>} : memref<32x40xf32, #tpu.memory_space<vmem>>, vector<1x16xf32>,
    %swap3A_530 = vector.shape_cast %swap3A_529 : vector<1x16xf32> to vector<16xf32>
    %swap3A_531 = vector.shape_cast %broadcast_in_dim3A_525 : vector<16xf32> to vector<1x16xf32>
    tpu.vector_store %arg8[%swap3A_527, %swap3A_528], %swap3A_531 {strides = array<i32>} : memref<32x40xf32, #tpu.memory_space<vmem>>, vector<1x16xf32>,
    %broadcast_in_dim3A_532 = arith.constant 0.000000e+00 : f32
    %broadcast_in_dim3A_533 = vector.broadcast %broadcast_in_dim3A_532 : f32 to vector<16xf32>
    %swap3A_534 = arith.constant 21 : i32
    %swap3A_535 = arith.index_cast %swap3A_534 : i32 to index
    %swap3A_536 = arith.constant 0 : index
    %swap3A_537 = tpu.vector_load %arg8[%swap3A_535, %swap3A_536] {strides = array<i32>} : memref<32x40xf32, #tpu.memory_space<vmem>>, vector<1x16xf32>,
    %swap3A_538 = vector.shape_cast %swap3A_537 : vector<1x16xf32> to vector<16xf32>
    %swap3A_539 = vector.shape_cast %broadcast_in_dim3A_533 : vector<16xf32> to vector<1x16xf32>
    tpu.vector_store %arg8[%swap3A_535, %swap3A_536], %swap3A_539 {strides = array<i32>} : memref<32x40xf32, #tpu.memory_space<vmem>>, vector<1x16xf32>,
    %broadcast_in_dim3A_540 = arith.constant 0.000000e+00 : f32
    %broadcast_in_dim3A_541 = vector.broadcast %broadcast_in_dim3A_540 : f32 to vector<16xf32>
    %swap3A_542 = arith.constant 21 : i32
    %swap3A_543 = arith.index_cast %swap3A_542 : i32 to index
    %swap3A_544 = arith.constant 16 : index
    %swap3A_545 = tpu.vector_load %arg8[%swap3A_543, %swap3A_544] {strides = array<i32>} : memref<32x40xf32, #tpu.memory_space<vmem>>, vector<1x16xf32>,
    %swap3A_546 = vector.shape_cast %swap3A_545 : vector<1x16xf32> to vector<16xf32>
    %swap3A_547 = vector.shape_cast %broadcast_in_dim3A_541 : vector<16xf32> to vector<1x16xf32>
    tpu.vector_store %arg8[%swap3A_543, %swap3A_544], %swap3A_547 {strides = array<i32>} : memref<32x40xf32, #tpu.memory_space<vmem>>, vector<1x16xf32>,
    %broadcast_in_dim3A_548 = arith.constant 0.000000e+00 : f32
    %broadcast_in_dim3A_549 = vector.broadcast %broadcast_in_dim3A_548 : f32 to vector<16xf32>
    %swap3A_550 = arith.constant 21 : i32
    %swap3A_551 = arith.index_cast %swap3A_550 : i32 to index
    %swap3A_552 = arith.constant 24 : index
    %swap3A_553 = tpu.vector_load %arg8[%swap3A_551, %swap3A_552] {strides = array<i32>} : memref<32x40xf32, #tpu.memory_space<vmem>>, vector<1x16xf32>,
    %swap3A_554 = vector.shape_cast %swap3A_553 : vector<1x16xf32> to vector<16xf32>
    %swap3A_555 = vector.shape_cast %broadcast_in_dim3A_549 : vector<16xf32> to vector<1x16xf32>
    tpu.vector_store %arg8[%swap3A_551, %swap3A_552], %swap3A_555 {strides = array<i32>} : memref<32x40xf32, #tpu.memory_space<vmem>>, vector<1x16xf32>,
    %broadcast_in_dim3A_556 = arith.constant 0.000000e+00 : f32
    %broadcast_in_dim3A_557 = vector.broadcast %broadcast_in_dim3A_556 : f32 to vector<16xf32>
    %swap3A_558 = arith.constant 22 : i32
    %swap3A_559 = arith.index_cast %swap3A_558 : i32 to index
    %swap3A_560 = arith.constant 0 : index
    %swap3A_561 = tpu.vector_load %arg8[%swap3A_559, %swap3A_560] {strides = array<i32>} : memref<32x40xf32, #tpu.memory_space<vmem>>, vector<1x16xf32>,
    %swap3A_562 = vector.shape_cast %swap3A_561 : vector<1x16xf32> to vector<16xf32>
    %swap3A_563 = vector.shape_cast %broadcast_in_dim3A_557 : vector<16xf32> to vector<1x16xf32>
    tpu.vector_store %arg8[%swap3A_559, %swap3A_560], %swap3A_563 {strides = array<i32>} : memref<32x40xf32, #tpu.memory_space<vmem>>, vector<1x16xf32>,
    %broadcast_in_dim3A_564 = arith.constant 0.000000e+00 : f32
    %broadcast_in_dim3A_565 = vector.broadcast %broadcast_in_dim3A_564 : f32 to vector<16xf32>
    %swap3A_566 = arith.constant 22 : i32
    %swap3A_567 = arith.index_cast %swap3A_566 : i32 to index
    %swap3A_568 = arith.constant 16 : index
    %swap3A_569 = tpu.vector_load %arg8[%swap3A_567, %swap3A_568] {strides = array<i32>} : memref<32x40xf32, #tpu.memory_space<vmem>>, vector<1x16xf32>,
    %swap3A_570 = vector.shape_cast %swap3A_569 : vector<1x16xf32> to vector<16xf32>
    %swap3A_571 = vector.shape_cast %broadcast_in_dim3A_565 : vector<16xf32> to vector<1x16xf32>
    tpu.vector_store %arg8[%swap3A_567, %swap3A_568], %swap3A_571 {strides = array<i32>} : memref<32x40xf32, #tpu.memory_space<vmem>>, vector<1x16xf32>,
    %broadcast_in_dim3A_572 = arith.constant 0.000000e+00 : f32
    %broadcast_in_dim3A_573 = vector.broadcast %broadcast_in_dim3A_572 : f32 to vector<16xf32>
    %swap3A_574 = arith.constant 22 : i32
    %swap3A_575 = arith.index_cast %swap3A_574 : i32 to index
    %swap3A_576 = arith.constant 24 : index
    %swap3A_577 = tpu.vector_load %arg8[%swap3A_575, %swap3A_576] {strides = array<i32>} : memref<32x40xf32, #tpu.memory_space<vmem>>, vector<1x16xf32>,
    %swap3A_578 = vector.shape_cast %swap3A_577 : vector<1x16xf32> to vector<16xf32>
    %swap3A_579 = vector.shape_cast %broadcast_in_dim3A_573 : vector<16xf32> to vector<1x16xf32>
    tpu.vector_store %arg8[%swap3A_575, %swap3A_576], %swap3A_579 {strides = array<i32>} : memref<32x40xf32, #tpu.memory_space<vmem>>, vector<1x16xf32>,
    %broadcast_in_dim3A_580 = arith.constant 0.000000e+00 : f32
    %broadcast_in_dim3A_581 = vector.broadcast %broadcast_in_dim3A_580 : f32 to vector<16xf32>
    %swap3A_582 = arith.constant 23 : i32
    %swap3A_583 = arith.index_cast %swap3A_582 : i32 to index
    %swap3A_584 = arith.constant 0 : index
    %swap3A_585 = tpu.vector_load %arg8[%swap3A_583, %swap3A_584] {strides = array<i32>} : memref<32x40xf32, #tpu.memory_space<vmem>>, vector<1x16xf32>,
    %swap3A_586 = vector.shape_cast %swap3A_585 : vector<1x16xf32> to vector<16xf32>
    %swap3A_587 = vector.shape_cast %broadcast_in_dim3A_581 : vector<16xf32> to vector<1x16xf32>
    tpu.vector_store %arg8[%swap3A_583, %swap3A_584], %swap3A_587 {strides = array<i32>} : memref<32x40xf32, #tpu.memory_space<vmem>>, vector<1x16xf32>,
    %broadcast_in_dim3A_588 = arith.constant 0.000000e+00 : f32
    %broadcast_in_dim3A_589 = vector.broadcast %broadcast_in_dim3A_588 : f32 to vector<16xf32>
    %swap3A_590 = arith.constant 23 : i32
    %swap3A_591 = arith.index_cast %swap3A_590 : i32 to index
    %swap3A_592 = arith.constant 16 : index
    %swap3A_593 = tpu.vector_load %arg8[%swap3A_591, %swap3A_592] {strides = array<i32>} : memref<32x40xf32, #tpu.memory_space<vmem>>, vector<1x16xf32>,
    %swap3A_594 = vector.shape_cast %swap3A_593 : vector<1x16xf32> to vector<16xf32>
    %swap3A_595 = vector.shape_cast %broadcast_in_dim3A_589 : vector<16xf32> to vector<1x16xf32>
    tpu.vector_store %arg8[%swap3A_591, %swap3A_592], %swap3A_595 {strides = array<i32>} : memref<32x40xf32, #tpu.memory_space<vmem>>, vector<1x16xf32>,
    %broadcast_in_dim3A_596 = arith.constant 0.000000e+00 : f32
    %broadcast_in_dim3A_597 = vector.broadcast %broadcast_in_dim3A_596 : f32 to vector<16xf32>
    %swap3A_598 = arith.constant 23 : i32
    %swap3A_599 = arith.index_cast %swap3A_598 : i32 to index
    %swap3A_600 = arith.constant 24 : index
    %swap3A_601 = tpu.vector_load %arg8[%swap3A_599, %swap3A_600] {strides = array<i32>} : memref<32x40xf32, #tpu.memory_space<vmem>>, vector<1x16xf32>,
    %swap3A_602 = vector.shape_cast %swap3A_601 : vector<1x16xf32> to vector<16xf32>
    %swap3A_603 = vector.shape_cast %broadcast_in_dim3A_597 : vector<16xf32> to vector<1x16xf32>
    tpu.vector_store %arg8[%swap3A_599, %swap3A_600], %swap3A_603 {strides = array<i32>} : memref<32x40xf32, #tpu.memory_space<vmem>>, vector<1x16xf32>,
    %broadcast_in_dim3A_604 = arith.constant 0.000000e+00 : f32
    %broadcast_in_dim3A_605 = vector.broadcast %broadcast_in_dim3A_604 : f32 to vector<16xf32>
    %swap3A_606 = arith.constant 24 : i32
    %swap3A_607 = arith.index_cast %swap3A_606 : i32 to index
    %swap3A_608 = arith.constant 0 : index
    %swap3A_609 = tpu.vector_load %arg8[%swap3A_607, %swap3A_608] {strides = array<i32>} : memref<32x40xf32, #tpu.memory_space<vmem>>, vector<1x16xf32>,
    %swap3A_610 = vector.shape_cast %swap3A_609 : vector<1x16xf32> to vector<16xf32>
    %swap3A_611 = vector.shape_cast %broadcast_in_dim3A_605 : vector<16xf32> to vector<1x16xf32>
    tpu.vector_store %arg8[%swap3A_607, %swap3A_608], %swap3A_611 {strides = array<i32>} : memref<32x40xf32, #tpu.memory_space<vmem>>, vector<1x16xf32>,
    %broadcast_in_dim3A_612 = arith.constant 0.000000e+00 : f32
    %broadcast_in_dim3A_613 = vector.broadcast %broadcast_in_dim3A_612 : f32 to vector<16xf32>
    %swap3A_614 = arith.constant 24 : i32
    %swap3A_615 = arith.index_cast %swap3A_614 : i32 to index
    %swap3A_616 = arith.constant 16 : index
    %swap3A_617 = tpu.vector_load %arg8[%swap3A_615, %swap3A_616] {strides = array<i32>} : memref<32x40xf32, #tpu.memory_space<vmem>>, vector<1x16xf32>,
    %swap3A_618 = vector.shape_cast %swap3A_617 : vector<1x16xf32> to vector<16xf32>
    %swap3A_619 = vector.shape_cast %broadcast_in_dim3A_613 : vector<16xf32> to vector<1x16xf32>
    tpu.vector_store %arg8[%swap3A_615, %swap3A_616], %swap3A_619 {strides = array<i32>} : memref<32x40xf32, #tpu.memory_space<vmem>>, vector<1x16xf32>,
    %broadcast_in_dim3A_620 = arith.constant 0.000000e+00 : f32
    %broadcast_in_dim3A_621 = vector.broadcast %broadcast_in_dim3A_620 : f32 to vector<16xf32>
    %swap3A_622 = arith.constant 24 : i32
    %swap3A_623 = arith.index_cast %swap3A_622 : i32 to index
    %swap3A_624 = arith.constant 24 : index
    %swap3A_625 = tpu.vector_load %arg8[%swap3A_623, %swap3A_624] {strides = array<i32>} : memref<32x40xf32, #tpu.memory_space<vmem>>, vector<1x16xf32>,
    %swap3A_626 = vector.shape_cast %swap3A_625 : vector<1x16xf32> to vector<16xf32>
    %swap3A_627 = vector.shape_cast %broadcast_in_dim3A_621 : vector<16xf32> to vector<1x16xf32>
    tpu.vector_store %arg8[%swap3A_623, %swap3A_624], %swap3A_627 {strides = array<i32>} : memref<32x40xf32, #tpu.memory_space<vmem>>, vector<1x16xf32>,
    %broadcast_in_dim3A_628 = arith.constant 0.000000e+00 : f32
    %broadcast_in_dim3A_629 = vector.broadcast %broadcast_in_dim3A_628 : f32 to vector<16xf32>
    %swap3A_630 = arith.constant 25 : i32
    %swap3A_631 = arith.index_cast %swap3A_630 : i32 to index
    %swap3A_632 = arith.constant 0 : index
    %swap3A_633 = tpu.vector_load %arg8[%swap3A_631, %swap3A_632] {strides = array<i32>} : memref<32x40xf32, #tpu.memory_space<vmem>>, vector<1x16xf32>,
    %swap3A_634 = vector.shape_cast %swap3A_633 : vector<1x16xf32> to vector<16xf32>
    %swap3A_635 = vector.shape_cast %broadcast_in_dim3A_629 : vector<16xf32> to vector<1x16xf32>
    tpu.vector_store %arg8[%swap3A_631, %swap3A_632], %swap3A_635 {strides = array<i32>} : memref<32x40xf32, #tpu.memory_space<vmem>>, vector<1x16xf32>,
    %broadcast_in_dim3A_636 = arith.constant 0.000000e+00 : f32
    %broadcast_in_dim3A_637 = vector.broadcast %broadcast_in_dim3A_636 : f32 to vector<16xf32>
    %swap3A_638 = arith.constant 25 : i32
    %swap3A_639 = arith.index_cast %swap3A_638 : i32 to index
    %swap3A_640 = arith.constant 16 : index
    %swap3A_641 = tpu.vector_load %arg8[%swap3A_639, %swap3A_640] {strides = array<i32>} : memref<32x40xf32, #tpu.memory_space<vmem>>, vector<1x16xf32>,
    %swap3A_642 = vector.shape_cast %swap3A_641 : vector<1x16xf32> to vector<16xf32>
    %swap3A_643 = vector.shape_cast %broadcast_in_dim3A_637 : vector<16xf32> to vector<1x16xf32>
    tpu.vector_store %arg8[%swap3A_639, %swap3A_640], %swap3A_643 {strides = array<i32>} : memref<32x40xf32, #tpu.memory_space<vmem>>, vector<1x16xf32>,
    %broadcast_in_dim3A_644 = arith.constant 0.000000e+00 : f32
    %broadcast_in_dim3A_645 = vector.broadcast %broadcast_in_dim3A_644 : f32 to vector<16xf32>
    %swap3A_646 = arith.constant 25 : i32
    %swap3A_647 = arith.index_cast %swap3A_646 : i32 to index
    %swap3A_648 = arith.constant 24 : index
    %swap3A_649 = tpu.vector_load %arg8[%swap3A_647, %swap3A_648] {strides = array<i32>} : memref<32x40xf32, #tpu.memory_space<vmem>>, vector<1x16xf32>,
    %swap3A_650 = vector.shape_cast %swap3A_649 : vector<1x16xf32> to vector<16xf32>
    %swap3A_651 = vector.shape_cast %broadcast_in_dim3A_645 : vector<16xf32> to vector<1x16xf32>
    tpu.vector_store %arg8[%swap3A_647, %swap3A_648], %swap3A_651 {strides = array<i32>} : memref<32x40xf32, #tpu.memory_space<vmem>>, vector<1x16xf32>,
    %broadcast_in_dim3A_652 = arith.constant 0.000000e+00 : f32
    %broadcast_in_dim3A_653 = vector.broadcast %broadcast_in_dim3A_652 : f32 to vector<16xf32>
    %swap3A_654 = arith.constant 26 : i32
    %swap3A_655 = arith.index_cast %swap3A_654 : i32 to index
    %swap3A_656 = arith.constant 0 : index
    %swap3A_657 = tpu.vector_load %arg8[%swap3A_655, %swap3A_656] {strides = array<i32>} : memref<32x40xf32, #tpu.memory_space<vmem>>, vector<1x16xf32>,
    %swap3A_658 = vector.shape_cast %swap3A_657 : vector<1x16xf32> to vector<16xf32>
    %swap3A_659 = vector.shape_cast %broadcast_in_dim3A_653 : vector<16xf32> to vector<1x16xf32>
    tpu.vector_store %arg8[%swap3A_655, %swap3A_656], %swap3A_659 {strides = array<i32>} : memref<32x40xf32, #tpu.memory_space<vmem>>, vector<1x16xf32>,
    %broadcast_in_dim3A_660 = arith.constant 0.000000e+00 : f32
    %broadcast_in_dim3A_661 = vector.broadcast %broadcast_in_dim3A_660 : f32 to vector<16xf32>
    %swap3A_662 = arith.constant 26 : i32
    %swap3A_663 = arith.index_cast %swap3A_662 : i32 to index
    %swap3A_664 = arith.constant 16 : index
    %swap3A_665 = tpu.vector_load %arg8[%swap3A_663, %swap3A_664] {strides = array<i32>} : memref<32x40xf32, #tpu.memory_space<vmem>>, vector<1x16xf32>,
    %swap3A_666 = vector.shape_cast %swap3A_665 : vector<1x16xf32> to vector<16xf32>
    %swap3A_667 = vector.shape_cast %broadcast_in_dim3A_661 : vector<16xf32> to vector<1x16xf32>
    tpu.vector_store %arg8[%swap3A_663, %swap3A_664], %swap3A_667 {strides = array<i32>} : memref<32x40xf32, #tpu.memory_space<vmem>>, vector<1x16xf32>,
    %broadcast_in_dim3A_668 = arith.constant 0.000000e+00 : f32
    %broadcast_in_dim3A_669 = vector.broadcast %broadcast_in_dim3A_668 : f32 to vector<16xf32>
    %swap3A_670 = arith.constant 26 : i32
    %swap3A_671 = arith.index_cast %swap3A_670 : i32 to index
    %swap3A_672 = arith.constant 24 : index
    %swap3A_673 = tpu.vector_load %arg8[%swap3A_671, %swap3A_672] {strides = array<i32>} : memref<32x40xf32, #tpu.memory_space<vmem>>, vector<1x16xf32>,
    %swap3A_674 = vector.shape_cast %swap3A_673 : vector<1x16xf32> to vector<16xf32>
    %swap3A_675 = vector.shape_cast %broadcast_in_dim3A_669 : vector<16xf32> to vector<1x16xf32>
    tpu.vector_store %arg8[%swap3A_671, %swap3A_672], %swap3A_675 {strides = array<i32>} : memref<32x40xf32, #tpu.memory_space<vmem>>, vector<1x16xf32>,
    %broadcast_in_dim3A_676 = arith.constant 0.000000e+00 : f32
    %broadcast_in_dim3A_677 = vector.broadcast %broadcast_in_dim3A_676 : f32 to vector<16xf32>
    %swap3A_678 = arith.constant 27 : i32
    %swap3A_679 = arith.index_cast %swap3A_678 : i32 to index
    %swap3A_680 = arith.constant 0 : index
    %swap3A_681 = tpu.vector_load %arg8[%swap3A_679, %swap3A_680] {strides = array<i32>} : memref<32x40xf32, #tpu.memory_space<vmem>>, vector<1x16xf32>,
    %swap3A_682 = vector.shape_cast %swap3A_681 : vector<1x16xf32> to vector<16xf32>
    %swap3A_683 = vector.shape_cast %broadcast_in_dim3A_677 : vector<16xf32> to vector<1x16xf32>
    tpu.vector_store %arg8[%swap3A_679, %swap3A_680], %swap3A_683 {strides = array<i32>} : memref<32x40xf32, #tpu.memory_space<vmem>>, vector<1x16xf32>,
    %broadcast_in_dim3A_684 = arith.constant 0.000000e+00 : f32
    %broadcast_in_dim3A_685 = vector.broadcast %broadcast_in_dim3A_684 : f32 to vector<16xf32>
    %swap3A_686 = arith.constant 27 : i32
    %swap3A_687 = arith.index_cast %swap3A_686 : i32 to index
    %swap3A_688 = arith.constant 16 : index
    %swap3A_689 = tpu.vector_load %arg8[%swap3A_687, %swap3A_688] {strides = array<i32>} : memref<32x40xf32, #tpu.memory_space<vmem>>, vector<1x16xf32>,
    %swap3A_690 = vector.shape_cast %swap3A_689 : vector<1x16xf32> to vector<16xf32>
    %swap3A_691 = vector.shape_cast %broadcast_in_dim3A_685 : vector<16xf32> to vector<1x16xf32>
    tpu.vector_store %arg8[%swap3A_687, %swap3A_688], %swap3A_691 {strides = array<i32>} : memref<32x40xf32, #tpu.memory_space<vmem>>, vector<1x16xf32>,
    %broadcast_in_dim3A_692 = arith.constant 0.000000e+00 : f32
    %broadcast_in_dim3A_693 = vector.broadcast %broadcast_in_dim3A_692 : f32 to vector<16xf32>
    %swap3A_694 = arith.constant 27 : i32
    %swap3A_695 = arith.index_cast %swap3A_694 : i32 to index
    %swap3A_696 = arith.constant 24 : index
    %swap3A_697 = tpu.vector_load %arg8[%swap3A_695, %swap3A_696] {strides = array<i32>} : memref<32x40xf32, #tpu.memory_space<vmem>>, vector<1x16xf32>,
    %swap3A_698 = vector.shape_cast %swap3A_697 : vector<1x16xf32> to vector<16xf32>
    %swap3A_699 = vector.shape_cast %broadcast_in_dim3A_693 : vector<16xf32> to vector<1x16xf32>
    tpu.vector_store %arg8[%swap3A_695, %swap3A_696], %swap3A_699 {strides = array<i32>} : memref<32x40xf32, #tpu.memory_space<vmem>>, vector<1x16xf32>,
    %broadcast_in_dim3A_700 = arith.constant 0.000000e+00 : f32
    %broadcast_in_dim3A_701 = vector.broadcast %broadcast_in_dim3A_700 : f32 to vector<16xf32>
    %swap3A_702 = arith.constant 28 : i32
    %swap3A_703 = arith.index_cast %swap3A_702 : i32 to index
    %swap3A_704 = arith.constant 0 : index
    %swap3A_705 = tpu.vector_load %arg8[%swap3A_703, %swap3A_704] {strides = array<i32>} : memref<32x40xf32, #tpu.memory_space<vmem>>, vector<1x16xf32>,
    %swap3A_706 = vector.shape_cast %swap3A_705 : vector<1x16xf32> to vector<16xf32>
    %swap3A_707 = vector.shape_cast %broadcast_in_dim3A_701 : vector<16xf32> to vector<1x16xf32>
    tpu.vector_store %arg8[%swap3A_703, %swap3A_704], %swap3A_707 {strides = array<i32>} : memref<32x40xf32, #tpu.memory_space<vmem>>, vector<1x16xf32>,
    %broadcast_in_dim3A_708 = arith.constant 0.000000e+00 : f32
    %broadcast_in_dim3A_709 = vector.broadcast %broadcast_in_dim3A_708 : f32 to vector<16xf32>
    %swap3A_710 = arith.constant 28 : i32
    %swap3A_711 = arith.index_cast %swap3A_710 : i32 to index
    %swap3A_712 = arith.constant 16 : index
    %swap3A_713 = tpu.vector_load %arg8[%swap3A_711, %swap3A_712] {strides = array<i32>} : memref<32x40xf32, #tpu.memory_space<vmem>>, vector<1x16xf32>,
    %swap3A_714 = vector.shape_cast %swap3A_713 : vector<1x16xf32> to vector<16xf32>
    %swap3A_715 = vector.shape_cast %broadcast_in_dim3A_709 : vector<16xf32> to vector<1x16xf32>
    tpu.vector_store %arg8[%swap3A_711, %swap3A_712], %swap3A_715 {strides = array<i32>} : memref<32x40xf32, #tpu.memory_space<vmem>>, vector<1x16xf32>,
    %broadcast_in_dim3A_716 = arith.constant 0.000000e+00 : f32
    %broadcast_in_dim3A_717 = vector.broadcast %broadcast_in_dim3A_716 : f32 to vector<16xf32>
    %swap3A_718 = arith.constant 28 : i32
    %swap3A_719 = arith.index_cast %swap3A_718 : i32 to index
    %swap3A_720 = arith.constant 24 : index
    %swap3A_721 = tpu.vector_load %arg8[%swap3A_719, %swap3A_720] {strides = array<i32>} : memref<32x40xf32, #tpu.memory_space<vmem>>, vector<1x16xf32>,
    %swap3A_722 = vector.shape_cast %swap3A_721 : vector<1x16xf32> to vector<16xf32>
    %swap3A_723 = vector.shape_cast %broadcast_in_dim3A_717 : vector<16xf32> to vector<1x16xf32>
    tpu.vector_store %arg8[%swap3A_719, %swap3A_720], %swap3A_723 {strides = array<i32>} : memref<32x40xf32, #tpu.memory_space<vmem>>, vector<1x16xf32>,
    %broadcast_in_dim3A_724 = arith.constant 0.000000e+00 : f32
    %broadcast_in_dim3A_725 = vector.broadcast %broadcast_in_dim3A_724 : f32 to vector<16xf32>
    %swap3A_726 = arith.constant 29 : i32
    %swap3A_727 = arith.index_cast %swap3A_726 : i32 to index
    %swap3A_728 = arith.constant 0 : index
    %swap3A_729 = tpu.vector_load %arg8[%swap3A_727, %swap3A_728] {strides = array<i32>} : memref<32x40xf32, #tpu.memory_space<vmem>>, vector<1x16xf32>,
    %swap3A_730 = vector.shape_cast %swap3A_729 : vector<1x16xf32> to vector<16xf32>
    %swap3A_731 = vector.shape_cast %broadcast_in_dim3A_725 : vector<16xf32> to vector<1x16xf32>
    tpu.vector_store %arg8[%swap3A_727, %swap3A_728], %swap3A_731 {strides = array<i32>} : memref<32x40xf32, #tpu.memory_space<vmem>>, vector<1x16xf32>,
    %broadcast_in_dim3A_732 = arith.constant 0.000000e+00 : f32
    %broadcast_in_dim3A_733 = vector.broadcast %broadcast_in_dim3A_732 : f32 to vector<16xf32>
    %swap3A_734 = arith.constant 29 : i32
    %swap3A_735 = arith.index_cast %swap3A_734 : i32 to index
    %swap3A_736 = arith.constant 16 : index
    %swap3A_737 = tpu.vector_load %arg8[%swap3A_735, %swap3A_736] {strides = array<i32>} : memref<32x40xf32, #tpu.memory_space<vmem>>, vector<1x16xf32>,
    %swap3A_738 = vector.shape_cast %swap3A_737 : vector<1x16xf32> to vector<16xf32>
    %swap3A_739 = vector.shape_cast %broadcast_in_dim3A_733 : vector<16xf32> to vector<1x16xf32>
    tpu.vector_store %arg8[%swap3A_735, %swap3A_736], %swap3A_739 {strides = array<i32>} : memref<32x40xf32, #tpu.memory_space<vmem>>, vector<1x16xf32>,
    %broadcast_in_dim3A_740 = arith.constant 0.000000e+00 : f32
    %broadcast_in_dim3A_741 = vector.broadcast %broadcast_in_dim3A_740 : f32 to vector<16xf32>
    %swap3A_742 = arith.constant 29 : i32
    %swap3A_743 = arith.index_cast %swap3A_742 : i32 to index
    %swap3A_744 = arith.constant 24 : index
    %swap3A_745 = tpu.vector_load %arg8[%swap3A_743, %swap3A_744] {strides = array<i32>} : memref<32x40xf32, #tpu.memory_space<vmem>>, vector<1x16xf32>,
    %swap3A_746 = vector.shape_cast %swap3A_745 : vector<1x16xf32> to vector<16xf32>
    %swap3A_747 = vector.shape_cast %broadcast_in_dim3A_741 : vector<16xf32> to vector<1x16xf32>
    tpu.vector_store %arg8[%swap3A_743, %swap3A_744], %swap3A_747 {strides = array<i32>} : memref<32x40xf32, #tpu.memory_space<vmem>>, vector<1x16xf32>,
    %broadcast_in_dim3A_748 = arith.constant 0.000000e+00 : f32
    %broadcast_in_dim3A_749 = vector.broadcast %broadcast_in_dim3A_748 : f32 to vector<16xf32>
    %swap3A_750 = arith.constant 30 : i32
    %swap3A_751 = arith.index_cast %swap3A_750 : i32 to index
    %swap3A_752 = arith.constant 0 : index
    %swap3A_753 = tpu.vector_load %arg8[%swap3A_751, %swap3A_752] {strides = array<i32>} : memref<32x40xf32, #tpu.memory_space<vmem>>, vector<1x16xf32>,
    %swap3A_754 = vector.shape_cast %swap3A_753 : vector<1x16xf32> to vector<16xf32>
    %swap3A_755 = vector.shape_cast %broadcast_in_dim3A_749 : vector<16xf32> to vector<1x16xf32>
    tpu.vector_store %arg8[%swap3A_751, %swap3A_752], %swap3A_755 {strides = array<i32>} : memref<32x40xf32, #tpu.memory_space<vmem>>, vector<1x16xf32>,
    %broadcast_in_dim3A_756 = arith.constant 0.000000e+00 : f32
    %broadcast_in_dim3A_757 = vector.broadcast %broadcast_in_dim3A_756 : f32 to vector<16xf32>
    %swap3A_758 = arith.constant 30 : i32
    %swap3A_759 = arith.index_cast %swap3A_758 : i32 to index
    %swap3A_760 = arith.constant 16 : index
    %swap3A_761 = tpu.vector_load %arg8[%swap3A_759, %swap3A_760] {strides = array<i32>} : memref<32x40xf32, #tpu.memory_space<vmem>>, vector<1x16xf32>,
    %swap3A_762 = vector.shape_cast %swap3A_761 : vector<1x16xf32> to vector<16xf32>
    %swap3A_763 = vector.shape_cast %broadcast_in_dim3A_757 : vector<16xf32> to vector<1x16xf32>
    tpu.vector_store %arg8[%swap3A_759, %swap3A_760], %swap3A_763 {strides = array<i32>} : memref<32x40xf32, #tpu.memory_space<vmem>>, vector<1x16xf32>,
    %broadcast_in_dim3A_764 = arith.constant 0.000000e+00 : f32
    %broadcast_in_dim3A_765 = vector.broadcast %broadcast_in_dim3A_764 : f32 to vector<16xf32>
    %swap3A_766 = arith.constant 30 : i32
    %swap3A_767 = arith.index_cast %swap3A_766 : i32 to index
    %swap3A_768 = arith.constant 24 : index
    %swap3A_769 = tpu.vector_load %arg8[%swap3A_767, %swap3A_768] {strides = array<i32>} : memref<32x40xf32, #tpu.memory_space<vmem>>, vector<1x16xf32>,
    %swap3A_770 = vector.shape_cast %swap3A_769 : vector<1x16xf32> to vector<16xf32>
    %swap3A_771 = vector.shape_cast %broadcast_in_dim3A_765 : vector<16xf32> to vector<1x16xf32>
    tpu.vector_store %arg8[%swap3A_767, %swap3A_768], %swap3A_771 {strides = array<i32>} : memref<32x40xf32, #tpu.memory_space<vmem>>, vector<1x16xf32>,
    %broadcast_in_dim3A_772 = arith.constant 0.000000e+00 : f32
    %broadcast_in_dim3A_773 = vector.broadcast %broadcast_in_dim3A_772 : f32 to vector<16xf32>
    %swap3A_774 = arith.constant 31 : i32
    %swap3A_775 = arith.index_cast %swap3A_774 : i32 to index
    %swap3A_776 = arith.constant 0 : index
    %swap3A_777 = tpu.vector_load %arg8[%swap3A_775, %swap3A_776] {strides = array<i32>} : memref<32x40xf32, #tpu.memory_space<vmem>>, vector<1x16xf32>,
    %swap3A_778 = vector.shape_cast %swap3A_777 : vector<1x16xf32> to vector<16xf32>
    %swap3A_779 = vector.shape_cast %broadcast_in_dim3A_773 : vector<16xf32> to vector<1x16xf32>
    tpu.vector_store %arg8[%swap3A_775, %swap3A_776], %swap3A_779 {strides = array<i32>} : memref<32x40xf32, #tpu.memory_space<vmem>>, vector<1x16xf32>,
    %broadcast_in_dim3A_780 = arith.constant 0.000000e+00 : f32
    %broadcast_in_dim3A_781 = vector.broadcast %broadcast_in_dim3A_780 : f32 to vector<16xf32>
    %swap3A_782 = arith.constant 31 : i32
    %swap3A_783 = arith.index_cast %swap3A_782 : i32 to index
    %swap3A_784 = arith.constant 16 : index
    %swap3A_785 = tpu.vector_load %arg8[%swap3A_783, %swap3A_784] {strides = array<i32>} : memref<32x40xf32, #tpu.memory_space<vmem>>, vector<1x16xf32>,
    %swap3A_786 = vector.shape_cast %swap3A_785 : vector<1x16xf32> to vector<16xf32>
    %swap3A_787 = vector.shape_cast %broadcast_in_dim3A_781 : vector<16xf32> to vector<1x16xf32>
    tpu.vector_store %arg8[%swap3A_783, %swap3A_784], %swap3A_787 {strides = array<i32>} : memref<32x40xf32, #tpu.memory_space<vmem>>, vector<1x16xf32>,
    %broadcast_in_dim3A_788 = arith.constant 0.000000e+00 : f32
    %broadcast_in_dim3A_789 = vector.broadcast %broadcast_in_dim3A_788 : f32 to vector<16xf32>
    %swap3A_790 = arith.constant 31 : i32
    %swap3A_791 = arith.index_cast %swap3A_790 : i32 to index
    %swap3A_792 = arith.constant 24 : index
    %swap3A_793 = tpu.vector_load %arg8[%swap3A_791, %swap3A_792] {strides = array<i32>} : memref<32x40xf32, #tpu.memory_space<vmem>>, vector<1x16xf32>,
    %swap3A_794 = vector.shape_cast %swap3A_793 : vector<1x16xf32> to vector<16xf32>
    %swap3A_795 = vector.shape_cast %broadcast_in_dim3A_789 : vector<16xf32> to vector<1x16xf32>
    tpu.vector_store %arg8[%swap3A_791, %swap3A_792], %swap3A_795 {strides = array<i32>} : memref<32x40xf32, #tpu.memory_space<vmem>>, vector<1x16xf32>,
    %scan3A = arith.constant 0 : i32
    %scan3A_796 = arith.constant 0 : i32
    %scan3A_797 = arith.constant 20 : i32
    %scan3A_798 = arith.addi %scan3A_796, %scan3A_797 : i32
    %scan3A_799 = arith.constant 1 : i32
    scf.for %scan3A_914 = %scan3A_796 to %scan3A_798 step %scan3A_799  : i32 {
      %mul3A_915 = arith.constant 640 : i32
      %mul3A_916 = arith.muli %arg1, %mul3A_915 : i32
      %mul3A_917 = arith.constant 32 : i32
      %mul3A_918 = arith.muli %scan3A_914, %mul3A_917 : i32
      %add3A_919 = arith.addi %mul3A_916, %mul3A_918 : i32
      "tpu.region"() ({
        %run_scoped3A = tpu.sem_alloc : memref<!tpu.dma_semaphore, #tpu.memory_space<semaphore_mem>>
        %dma_start3A_920 = arith.constant 0 : i32
        %dma_start3A_921 = tpu.memref_slice %arg9[%add3A_919, %dma_start3A_920] : memref<10240x40xf32, #tpu.memory_space<vmem_shared>> -> memref<32x40xf32, #tpu.memory_space<vmem_shared>>
        %dma_start3A_922 = arith.constant 0 : i32
        %dma_start3A_923 = tpu.memref_slice %arg9[%add3A_919, %dma_start3A_922] : memref<10240x40xf32, #tpu.memory_space<vmem_shared>> -> memref<32x40xf32, #tpu.memory_space<vmem_shared>>
        tpu.enqueue_dma source(%arg8 : memref<32x40xf32, #tpu.memory_space<vmem>>) target(%dma_start3A_923 : memref<32x40xf32, #tpu.memory_space<vmem_shared>>) target_semaphore(%run_scoped3A : memref<!tpu.dma_semaphore, #tpu.memory_space<semaphore_mem>>)
        %dma_wait3A_924 = arith.constant 0 : i32
        %dma_wait3A_925 = tpu.memref_slice %arg9[%add3A_919, %dma_wait3A_924] : memref<10240x40xf32, #tpu.memory_space<vmem_shared>> -> memref<32x40xf32, #tpu.memory_space<vmem_shared>>
        %dma_wait3A_926 = arith.constant 0 : i32
        %dma_wait3A_927 = tpu.memref_slice %arg9[%add3A_919, %dma_wait3A_926] : memref<10240x40xf32, #tpu.memory_space<vmem_shared>> -> memref<32x40xf32, #tpu.memory_space<vmem_shared>>
        tpu.wait_dma2 semaphore(%run_scoped3A : memref<!tpu.dma_semaphore, #tpu.memory_space<semaphore_mem>>) src(%arg8 : memref<32x40xf32, #tpu.memory_space<vmem>>) dst(%dma_wait3A_927 : memref<32x40xf32, #tpu.memory_space<vmem_shared>>)
        tpu.yield
      }) : () -> ()
    }
    %scan3A_800 = arith.constant 20 : i32
    %dma_wait3A = arith.constant 0 : i32
    %dma_wait3A_801 = arith.constant 0 : i32
    %dma_wait3A_802 = arith.constant 0 : i32
    %dma_wait3A_803 = tpu.memref_slice %arg5[%dma_wait3A_801, %dma_wait3A_802] : memref<79x128xi32, #tpu.memory_space<vmem>> -> memref<78x128xi32, #tpu.memory_space<vmem>>
    %dma_wait3A_804 = arith.constant 0 : i32
    %dma_wait3A_805 = tpu.memref_slice %arg3[%dma_wait3A, %mul3A_2, %dma_wait3A_804] : memref<2x2500x128xi32, #tpu.memory_space<hbm>> -> memref<1x78x128xi32, #tpu.memory_space<hbm>>
    %dma_wait3A_806 = tpu.memref_squeeze %dma_wait3A_805 : memref<1x78x128xi32, #tpu.memory_space<hbm>> -> memref<78x128xi32, #tpu.memory_space<hbm>>
    %dma_wait3A_807 = arith.constant 0 : i32
    %dma_wait3A_808 = arith.constant 0 : i32
    %dma_wait3A_809 = tpu.memref_slice %arg5[%dma_wait3A_807, %dma_wait3A_808] : memref<79x128xi32, #tpu.memory_space<vmem>> -> memref<78x128xi32, #tpu.memory_space<vmem>>
    %dma_wait3A_810 = arith.constant 0 : i32
    %dma_wait3A_811 = tpu.memref_slice %arg3[%dma_wait3A, %mul3A_2, %dma_wait3A_810] : memref<2x2500x128xi32, #tpu.memory_space<hbm>> -> memref<1x78x128xi32, #tpu.memory_space<hbm>>
    %dma_wait3A_812 = tpu.memref_squeeze %dma_wait3A_811 : memref<1x78x128xi32, #tpu.memory_space<hbm>> -> memref<78x128xi32, #tpu.memory_space<hbm>>
    tpu.wait_dma2 semaphore(%arg10 : memref<!tpu.dma_semaphore, #tpu.memory_space<semaphore_mem>>) src(%dma_wait3A_812 : memref<78x128xi32, #tpu.memory_space<hbm>>) dst(%dma_wait3A_809 : memref<78x128xi32, #tpu.memory_space<vmem>>)
    %dma_wait3A_813 = arith.constant 1 : i32
    %dma_wait3A_814 = arith.constant 0 : i32
    %dma_wait3A_815 = arith.constant 0 : i32
    %dma_wait3A_816 = tpu.memref_slice %arg6[%dma_wait3A_814, %dma_wait3A_815] : memref<79x128xi32, #tpu.memory_space<vmem>> -> memref<78x128xi32, #tpu.memory_space<vmem>>
    %dma_wait3A_817 = arith.constant 0 : i32
    %dma_wait3A_818 = tpu.memref_slice %arg3[%dma_wait3A_813, %mul3A_2, %dma_wait3A_817] : memref<2x2500x128xi32, #tpu.memory_space<hbm>> -> memref<1x78x128xi32, #tpu.memory_space<hbm>>
    %dma_wait3A_819 = tpu.memref_squeeze %dma_wait3A_818 : memref<1x78x128xi32, #tpu.memory_space<hbm>> -> memref<78x128xi32, #tpu.memory_space<hbm>>
    %dma_wait3A_820 = arith.constant 0 : i32
    %dma_wait3A_821 = arith.constant 0 : i32
    %dma_wait3A_822 = tpu.memref_slice %arg6[%dma_wait3A_820, %dma_wait3A_821] : memref<79x128xi32, #tpu.memory_space<vmem>> -> memref<78x128xi32, #tpu.memory_space<vmem>>
    %dma_wait3A_823 = arith.constant 0 : i32
    %dma_wait3A_824 = tpu.memref_slice %arg3[%dma_wait3A_813, %mul3A_2, %dma_wait3A_823] : memref<2x2500x128xi32, #tpu.memory_space<hbm>> -> memref<1x78x128xi32, #tpu.memory_space<hbm>>
    %dma_wait3A_825 = tpu.memref_squeeze %dma_wait3A_824 : memref<1x78x128xi32, #tpu.memory_space<hbm>> -> memref<78x128xi32, #tpu.memory_space<hbm>>
    tpu.wait_dma2 semaphore(%arg11 : memref<!tpu.dma_semaphore, #tpu.memory_space<semaphore_mem>>) src(%dma_wait3A_825 : memref<78x128xi32, #tpu.memory_space<hbm>>) dst(%dma_wait3A_822 : memref<78x128xi32, #tpu.memory_space<vmem>>)
    %barrier3A = arith.constant 0 : index
    tpu.barrier barrier_id(%barrier3A)
    %dma_start3A_826 = arith.constant 0 : i32
    %dma_start3A_827 = arith.constant 0 : i32
    %dma_start3A_828 = arith.constant 0 : i32
    %dma_start3A_829 = arith.constant 0 : i32
    %dma_start3A_830 = tpu.memref_slice %arg7[%dma_start3A_827, %dma_start3A_828, %dma_start3A_829] : memref<6x128x40xf32, #tpu.memory_space<vmem>> -> memref<1x128x40xf32, #tpu.memory_space<vmem>>
    %dma_start3A_831 = tpu.memref_squeeze %dma_start3A_830 : memref<1x128x40xf32, #tpu.memory_space<vmem>> -> memref<128x40xf32, #tpu.memory_space<vmem>>
    %dma_start3A_832 = arith.constant 0 : i32
    %dma_start3A_833 = tpu.memref_slice %arg5[%dma_start3A_826, %dma_start3A_832] : memref<79x128xi32, #tpu.memory_space<vmem>> -> memref<1x128xi32, #tpu.memory_space<vmem>>
    %dma_start3A_834 = tpu.memref_squeeze %dma_start3A_833 : memref<1x128xi32, #tpu.memory_space<vmem>> -> memref<128xi32, #tpu.memory_space<vmem>>
    %dma_start3A_835 = arith.constant 0 : i32
    %dma_start3A_836 = arith.constant 0 : i32
    %dma_start3A_837 = tpu.memref_slice %arg2[%dma_start3A_835, %dma_start3A_836] : memref<10240x40xf32, #tpu.memory_space<hbm>> -> memref<10240x40xf32, #tpu.memory_space<hbm>>
    tpu.enqueue_indirect_dma source(%dma_start3A_837 : memref<10240x40xf32, #tpu.memory_space<hbm>>) target(%dma_start3A_831 : memref<128x40xf32, #tpu.memory_space<vmem>>) offsets(%dma_start3A_834 : memref<128xi32, #tpu.memory_space<vmem>>) semaphore(%arg10 : memref<!tpu.dma_semaphore, #tpu.memory_space<semaphore_mem>>)
    %dma_start3A_838 = arith.constant 1 : i32
    %dma_start3A_839 = arith.constant 1 : i32
    %dma_start3A_840 = arith.constant 0 : i32
    %dma_start3A_841 = arith.constant 0 : i32
    %dma_start3A_842 = tpu.memref_slice %arg7[%dma_start3A_839, %dma_start3A_840, %dma_start3A_841] : memref<6x128x40xf32, #tpu.memory_space<vmem>> -> memref<1x128x40xf32, #tpu.memory_space<vmem>>
    %dma_start3A_843 = tpu.memref_squeeze %dma_start3A_842 : memref<1x128x40xf32, #tpu.memory_space<vmem>> -> memref<128x40xf32, #tpu.memory_space<vmem>>
    %dma_start3A_844 = arith.constant 0 : i32
    %dma_start3A_845 = tpu.memref_slice %arg5[%dma_start3A_838, %dma_start3A_844] : memref<79x128xi32, #tpu.memory_space<vmem>> -> memref<1x128xi32, #tpu.memory_space<vmem>>
    %dma_start3A_846 = tpu.memref_squeeze %dma_start3A_845 : memref<1x128xi32, #tpu.memory_space<vmem>> -> memref<128xi32, #tpu.memory_space<vmem>>
    %dma_start3A_847 = arith.constant 0 : i32
    %dma_start3A_848 = arith.constant 0 : i32
    %dma_start3A_849 = tpu.memref_slice %arg2[%dma_start3A_847, %dma_start3A_848] : memref<10240x40xf32, #tpu.memory_space<hbm>> -> memref<10240x40xf32, #tpu.memory_space<hbm>>
    tpu.enqueue_indirect_dma source(%dma_start3A_849 : memref<10240x40xf32, #tpu.memory_space<hbm>>) target(%dma_start3A_843 : memref<128x40xf32, #tpu.memory_space<vmem>>) offsets(%dma_start3A_846 : memref<128xi32, #tpu.memory_space<vmem>>) semaphore(%arg11 : memref<!tpu.dma_semaphore, #tpu.memory_space<semaphore_mem>>)
    %dma_start3A_850 = arith.constant 2 : i32
    %dma_start3A_851 = arith.constant 2 : i32
    %dma_start3A_852 = arith.constant 0 : i32
    %dma_start3A_853 = arith.constant 0 : i32
    %dma_start3A_854 = tpu.memref_slice %arg7[%dma_start3A_851, %dma_start3A_852, %dma_start3A_853] : memref<6x128x40xf32, #tpu.memory_space<vmem>> -> memref<1x128x40xf32, #tpu.memory_space<vmem>>
    %dma_start3A_855 = tpu.memref_squeeze %dma_start3A_854 : memref<1x128x40xf32, #tpu.memory_space<vmem>> -> memref<128x40xf32, #tpu.memory_space<vmem>>
    %dma_start3A_856 = arith.constant 0 : i32
    %dma_start3A_857 = tpu.memref_slice %arg5[%dma_start3A_850, %dma_start3A_856] : memref<79x128xi32, #tpu.memory_space<vmem>> -> memref<1x128xi32, #tpu.memory_space<vmem>>
    %dma_start3A_858 = tpu.memref_squeeze %dma_start3A_857 : memref<1x128xi32, #tpu.memory_space<vmem>> -> memref<128xi32, #tpu.memory_space<vmem>>
    %dma_start3A_859 = arith.constant 0 : i32
    %dma_start3A_860 = arith.constant 0 : i32
    %dma_start3A_861 = tpu.memref_slice %arg2[%dma_start3A_859, %dma_start3A_860] : memref<10240x40xf32, #tpu.memory_space<hbm>> -> memref<10240x40xf32, #tpu.memory_space<hbm>>
    tpu.enqueue_indirect_dma source(%dma_start3A_861 : memref<10240x40xf32, #tpu.memory_space<hbm>>) target(%dma_start3A_855 : memref<128x40xf32, #tpu.memory_space<vmem>>) offsets(%dma_start3A_858 : memref<128xi32, #tpu.memory_space<vmem>>) semaphore(%arg12 : memref<!tpu.dma_semaphore, #tpu.memory_space<semaphore_mem>>)
    %dma_start3A_862 = arith.constant 3 : i32
    %dma_start3A_863 = arith.constant 3 : i32
    %dma_start3A_864 = arith.constant 0 : i32
    %dma_start3A_865 = arith.constant 0 : i32
    %dma_start3A_866 = tpu.memref_slice %arg7[%dma_start3A_863, %dma_start3A_864, %dma_start3A_865] : memref<6x128x40xf32, #tpu.memory_space<vmem>> -> memref<1x128x40xf32, #tpu.memory_space<vmem>>
    %dma_start3A_867 = tpu.memref_squeeze %dma_start3A_866 : memref<1x128x40xf32, #tpu.memory_space<vmem>> -> memref<128x40xf32, #tpu.memory_space<vmem>>
    %dma_start3A_868 = arith.constant 0 : i32
    %dma_start3A_869 = tpu.memref_slice %arg5[%dma_start3A_862, %dma_start3A_868] : memref<79x128xi32, #tpu.memory_space<vmem>> -> memref<1x128xi32, #tpu.memory_space<vmem>>
    %dma_start3A_870 = tpu.memref_squeeze %dma_start3A_869 : memref<1x128xi32, #tpu.memory_space<vmem>> -> memref<128xi32, #tpu.memory_space<vmem>>
    %dma_start3A_871 = arith.constant 0 : i32
    %dma_start3A_872 = arith.constant 0 : i32
    %dma_start3A_873 = tpu.memref_slice %arg2[%dma_start3A_871, %dma_start3A_872] : memref<10240x40xf32, #tpu.memory_space<hbm>> -> memref<10240x40xf32, #tpu.memory_space<hbm>>
    tpu.enqueue_indirect_dma source(%dma_start3A_873 : memref<10240x40xf32, #tpu.memory_space<hbm>>) target(%dma_start3A_867 : memref<128x40xf32, #tpu.memory_space<vmem>>) offsets(%dma_start3A_870 : memref<128xi32, #tpu.memory_space<vmem>>) semaphore(%arg13 : memref<!tpu.dma_semaphore, #tpu.memory_space<semaphore_mem>>)
    %dma_start3A_874 = arith.constant 4 : i32
    %dma_start3A_875 = arith.constant 4 : i32
    %dma_start3A_876 = arith.constant 0 : i32
    %dma_start3A_877 = arith.constant 0 : i32
    %dma_start3A_878 = tpu.memref_slice %arg7[%dma_start3A_875, %dma_start3A_876, %dma_start3A_877] : memref<6x128x40xf32, #tpu.memory_space<vmem>> -> memref<1x128x40xf32, #tpu.memory_space<vmem>>
    %dma_start3A_879 = tpu.memref_squeeze %dma_start3A_878 : memref<1x128x40xf32, #tpu.memory_space<vmem>> -> memref<128x40xf32, #tpu.memory_space<vmem>>
    %dma_start3A_880 = arith.constant 0 : i32
    %dma_start3A_881 = tpu.memref_slice %arg5[%dma_start3A_874, %dma_start3A_880] : memref<79x128xi32, #tpu.memory_space<vmem>> -> memref<1x128xi32, #tpu.memory_space<vmem>>
    %dma_start3A_882 = tpu.memref_squeeze %dma_start3A_881 : memref<1x128xi32, #tpu.memory_space<vmem>> -> memref<128xi32, #tpu.memory_space<vmem>>
    %dma_start3A_883 = arith.constant 0 : i32
    %dma_start3A_884 = arith.constant 0 : i32
    %dma_start3A_885 = tpu.memref_slice %arg2[%dma_start3A_883, %dma_start3A_884] : memref<10240x40xf32, #tpu.memory_space<hbm>> -> memref<10240x40xf32, #tpu.memory_space<hbm>>
    tpu.enqueue_indirect_dma source(%dma_start3A_885 : memref<10240x40xf32, #tpu.memory_space<hbm>>) target(%dma_start3A_879 : memref<128x40xf32, #tpu.memory_space<vmem>>) offsets(%dma_start3A_882 : memref<128xi32, #tpu.memory_space<vmem>>) semaphore(%arg14 : memref<!tpu.dma_semaphore, #tpu.memory_space<semaphore_mem>>)
    %scan3A_886 = arith.constant 0 : i32
    %scan3A_887 = arith.constant 0 : i32
    %scan3A_888 = arith.constant 13 : i32
    %scan3A_889 = arith.addi %scan3A_887, %scan3A_888 : i32
    %scan3A_890 = arith.constant 1 : i32
    scf.for %scan3A_914 = %scan3A_887 to %scan3A_889 step %scan3A_890  : i32 {
      %mul3A_915 = arith.constant 6 : i32
      %mul3A_916 = arith.muli %scan3A_914, %mul3A_915 : i32
      %add3A_917 = arith.constant 0 : i32
      %add3A_918 = arith.addi %mul3A_916, %add3A_917 : i32
      %dma_wait3A_919 = arith.constant 0 : i32
      %dma_wait3A_920 = arith.constant 0 : i32
      %dma_wait3A_921 = arith.constant 0 : i32
      %dma_wait3A_922 = tpu.memref_slice %arg7[%dma_wait3A_919, %dma_wait3A_920, %dma_wait3A_921] : memref<6x128x40xf32, #tpu.memory_space<vmem>> -> memref<1x128x40xf32, #tpu.memory_space<vmem>>
      %dma_wait3A_923 = tpu.memref_squeeze %dma_wait3A_922 : memref<1x128x40xf32, #tpu.memory_space<vmem>> -> memref<128x40xf32, #tpu.memory_space<vmem>>
      %dma_wait3A_924 = arith.constant 0 : i32
      %dma_wait3A_925 = tpu.memref_slice %arg5[%add3A_918, %dma_wait3A_924] : memref<79x128xi32, #tpu.memory_space<vmem>> -> memref<1x128xi32, #tpu.memory_space<vmem>>
      %dma_wait3A_926 = tpu.memref_squeeze %dma_wait3A_925 : memref<1x128xi32, #tpu.memory_space<vmem>> -> memref<128xi32, #tpu.memory_space<vmem>>
      %dma_wait3A_927 = arith.constant 0 : i32
      %dma_wait3A_928 = arith.constant 0 : i32
      %dma_wait3A_929 = tpu.memref_slice %arg2[%dma_wait3A_927, %dma_wait3A_928] : memref<10240x40xf32, #tpu.memory_space<hbm>> -> memref<10240x40xf32, #tpu.memory_space<hbm>>
      tpu.wait_indirect_dma semaphore(%arg10 : memref<!tpu.dma_semaphore, #tpu.memory_space<semaphore_mem>>) src(%dma_wait3A_929 : memref<10240x40xf32, #tpu.memory_space<hbm>>) dst(%dma_wait3A_923 : memref<128x40xf32, #tpu.memory_space<vmem>>)
      %dma_start3A_930 = arith.constant 0 : i32
      %dma_start3A_931 = arith.constant 0 : i32
      %dma_start3A_932 = arith.constant 0 : i32
      %dma_start3A_933 = tpu.memref_slice %arg7[%dma_start3A_930, %dma_start3A_931, %dma_start3A_932] : memref<6x128x40xf32, #tpu.memory_space<vmem>> -> memref<1x128x40xf32, #tpu.memory_space<vmem>>
      %dma_start3A_934 = tpu.memref_squeeze %dma_start3A_933 : memref<1x128x40xf32, #tpu.memory_space<vmem>> -> memref<128x40xf32, #tpu.memory_space<vmem>>
      %dma_start3A_935 = arith.constant 0 : i32
      %dma_start3A_936 = tpu.memref_slice %arg6[%add3A_918, %dma_start3A_935] : memref<79x128xi32, #tpu.memory_space<vmem>> -> memref<1x128xi32, #tpu.memory_space<vmem>>
      %dma_start3A_937 = tpu.memref_squeeze %dma_start3A_936 : memref<1x128xi32, #tpu.memory_space<vmem>> -> memref<128xi32, #tpu.memory_space<vmem>>
      %dma_start3A_938 = arith.constant 0 : i32
      %dma_start3A_939 = arith.constant 0 : i32
      %dma_start3A_940 = tpu.memref_slice %arg9[%dma_start3A_938, %dma_start3A_939] : memref<10240x40xf32, #tpu.memory_space<vmem_shared>> -> memref<10240x40xf32, #tpu.memory_space<vmem_shared>>
      tpu.enqueue_indirect_dma source(%dma_start3A_934 : memref<128x40xf32, #tpu.memory_space<vmem>>) target(%dma_start3A_940 : memref<10240x40xf32, #tpu.memory_space<vmem_shared>>) offsets(%dma_start3A_937 : memref<128xi32, #tpu.memory_space<vmem>>) semaphore(%arg16 : memref<!tpu.dma_semaphore, #tpu.memory_space<semaphore_mem>>) {add = true}
      %gt3A = arith.constant 0 : i32
      %gt3A_941 = arith.cmpi sgt, %scan3A_914, %gt3A : i32
      %convert_element_type3A_942 = arith.extui %gt3A_941 : i1 to i32
      %cond3A_943 = arith.constant 0 : i32
      %cond3A_944 = arith.cmpi ne, %convert_element_type3A_942, %cond3A_943 : i32
      scf.if %cond3A_944 {
        %dma_wait3A_1168 = arith.constant 5 : i32
        %dma_wait3A_1169 = arith.constant 0 : i32
        %dma_wait3A_1170 = arith.constant 0 : i32
        %dma_wait3A_1171 = tpu.memref_slice %arg7[%dma_wait3A_1168, %dma_wait3A_1169, %dma_wait3A_1170] : memref<6x128x40xf32, #tpu.memory_space<vmem>> -> memref<1x128x40xf32, #tpu.memory_space<vmem>>
        %dma_wait3A_1172 = tpu.memref_squeeze %dma_wait3A_1171 : memref<1x128x40xf32, #tpu.memory_space<vmem>> -> memref<128x40xf32, #tpu.memory_space<vmem>>
        %dma_wait3A_1173 = arith.constant 0 : i32
        %dma_wait3A_1174 = tpu.memref_slice %arg6[%add3A_918, %dma_wait3A_1173] : memref<79x128xi32, #tpu.memory_space<vmem>> -> memref<1x128xi32, #tpu.memory_space<vmem>>
        %dma_wait3A_1175 = tpu.memref_squeeze %dma_wait3A_1174 : memref<1x128xi32, #tpu.memory_space<vmem>> -> memref<128xi32, #tpu.memory_space<vmem>>
        %dma_wait3A_1176 = arith.constant 0 : i32
        %dma_wait3A_1177 = arith.constant 0 : i32
        %dma_wait3A_1178 = tpu.memref_slice %arg9[%dma_wait3A_1176, %dma_wait3A_1177] : memref<10240x40xf32, #tpu.memory_space<vmem_shared>> -> memref<10240x40xf32, #tpu.memory_space<vmem_shared>>
        tpu.wait_indirect_dma semaphore(%arg21 : memref<!tpu.dma_semaphore, #tpu.memory_space<semaphore_mem>>) src(%dma_wait3A_1172 : memref<128x40xf32, #tpu.memory_space<vmem>>) dst(%dma_wait3A_1178 : memref<10240x40xf32, #tpu.memory_space<vmem_shared>>)
      } else {
      }
      %add3A_945 = arith.constant 5 : i32
      %add3A_946 = arith.addi %add3A_918, %add3A_945 : i32
      %dma_start3A_947 = arith.constant 5 : i32
      %dma_start3A_948 = arith.constant 0 : i32
      %dma_start3A_949 = arith.constant 0 : i32
      %dma_start3A_950 = tpu.memref_slice %arg7[%dma_start3A_947, %dma_start3A_948, %dma_start3A_949] : memref<6x128x40xf32, #tpu.memory_space<vmem>> -> memref<1x128x40xf32, #tpu.memory_space<vmem>>
      %dma_start3A_951 = tpu.memref_squeeze %dma_start3A_950 : memref<1x128x40xf32, #tpu.memory_space<vmem>> -> memref<128x40xf32, #tpu.memory_space<vmem>>
      %dma_start3A_952 = arith.constant 0 : i32
      %dma_start3A_953 = tpu.memref_slice %arg5[%add3A_946, %dma_start3A_952] : memref<79x128xi32, #tpu.memory_space<vmem>> -> memref<1x128xi32, #tpu.memory_space<vmem>>
      %dma_start3A_954 = tpu.memref_squeeze %dma_start3A_953 : memref<1x128xi32, #tpu.memory_space<vmem>> -> memref<128xi32, #tpu.memory_space<vmem>>
      %dma_start3A_955 = arith.constant 0 : i32
      %dma_start3A_956 = arith.constant 0 : i32
      %dma_start3A_957 = tpu.memref_slice %arg2[%dma_start3A_955, %dma_start3A_956] : memref<10240x40xf32, #tpu.memory_space<hbm>> -> memref<10240x40xf32, #tpu.memory_space<hbm>>
      tpu.enqueue_indirect_dma source(%dma_start3A_957 : memref<10240x40xf32, #tpu.memory_space<hbm>>) target(%dma_start3A_951 : memref<128x40xf32, #tpu.memory_space<vmem>>) offsets(%dma_start3A_954 : memref<128xi32, #tpu.memory_space<vmem>>) semaphore(%arg15 : memref<!tpu.dma_semaphore, #tpu.memory_space<semaphore_mem>>)
      %mul3A_958 = arith.constant 6 : i32
      %mul3A_959 = arith.muli %scan3A_914, %mul3A_958 : i32
      %add3A_960 = arith.constant 1 : i32
      %add3A_961 = arith.addi %mul3A_959, %add3A_960 : i32
      %dma_wait3A_962 = arith.constant 1 : i32
      %dma_wait3A_963 = arith.constant 0 : i32
      %dma_wait3A_964 = arith.constant 0 : i32
      %dma_wait3A_965 = tpu.memref_slice %arg7[%dma_wait3A_962, %dma_wait3A_963, %dma_wait3A_964] : memref<6x128x40xf32, #tpu.memory_space<vmem>> -> memref<1x128x40xf32, #tpu.memory_space<vmem>>
      %dma_wait3A_966 = tpu.memref_squeeze %dma_wait3A_965 : memref<1x128x40xf32, #tpu.memory_space<vmem>> -> memref<128x40xf32, #tpu.memory_space<vmem>>
      %dma_wait3A_967 = arith.constant 0 : i32
      %dma_wait3A_968 = tpu.memref_slice %arg5[%add3A_961, %dma_wait3A_967] : memref<79x128xi32, #tpu.memory_space<vmem>> -> memref<1x128xi32, #tpu.memory_space<vmem>>
      %dma_wait3A_969 = tpu.memref_squeeze %dma_wait3A_968 : memref<1x128xi32, #tpu.memory_space<vmem>> -> memref<128xi32, #tpu.memory_space<vmem>>
      %dma_wait3A_970 = arith.constant 0 : i32
      %dma_wait3A_971 = arith.constant 0 : i32
      %dma_wait3A_972 = tpu.memref_slice %arg2[%dma_wait3A_970, %dma_wait3A_971] : memref<10240x40xf32, #tpu.memory_space<hbm>> -> memref<10240x40xf32, #tpu.memory_space<hbm>>
      tpu.wait_indirect_dma semaphore(%arg11 : memref<!tpu.dma_semaphore, #tpu.memory_space<semaphore_mem>>) src(%dma_wait3A_972 : memref<10240x40xf32, #tpu.memory_space<hbm>>) dst(%dma_wait3A_966 : memref<128x40xf32, #tpu.memory_space<vmem>>)
      %dma_start3A_973 = arith.constant 1 : i32
      %dma_start3A_974 = arith.constant 0 : i32
      %dma_start3A_975 = arith.constant 0 : i32
      %dma_start3A_976 = tpu.memref_slice %arg7[%dma_start3A_973, %dma_start3A_974, %dma_start3A_975] : memref<6x128x40xf32, #tpu.memory_space<vmem>> -> memref<1x128x40xf32, #tpu.memory_space<vmem>>
      %dma_start3A_977 = tpu.memref_squeeze %dma_start3A_976 : memref<1x128x40xf32, #tpu.memory_space<vmem>> -> memref<128x40xf32, #tpu.memory_space<vmem>>
      %dma_start3A_978 = arith.constant 0 : i32
      %dma_start3A_979 = tpu.memref_slice %arg6[%add3A_961, %dma_start3A_978] : memref<79x128xi32, #tpu.memory_space<vmem>> -> memref<1x128xi32, #tpu.memory_space<vmem>>
      %dma_start3A_980 = tpu.memref_squeeze %dma_start3A_979 : memref<1x128xi32, #tpu.memory_space<vmem>> -> memref<128xi32, #tpu.memory_space<vmem>>
      %dma_start3A_981 = arith.constant 0 : i32
      %dma_start3A_982 = arith.constant 0 : i32
      %dma_start3A_983 = tpu.memref_slice %arg9[%dma_start3A_981, %dma_start3A_982] : memref<10240x40xf32, #tpu.memory_space<vmem_shared>> -> memref<10240x40xf32, #tpu.memory_space<vmem_shared>>
      tpu.enqueue_indirect_dma source(%dma_start3A_977 : memref<128x40xf32, #tpu.memory_space<vmem>>) target(%dma_start3A_983 : memref<10240x40xf32, #tpu.memory_space<vmem_shared>>) offsets(%dma_start3A_980 : memref<128xi32, #tpu.memory_space<vmem>>) semaphore(%arg17 : memref<!tpu.dma_semaphore, #tpu.memory_space<semaphore_mem>>) {add = true}
      %dma_wait3A_984 = arith.constant 0 : i32
      %dma_wait3A_985 = arith.constant 0 : i32
      %dma_wait3A_986 = arith.constant 0 : i32
      %dma_wait3A_987 = tpu.memref_slice %arg7[%dma_wait3A_984, %dma_wait3A_985, %dma_wait3A_986] : memref<6x128x40xf32, #tpu.memory_space<vmem>> -> memref<1x128x40xf32, #tpu.memory_space<vmem>>
      %dma_wait3A_988 = tpu.memref_squeeze %dma_wait3A_987 : memref<1x128x40xf32, #tpu.memory_space<vmem>> -> memref<128x40xf32, #tpu.memory_space<vmem>>
      %dma_wait3A_989 = arith.constant 0 : i32
      %dma_wait3A_990 = tpu.memref_slice %arg6[%add3A_961, %dma_wait3A_989] : memref<79x128xi32, #tpu.memory_space<vmem>> -> memref<1x128xi32, #tpu.memory_space<vmem>>
      %dma_wait3A_991 = tpu.memref_squeeze %dma_wait3A_990 : memref<1x128xi32, #tpu.memory_space<vmem>> -> memref<128xi32, #tpu.memory_space<vmem>>
      %dma_wait3A_992 = arith.constant 0 : i32
      %dma_wait3A_993 = arith.constant 0 : i32
      %dma_wait3A_994 = tpu.memref_slice %arg9[%dma_wait3A_992, %dma_wait3A_993] : memref<10240x40xf32, #tpu.memory_space<vmem_shared>> -> memref<10240x40xf32, #tpu.memory_space<vmem_shared>>
      tpu.wait_indirect_dma semaphore(%arg16 : memref<!tpu.dma_semaphore, #tpu.memory_space<semaphore_mem>>) src(%dma_wait3A_988 : memref<128x40xf32, #tpu.memory_space<vmem>>) dst(%dma_wait3A_994 : memref<10240x40xf32, #tpu.memory_space<vmem_shared>>)
      %lt3A_995 = arith.constant 12 : i32
      %lt3A_996 = arith.cmpi slt, %scan3A_914, %lt3A_995 : i32
      %convert_element_type3A_997 = arith.extui %lt3A_996 : i1 to i32
      %cond3A_998 = arith.constant 0 : i32
      %cond3A_999 = arith.cmpi ne, %convert_element_type3A_997, %cond3A_998 : i32
      scf.if %cond3A_999 {
        %add3A_1168 = arith.constant 5 : i32
        %add3A_1169 = arith.addi %add3A_961, %add3A_1168 : i32
        %dma_start3A_1170 = arith.constant 0 : i32
        %dma_start3A_1171 = arith.constant 0 : i32
        %dma_start3A_1172 = arith.constant 0 : i32
        %dma_start3A_1173 = tpu.memref_slice %arg7[%dma_start3A_1170, %dma_start3A_1171, %dma_start3A_1172] : memref<6x128x40xf32, #tpu.memory_space<vmem>> -> memref<1x128x40xf32, #tpu.memory_space<vmem>>
        %dma_start3A_1174 = tpu.memref_squeeze %dma_start3A_1173 : memref<1x128x40xf32, #tpu.memory_space<vmem>> -> memref<128x40xf32, #tpu.memory_space<vmem>>
        %dma_start3A_1175 = arith.constant 0 : i32
        %dma_start3A_1176 = tpu.memref_slice %arg5[%add3A_1169, %dma_start3A_1175] : memref<79x128xi32, #tpu.memory_space<vmem>> -> memref<1x128xi32, #tpu.memory_space<vmem>>
        %dma_start3A_1177 = tpu.memref_squeeze %dma_start3A_1176 : memref<1x128xi32, #tpu.memory_space<vmem>> -> memref<128xi32, #tpu.memory_space<vmem>>
        %dma_start3A_1178 = arith.constant 0 : i32
        %dma_start3A_1179 = arith.constant 0 : i32
        %dma_start3A_1180 = tpu.memref_slice %arg2[%dma_start3A_1178, %dma_start3A_1179] : memref<10240x40xf32, #tpu.memory_space<hbm>> -> memref<10240x40xf32, #tpu.memory_space<hbm>>
        tpu.enqueue_indirect_dma source(%dma_start3A_1180 : memref<10240x40xf32, #tpu.memory_space<hbm>>) target(%dma_start3A_1174 : memref<128x40xf32, #tpu.memory_space<vmem>>) offsets(%dma_start3A_1177 : memref<128xi32, #tpu.memory_space<vmem>>) semaphore(%arg10 : memref<!tpu.dma_semaphore, #tpu.memory_space<semaphore_mem>>)
      } else {
      }
      %mul3A_1000 = arith.constant 6 : i32
      %mul3A_1001 = arith.muli %scan3A_914, %mul3A_1000 : i32
      %add3A_1002 = arith.constant 2 : i32
      %add3A_1003 = arith.addi %mul3A_1001, %add3A_1002 : i32
      %dma_wait3A_1004 = arith.constant 2 : i32
      %dma_wait3A_1005 = arith.constant 0 : i32
      %dma_wait3A_1006 = arith.constant 0 : i32
      %dma_wait3A_1007 = tpu.memref_slice %arg7[%dma_wait3A_1004, %dma_wait3A_1005, %dma_wait3A_1006] : memref<6x128x40xf32, #tpu.memory_space<vmem>> -> memref<1x128x40xf32, #tpu.memory_space<vmem>>
      %dma_wait3A_1008 = tpu.memref_squeeze %dma_wait3A_1007 : memref<1x128x40xf32, #tpu.memory_space<vmem>> -> memref<128x40xf32, #tpu.memory_space<vmem>>
      %dma_wait3A_1009 = arith.constant 0 : i32
      %dma_wait3A_1010 = tpu.memref_slice %arg5[%add3A_1003, %dma_wait3A_1009] : memref<79x128xi32, #tpu.memory_space<vmem>> -> memref<1x128xi32, #tpu.memory_space<vmem>>
      %dma_wait3A_1011 = tpu.memref_squeeze %dma_wait3A_1010 : memref<1x128xi32, #tpu.memory_space<vmem>> -> memref<128xi32, #tpu.memory_space<vmem>>
      %dma_wait3A_1012 = arith.constant 0 : i32
      %dma_wait3A_1013 = arith.constant 0 : i32
      %dma_wait3A_1014 = tpu.memref_slice %arg2[%dma_wait3A_1012, %dma_wait3A_1013] : memref<10240x40xf32, #tpu.memory_space<hbm>> -> memref<10240x40xf32, #tpu.memory_space<hbm>>
      tpu.wait_indirect_dma semaphore(%arg12 : memref<!tpu.dma_semaphore, #tpu.memory_space<semaphore_mem>>) src(%dma_wait3A_1014 : memref<10240x40xf32, #tpu.memory_space<hbm>>) dst(%dma_wait3A_1008 : memref<128x40xf32, #tpu.memory_space<vmem>>)
      %dma_start3A_1015 = arith.constant 2 : i32
      %dma_start3A_1016 = arith.constant 0 : i32
      %dma_start3A_1017 = arith.constant 0 : i32
      %dma_start3A_1018 = tpu.memref_slice %arg7[%dma_start3A_1015, %dma_start3A_1016, %dma_start3A_1017] : memref<6x128x40xf32, #tpu.memory_space<vmem>> -> memref<1x128x40xf32, #tpu.memory_space<vmem>>
      %dma_start3A_1019 = tpu.memref_squeeze %dma_start3A_1018 : memref<1x128x40xf32, #tpu.memory_space<vmem>> -> memref<128x40xf32, #tpu.memory_space<vmem>>
      %dma_start3A_1020 = arith.constant 0 : i32
      %dma_start3A_1021 = tpu.memref_slice %arg6[%add3A_1003, %dma_start3A_1020] : memref<79x128xi32, #tpu.memory_space<vmem>> -> memref<1x128xi32, #tpu.memory_space<vmem>>
      %dma_start3A_1022 = tpu.memref_squeeze %dma_start3A_1021 : memref<1x128xi32, #tpu.memory_space<vmem>> -> memref<128xi32, #tpu.memory_space<vmem>>
      %dma_start3A_1023 = arith.constant 0 : i32
      %dma_start3A_1024 = arith.constant 0 : i32
      %dma_start3A_1025 = tpu.memref_slice %arg9[%dma_start3A_1023, %dma_start3A_1024] : memref<10240x40xf32, #tpu.memory_space<vmem_shared>> -> memref<10240x40xf32, #tpu.memory_space<vmem_shared>>
      tpu.enqueue_indirect_dma source(%dma_start3A_1019 : memref<128x40xf32, #tpu.memory_space<vmem>>) target(%dma_start3A_1025 : memref<10240x40xf32, #tpu.memory_space<vmem_shared>>) offsets(%dma_start3A_1022 : memref<128xi32, #tpu.memory_space<vmem>>) semaphore(%arg18 : memref<!tpu.dma_semaphore, #tpu.memory_space<semaphore_mem>>) {add = true}
      %dma_wait3A_1026 = arith.constant 1 : i32
      %dma_wait3A_1027 = arith.constant 0 : i32
      %dma_wait3A_1028 = arith.constant 0 : i32
      %dma_wait3A_1029 = tpu.memref_slice %arg7[%dma_wait3A_1026, %dma_wait3A_1027, %dma_wait3A_1028] : memref<6x128x40xf32, #tpu.memory_space<vmem>> -> memref<1x128x40xf32, #tpu.memory_space<vmem>>
      %dma_wait3A_1030 = tpu.memref_squeeze %dma_wait3A_1029 : memref<1x128x40xf32, #tpu.memory_space<vmem>> -> memref<128x40xf32, #tpu.memory_space<vmem>>
      %dma_wait3A_1031 = arith.constant 0 : i32
      %dma_wait3A_1032 = tpu.memref_slice %arg6[%add3A_1003, %dma_wait3A_1031] : memref<79x128xi32, #tpu.memory_space<vmem>> -> memref<1x128xi32, #tpu.memory_space<vmem>>
      %dma_wait3A_1033 = tpu.memref_squeeze %dma_wait3A_1032 : memref<1x128xi32, #tpu.memory_space<vmem>> -> memref<128xi32, #tpu.memory_space<vmem>>
      %dma_wait3A_1034 = arith.constant 0 : i32
      %dma_wait3A_1035 = arith.constant 0 : i32
      %dma_wait3A_1036 = tpu.memref_slice %arg9[%dma_wait3A_1034, %dma_wait3A_1035] : memref<10240x40xf32, #tpu.memory_space<vmem_shared>> -> memref<10240x40xf32, #tpu.memory_space<vmem_shared>>
      tpu.wait_indirect_dma semaphore(%arg17 : memref<!tpu.dma_semaphore, #tpu.memory_space<semaphore_mem>>) src(%dma_wait3A_1030 : memref<128x40xf32, #tpu.memory_space<vmem>>) dst(%dma_wait3A_1036 : memref<10240x40xf32, #tpu.memory_space<vmem_shared>>)
      %lt3A_1037 = arith.constant 12 : i32
      %lt3A_1038 = arith.cmpi slt, %scan3A_914, %lt3A_1037 : i32
      %convert_element_type3A_1039 = arith.extui %lt3A_1038 : i1 to i32
      %cond3A_1040 = arith.constant 0 : i32
      %cond3A_1041 = arith.cmpi ne, %convert_element_type3A_1039, %cond3A_1040 : i32
      scf.if %cond3A_1041 {
        %add3A_1168 = arith.constant 5 : i32
        %add3A_1169 = arith.addi %add3A_1003, %add3A_1168 : i32
        %dma_start3A_1170 = arith.constant 1 : i32
        %dma_start3A_1171 = arith.constant 0 : i32
        %dma_start3A_1172 = arith.constant 0 : i32
        %dma_start3A_1173 = tpu.memref_slice %arg7[%dma_start3A_1170, %dma_start3A_1171, %dma_start3A_1172] : memref<6x128x40xf32, #tpu.memory_space<vmem>> -> memref<1x128x40xf32, #tpu.memory_space<vmem>>
        %dma_start3A_1174 = tpu.memref_squeeze %dma_start3A_1173 : memref<1x128x40xf32, #tpu.memory_space<vmem>> -> memref<128x40xf32, #tpu.memory_space<vmem>>
        %dma_start3A_1175 = arith.constant 0 : i32
        %dma_start3A_1176 = tpu.memref_slice %arg5[%add3A_1169, %dma_start3A_1175] : memref<79x128xi32, #tpu.memory_space<vmem>> -> memref<1x128xi32, #tpu.memory_space<vmem>>
        %dma_start3A_1177 = tpu.memref_squeeze %dma_start3A_1176 : memref<1x128xi32, #tpu.memory_space<vmem>> -> memref<128xi32, #tpu.memory_space<vmem>>
        %dma_start3A_1178 = arith.constant 0 : i32
        %dma_start3A_1179 = arith.constant 0 : i32
        %dma_start3A_1180 = tpu.memref_slice %arg2[%dma_start3A_1178, %dma_start3A_1179] : memref<10240x40xf32, #tpu.memory_space<hbm>> -> memref<10240x40xf32, #tpu.memory_space<hbm>>
        tpu.enqueue_indirect_dma source(%dma_start3A_1180 : memref<10240x40xf32, #tpu.memory_space<hbm>>) target(%dma_start3A_1174 : memref<128x40xf32, #tpu.memory_space<vmem>>) offsets(%dma_start3A_1177 : memref<128xi32, #tpu.memory_space<vmem>>) semaphore(%arg11 : memref<!tpu.dma_semaphore, #tpu.memory_space<semaphore_mem>>)
      } else {
      }
      %mul3A_1042 = arith.constant 6 : i32
      %mul3A_1043 = arith.muli %scan3A_914, %mul3A_1042 : i32
      %add3A_1044 = arith.constant 3 : i32
      %add3A_1045 = arith.addi %mul3A_1043, %add3A_1044 : i32
      %dma_wait3A_1046 = arith.constant 3 : i32
      %dma_wait3A_1047 = arith.constant 0 : i32
      %dma_wait3A_1048 = arith.constant 0 : i32
      %dma_wait3A_1049 = tpu.memref_slice %arg7[%dma_wait3A_1046, %dma_wait3A_1047, %dma_wait3A_1048] : memref<6x128x40xf32, #tpu.memory_space<vmem>> -> memref<1x128x40xf32, #tpu.memory_space<vmem>>
      %dma_wait3A_1050 = tpu.memref_squeeze %dma_wait3A_1049 : memref<1x128x40xf32, #tpu.memory_space<vmem>> -> memref<128x40xf32, #tpu.memory_space<vmem>>
      %dma_wait3A_1051 = arith.constant 0 : i32
      %dma_wait3A_1052 = tpu.memref_slice %arg5[%add3A_1045, %dma_wait3A_1051] : memref<79x128xi32, #tpu.memory_space<vmem>> -> memref<1x128xi32, #tpu.memory_space<vmem>>
      %dma_wait3A_1053 = tpu.memref_squeeze %dma_wait3A_1052 : memref<1x128xi32, #tpu.memory_space<vmem>> -> memref<128xi32, #tpu.memory_space<vmem>>
      %dma_wait3A_1054 = arith.constant 0 : i32
      %dma_wait3A_1055 = arith.constant 0 : i32
      %dma_wait3A_1056 = tpu.memref_slice %arg2[%dma_wait3A_1054, %dma_wait3A_1055] : memref<10240x40xf32, #tpu.memory_space<hbm>> -> memref<10240x40xf32, #tpu.memory_space<hbm>>
      tpu.wait_indirect_dma semaphore(%arg13 : memref<!tpu.dma_semaphore, #tpu.memory_space<semaphore_mem>>) src(%dma_wait3A_1056 : memref<10240x40xf32, #tpu.memory_space<hbm>>) dst(%dma_wait3A_1050 : memref<128x40xf32, #tpu.memory_space<vmem>>)
      %dma_start3A_1057 = arith.constant 3 : i32
      %dma_start3A_1058 = arith.constant 0 : i32
      %dma_start3A_1059 = arith.constant 0 : i32
      %dma_start3A_1060 = tpu.memref_slice %arg7[%dma_start3A_1057, %dma_start3A_1058, %dma_start3A_1059] : memref<6x128x40xf32, #tpu.memory_space<vmem>> -> memref<1x128x40xf32, #tpu.memory_space<vmem>>
      %dma_start3A_1061 = tpu.memref_squeeze %dma_start3A_1060 : memref<1x128x40xf32, #tpu.memory_space<vmem>> -> memref<128x40xf32, #tpu.memory_space<vmem>>
      %dma_start3A_1062 = arith.constant 0 : i32
      %dma_start3A_1063 = tpu.memref_slice %arg6[%add3A_1045, %dma_start3A_1062] : memref<79x128xi32, #tpu.memory_space<vmem>> -> memref<1x128xi32, #tpu.memory_space<vmem>>
      %dma_start3A_1064 = tpu.memref_squeeze %dma_start3A_1063 : memref<1x128xi32, #tpu.memory_space<vmem>> -> memref<128xi32, #tpu.memory_space<vmem>>
      %dma_start3A_1065 = arith.constant 0 : i32
      %dma_start3A_1066 = arith.constant 0 : i32
      %dma_start3A_1067 = tpu.memref_slice %arg9[%dma_start3A_1065, %dma_start3A_1066] : memref<10240x40xf32, #tpu.memory_space<vmem_shared>> -> memref<10240x40xf32, #tpu.memory_space<vmem_shared>>
      tpu.enqueue_indirect_dma source(%dma_start3A_1061 : memref<128x40xf32, #tpu.memory_space<vmem>>) target(%dma_start3A_1067 : memref<10240x40xf32, #tpu.memory_space<vmem_shared>>) offsets(%dma_start3A_1064 : memref<128xi32, #tpu.memory_space<vmem>>) semaphore(%arg19 : memref<!tpu.dma_semaphore, #tpu.memory_space<semaphore_mem>>) {add = true}
      %dma_wait3A_1068 = arith.constant 2 : i32
      %dma_wait3A_1069 = arith.constant 0 : i32
      %dma_wait3A_1070 = arith.constant 0 : i32
      %dma_wait3A_1071 = tpu.memref_slice %arg7[%dma_wait3A_1068, %dma_wait3A_1069, %dma_wait3A_1070] : memref<6x128x40xf32, #tpu.memory_space<vmem>> -> memref<1x128x40xf32, #tpu.memory_space<vmem>>
      %dma_wait3A_1072 = tpu.memref_squeeze %dma_wait3A_1071 : memref<1x128x40xf32, #tpu.memory_space<vmem>> -> memref<128x40xf32, #tpu.memory_space<vmem>>
      %dma_wait3A_1073 = arith.constant 0 : i32
      %dma_wait3A_1074 = tpu.memref_slice %arg6[%add3A_1045, %dma_wait3A_1073] : memref<79x128xi32, #tpu.memory_space<vmem>> -> memref<1x128xi32, #tpu.memory_space<vmem>>
      %dma_wait3A_1075 = tpu.memref_squeeze %dma_wait3A_1074 : memref<1x128xi32, #tpu.memory_space<vmem>> -> memref<128xi32, #tpu.memory_space<vmem>>
      %dma_wait3A_1076 = arith.constant 0 : i32
      %dma_wait3A_1077 = arith.constant 0 : i32
      %dma_wait3A_1078 = tpu.memref_slice %arg9[%dma_wait3A_1076, %dma_wait3A_1077] : memref<10240x40xf32, #tpu.memory_space<vmem_shared>> -> memref<10240x40xf32, #tpu.memory_space<vmem_shared>>
      tpu.wait_indirect_dma semaphore(%arg18 : memref<!tpu.dma_semaphore, #tpu.memory_space<semaphore_mem>>) src(%dma_wait3A_1072 : memref<128x40xf32, #tpu.memory_space<vmem>>) dst(%dma_wait3A_1078 : memref<10240x40xf32, #tpu.memory_space<vmem_shared>>)
      %lt3A_1079 = arith.constant 12 : i32
      %lt3A_1080 = arith.cmpi slt, %scan3A_914, %lt3A_1079 : i32
      %convert_element_type3A_1081 = arith.extui %lt3A_1080 : i1 to i32
      %cond3A_1082 = arith.constant 0 : i32
      %cond3A_1083 = arith.cmpi ne, %convert_element_type3A_1081, %cond3A_1082 : i32
      scf.if %cond3A_1083 {
        %add3A_1168 = arith.constant 5 : i32
        %add3A_1169 = arith.addi %add3A_1045, %add3A_1168 : i32
        %dma_start3A_1170 = arith.constant 2 : i32
        %dma_start3A_1171 = arith.constant 0 : i32
        %dma_start3A_1172 = arith.constant 0 : i32
        %dma_start3A_1173 = tpu.memref_slice %arg7[%dma_start3A_1170, %dma_start3A_1171, %dma_start3A_1172] : memref<6x128x40xf32, #tpu.memory_space<vmem>> -> memref<1x128x40xf32, #tpu.memory_space<vmem>>
        %dma_start3A_1174 = tpu.memref_squeeze %dma_start3A_1173 : memref<1x128x40xf32, #tpu.memory_space<vmem>> -> memref<128x40xf32, #tpu.memory_space<vmem>>
        %dma_start3A_1175 = arith.constant 0 : i32
        %dma_start3A_1176 = tpu.memref_slice %arg5[%add3A_1169, %dma_start3A_1175] : memref<79x128xi32, #tpu.memory_space<vmem>> -> memref<1x128xi32, #tpu.memory_space<vmem>>
        %dma_start3A_1177 = tpu.memref_squeeze %dma_start3A_1176 : memref<1x128xi32, #tpu.memory_space<vmem>> -> memref<128xi32, #tpu.memory_space<vmem>>
        %dma_start3A_1178 = arith.constant 0 : i32
        %dma_start3A_1179 = arith.constant 0 : i32
        %dma_start3A_1180 = tpu.memref_slice %arg2[%dma_start3A_1178, %dma_start3A_1179] : memref<10240x40xf32, #tpu.memory_space<hbm>> -> memref<10240x40xf32, #tpu.memory_space<hbm>>
        tpu.enqueue_indirect_dma source(%dma_start3A_1180 : memref<10240x40xf32, #tpu.memory_space<hbm>>) target(%dma_start3A_1174 : memref<128x40xf32, #tpu.memory_space<vmem>>) offsets(%dma_start3A_1177 : memref<128xi32, #tpu.memory_space<vmem>>) semaphore(%arg12 : memref<!tpu.dma_semaphore, #tpu.memory_space<semaphore_mem>>)
      } else {
      }
      %mul3A_1084 = arith.constant 6 : i32
      %mul3A_1085 = arith.muli %scan3A_914, %mul3A_1084 : i32
      %add3A_1086 = arith.constant 4 : i32
      %add3A_1087 = arith.addi %mul3A_1085, %add3A_1086 : i32
      %dma_wait3A_1088 = arith.constant 4 : i32
      %dma_wait3A_1089 = arith.constant 0 : i32
      %dma_wait3A_1090 = arith.constant 0 : i32
      %dma_wait3A_1091 = tpu.memref_slice %arg7[%dma_wait3A_1088, %dma_wait3A_1089, %dma_wait3A_1090] : memref<6x128x40xf32, #tpu.memory_space<vmem>> -> memref<1x128x40xf32, #tpu.memory_space<vmem>>
      %dma_wait3A_1092 = tpu.memref_squeeze %dma_wait3A_1091 : memref<1x128x40xf32, #tpu.memory_space<vmem>> -> memref<128x40xf32, #tpu.memory_space<vmem>>
      %dma_wait3A_1093 = arith.constant 0 : i32
      %dma_wait3A_1094 = tpu.memref_slice %arg5[%add3A_1087, %dma_wait3A_1093] : memref<79x128xi32, #tpu.memory_space<vmem>> -> memref<1x128xi32, #tpu.memory_space<vmem>>
      %dma_wait3A_1095 = tpu.memref_squeeze %dma_wait3A_1094 : memref<1x128xi32, #tpu.memory_space<vmem>> -> memref<128xi32, #tpu.memory_space<vmem>>
      %dma_wait3A_1096 = arith.constant 0 : i32
      %dma_wait3A_1097 = arith.constant 0 : i32
      %dma_wait3A_1098 = tpu.memref_slice %arg2[%dma_wait3A_1096, %dma_wait3A_1097] : memref<10240x40xf32, #tpu.memory_space<hbm>> -> memref<10240x40xf32, #tpu.memory_space<hbm>>
      tpu.wait_indirect_dma semaphore(%arg14 : memref<!tpu.dma_semaphore, #tpu.memory_space<semaphore_mem>>) src(%dma_wait3A_1098 : memref<10240x40xf32, #tpu.memory_space<hbm>>) dst(%dma_wait3A_1092 : memref<128x40xf32, #tpu.memory_space<vmem>>)
      %dma_start3A_1099 = arith.constant 4 : i32
      %dma_start3A_1100 = arith.constant 0 : i32
      %dma_start3A_1101 = arith.constant 0 : i32
      %dma_start3A_1102 = tpu.memref_slice %arg7[%dma_start3A_1099, %dma_start3A_1100, %dma_start3A_1101] : memref<6x128x40xf32, #tpu.memory_space<vmem>> -> memref<1x128x40xf32, #tpu.memory_space<vmem>>
      %dma_start3A_1103 = tpu.memref_squeeze %dma_start3A_1102 : memref<1x128x40xf32, #tpu.memory_space<vmem>> -> memref<128x40xf32, #tpu.memory_space<vmem>>
      %dma_start3A_1104 = arith.constant 0 : i32
      %dma_start3A_1105 = tpu.memref_slice %arg6[%add3A_1087, %dma_start3A_1104] : memref<79x128xi32, #tpu.memory_space<vmem>> -> memref<1x128xi32, #tpu.memory_space<vmem>>
      %dma_start3A_1106 = tpu.memref_squeeze %dma_start3A_1105 : memref<1x128xi32, #tpu.memory_space<vmem>> -> memref<128xi32, #tpu.memory_space<vmem>>
      %dma_start3A_1107 = arith.constant 0 : i32
      %dma_start3A_1108 = arith.constant 0 : i32
      %dma_start3A_1109 = tpu.memref_slice %arg9[%dma_start3A_1107, %dma_start3A_1108] : memref<10240x40xf32, #tpu.memory_space<vmem_shared>> -> memref<10240x40xf32, #tpu.memory_space<vmem_shared>>
      tpu.enqueue_indirect_dma source(%dma_start3A_1103 : memref<128x40xf32, #tpu.memory_space<vmem>>) target(%dma_start3A_1109 : memref<10240x40xf32, #tpu.memory_space<vmem_shared>>) offsets(%dma_start3A_1106 : memref<128xi32, #tpu.memory_space<vmem>>) semaphore(%arg20 : memref<!tpu.dma_semaphore, #tpu.memory_space<semaphore_mem>>) {add = true}
      %dma_wait3A_1110 = arith.constant 3 : i32
      %dma_wait3A_1111 = arith.constant 0 : i32
      %dma_wait3A_1112 = arith.constant 0 : i32
      %dma_wait3A_1113 = tpu.memref_slice %arg7[%dma_wait3A_1110, %dma_wait3A_1111, %dma_wait3A_1112] : memref<6x128x40xf32, #tpu.memory_space<vmem>> -> memref<1x128x40xf32, #tpu.memory_space<vmem>>
      %dma_wait3A_1114 = tpu.memref_squeeze %dma_wait3A_1113 : memref<1x128x40xf32, #tpu.memory_space<vmem>> -> memref<128x40xf32, #tpu.memory_space<vmem>>
      %dma_wait3A_1115 = arith.constant 0 : i32
      %dma_wait3A_1116 = tpu.memref_slice %arg6[%add3A_1087, %dma_wait3A_1115] : memref<79x128xi32, #tpu.memory_space<vmem>> -> memref<1x128xi32, #tpu.memory_space<vmem>>
      %dma_wait3A_1117 = tpu.memref_squeeze %dma_wait3A_1116 : memref<1x128xi32, #tpu.memory_space<vmem>> -> memref<128xi32, #tpu.memory_space<vmem>>
      %dma_wait3A_1118 = arith.constant 0 : i32
      %dma_wait3A_1119 = arith.constant 0 : i32
      %dma_wait3A_1120 = tpu.memref_slice %arg9[%dma_wait3A_1118, %dma_wait3A_1119] : memref<10240x40xf32, #tpu.memory_space<vmem_shared>> -> memref<10240x40xf32, #tpu.memory_space<vmem_shared>>
      tpu.wait_indirect_dma semaphore(%arg19 : memref<!tpu.dma_semaphore, #tpu.memory_space<semaphore_mem>>) src(%dma_wait3A_1114 : memref<128x40xf32, #tpu.memory_space<vmem>>) dst(%dma_wait3A_1120 : memref<10240x40xf32, #tpu.memory_space<vmem_shared>>)
      %lt3A_1121 = arith.constant 12 : i32
      %lt3A_1122 = arith.cmpi slt, %scan3A_914, %lt3A_1121 : i32
      %convert_element_type3A_1123 = arith.extui %lt3A_1122 : i1 to i32
      %cond3A_1124 = arith.constant 0 : i32
      %cond3A_1125 = arith.cmpi ne, %convert_element_type3A_1123, %cond3A_1124 : i32
      scf.if %cond3A_1125 {
        %add3A_1168 = arith.constant 5 : i32
        %add3A_1169 = arith.addi %add3A_1087, %add3A_1168 : i32
        %dma_start3A_1170 = arith.constant 3 : i32
        %dma_start3A_1171 = arith.constant 0 : i32
        %dma_start3A_1172 = arith.constant 0 : i32
        %dma_start3A_1173 = tpu.memref_slice %arg7[%dma_start3A_1170, %dma_start3A_1171, %dma_start3A_1172] : memref<6x128x40xf32, #tpu.memory_space<vmem>> -> memref<1x128x40xf32, #tpu.memory_space<vmem>>
        %dma_start3A_1174 = tpu.memref_squeeze %dma_start3A_1173 : memref<1x128x40xf32, #tpu.memory_space<vmem>> -> memref<128x40xf32, #tpu.memory_space<vmem>>
        %dma_start3A_1175 = arith.constant 0 : i32
        %dma_start3A_1176 = tpu.memref_slice %arg5[%add3A_1169, %dma_start3A_1175] : memref<79x128xi32, #tpu.memory_space<vmem>> -> memref<1x128xi32, #tpu.memory_space<vmem>>
        %dma_start3A_1177 = tpu.memref_squeeze %dma_start3A_1176 : memref<1x128xi32, #tpu.memory_space<vmem>> -> memref<128xi32, #tpu.memory_space<vmem>>
        %dma_start3A_1178 = arith.constant 0 : i32
        %dma_start3A_1179 = arith.constant 0 : i32
        %dma_start3A_1180 = tpu.memref_slice %arg2[%dma_start3A_1178, %dma_start3A_1179] : memref<10240x40xf32, #tpu.memory_space<hbm>> -> memref<10240x40xf32, #tpu.memory_space<hbm>>
        tpu.enqueue_indirect_dma source(%dma_start3A_1180 : memref<10240x40xf32, #tpu.memory_space<hbm>>) target(%dma_start3A_1174 : memref<128x40xf32, #tpu.memory_space<vmem>>) offsets(%dma_start3A_1177 : memref<128xi32, #tpu.memory_space<vmem>>) semaphore(%arg13 : memref<!tpu.dma_semaphore, #tpu.memory_space<semaphore_mem>>)
      } else {
      }
      %mul3A_1126 = arith.constant 6 : i32
      %mul3A_1127 = arith.muli %scan3A_914, %mul3A_1126 : i32
      %add3A_1128 = arith.constant 5 : i32
      %add3A_1129 = arith.addi %mul3A_1127, %add3A_1128 : i32
      %dma_wait3A_1130 = arith.constant 5 : i32
      %dma_wait3A_1131 = arith.constant 0 : i32
      %dma_wait3A_1132 = arith.constant 0 : i32
      %dma_wait3A_1133 = tpu.memref_slice %arg7[%dma_wait3A_1130, %dma_wait3A_1131, %dma_wait3A_1132] : memref<6x128x40xf32, #tpu.memory_space<vmem>> -> memref<1x128x40xf32, #tpu.memory_space<vmem>>
      %dma_wait3A_1134 = tpu.memref_squeeze %dma_wait3A_1133 : memref<1x128x40xf32, #tpu.memory_space<vmem>> -> memref<128x40xf32, #tpu.memory_space<vmem>>
      %dma_wait3A_1135 = arith.constant 0 : i32
      %dma_wait3A_1136 = tpu.memref_slice %arg5[%add3A_1129, %dma_wait3A_1135] : memref<79x128xi32, #tpu.memory_space<vmem>> -> memref<1x128xi32, #tpu.memory_space<vmem>>
      %dma_wait3A_1137 = tpu.memref_squeeze %dma_wait3A_1136 : memref<1x128xi32, #tpu.memory_space<vmem>> -> memref<128xi32, #tpu.memory_space<vmem>>
      %dma_wait3A_1138 = arith.constant 0 : i32
      %dma_wait3A_1139 = arith.constant 0 : i32
      %dma_wait3A_1140 = tpu.memref_slice %arg2[%dma_wait3A_1138, %dma_wait3A_1139] : memref<10240x40xf32, #tpu.memory_space<hbm>> -> memref<10240x40xf32, #tpu.memory_space<hbm>>
      tpu.wait_indirect_dma semaphore(%arg15 : memref<!tpu.dma_semaphore, #tpu.memory_space<semaphore_mem>>) src(%dma_wait3A_1140 : memref<10240x40xf32, #tpu.memory_space<hbm>>) dst(%dma_wait3A_1134 : memref<128x40xf32, #tpu.memory_space<vmem>>)
      %dma_start3A_1141 = arith.constant 5 : i32
      %dma_start3A_1142 = arith.constant 0 : i32
      %dma_start3A_1143 = arith.constant 0 : i32
      %dma_start3A_1144 = tpu.memref_slice %arg7[%dma_start3A_1141, %dma_start3A_1142, %dma_start3A_1143] : memref<6x128x40xf32, #tpu.memory_space<vmem>> -> memref<1x128x40xf32, #tpu.memory_space<vmem>>
      %dma_start3A_1145 = tpu.memref_squeeze %dma_start3A_1144 : memref<1x128x40xf32, #tpu.memory_space<vmem>> -> memref<128x40xf32, #tpu.memory_space<vmem>>
      %dma_start3A_1146 = arith.constant 0 : i32
      %dma_start3A_1147 = tpu.memref_slice %arg6[%add3A_1129, %dma_start3A_1146] : memref<79x128xi32, #tpu.memory_space<vmem>> -> memref<1x128xi32, #tpu.memory_space<vmem>>
      %dma_start3A_1148 = tpu.memref_squeeze %dma_start3A_1147 : memref<1x128xi32, #tpu.memory_space<vmem>> -> memref<128xi32, #tpu.memory_space<vmem>>
      %dma_start3A_1149 = arith.constant 0 : i32
      %dma_start3A_1150 = arith.constant 0 : i32
      %dma_start3A_1151 = tpu.memref_slice %arg9[%dma_start3A_1149, %dma_start3A_1150] : memref<10240x40xf32, #tpu.memory_space<vmem_shared>> -> memref<10240x40xf32, #tpu.memory_space<vmem_shared>>
      tpu.enqueue_indirect_dma source(%dma_start3A_1145 : memref<128x40xf32, #tpu.memory_space<vmem>>) target(%dma_start3A_1151 : memref<10240x40xf32, #tpu.memory_space<vmem_shared>>) offsets(%dma_start3A_1148 : memref<128xi32, #tpu.memory_space<vmem>>) semaphore(%arg21 : memref<!tpu.dma_semaphore, #tpu.memory_space<semaphore_mem>>) {add = true}
      %dma_wait3A_1152 = arith.constant 4 : i32
      %dma_wait3A_1153 = arith.constant 0 : i32
      %dma_wait3A_1154 = arith.constant 0 : i32
      %dma_wait3A_1155 = tpu.memref_slice %arg7[%dma_wait3A_1152, %dma_wait3A_1153, %dma_wait3A_1154] : memref<6x128x40xf32, #tpu.memory_space<vmem>> -> memref<1x128x40xf32, #tpu.memory_space<vmem>>
      %dma_wait3A_1156 = tpu.memref_squeeze %dma_wait3A_1155 : memref<1x128x40xf32, #tpu.memory_space<vmem>> -> memref<128x40xf32, #tpu.memory_space<vmem>>
      %dma_wait3A_1157 = arith.constant 0 : i32
      %dma_wait3A_1158 = tpu.memref_slice %arg6[%add3A_1129, %dma_wait3A_1157] : memref<79x128xi32, #tpu.memory_space<vmem>> -> memref<1x128xi32, #tpu.memory_space<vmem>>
      %dma_wait3A_1159 = tpu.memref_squeeze %dma_wait3A_1158 : memref<1x128xi32, #tpu.memory_space<vmem>> -> memref<128xi32, #tpu.memory_space<vmem>>
      %dma_wait3A_1160 = arith.constant 0 : i32
      %dma_wait3A_1161 = arith.constant 0 : i32
      %dma_wait3A_1162 = tpu.memref_slice %arg9[%dma_wait3A_1160, %dma_wait3A_1161] : memref<10240x40xf32, #tpu.memory_space<vmem_shared>> -> memref<10240x40xf32, #tpu.memory_space<vmem_shared>>
      tpu.wait_indirect_dma semaphore(%arg20 : memref<!tpu.dma_semaphore, #tpu.memory_space<semaphore_mem>>) src(%dma_wait3A_1156 : memref<128x40xf32, #tpu.memory_space<vmem>>) dst(%dma_wait3A_1162 : memref<10240x40xf32, #tpu.memory_space<vmem_shared>>)
      %lt3A_1163 = arith.constant 12 : i32
      %lt3A_1164 = arith.cmpi slt, %scan3A_914, %lt3A_1163 : i32
      %convert_element_type3A_1165 = arith.extui %lt3A_1164 : i1 to i32
      %cond3A_1166 = arith.constant 0 : i32
      %cond3A_1167 = arith.cmpi ne, %convert_element_type3A_1165, %cond3A_1166 : i32
      scf.if %cond3A_1167 {
        %add3A_1168 = arith.constant 5 : i32
        %add3A_1169 = arith.addi %add3A_1129, %add3A_1168 : i32
        %dma_start3A_1170 = arith.constant 4 : i32
        %dma_start3A_1171 = arith.constant 0 : i32
        %dma_start3A_1172 = arith.constant 0 : i32
        %dma_start3A_1173 = tpu.memref_slice %arg7[%dma_start3A_1170, %dma_start3A_1171, %dma_start3A_1172] : memref<6x128x40xf32, #tpu.memory_space<vmem>> -> memref<1x128x40xf32, #tpu.memory_space<vmem>>
        %dma_start3A_1174 = tpu.memref_squeeze %dma_start3A_1173 : memref<1x128x40xf32, #tpu.memory_space<vmem>> -> memref<128x40xf32, #tpu.memory_space<vmem>>
        %dma_start3A_1175 = arith.constant 0 : i32
        %dma_start3A_1176 = tpu.memref_slice %arg5[%add3A_1169, %dma_start3A_1175] : memref<79x128xi32, #tpu.memory_space<vmem>> -> memref<1x128xi32, #tpu.memory_space<vmem>>
        %dma_start3A_1177 = tpu.memref_squeeze %dma_start3A_1176 : memref<1x128xi32, #tpu.memory_space<vmem>> -> memref<128xi32, #tpu.memory_space<vmem>>
        %dma_start3A_1178 = arith.constant 0 : i32
        %dma_start3A_1179 = arith.constant 0 : i32
        %dma_start3A_1180 = tpu.memref_slice %arg2[%dma_start3A_1178, %dma_start3A_1179] : memref<10240x40xf32, #tpu.memory_space<hbm>> -> memref<10240x40xf32, #tpu.memory_space<hbm>>
        tpu.enqueue_indirect_dma source(%dma_start3A_1180 : memref<10240x40xf32, #tpu.memory_space<hbm>>) target(%dma_start3A_1174 : memref<128x40xf32, #tpu.memory_space<vmem>>) offsets(%dma_start3A_1177 : memref<128xi32, #tpu.memory_space<vmem>>) semaphore(%arg14 : memref<!tpu.dma_semaphore, #tpu.memory_space<semaphore_mem>>)
      } else {
      }
    }
    %scan3A_891 = arith.constant 13 : i32
    %dma_wait3A_892 = arith.constant 5 : i32
    %dma_wait3A_893 = arith.constant 0 : i32
    %dma_wait3A_894 = arith.constant 0 : i32
    %dma_wait3A_895 = arith.constant 0 : i32
    %dma_wait3A_896 = tpu.memref_slice %arg7[%dma_wait3A_892, %dma_wait3A_894, %dma_wait3A_895] : memref<6x128x40xf32, #tpu.memory_space<vmem>> -> memref<1x128x40xf32, #tpu.memory_space<vmem>>
    %dma_wait3A_897 = tpu.memref_squeeze %dma_wait3A_896 : memref<1x128x40xf32, #tpu.memory_space<vmem>> -> memref<128x40xf32, #tpu.memory_space<vmem>>
    %dma_wait3A_898 = arith.constant 0 : i32
    %dma_wait3A_899 = tpu.memref_slice %arg6[%dma_wait3A_893, %dma_wait3A_898] : memref<79x128xi32, #tpu.memory_space<vmem>> -> memref<1x128xi32, #tpu.memory_space<vmem>>
    %dma_wait3A_900 = tpu.memref_squeeze %dma_wait3A_899 : memref<1x128xi32, #tpu.memory_space<vmem>> -> memref<128xi32, #tpu.memory_space<vmem>>
    %dma_wait3A_901 = arith.constant 0 : i32
    %dma_wait3A_902 = arith.constant 0 : i32
    %dma_wait3A_903 = tpu.memref_slice %arg9[%dma_wait3A_901, %dma_wait3A_902] : memref<10240x40xf32, #tpu.memory_space<vmem_shared>> -> memref<10240x40xf32, #tpu.memory_space<vmem_shared>>
    tpu.wait_indirect_dma semaphore(%arg21 : memref<!tpu.dma_semaphore, #tpu.memory_space<semaphore_mem>>) src(%dma_wait3A_897 : memref<128x40xf32, #tpu.memory_space<vmem>>) dst(%dma_wait3A_903 : memref<10240x40xf32, #tpu.memory_space<vmem_shared>>)
    %lt3A_904 = arith.constant 4 : i32
    %lt3A_905 = arith.cmpi slt, %add3A, %lt3A_904 : i32
    %convert_element_type3A_906 = arith.extui %lt3A_905 : i1 to i32
    %cond3A_907 = arith.constant 0 : i32
    %cond3A_908 = arith.cmpi ne, %convert_element_type3A_906, %cond3A_907 : i32
    scf.if %cond3A_908 {
      %dma_start3A_914 = arith.constant 78 : i32
      %dma_start3A_915 = arith.constant 0 : i32
      %dma_start3A_916 = arith.constant 0 : i32
      %dma_start3A_917 = arith.constant 0 : i32
      %dma_start3A_918 = tpu.memref_slice %arg7[%dma_start3A_915, %dma_start3A_916, %dma_start3A_917] : memref<6x128x40xf32, #tpu.memory_space<vmem>> -> memref<1x128x40xf32, #tpu.memory_space<vmem>>
      %dma_start3A_919 = tpu.memref_squeeze %dma_start3A_918 : memref<1x128x40xf32, #tpu.memory_space<vmem>> -> memref<128x40xf32, #tpu.memory_space<vmem>>
      %dma_start3A_920 = arith.constant 0 : i32
      %dma_start3A_921 = tpu.memref_slice %arg5[%dma_start3A_914, %dma_start3A_920] : memref<79x128xi32, #tpu.memory_space<vmem>> -> memref<1x128xi32, #tpu.memory_space<vmem>>
      %dma_start3A_922 = tpu.memref_squeeze %dma_start3A_921 : memref<1x128xi32, #tpu.memory_space<vmem>> -> memref<128xi32, #tpu.memory_space<vmem>>
      %dma_start3A_923 = arith.constant 0 : i32
      %dma_start3A_924 = arith.constant 0 : i32
      %dma_start3A_925 = tpu.memref_slice %arg2[%dma_start3A_923, %dma_start3A_924] : memref<10240x40xf32, #tpu.memory_space<hbm>> -> memref<10240x40xf32, #tpu.memory_space<hbm>>
      tpu.enqueue_indirect_dma source(%dma_start3A_925 : memref<10240x40xf32, #tpu.memory_space<hbm>>) target(%dma_start3A_919 : memref<128x40xf32, #tpu.memory_space<vmem>>) offsets(%dma_start3A_922 : memref<128xi32, #tpu.memory_space<vmem>>) semaphore(%arg10 : memref<!tpu.dma_semaphore, #tpu.memory_space<semaphore_mem>>)
      %dma_wait3A_926 = arith.constant 78 : i32
      %dma_wait3A_927 = arith.constant 0 : i32
      %dma_wait3A_928 = arith.constant 0 : i32
      %dma_wait3A_929 = arith.constant 0 : i32
      %dma_wait3A_930 = tpu.memref_slice %arg7[%dma_wait3A_927, %dma_wait3A_928, %dma_wait3A_929] : memref<6x128x40xf32, #tpu.memory_space<vmem>> -> memref<1x128x40xf32, #tpu.memory_space<vmem>>
      %dma_wait3A_931 = tpu.memref_squeeze %dma_wait3A_930 : memref<1x128x40xf32, #tpu.memory_space<vmem>> -> memref<128x40xf32, #tpu.memory_space<vmem>>
      %dma_wait3A_932 = arith.constant 0 : i32
      %dma_wait3A_933 = tpu.memref_slice %arg5[%dma_wait3A_926, %dma_wait3A_932] : memref<79x128xi32, #tpu.memory_space<vmem>> -> memref<1x128xi32, #tpu.memory_space<vmem>>
      %dma_wait3A_934 = tpu.memref_squeeze %dma_wait3A_933 : memref<1x128xi32, #tpu.memory_space<vmem>> -> memref<128xi32, #tpu.memory_space<vmem>>
      %dma_wait3A_935 = arith.constant 0 : i32
      %dma_wait3A_936 = arith.constant 0 : i32
      %dma_wait3A_937 = tpu.memref_slice %arg2[%dma_wait3A_935, %dma_wait3A_936] : memref<10240x40xf32, #tpu.memory_space<hbm>> -> memref<10240x40xf32, #tpu.memory_space<hbm>>
      tpu.wait_indirect_dma semaphore(%arg10 : memref<!tpu.dma_semaphore, #tpu.memory_space<semaphore_mem>>) src(%dma_wait3A_937 : memref<10240x40xf32, #tpu.memory_space<hbm>>) dst(%dma_wait3A_931 : memref<128x40xf32, #tpu.memory_space<vmem>>)
      %run_scoped3A = arith.constant 0 : i32
      %run_scoped3A_938 = arith.constant 78 : i32
      "tpu.region"() ({
        %run_scoped3A_939 = tpu.sem_alloc : memref<!tpu.dma_semaphore, #tpu.memory_space<semaphore_mem>>
        %dma_start3A_940 = arith.constant 0 : i32
        %dma_start3A_941 = arith.constant 0 : i32
        %dma_start3A_942 = tpu.memref_slice %arg7[%run_scoped3A, %dma_start3A_940, %dma_start3A_941] : memref<6x128x40xf32, #tpu.memory_space<vmem>> -> memref<1x128x40xf32, #tpu.memory_space<vmem>>
        %dma_start3A_943 = tpu.memref_squeeze %dma_start3A_942 : memref<1x128x40xf32, #tpu.memory_space<vmem>> -> memref<128x40xf32, #tpu.memory_space<vmem>>
        %dma_start3A_944 = arith.constant 0 : i32
        %dma_start3A_945 = tpu.memref_slice %arg6[%run_scoped3A_938, %dma_start3A_944] : memref<79x128xi32, #tpu.memory_space<vmem>> -> memref<1x128xi32, #tpu.memory_space<vmem>>
        %dma_start3A_946 = tpu.memref_squeeze %dma_start3A_945 : memref<1x128xi32, #tpu.memory_space<vmem>> -> memref<128xi32, #tpu.memory_space<vmem>>
        %dma_start3A_947 = arith.constant 0 : i32
        %dma_start3A_948 = arith.constant 0 : i32
        %dma_start3A_949 = tpu.memref_slice %arg9[%dma_start3A_947, %dma_start3A_948] : memref<10240x40xf32, #tpu.memory_space<vmem_shared>> -> memref<10240x40xf32, #tpu.memory_space<vmem_shared>>
        tpu.enqueue_indirect_dma source(%dma_start3A_943 : memref<128x40xf32, #tpu.memory_space<vmem>>) target(%dma_start3A_949 : memref<10240x40xf32, #tpu.memory_space<vmem_shared>>) offsets(%dma_start3A_946 : memref<128xi32, #tpu.memory_space<vmem>>) semaphore(%run_scoped3A_939 : memref<!tpu.dma_semaphore, #tpu.memory_space<semaphore_mem>>) {add = true}
        %dma_wait3A_950 = arith.constant 0 : i32
        %dma_wait3A_951 = arith.constant 0 : i32
        %dma_wait3A_952 = tpu.memref_slice %arg7[%run_scoped3A, %dma_wait3A_950, %dma_wait3A_951] : memref<6x128x40xf32, #tpu.memory_space<vmem>> -> memref<1x128x40xf32, #tpu.memory_space<vmem>>
        %dma_wait3A_953 = tpu.memref_squeeze %dma_wait3A_952 : memref<1x128x40xf32, #tpu.memory_space<vmem>> -> memref<128x40xf32, #tpu.memory_space<vmem>>
        %dma_wait3A_954 = arith.constant 0 : i32
        %dma_wait3A_955 = tpu.memref_slice %arg6[%run_scoped3A_938, %dma_wait3A_954] : memref<79x128xi32, #tpu.memory_space<vmem>> -> memref<1x128xi32, #tpu.memory_space<vmem>>
        %dma_wait3A_956 = tpu.memref_squeeze %dma_wait3A_955 : memref<1x128xi32, #tpu.memory_space<vmem>> -> memref<128xi32, #tpu.memory_space<vmem>>
        %dma_wait3A_957 = arith.constant 0 : i32
        %dma_wait3A_958 = arith.constant 0 : i32
        %dma_wait3A_959 = tpu.memref_slice %arg9[%dma_wait3A_957, %dma_wait3A_958] : memref<10240x40xf32, #tpu.memory_space<vmem_shared>> -> memref<10240x40xf32, #tpu.memory_space<vmem_shared>>
        tpu.wait_indirect_dma semaphore(%run_scoped3A_939 : memref<!tpu.dma_semaphore, #tpu.memory_space<semaphore_mem>>) src(%dma_wait3A_953 : memref<128x40xf32, #tpu.memory_space<vmem>>) dst(%dma_wait3A_959 : memref<10240x40xf32, #tpu.memory_space<vmem_shared>>)
        tpu.yield
      }) : () -> ()
    } else {
    }
    %barrier3A_909 = arith.constant 0 : index
    tpu.barrier barrier_id(%barrier3A_909)
    %mul3A_910 = arith.constant 640 : i32
    %mul3A_911 = arith.muli %arg1, %mul3A_910 : i32
    %mul3A_912 = arith.constant 640 : i32
    %mul3A_913 = arith.muli %arg1, %mul3A_912 : i32
    "tpu.region"() ({
      %run_scoped3A = tpu.sem_alloc : memref<!tpu.dma_semaphore, #tpu.memory_space<semaphore_mem>>
      %dma_start3A_914 = arith.constant 0 : i32
      %dma_start3A_915 = tpu.memref_slice %arg4[%arg0, %mul3A_913, %dma_start3A_914] : memref<2x10240x40xf32, #tpu.memory_space<hbm>> -> memref<1x640x40xf32, #tpu.memory_space<hbm>>
      %dma_start3A_916 = tpu.memref_squeeze %dma_start3A_915 : memref<1x640x40xf32, #tpu.memory_space<hbm>> -> memref<640x40xf32, #tpu.memory_space<hbm>>
      %dma_start3A_917 = arith.constant 0 : i32
      %dma_start3A_918 = tpu.memref_slice %arg9[%mul3A_911, %dma_start3A_917] : memref<10240x40xf32, #tpu.memory_space<vmem_shared>> -> memref<640x40xf32, #tpu.memory_space<vmem_shared>>
      tpu.enqueue_dma source(%dma_start3A_918 : memref<640x40xf32, #tpu.memory_space<vmem_shared>>) target(%dma_start3A_916 : memref<640x40xf32, #tpu.memory_space<hbm>>) target_semaphore(%run_scoped3A : memref<!tpu.dma_semaphore, #tpu.memory_space<semaphore_mem>>)
      %dma_wait3A_919 = arith.constant 0 : i32
      %dma_wait3A_920 = tpu.memref_slice %arg4[%arg0, %mul3A_913, %dma_wait3A_919] : memref<2x10240x40xf32, #tpu.memory_space<hbm>> -> memref<1x640x40xf32, #tpu.memory_space<hbm>>
      %dma_wait3A_921 = tpu.memref_squeeze %dma_wait3A_920 : memref<1x640x40xf32, #tpu.memory_space<hbm>> -> memref<640x40xf32, #tpu.memory_space<hbm>>
      %dma_wait3A_922 = arith.constant 0 : i32
      %dma_wait3A_923 = tpu.memref_slice %arg9[%mul3A_911, %dma_wait3A_922] : memref<10240x40xf32, #tpu.memory_space<vmem_shared>> -> memref<640x40xf32, #tpu.memory_space<vmem_shared>>
      tpu.wait_dma2 semaphore(%run_scoped3A : memref<!tpu.dma_semaphore, #tpu.memory_space<semaphore_mem>>) src(%dma_wait3A_923 : memref<640x40xf32, #tpu.memory_space<vmem_shared>>) dst(%dma_wait3A_921 : memref<640x40xf32, #tpu.memory_space<hbm>>)
      tpu.yield
    }) : () -> ()
    return
  }
}

#map = affine_map<(d0, d1) -> (0, 0)>
#map1 = affine_map<(d0, d1) -> (0, 0, 0)>
module attributes {stable_mosaic.version = 14 : i64} {
  func.func @_agg_body(%arg0: i32, %arg1: i32, %arg2: memref<10240x64xf32, #tpu.memory_space<hbm>>, %arg3: memref<2x2500x128xi32, #tpu.memory_space<hbm>>, %arg4: memref<2x10240x64xf32, #tpu.memory_space<hbm>>, %arg5: memref<79x128xi32, #tpu.memory_space<vmem>>, %arg6: memref<79x128xi32, #tpu.memory_space<vmem>>, %arg7: memref<6x128x64xf32, #tpu.memory_space<vmem>>, %arg8: memref<32x64xf32, #tpu.memory_space<vmem>>, %arg9: memref<10240x64xf32, #tpu.memory_space<vmem_shared>>, %arg10: memref<!tpu.dma_semaphore, #tpu.memory_space<semaphore_mem>>, %arg11: memref<!tpu.dma_semaphore, #tpu.memory_space<semaphore_mem>>, %arg12: memref<!tpu.dma_semaphore, #tpu.memory_space<semaphore_mem>>, %arg13: memref<!tpu.dma_semaphore, #tpu.memory_space<semaphore_mem>>, %arg14: memref<!tpu.dma_semaphore, #tpu.memory_space<semaphore_mem>>, %arg15: memref<!tpu.dma_semaphore, #tpu.memory_space<semaphore_mem>>, %arg16: memref<!tpu.dma_semaphore, #tpu.memory_space<semaphore_mem>>, %arg17: memref<!tpu.dma_semaphore, #tpu.memory_space<semaphore_mem>>, %arg18: memref<!tpu.dma_semaphore, #tpu.memory_space<semaphore_mem>>, %arg19: memref<!tpu.dma_semaphore, #tpu.memory_space<semaphore_mem>>, %arg20: memref<!tpu.dma_semaphore, #tpu.memory_space<semaphore_mem>>, %arg21: memref<!tpu.dma_semaphore, #tpu.memory_space<semaphore_mem>>) attributes {dimension_semantics = [#tpu.dimension_semantics<core_parallel>, #tpu.dimension_semantics<subcore_parallel>], iteration_bounds = array<i64: 2, 16>, scalar_prefetch = 0 : i64, scratch_operands = 17 : i64, tpu.core_type = #tpu.core_type<sc_vector_subcore>, window_params = [{transform_indices = #map}, {transform_indices = #map1}, {transform_indices = #map1}]} {
    %mul3A = arith.constant 16 : i32
    %mul3A_0 = arith.muli %arg0, %mul3A : i32
    %add3A = arith.addi %mul3A_0, %arg1 : i32
    %mul3A_1 = arith.constant 78 : i32
    %mul3A_2 = arith.muli %add3A, %mul3A_1 : i32
    %dma_start3A = arith.constant 0 : i32
    %dma_start3A_3 = arith.constant 0 : i32
    %dma_start3A_4 = arith.constant 0 : i32
    %dma_start3A_5 = tpu.memref_slice %arg5[%dma_start3A_3, %dma_start3A_4] : memref<79x128xi32, #tpu.memory_space<vmem>> -> memref<78x128xi32, #tpu.memory_space<vmem>>
    %dma_start3A_6 = arith.constant 0 : i32
    %dma_start3A_7 = tpu.memref_slice %arg3[%dma_start3A, %mul3A_2, %dma_start3A_6] : memref<2x2500x128xi32, #tpu.memory_space<hbm>> -> memref<1x78x128xi32, #tpu.memory_space<hbm>>
    %dma_start3A_8 = tpu.memref_squeeze %dma_start3A_7 : memref<1x78x128xi32, #tpu.memory_space<hbm>> -> memref<78x128xi32, #tpu.memory_space<hbm>>
    %dma_start3A_9 = arith.constant 0 : i32
    %dma_start3A_10 = arith.constant 0 : i32
    %dma_start3A_11 = tpu.memref_slice %arg5[%dma_start3A_9, %dma_start3A_10] : memref<79x128xi32, #tpu.memory_space<vmem>> -> memref<78x128xi32, #tpu.memory_space<vmem>>
    %dma_start3A_12 = arith.constant 0 : i32
    %dma_start3A_13 = tpu.memref_slice %arg3[%dma_start3A, %mul3A_2, %dma_start3A_12] : memref<2x2500x128xi32, #tpu.memory_space<hbm>> -> memref<1x78x128xi32, #tpu.memory_space<hbm>>
    %dma_start3A_14 = tpu.memref_squeeze %dma_start3A_13 : memref<1x78x128xi32, #tpu.memory_space<hbm>> -> memref<78x128xi32, #tpu.memory_space<hbm>>
    tpu.enqueue_dma source(%dma_start3A_14 : memref<78x128xi32, #tpu.memory_space<hbm>>) target(%dma_start3A_11 : memref<78x128xi32, #tpu.memory_space<vmem>>) target_semaphore(%arg10 : memref<!tpu.dma_semaphore, #tpu.memory_space<semaphore_mem>>)
    %dma_start3A_15 = arith.constant 1 : i32
    %dma_start3A_16 = arith.constant 0 : i32
    %dma_start3A_17 = arith.constant 0 : i32
    %dma_start3A_18 = tpu.memref_slice %arg6[%dma_start3A_16, %dma_start3A_17] : memref<79x128xi32, #tpu.memory_space<vmem>> -> memref<78x128xi32, #tpu.memory_space<vmem>>
    %dma_start3A_19 = arith.constant 0 : i32
    %dma_start3A_20 = tpu.memref_slice %arg3[%dma_start3A_15, %mul3A_2, %dma_start3A_19] : memref<2x2500x128xi32, #tpu.memory_space<hbm>> -> memref<1x78x128xi32, #tpu.memory_space<hbm>>
    %dma_start3A_21 = tpu.memref_squeeze %dma_start3A_20 : memref<1x78x128xi32, #tpu.memory_space<hbm>> -> memref<78x128xi32, #tpu.memory_space<hbm>>
    %dma_start3A_22 = arith.constant 0 : i32
    %dma_start3A_23 = arith.constant 0 : i32
    %dma_start3A_24 = tpu.memref_slice %arg6[%dma_start3A_22, %dma_start3A_23] : memref<79x128xi32, #tpu.memory_space<vmem>> -> memref<78x128xi32, #tpu.memory_space<vmem>>
    %dma_start3A_25 = arith.constant 0 : i32
    %dma_start3A_26 = tpu.memref_slice %arg3[%dma_start3A_15, %mul3A_2, %dma_start3A_25] : memref<2x2500x128xi32, #tpu.memory_space<hbm>> -> memref<1x78x128xi32, #tpu.memory_space<hbm>>
    %dma_start3A_27 = tpu.memref_squeeze %dma_start3A_26 : memref<1x78x128xi32, #tpu.memory_space<hbm>> -> memref<78x128xi32, #tpu.memory_space<hbm>>
    tpu.enqueue_dma source(%dma_start3A_27 : memref<78x128xi32, #tpu.memory_space<hbm>>) target(%dma_start3A_24 : memref<78x128xi32, #tpu.memory_space<vmem>>) target_semaphore(%arg11 : memref<!tpu.dma_semaphore, #tpu.memory_space<semaphore_mem>>)
    %lt3A = arith.constant 4 : i32
    %lt3A_28 = arith.cmpi slt, %add3A, %lt3A : i32
    %convert_element_type3A = arith.extui %lt3A_28 : i1 to i32
    %cond3A = arith.constant 0 : i32
    %cond3A_29 = arith.cmpi ne, %convert_element_type3A, %cond3A : i32
    scf.if %cond3A_29 {
      %add3A_1170 = arith.constant 2496 : i32
      %add3A_1171 = arith.addi %add3A_1170, %add3A : i32
      %run_scoped3A = arith.constant 0 : i32
      "tpu.region"() ({
        %run_scoped3A_1175 = tpu.sem_alloc : memref<!tpu.dma_semaphore, #tpu.memory_space<semaphore_mem>>
        %dma_start3A_1176 = arith.constant 78 : i32
        %dma_start3A_1177 = arith.constant 0 : i32
        %dma_start3A_1178 = tpu.memref_slice %arg5[%dma_start3A_1176, %dma_start3A_1177] : memref<79x128xi32, #tpu.memory_space<vmem>> -> memref<1x128xi32, #tpu.memory_space<vmem>>
        %dma_start3A_1179 = arith.constant 0 : i32
        %dma_start3A_1180 = tpu.memref_slice %arg3[%run_scoped3A, %add3A_1171, %dma_start3A_1179] : memref<2x2500x128xi32, #tpu.memory_space<hbm>> -> memref<1x1x128xi32, #tpu.memory_space<hbm>>
        %dma_start3A_1181 = tpu.memref_squeeze %dma_start3A_1180 : memref<1x1x128xi32, #tpu.memory_space<hbm>> -> memref<1x128xi32, #tpu.memory_space<hbm>>
        %dma_start3A_1182 = arith.constant 78 : i32
        %dma_start3A_1183 = arith.constant 0 : i32
        %dma_start3A_1184 = tpu.memref_slice %arg5[%dma_start3A_1182, %dma_start3A_1183] : memref<79x128xi32, #tpu.memory_space<vmem>> -> memref<1x128xi32, #tpu.memory_space<vmem>>
        %dma_start3A_1185 = arith.constant 0 : i32
        %dma_start3A_1186 = tpu.memref_slice %arg3[%run_scoped3A, %add3A_1171, %dma_start3A_1185] : memref<2x2500x128xi32, #tpu.memory_space<hbm>> -> memref<1x1x128xi32, #tpu.memory_space<hbm>>
        %dma_start3A_1187 = tpu.memref_squeeze %dma_start3A_1186 : memref<1x1x128xi32, #tpu.memory_space<hbm>> -> memref<1x128xi32, #tpu.memory_space<hbm>>
        tpu.enqueue_dma source(%dma_start3A_1187 : memref<1x128xi32, #tpu.memory_space<hbm>>) target(%dma_start3A_1184 : memref<1x128xi32, #tpu.memory_space<vmem>>) target_semaphore(%run_scoped3A_1175 : memref<!tpu.dma_semaphore, #tpu.memory_space<semaphore_mem>>)
        %dma_wait3A_1188 = arith.constant 78 : i32
        %dma_wait3A_1189 = arith.constant 0 : i32
        %dma_wait3A_1190 = tpu.memref_slice %arg5[%dma_wait3A_1188, %dma_wait3A_1189] : memref<79x128xi32, #tpu.memory_space<vmem>> -> memref<1x128xi32, #tpu.memory_space<vmem>>
        %dma_wait3A_1191 = arith.constant 0 : i32
        %dma_wait3A_1192 = tpu.memref_slice %arg3[%run_scoped3A, %add3A_1171, %dma_wait3A_1191] : memref<2x2500x128xi32, #tpu.memory_space<hbm>> -> memref<1x1x128xi32, #tpu.memory_space<hbm>>
        %dma_wait3A_1193 = tpu.memref_squeeze %dma_wait3A_1192 : memref<1x1x128xi32, #tpu.memory_space<hbm>> -> memref<1x128xi32, #tpu.memory_space<hbm>>
        %dma_wait3A_1194 = arith.constant 78 : i32
        %dma_wait3A_1195 = arith.constant 0 : i32
        %dma_wait3A_1196 = tpu.memref_slice %arg5[%dma_wait3A_1194, %dma_wait3A_1195] : memref<79x128xi32, #tpu.memory_space<vmem>> -> memref<1x128xi32, #tpu.memory_space<vmem>>
        %dma_wait3A_1197 = arith.constant 0 : i32
        %dma_wait3A_1198 = tpu.memref_slice %arg3[%run_scoped3A, %add3A_1171, %dma_wait3A_1197] : memref<2x2500x128xi32, #tpu.memory_space<hbm>> -> memref<1x1x128xi32, #tpu.memory_space<hbm>>
        %dma_wait3A_1199 = tpu.memref_squeeze %dma_wait3A_1198 : memref<1x1x128xi32, #tpu.memory_space<hbm>> -> memref<1x128xi32, #tpu.memory_space<hbm>>
        tpu.wait_dma2 semaphore(%run_scoped3A_1175 : memref<!tpu.dma_semaphore, #tpu.memory_space<semaphore_mem>>) src(%dma_wait3A_1199 : memref<1x128xi32, #tpu.memory_space<hbm>>) dst(%dma_wait3A_1196 : memref<1x128xi32, #tpu.memory_space<vmem>>)
        tpu.yield
      }) : () -> ()
      %add3A_1172 = arith.constant 2496 : i32
      %add3A_1173 = arith.addi %add3A_1172, %add3A : i32
      %run_scoped3A_1174 = arith.constant 1 : i32
      "tpu.region"() ({
        %run_scoped3A_1175 = tpu.sem_alloc : memref<!tpu.dma_semaphore, #tpu.memory_space<semaphore_mem>>
        %dma_start3A_1176 = arith.constant 78 : i32
        %dma_start3A_1177 = arith.constant 0 : i32
        %dma_start3A_1178 = tpu.memref_slice %arg6[%dma_start3A_1176, %dma_start3A_1177] : memref<79x128xi32, #tpu.memory_space<vmem>> -> memref<1x128xi32, #tpu.memory_space<vmem>>
        %dma_start3A_1179 = arith.constant 0 : i32
        %dma_start3A_1180 = tpu.memref_slice %arg3[%run_scoped3A_1174, %add3A_1173, %dma_start3A_1179] : memref<2x2500x128xi32, #tpu.memory_space<hbm>> -> memref<1x1x128xi32, #tpu.memory_space<hbm>>
        %dma_start3A_1181 = tpu.memref_squeeze %dma_start3A_1180 : memref<1x1x128xi32, #tpu.memory_space<hbm>> -> memref<1x128xi32, #tpu.memory_space<hbm>>
        %dma_start3A_1182 = arith.constant 78 : i32
        %dma_start3A_1183 = arith.constant 0 : i32
        %dma_start3A_1184 = tpu.memref_slice %arg6[%dma_start3A_1182, %dma_start3A_1183] : memref<79x128xi32, #tpu.memory_space<vmem>> -> memref<1x128xi32, #tpu.memory_space<vmem>>
        %dma_start3A_1185 = arith.constant 0 : i32
        %dma_start3A_1186 = tpu.memref_slice %arg3[%run_scoped3A_1174, %add3A_1173, %dma_start3A_1185] : memref<2x2500x128xi32, #tpu.memory_space<hbm>> -> memref<1x1x128xi32, #tpu.memory_space<hbm>>
        %dma_start3A_1187 = tpu.memref_squeeze %dma_start3A_1186 : memref<1x1x128xi32, #tpu.memory_space<hbm>> -> memref<1x128xi32, #tpu.memory_space<hbm>>
        tpu.enqueue_dma source(%dma_start3A_1187 : memref<1x128xi32, #tpu.memory_space<hbm>>) target(%dma_start3A_1184 : memref<1x128xi32, #tpu.memory_space<vmem>>) target_semaphore(%run_scoped3A_1175 : memref<!tpu.dma_semaphore, #tpu.memory_space<semaphore_mem>>)
        %dma_wait3A_1188 = arith.constant 78 : i32
        %dma_wait3A_1189 = arith.constant 0 : i32
        %dma_wait3A_1190 = tpu.memref_slice %arg6[%dma_wait3A_1188, %dma_wait3A_1189] : memref<79x128xi32, #tpu.memory_space<vmem>> -> memref<1x128xi32, #tpu.memory_space<vmem>>
        %dma_wait3A_1191 = arith.constant 0 : i32
        %dma_wait3A_1192 = tpu.memref_slice %arg3[%run_scoped3A_1174, %add3A_1173, %dma_wait3A_1191] : memref<2x2500x128xi32, #tpu.memory_space<hbm>> -> memref<1x1x128xi32, #tpu.memory_space<hbm>>
        %dma_wait3A_1193 = tpu.memref_squeeze %dma_wait3A_1192 : memref<1x1x128xi32, #tpu.memory_space<hbm>> -> memref<1x128xi32, #tpu.memory_space<hbm>>
        %dma_wait3A_1194 = arith.constant 78 : i32
        %dma_wait3A_1195 = arith.constant 0 : i32
        %dma_wait3A_1196 = tpu.memref_slice %arg6[%dma_wait3A_1194, %dma_wait3A_1195] : memref<79x128xi32, #tpu.memory_space<vmem>> -> memref<1x128xi32, #tpu.memory_space<vmem>>
        %dma_wait3A_1197 = arith.constant 0 : i32
        %dma_wait3A_1198 = tpu.memref_slice %arg3[%run_scoped3A_1174, %add3A_1173, %dma_wait3A_1197] : memref<2x2500x128xi32, #tpu.memory_space<hbm>> -> memref<1x1x128xi32, #tpu.memory_space<hbm>>
        %dma_wait3A_1199 = tpu.memref_squeeze %dma_wait3A_1198 : memref<1x1x128xi32, #tpu.memory_space<hbm>> -> memref<1x128xi32, #tpu.memory_space<hbm>>
        tpu.wait_dma2 semaphore(%run_scoped3A_1175 : memref<!tpu.dma_semaphore, #tpu.memory_space<semaphore_mem>>) src(%dma_wait3A_1199 : memref<1x128xi32, #tpu.memory_space<hbm>>) dst(%dma_wait3A_1196 : memref<1x128xi32, #tpu.memory_space<vmem>>)
        tpu.yield
      }) : () -> ()
    } else {
    }
    %broadcast_in_dim3A = arith.constant 0.000000e+00 : f32
    %broadcast_in_dim3A_30 = vector.broadcast %broadcast_in_dim3A : f32 to vector<16xf32>
    %swap3A = arith.constant 0 : i32
    %swap3A_31 = arith.index_cast %swap3A : i32 to index
    %swap3A_32 = arith.constant 0 : index
    %swap3A_33 = tpu.vector_load %arg8[%swap3A_31, %swap3A_32] {strides = array<i32>} : memref<32x64xf32, #tpu.memory_space<vmem>>, vector<1x16xf32>,
    %swap3A_34 = vector.shape_cast %swap3A_33 : vector<1x16xf32> to vector<16xf32>
    %swap3A_35 = vector.shape_cast %broadcast_in_dim3A_30 : vector<16xf32> to vector<1x16xf32>
    tpu.vector_store %arg8[%swap3A_31, %swap3A_32], %swap3A_35 {strides = array<i32>} : memref<32x64xf32, #tpu.memory_space<vmem>>, vector<1x16xf32>,
    %broadcast_in_dim3A_36 = arith.constant 0.000000e+00 : f32
    %broadcast_in_dim3A_37 = vector.broadcast %broadcast_in_dim3A_36 : f32 to vector<16xf32>
    %swap3A_38 = arith.constant 0 : i32
    %swap3A_39 = arith.index_cast %swap3A_38 : i32 to index
    %swap3A_40 = arith.constant 16 : index
    %swap3A_41 = tpu.vector_load %arg8[%swap3A_39, %swap3A_40] {strides = array<i32>} : memref<32x64xf32, #tpu.memory_space<vmem>>, vector<1x16xf32>,
    %swap3A_42 = vector.shape_cast %swap3A_41 : vector<1x16xf32> to vector<16xf32>
    %swap3A_43 = vector.shape_cast %broadcast_in_dim3A_37 : vector<16xf32> to vector<1x16xf32>
    tpu.vector_store %arg8[%swap3A_39, %swap3A_40], %swap3A_43 {strides = array<i32>} : memref<32x64xf32, #tpu.memory_space<vmem>>, vector<1x16xf32>,
    %broadcast_in_dim3A_44 = arith.constant 0.000000e+00 : f32
    %broadcast_in_dim3A_45 = vector.broadcast %broadcast_in_dim3A_44 : f32 to vector<16xf32>
    %swap3A_46 = arith.constant 0 : i32
    %swap3A_47 = arith.index_cast %swap3A_46 : i32 to index
    %swap3A_48 = arith.constant 32 : index
    %swap3A_49 = tpu.vector_load %arg8[%swap3A_47, %swap3A_48] {strides = array<i32>} : memref<32x64xf32, #tpu.memory_space<vmem>>, vector<1x16xf32>,
    %swap3A_50 = vector.shape_cast %swap3A_49 : vector<1x16xf32> to vector<16xf32>
    %swap3A_51 = vector.shape_cast %broadcast_in_dim3A_45 : vector<16xf32> to vector<1x16xf32>
    tpu.vector_store %arg8[%swap3A_47, %swap3A_48], %swap3A_51 {strides = array<i32>} : memref<32x64xf32, #tpu.memory_space<vmem>>, vector<1x16xf32>,
    %broadcast_in_dim3A_52 = arith.constant 0.000000e+00 : f32
    %broadcast_in_dim3A_53 = vector.broadcast %broadcast_in_dim3A_52 : f32 to vector<16xf32>
    %swap3A_54 = arith.constant 0 : i32
    %swap3A_55 = arith.index_cast %swap3A_54 : i32 to index
    %swap3A_56 = arith.constant 48 : index
    %swap3A_57 = tpu.vector_load %arg8[%swap3A_55, %swap3A_56] {strides = array<i32>} : memref<32x64xf32, #tpu.memory_space<vmem>>, vector<1x16xf32>,
    %swap3A_58 = vector.shape_cast %swap3A_57 : vector<1x16xf32> to vector<16xf32>
    %swap3A_59 = vector.shape_cast %broadcast_in_dim3A_53 : vector<16xf32> to vector<1x16xf32>
    tpu.vector_store %arg8[%swap3A_55, %swap3A_56], %swap3A_59 {strides = array<i32>} : memref<32x64xf32, #tpu.memory_space<vmem>>, vector<1x16xf32>,
    %broadcast_in_dim3A_60 = arith.constant 0.000000e+00 : f32
    %broadcast_in_dim3A_61 = vector.broadcast %broadcast_in_dim3A_60 : f32 to vector<16xf32>
    %swap3A_62 = arith.constant 1 : i32
    %swap3A_63 = arith.index_cast %swap3A_62 : i32 to index
    %swap3A_64 = arith.constant 0 : index
    %swap3A_65 = tpu.vector_load %arg8[%swap3A_63, %swap3A_64] {strides = array<i32>} : memref<32x64xf32, #tpu.memory_space<vmem>>, vector<1x16xf32>,
    %swap3A_66 = vector.shape_cast %swap3A_65 : vector<1x16xf32> to vector<16xf32>
    %swap3A_67 = vector.shape_cast %broadcast_in_dim3A_61 : vector<16xf32> to vector<1x16xf32>
    tpu.vector_store %arg8[%swap3A_63, %swap3A_64], %swap3A_67 {strides = array<i32>} : memref<32x64xf32, #tpu.memory_space<vmem>>, vector<1x16xf32>,
    %broadcast_in_dim3A_68 = arith.constant 0.000000e+00 : f32
    %broadcast_in_dim3A_69 = vector.broadcast %broadcast_in_dim3A_68 : f32 to vector<16xf32>
    %swap3A_70 = arith.constant 1 : i32
    %swap3A_71 = arith.index_cast %swap3A_70 : i32 to index
    %swap3A_72 = arith.constant 16 : index
    %swap3A_73 = tpu.vector_load %arg8[%swap3A_71, %swap3A_72] {strides = array<i32>} : memref<32x64xf32, #tpu.memory_space<vmem>>, vector<1x16xf32>,
    %swap3A_74 = vector.shape_cast %swap3A_73 : vector<1x16xf32> to vector<16xf32>
    %swap3A_75 = vector.shape_cast %broadcast_in_dim3A_69 : vector<16xf32> to vector<1x16xf32>
    tpu.vector_store %arg8[%swap3A_71, %swap3A_72], %swap3A_75 {strides = array<i32>} : memref<32x64xf32, #tpu.memory_space<vmem>>, vector<1x16xf32>,
    %broadcast_in_dim3A_76 = arith.constant 0.000000e+00 : f32
    %broadcast_in_dim3A_77 = vector.broadcast %broadcast_in_dim3A_76 : f32 to vector<16xf32>
    %swap3A_78 = arith.constant 1 : i32
    %swap3A_79 = arith.index_cast %swap3A_78 : i32 to index
    %swap3A_80 = arith.constant 32 : index
    %swap3A_81 = tpu.vector_load %arg8[%swap3A_79, %swap3A_80] {strides = array<i32>} : memref<32x64xf32, #tpu.memory_space<vmem>>, vector<1x16xf32>,
    %swap3A_82 = vector.shape_cast %swap3A_81 : vector<1x16xf32> to vector<16xf32>
    %swap3A_83 = vector.shape_cast %broadcast_in_dim3A_77 : vector<16xf32> to vector<1x16xf32>
    tpu.vector_store %arg8[%swap3A_79, %swap3A_80], %swap3A_83 {strides = array<i32>} : memref<32x64xf32, #tpu.memory_space<vmem>>, vector<1x16xf32>,
    %broadcast_in_dim3A_84 = arith.constant 0.000000e+00 : f32
    %broadcast_in_dim3A_85 = vector.broadcast %broadcast_in_dim3A_84 : f32 to vector<16xf32>
    %swap3A_86 = arith.constant 1 : i32
    %swap3A_87 = arith.index_cast %swap3A_86 : i32 to index
    %swap3A_88 = arith.constant 48 : index
    %swap3A_89 = tpu.vector_load %arg8[%swap3A_87, %swap3A_88] {strides = array<i32>} : memref<32x64xf32, #tpu.memory_space<vmem>>, vector<1x16xf32>,
    %swap3A_90 = vector.shape_cast %swap3A_89 : vector<1x16xf32> to vector<16xf32>
    %swap3A_91 = vector.shape_cast %broadcast_in_dim3A_85 : vector<16xf32> to vector<1x16xf32>
    tpu.vector_store %arg8[%swap3A_87, %swap3A_88], %swap3A_91 {strides = array<i32>} : memref<32x64xf32, #tpu.memory_space<vmem>>, vector<1x16xf32>,
    %broadcast_in_dim3A_92 = arith.constant 0.000000e+00 : f32
    %broadcast_in_dim3A_93 = vector.broadcast %broadcast_in_dim3A_92 : f32 to vector<16xf32>
    %swap3A_94 = arith.constant 2 : i32
    %swap3A_95 = arith.index_cast %swap3A_94 : i32 to index
    %swap3A_96 = arith.constant 0 : index
    %swap3A_97 = tpu.vector_load %arg8[%swap3A_95, %swap3A_96] {strides = array<i32>} : memref<32x64xf32, #tpu.memory_space<vmem>>, vector<1x16xf32>,
    %swap3A_98 = vector.shape_cast %swap3A_97 : vector<1x16xf32> to vector<16xf32>
    %swap3A_99 = vector.shape_cast %broadcast_in_dim3A_93 : vector<16xf32> to vector<1x16xf32>
    tpu.vector_store %arg8[%swap3A_95, %swap3A_96], %swap3A_99 {strides = array<i32>} : memref<32x64xf32, #tpu.memory_space<vmem>>, vector<1x16xf32>,
    %broadcast_in_dim3A_100 = arith.constant 0.000000e+00 : f32
    %broadcast_in_dim3A_101 = vector.broadcast %broadcast_in_dim3A_100 : f32 to vector<16xf32>
    %swap3A_102 = arith.constant 2 : i32
    %swap3A_103 = arith.index_cast %swap3A_102 : i32 to index
    %swap3A_104 = arith.constant 16 : index
    %swap3A_105 = tpu.vector_load %arg8[%swap3A_103, %swap3A_104] {strides = array<i32>} : memref<32x64xf32, #tpu.memory_space<vmem>>, vector<1x16xf32>,
    %swap3A_106 = vector.shape_cast %swap3A_105 : vector<1x16xf32> to vector<16xf32>
    %swap3A_107 = vector.shape_cast %broadcast_in_dim3A_101 : vector<16xf32> to vector<1x16xf32>
    tpu.vector_store %arg8[%swap3A_103, %swap3A_104], %swap3A_107 {strides = array<i32>} : memref<32x64xf32, #tpu.memory_space<vmem>>, vector<1x16xf32>,
    %broadcast_in_dim3A_108 = arith.constant 0.000000e+00 : f32
    %broadcast_in_dim3A_109 = vector.broadcast %broadcast_in_dim3A_108 : f32 to vector<16xf32>
    %swap3A_110 = arith.constant 2 : i32
    %swap3A_111 = arith.index_cast %swap3A_110 : i32 to index
    %swap3A_112 = arith.constant 32 : index
    %swap3A_113 = tpu.vector_load %arg8[%swap3A_111, %swap3A_112] {strides = array<i32>} : memref<32x64xf32, #tpu.memory_space<vmem>>, vector<1x16xf32>,
    %swap3A_114 = vector.shape_cast %swap3A_113 : vector<1x16xf32> to vector<16xf32>
    %swap3A_115 = vector.shape_cast %broadcast_in_dim3A_109 : vector<16xf32> to vector<1x16xf32>
    tpu.vector_store %arg8[%swap3A_111, %swap3A_112], %swap3A_115 {strides = array<i32>} : memref<32x64xf32, #tpu.memory_space<vmem>>, vector<1x16xf32>,
    %broadcast_in_dim3A_116 = arith.constant 0.000000e+00 : f32
    %broadcast_in_dim3A_117 = vector.broadcast %broadcast_in_dim3A_116 : f32 to vector<16xf32>
    %swap3A_118 = arith.constant 2 : i32
    %swap3A_119 = arith.index_cast %swap3A_118 : i32 to index
    %swap3A_120 = arith.constant 48 : index
    %swap3A_121 = tpu.vector_load %arg8[%swap3A_119, %swap3A_120] {strides = array<i32>} : memref<32x64xf32, #tpu.memory_space<vmem>>, vector<1x16xf32>,
    %swap3A_122 = vector.shape_cast %swap3A_121 : vector<1x16xf32> to vector<16xf32>
    %swap3A_123 = vector.shape_cast %broadcast_in_dim3A_117 : vector<16xf32> to vector<1x16xf32>
    tpu.vector_store %arg8[%swap3A_119, %swap3A_120], %swap3A_123 {strides = array<i32>} : memref<32x64xf32, #tpu.memory_space<vmem>>, vector<1x16xf32>,
    %broadcast_in_dim3A_124 = arith.constant 0.000000e+00 : f32
    %broadcast_in_dim3A_125 = vector.broadcast %broadcast_in_dim3A_124 : f32 to vector<16xf32>
    %swap3A_126 = arith.constant 3 : i32
    %swap3A_127 = arith.index_cast %swap3A_126 : i32 to index
    %swap3A_128 = arith.constant 0 : index
    %swap3A_129 = tpu.vector_load %arg8[%swap3A_127, %swap3A_128] {strides = array<i32>} : memref<32x64xf32, #tpu.memory_space<vmem>>, vector<1x16xf32>,
    %swap3A_130 = vector.shape_cast %swap3A_129 : vector<1x16xf32> to vector<16xf32>
    %swap3A_131 = vector.shape_cast %broadcast_in_dim3A_125 : vector<16xf32> to vector<1x16xf32>
    tpu.vector_store %arg8[%swap3A_127, %swap3A_128], %swap3A_131 {strides = array<i32>} : memref<32x64xf32, #tpu.memory_space<vmem>>, vector<1x16xf32>,
    %broadcast_in_dim3A_132 = arith.constant 0.000000e+00 : f32
    %broadcast_in_dim3A_133 = vector.broadcast %broadcast_in_dim3A_132 : f32 to vector<16xf32>
    %swap3A_134 = arith.constant 3 : i32
    %swap3A_135 = arith.index_cast %swap3A_134 : i32 to index
    %swap3A_136 = arith.constant 16 : index
    %swap3A_137 = tpu.vector_load %arg8[%swap3A_135, %swap3A_136] {strides = array<i32>} : memref<32x64xf32, #tpu.memory_space<vmem>>, vector<1x16xf32>,
    %swap3A_138 = vector.shape_cast %swap3A_137 : vector<1x16xf32> to vector<16xf32>
    %swap3A_139 = vector.shape_cast %broadcast_in_dim3A_133 : vector<16xf32> to vector<1x16xf32>
    tpu.vector_store %arg8[%swap3A_135, %swap3A_136], %swap3A_139 {strides = array<i32>} : memref<32x64xf32, #tpu.memory_space<vmem>>, vector<1x16xf32>,
    %broadcast_in_dim3A_140 = arith.constant 0.000000e+00 : f32
    %broadcast_in_dim3A_141 = vector.broadcast %broadcast_in_dim3A_140 : f32 to vector<16xf32>
    %swap3A_142 = arith.constant 3 : i32
    %swap3A_143 = arith.index_cast %swap3A_142 : i32 to index
    %swap3A_144 = arith.constant 32 : index
    %swap3A_145 = tpu.vector_load %arg8[%swap3A_143, %swap3A_144] {strides = array<i32>} : memref<32x64xf32, #tpu.memory_space<vmem>>, vector<1x16xf32>,
    %swap3A_146 = vector.shape_cast %swap3A_145 : vector<1x16xf32> to vector<16xf32>
    %swap3A_147 = vector.shape_cast %broadcast_in_dim3A_141 : vector<16xf32> to vector<1x16xf32>
    tpu.vector_store %arg8[%swap3A_143, %swap3A_144], %swap3A_147 {strides = array<i32>} : memref<32x64xf32, #tpu.memory_space<vmem>>, vector<1x16xf32>,
    %broadcast_in_dim3A_148 = arith.constant 0.000000e+00 : f32
    %broadcast_in_dim3A_149 = vector.broadcast %broadcast_in_dim3A_148 : f32 to vector<16xf32>
    %swap3A_150 = arith.constant 3 : i32
    %swap3A_151 = arith.index_cast %swap3A_150 : i32 to index
    %swap3A_152 = arith.constant 48 : index
    %swap3A_153 = tpu.vector_load %arg8[%swap3A_151, %swap3A_152] {strides = array<i32>} : memref<32x64xf32, #tpu.memory_space<vmem>>, vector<1x16xf32>,
    %swap3A_154 = vector.shape_cast %swap3A_153 : vector<1x16xf32> to vector<16xf32>
    %swap3A_155 = vector.shape_cast %broadcast_in_dim3A_149 : vector<16xf32> to vector<1x16xf32>
    tpu.vector_store %arg8[%swap3A_151, %swap3A_152], %swap3A_155 {strides = array<i32>} : memref<32x64xf32, #tpu.memory_space<vmem>>, vector<1x16xf32>,
    %broadcast_in_dim3A_156 = arith.constant 0.000000e+00 : f32
    %broadcast_in_dim3A_157 = vector.broadcast %broadcast_in_dim3A_156 : f32 to vector<16xf32>
    %swap3A_158 = arith.constant 4 : i32
    %swap3A_159 = arith.index_cast %swap3A_158 : i32 to index
    %swap3A_160 = arith.constant 0 : index
    %swap3A_161 = tpu.vector_load %arg8[%swap3A_159, %swap3A_160] {strides = array<i32>} : memref<32x64xf32, #tpu.memory_space<vmem>>, vector<1x16xf32>,
    %swap3A_162 = vector.shape_cast %swap3A_161 : vector<1x16xf32> to vector<16xf32>
    %swap3A_163 = vector.shape_cast %broadcast_in_dim3A_157 : vector<16xf32> to vector<1x16xf32>
    tpu.vector_store %arg8[%swap3A_159, %swap3A_160], %swap3A_163 {strides = array<i32>} : memref<32x64xf32, #tpu.memory_space<vmem>>, vector<1x16xf32>,
    %broadcast_in_dim3A_164 = arith.constant 0.000000e+00 : f32
    %broadcast_in_dim3A_165 = vector.broadcast %broadcast_in_dim3A_164 : f32 to vector<16xf32>
    %swap3A_166 = arith.constant 4 : i32
    %swap3A_167 = arith.index_cast %swap3A_166 : i32 to index
    %swap3A_168 = arith.constant 16 : index
    %swap3A_169 = tpu.vector_load %arg8[%swap3A_167, %swap3A_168] {strides = array<i32>} : memref<32x64xf32, #tpu.memory_space<vmem>>, vector<1x16xf32>,
    %swap3A_170 = vector.shape_cast %swap3A_169 : vector<1x16xf32> to vector<16xf32>
    %swap3A_171 = vector.shape_cast %broadcast_in_dim3A_165 : vector<16xf32> to vector<1x16xf32>
    tpu.vector_store %arg8[%swap3A_167, %swap3A_168], %swap3A_171 {strides = array<i32>} : memref<32x64xf32, #tpu.memory_space<vmem>>, vector<1x16xf32>,
    %broadcast_in_dim3A_172 = arith.constant 0.000000e+00 : f32
    %broadcast_in_dim3A_173 = vector.broadcast %broadcast_in_dim3A_172 : f32 to vector<16xf32>
    %swap3A_174 = arith.constant 4 : i32
    %swap3A_175 = arith.index_cast %swap3A_174 : i32 to index
    %swap3A_176 = arith.constant 32 : index
    %swap3A_177 = tpu.vector_load %arg8[%swap3A_175, %swap3A_176] {strides = array<i32>} : memref<32x64xf32, #tpu.memory_space<vmem>>, vector<1x16xf32>,
    %swap3A_178 = vector.shape_cast %swap3A_177 : vector<1x16xf32> to vector<16xf32>
    %swap3A_179 = vector.shape_cast %broadcast_in_dim3A_173 : vector<16xf32> to vector<1x16xf32>
    tpu.vector_store %arg8[%swap3A_175, %swap3A_176], %swap3A_179 {strides = array<i32>} : memref<32x64xf32, #tpu.memory_space<vmem>>, vector<1x16xf32>,
    %broadcast_in_dim3A_180 = arith.constant 0.000000e+00 : f32
    %broadcast_in_dim3A_181 = vector.broadcast %broadcast_in_dim3A_180 : f32 to vector<16xf32>
    %swap3A_182 = arith.constant 4 : i32
    %swap3A_183 = arith.index_cast %swap3A_182 : i32 to index
    %swap3A_184 = arith.constant 48 : index
    %swap3A_185 = tpu.vector_load %arg8[%swap3A_183, %swap3A_184] {strides = array<i32>} : memref<32x64xf32, #tpu.memory_space<vmem>>, vector<1x16xf32>,
    %swap3A_186 = vector.shape_cast %swap3A_185 : vector<1x16xf32> to vector<16xf32>
    %swap3A_187 = vector.shape_cast %broadcast_in_dim3A_181 : vector<16xf32> to vector<1x16xf32>
    tpu.vector_store %arg8[%swap3A_183, %swap3A_184], %swap3A_187 {strides = array<i32>} : memref<32x64xf32, #tpu.memory_space<vmem>>, vector<1x16xf32>,
    %broadcast_in_dim3A_188 = arith.constant 0.000000e+00 : f32
    %broadcast_in_dim3A_189 = vector.broadcast %broadcast_in_dim3A_188 : f32 to vector<16xf32>
    %swap3A_190 = arith.constant 5 : i32
    %swap3A_191 = arith.index_cast %swap3A_190 : i32 to index
    %swap3A_192 = arith.constant 0 : index
    %swap3A_193 = tpu.vector_load %arg8[%swap3A_191, %swap3A_192] {strides = array<i32>} : memref<32x64xf32, #tpu.memory_space<vmem>>, vector<1x16xf32>,
    %swap3A_194 = vector.shape_cast %swap3A_193 : vector<1x16xf32> to vector<16xf32>
    %swap3A_195 = vector.shape_cast %broadcast_in_dim3A_189 : vector<16xf32> to vector<1x16xf32>
    tpu.vector_store %arg8[%swap3A_191, %swap3A_192], %swap3A_195 {strides = array<i32>} : memref<32x64xf32, #tpu.memory_space<vmem>>, vector<1x16xf32>,
    %broadcast_in_dim3A_196 = arith.constant 0.000000e+00 : f32
    %broadcast_in_dim3A_197 = vector.broadcast %broadcast_in_dim3A_196 : f32 to vector<16xf32>
    %swap3A_198 = arith.constant 5 : i32
    %swap3A_199 = arith.index_cast %swap3A_198 : i32 to index
    %swap3A_200 = arith.constant 16 : index
    %swap3A_201 = tpu.vector_load %arg8[%swap3A_199, %swap3A_200] {strides = array<i32>} : memref<32x64xf32, #tpu.memory_space<vmem>>, vector<1x16xf32>,
    %swap3A_202 = vector.shape_cast %swap3A_201 : vector<1x16xf32> to vector<16xf32>
    %swap3A_203 = vector.shape_cast %broadcast_in_dim3A_197 : vector<16xf32> to vector<1x16xf32>
    tpu.vector_store %arg8[%swap3A_199, %swap3A_200], %swap3A_203 {strides = array<i32>} : memref<32x64xf32, #tpu.memory_space<vmem>>, vector<1x16xf32>,
    %broadcast_in_dim3A_204 = arith.constant 0.000000e+00 : f32
    %broadcast_in_dim3A_205 = vector.broadcast %broadcast_in_dim3A_204 : f32 to vector<16xf32>
    %swap3A_206 = arith.constant 5 : i32
    %swap3A_207 = arith.index_cast %swap3A_206 : i32 to index
    %swap3A_208 = arith.constant 32 : index
    %swap3A_209 = tpu.vector_load %arg8[%swap3A_207, %swap3A_208] {strides = array<i32>} : memref<32x64xf32, #tpu.memory_space<vmem>>, vector<1x16xf32>,
    %swap3A_210 = vector.shape_cast %swap3A_209 : vector<1x16xf32> to vector<16xf32>
    %swap3A_211 = vector.shape_cast %broadcast_in_dim3A_205 : vector<16xf32> to vector<1x16xf32>
    tpu.vector_store %arg8[%swap3A_207, %swap3A_208], %swap3A_211 {strides = array<i32>} : memref<32x64xf32, #tpu.memory_space<vmem>>, vector<1x16xf32>,
    %broadcast_in_dim3A_212 = arith.constant 0.000000e+00 : f32
    %broadcast_in_dim3A_213 = vector.broadcast %broadcast_in_dim3A_212 : f32 to vector<16xf32>
    %swap3A_214 = arith.constant 5 : i32
    %swap3A_215 = arith.index_cast %swap3A_214 : i32 to index
    %swap3A_216 = arith.constant 48 : index
    %swap3A_217 = tpu.vector_load %arg8[%swap3A_215, %swap3A_216] {strides = array<i32>} : memref<32x64xf32, #tpu.memory_space<vmem>>, vector<1x16xf32>,
    %swap3A_218 = vector.shape_cast %swap3A_217 : vector<1x16xf32> to vector<16xf32>
    %swap3A_219 = vector.shape_cast %broadcast_in_dim3A_213 : vector<16xf32> to vector<1x16xf32>
    tpu.vector_store %arg8[%swap3A_215, %swap3A_216], %swap3A_219 {strides = array<i32>} : memref<32x64xf32, #tpu.memory_space<vmem>>, vector<1x16xf32>,
    %broadcast_in_dim3A_220 = arith.constant 0.000000e+00 : f32
    %broadcast_in_dim3A_221 = vector.broadcast %broadcast_in_dim3A_220 : f32 to vector<16xf32>
    %swap3A_222 = arith.constant 6 : i32
    %swap3A_223 = arith.index_cast %swap3A_222 : i32 to index
    %swap3A_224 = arith.constant 0 : index
    %swap3A_225 = tpu.vector_load %arg8[%swap3A_223, %swap3A_224] {strides = array<i32>} : memref<32x64xf32, #tpu.memory_space<vmem>>, vector<1x16xf32>,
    %swap3A_226 = vector.shape_cast %swap3A_225 : vector<1x16xf32> to vector<16xf32>
    %swap3A_227 = vector.shape_cast %broadcast_in_dim3A_221 : vector<16xf32> to vector<1x16xf32>
    tpu.vector_store %arg8[%swap3A_223, %swap3A_224], %swap3A_227 {strides = array<i32>} : memref<32x64xf32, #tpu.memory_space<vmem>>, vector<1x16xf32>,
    %broadcast_in_dim3A_228 = arith.constant 0.000000e+00 : f32
    %broadcast_in_dim3A_229 = vector.broadcast %broadcast_in_dim3A_228 : f32 to vector<16xf32>
    %swap3A_230 = arith.constant 6 : i32
    %swap3A_231 = arith.index_cast %swap3A_230 : i32 to index
    %swap3A_232 = arith.constant 16 : index
    %swap3A_233 = tpu.vector_load %arg8[%swap3A_231, %swap3A_232] {strides = array<i32>} : memref<32x64xf32, #tpu.memory_space<vmem>>, vector<1x16xf32>,
    %swap3A_234 = vector.shape_cast %swap3A_233 : vector<1x16xf32> to vector<16xf32>
    %swap3A_235 = vector.shape_cast %broadcast_in_dim3A_229 : vector<16xf32> to vector<1x16xf32>
    tpu.vector_store %arg8[%swap3A_231, %swap3A_232], %swap3A_235 {strides = array<i32>} : memref<32x64xf32, #tpu.memory_space<vmem>>, vector<1x16xf32>,
    %broadcast_in_dim3A_236 = arith.constant 0.000000e+00 : f32
    %broadcast_in_dim3A_237 = vector.broadcast %broadcast_in_dim3A_236 : f32 to vector<16xf32>
    %swap3A_238 = arith.constant 6 : i32
    %swap3A_239 = arith.index_cast %swap3A_238 : i32 to index
    %swap3A_240 = arith.constant 32 : index
    %swap3A_241 = tpu.vector_load %arg8[%swap3A_239, %swap3A_240] {strides = array<i32>} : memref<32x64xf32, #tpu.memory_space<vmem>>, vector<1x16xf32>,
    %swap3A_242 = vector.shape_cast %swap3A_241 : vector<1x16xf32> to vector<16xf32>
    %swap3A_243 = vector.shape_cast %broadcast_in_dim3A_237 : vector<16xf32> to vector<1x16xf32>
    tpu.vector_store %arg8[%swap3A_239, %swap3A_240], %swap3A_243 {strides = array<i32>} : memref<32x64xf32, #tpu.memory_space<vmem>>, vector<1x16xf32>,
    %broadcast_in_dim3A_244 = arith.constant 0.000000e+00 : f32
    %broadcast_in_dim3A_245 = vector.broadcast %broadcast_in_dim3A_244 : f32 to vector<16xf32>
    %swap3A_246 = arith.constant 6 : i32
    %swap3A_247 = arith.index_cast %swap3A_246 : i32 to index
    %swap3A_248 = arith.constant 48 : index
    %swap3A_249 = tpu.vector_load %arg8[%swap3A_247, %swap3A_248] {strides = array<i32>} : memref<32x64xf32, #tpu.memory_space<vmem>>, vector<1x16xf32>,
    %swap3A_250 = vector.shape_cast %swap3A_249 : vector<1x16xf32> to vector<16xf32>
    %swap3A_251 = vector.shape_cast %broadcast_in_dim3A_245 : vector<16xf32> to vector<1x16xf32>
    tpu.vector_store %arg8[%swap3A_247, %swap3A_248], %swap3A_251 {strides = array<i32>} : memref<32x64xf32, #tpu.memory_space<vmem>>, vector<1x16xf32>,
    %broadcast_in_dim3A_252 = arith.constant 0.000000e+00 : f32
    %broadcast_in_dim3A_253 = vector.broadcast %broadcast_in_dim3A_252 : f32 to vector<16xf32>
    %swap3A_254 = arith.constant 7 : i32
    %swap3A_255 = arith.index_cast %swap3A_254 : i32 to index
    %swap3A_256 = arith.constant 0 : index
    %swap3A_257 = tpu.vector_load %arg8[%swap3A_255, %swap3A_256] {strides = array<i32>} : memref<32x64xf32, #tpu.memory_space<vmem>>, vector<1x16xf32>,
    %swap3A_258 = vector.shape_cast %swap3A_257 : vector<1x16xf32> to vector<16xf32>
    %swap3A_259 = vector.shape_cast %broadcast_in_dim3A_253 : vector<16xf32> to vector<1x16xf32>
    tpu.vector_store %arg8[%swap3A_255, %swap3A_256], %swap3A_259 {strides = array<i32>} : memref<32x64xf32, #tpu.memory_space<vmem>>, vector<1x16xf32>,
    %broadcast_in_dim3A_260 = arith.constant 0.000000e+00 : f32
    %broadcast_in_dim3A_261 = vector.broadcast %broadcast_in_dim3A_260 : f32 to vector<16xf32>
    %swap3A_262 = arith.constant 7 : i32
    %swap3A_263 = arith.index_cast %swap3A_262 : i32 to index
    %swap3A_264 = arith.constant 16 : index
    %swap3A_265 = tpu.vector_load %arg8[%swap3A_263, %swap3A_264] {strides = array<i32>} : memref<32x64xf32, #tpu.memory_space<vmem>>, vector<1x16xf32>,
    %swap3A_266 = vector.shape_cast %swap3A_265 : vector<1x16xf32> to vector<16xf32>
    %swap3A_267 = vector.shape_cast %broadcast_in_dim3A_261 : vector<16xf32> to vector<1x16xf32>
    tpu.vector_store %arg8[%swap3A_263, %swap3A_264], %swap3A_267 {strides = array<i32>} : memref<32x64xf32, #tpu.memory_space<vmem>>, vector<1x16xf32>,
    %broadcast_in_dim3A_268 = arith.constant 0.000000e+00 : f32
    %broadcast_in_dim3A_269 = vector.broadcast %broadcast_in_dim3A_268 : f32 to vector<16xf32>
    %swap3A_270 = arith.constant 7 : i32
    %swap3A_271 = arith.index_cast %swap3A_270 : i32 to index
    %swap3A_272 = arith.constant 32 : index
    %swap3A_273 = tpu.vector_load %arg8[%swap3A_271, %swap3A_272] {strides = array<i32>} : memref<32x64xf32, #tpu.memory_space<vmem>>, vector<1x16xf32>,
    %swap3A_274 = vector.shape_cast %swap3A_273 : vector<1x16xf32> to vector<16xf32>
    %swap3A_275 = vector.shape_cast %broadcast_in_dim3A_269 : vector<16xf32> to vector<1x16xf32>
    tpu.vector_store %arg8[%swap3A_271, %swap3A_272], %swap3A_275 {strides = array<i32>} : memref<32x64xf32, #tpu.memory_space<vmem>>, vector<1x16xf32>,
    %broadcast_in_dim3A_276 = arith.constant 0.000000e+00 : f32
    %broadcast_in_dim3A_277 = vector.broadcast %broadcast_in_dim3A_276 : f32 to vector<16xf32>
    %swap3A_278 = arith.constant 7 : i32
    %swap3A_279 = arith.index_cast %swap3A_278 : i32 to index
    %swap3A_280 = arith.constant 48 : index
    %swap3A_281 = tpu.vector_load %arg8[%swap3A_279, %swap3A_280] {strides = array<i32>} : memref<32x64xf32, #tpu.memory_space<vmem>>, vector<1x16xf32>,
    %swap3A_282 = vector.shape_cast %swap3A_281 : vector<1x16xf32> to vector<16xf32>
    %swap3A_283 = vector.shape_cast %broadcast_in_dim3A_277 : vector<16xf32> to vector<1x16xf32>
    tpu.vector_store %arg8[%swap3A_279, %swap3A_280], %swap3A_283 {strides = array<i32>} : memref<32x64xf32, #tpu.memory_space<vmem>>, vector<1x16xf32>,
    %broadcast_in_dim3A_284 = arith.constant 0.000000e+00 : f32
    %broadcast_in_dim3A_285 = vector.broadcast %broadcast_in_dim3A_284 : f32 to vector<16xf32>
    %swap3A_286 = arith.constant 8 : i32
    %swap3A_287 = arith.index_cast %swap3A_286 : i32 to index
    %swap3A_288 = arith.constant 0 : index
    %swap3A_289 = tpu.vector_load %arg8[%swap3A_287, %swap3A_288] {strides = array<i32>} : memref<32x64xf32, #tpu.memory_space<vmem>>, vector<1x16xf32>,
    %swap3A_290 = vector.shape_cast %swap3A_289 : vector<1x16xf32> to vector<16xf32>
    %swap3A_291 = vector.shape_cast %broadcast_in_dim3A_285 : vector<16xf32> to vector<1x16xf32>
    tpu.vector_store %arg8[%swap3A_287, %swap3A_288], %swap3A_291 {strides = array<i32>} : memref<32x64xf32, #tpu.memory_space<vmem>>, vector<1x16xf32>,
    %broadcast_in_dim3A_292 = arith.constant 0.000000e+00 : f32
    %broadcast_in_dim3A_293 = vector.broadcast %broadcast_in_dim3A_292 : f32 to vector<16xf32>
    %swap3A_294 = arith.constant 8 : i32
    %swap3A_295 = arith.index_cast %swap3A_294 : i32 to index
    %swap3A_296 = arith.constant 16 : index
    %swap3A_297 = tpu.vector_load %arg8[%swap3A_295, %swap3A_296] {strides = array<i32>} : memref<32x64xf32, #tpu.memory_space<vmem>>, vector<1x16xf32>,
    %swap3A_298 = vector.shape_cast %swap3A_297 : vector<1x16xf32> to vector<16xf32>
    %swap3A_299 = vector.shape_cast %broadcast_in_dim3A_293 : vector<16xf32> to vector<1x16xf32>
    tpu.vector_store %arg8[%swap3A_295, %swap3A_296], %swap3A_299 {strides = array<i32>} : memref<32x64xf32, #tpu.memory_space<vmem>>, vector<1x16xf32>,
    %broadcast_in_dim3A_300 = arith.constant 0.000000e+00 : f32
    %broadcast_in_dim3A_301 = vector.broadcast %broadcast_in_dim3A_300 : f32 to vector<16xf32>
    %swap3A_302 = arith.constant 8 : i32
    %swap3A_303 = arith.index_cast %swap3A_302 : i32 to index
    %swap3A_304 = arith.constant 32 : index
    %swap3A_305 = tpu.vector_load %arg8[%swap3A_303, %swap3A_304] {strides = array<i32>} : memref<32x64xf32, #tpu.memory_space<vmem>>, vector<1x16xf32>,
    %swap3A_306 = vector.shape_cast %swap3A_305 : vector<1x16xf32> to vector<16xf32>
    %swap3A_307 = vector.shape_cast %broadcast_in_dim3A_301 : vector<16xf32> to vector<1x16xf32>
    tpu.vector_store %arg8[%swap3A_303, %swap3A_304], %swap3A_307 {strides = array<i32>} : memref<32x64xf32, #tpu.memory_space<vmem>>, vector<1x16xf32>,
    %broadcast_in_dim3A_308 = arith.constant 0.000000e+00 : f32
    %broadcast_in_dim3A_309 = vector.broadcast %broadcast_in_dim3A_308 : f32 to vector<16xf32>
    %swap3A_310 = arith.constant 8 : i32
    %swap3A_311 = arith.index_cast %swap3A_310 : i32 to index
    %swap3A_312 = arith.constant 48 : index
    %swap3A_313 = tpu.vector_load %arg8[%swap3A_311, %swap3A_312] {strides = array<i32>} : memref<32x64xf32, #tpu.memory_space<vmem>>, vector<1x16xf32>,
    %swap3A_314 = vector.shape_cast %swap3A_313 : vector<1x16xf32> to vector<16xf32>
    %swap3A_315 = vector.shape_cast %broadcast_in_dim3A_309 : vector<16xf32> to vector<1x16xf32>
    tpu.vector_store %arg8[%swap3A_311, %swap3A_312], %swap3A_315 {strides = array<i32>} : memref<32x64xf32, #tpu.memory_space<vmem>>, vector<1x16xf32>,
    %broadcast_in_dim3A_316 = arith.constant 0.000000e+00 : f32
    %broadcast_in_dim3A_317 = vector.broadcast %broadcast_in_dim3A_316 : f32 to vector<16xf32>
    %swap3A_318 = arith.constant 9 : i32
    %swap3A_319 = arith.index_cast %swap3A_318 : i32 to index
    %swap3A_320 = arith.constant 0 : index
    %swap3A_321 = tpu.vector_load %arg8[%swap3A_319, %swap3A_320] {strides = array<i32>} : memref<32x64xf32, #tpu.memory_space<vmem>>, vector<1x16xf32>,
    %swap3A_322 = vector.shape_cast %swap3A_321 : vector<1x16xf32> to vector<16xf32>
    %swap3A_323 = vector.shape_cast %broadcast_in_dim3A_317 : vector<16xf32> to vector<1x16xf32>
    tpu.vector_store %arg8[%swap3A_319, %swap3A_320], %swap3A_323 {strides = array<i32>} : memref<32x64xf32, #tpu.memory_space<vmem>>, vector<1x16xf32>,
    %broadcast_in_dim3A_324 = arith.constant 0.000000e+00 : f32
    %broadcast_in_dim3A_325 = vector.broadcast %broadcast_in_dim3A_324 : f32 to vector<16xf32>
    %swap3A_326 = arith.constant 9 : i32
    %swap3A_327 = arith.index_cast %swap3A_326 : i32 to index
    %swap3A_328 = arith.constant 16 : index
    %swap3A_329 = tpu.vector_load %arg8[%swap3A_327, %swap3A_328] {strides = array<i32>} : memref<32x64xf32, #tpu.memory_space<vmem>>, vector<1x16xf32>,
    %swap3A_330 = vector.shape_cast %swap3A_329 : vector<1x16xf32> to vector<16xf32>
    %swap3A_331 = vector.shape_cast %broadcast_in_dim3A_325 : vector<16xf32> to vector<1x16xf32>
    tpu.vector_store %arg8[%swap3A_327, %swap3A_328], %swap3A_331 {strides = array<i32>} : memref<32x64xf32, #tpu.memory_space<vmem>>, vector<1x16xf32>,
    %broadcast_in_dim3A_332 = arith.constant 0.000000e+00 : f32
    %broadcast_in_dim3A_333 = vector.broadcast %broadcast_in_dim3A_332 : f32 to vector<16xf32>
    %swap3A_334 = arith.constant 9 : i32
    %swap3A_335 = arith.index_cast %swap3A_334 : i32 to index
    %swap3A_336 = arith.constant 32 : index
    %swap3A_337 = tpu.vector_load %arg8[%swap3A_335, %swap3A_336] {strides = array<i32>} : memref<32x64xf32, #tpu.memory_space<vmem>>, vector<1x16xf32>,
    %swap3A_338 = vector.shape_cast %swap3A_337 : vector<1x16xf32> to vector<16xf32>
    %swap3A_339 = vector.shape_cast %broadcast_in_dim3A_333 : vector<16xf32> to vector<1x16xf32>
    tpu.vector_store %arg8[%swap3A_335, %swap3A_336], %swap3A_339 {strides = array<i32>} : memref<32x64xf32, #tpu.memory_space<vmem>>, vector<1x16xf32>,
    %broadcast_in_dim3A_340 = arith.constant 0.000000e+00 : f32
    %broadcast_in_dim3A_341 = vector.broadcast %broadcast_in_dim3A_340 : f32 to vector<16xf32>
    %swap3A_342 = arith.constant 9 : i32
    %swap3A_343 = arith.index_cast %swap3A_342 : i32 to index
    %swap3A_344 = arith.constant 48 : index
    %swap3A_345 = tpu.vector_load %arg8[%swap3A_343, %swap3A_344] {strides = array<i32>} : memref<32x64xf32, #tpu.memory_space<vmem>>, vector<1x16xf32>,
    %swap3A_346 = vector.shape_cast %swap3A_345 : vector<1x16xf32> to vector<16xf32>
    %swap3A_347 = vector.shape_cast %broadcast_in_dim3A_341 : vector<16xf32> to vector<1x16xf32>
    tpu.vector_store %arg8[%swap3A_343, %swap3A_344], %swap3A_347 {strides = array<i32>} : memref<32x64xf32, #tpu.memory_space<vmem>>, vector<1x16xf32>,
    %broadcast_in_dim3A_348 = arith.constant 0.000000e+00 : f32
    %broadcast_in_dim3A_349 = vector.broadcast %broadcast_in_dim3A_348 : f32 to vector<16xf32>
    %swap3A_350 = arith.constant 10 : i32
    %swap3A_351 = arith.index_cast %swap3A_350 : i32 to index
    %swap3A_352 = arith.constant 0 : index
    %swap3A_353 = tpu.vector_load %arg8[%swap3A_351, %swap3A_352] {strides = array<i32>} : memref<32x64xf32, #tpu.memory_space<vmem>>, vector<1x16xf32>,
    %swap3A_354 = vector.shape_cast %swap3A_353 : vector<1x16xf32> to vector<16xf32>
    %swap3A_355 = vector.shape_cast %broadcast_in_dim3A_349 : vector<16xf32> to vector<1x16xf32>
    tpu.vector_store %arg8[%swap3A_351, %swap3A_352], %swap3A_355 {strides = array<i32>} : memref<32x64xf32, #tpu.memory_space<vmem>>, vector<1x16xf32>,
    %broadcast_in_dim3A_356 = arith.constant 0.000000e+00 : f32
    %broadcast_in_dim3A_357 = vector.broadcast %broadcast_in_dim3A_356 : f32 to vector<16xf32>
    %swap3A_358 = arith.constant 10 : i32
    %swap3A_359 = arith.index_cast %swap3A_358 : i32 to index
    %swap3A_360 = arith.constant 16 : index
    %swap3A_361 = tpu.vector_load %arg8[%swap3A_359, %swap3A_360] {strides = array<i32>} : memref<32x64xf32, #tpu.memory_space<vmem>>, vector<1x16xf32>,
    %swap3A_362 = vector.shape_cast %swap3A_361 : vector<1x16xf32> to vector<16xf32>
    %swap3A_363 = vector.shape_cast %broadcast_in_dim3A_357 : vector<16xf32> to vector<1x16xf32>
    tpu.vector_store %arg8[%swap3A_359, %swap3A_360], %swap3A_363 {strides = array<i32>} : memref<32x64xf32, #tpu.memory_space<vmem>>, vector<1x16xf32>,
    %broadcast_in_dim3A_364 = arith.constant 0.000000e+00 : f32
    %broadcast_in_dim3A_365 = vector.broadcast %broadcast_in_dim3A_364 : f32 to vector<16xf32>
    %swap3A_366 = arith.constant 10 : i32
    %swap3A_367 = arith.index_cast %swap3A_366 : i32 to index
    %swap3A_368 = arith.constant 32 : index
    %swap3A_369 = tpu.vector_load %arg8[%swap3A_367, %swap3A_368] {strides = array<i32>} : memref<32x64xf32, #tpu.memory_space<vmem>>, vector<1x16xf32>,
    %swap3A_370 = vector.shape_cast %swap3A_369 : vector<1x16xf32> to vector<16xf32>
    %swap3A_371 = vector.shape_cast %broadcast_in_dim3A_365 : vector<16xf32> to vector<1x16xf32>
    tpu.vector_store %arg8[%swap3A_367, %swap3A_368], %swap3A_371 {strides = array<i32>} : memref<32x64xf32, #tpu.memory_space<vmem>>, vector<1x16xf32>,
    %broadcast_in_dim3A_372 = arith.constant 0.000000e+00 : f32
    %broadcast_in_dim3A_373 = vector.broadcast %broadcast_in_dim3A_372 : f32 to vector<16xf32>
    %swap3A_374 = arith.constant 10 : i32
    %swap3A_375 = arith.index_cast %swap3A_374 : i32 to index
    %swap3A_376 = arith.constant 48 : index
    %swap3A_377 = tpu.vector_load %arg8[%swap3A_375, %swap3A_376] {strides = array<i32>} : memref<32x64xf32, #tpu.memory_space<vmem>>, vector<1x16xf32>,
    %swap3A_378 = vector.shape_cast %swap3A_377 : vector<1x16xf32> to vector<16xf32>
    %swap3A_379 = vector.shape_cast %broadcast_in_dim3A_373 : vector<16xf32> to vector<1x16xf32>
    tpu.vector_store %arg8[%swap3A_375, %swap3A_376], %swap3A_379 {strides = array<i32>} : memref<32x64xf32, #tpu.memory_space<vmem>>, vector<1x16xf32>,
    %broadcast_in_dim3A_380 = arith.constant 0.000000e+00 : f32
    %broadcast_in_dim3A_381 = vector.broadcast %broadcast_in_dim3A_380 : f32 to vector<16xf32>
    %swap3A_382 = arith.constant 11 : i32
    %swap3A_383 = arith.index_cast %swap3A_382 : i32 to index
    %swap3A_384 = arith.constant 0 : index
    %swap3A_385 = tpu.vector_load %arg8[%swap3A_383, %swap3A_384] {strides = array<i32>} : memref<32x64xf32, #tpu.memory_space<vmem>>, vector<1x16xf32>,
    %swap3A_386 = vector.shape_cast %swap3A_385 : vector<1x16xf32> to vector<16xf32>
    %swap3A_387 = vector.shape_cast %broadcast_in_dim3A_381 : vector<16xf32> to vector<1x16xf32>
    tpu.vector_store %arg8[%swap3A_383, %swap3A_384], %swap3A_387 {strides = array<i32>} : memref<32x64xf32, #tpu.memory_space<vmem>>, vector<1x16xf32>,
    %broadcast_in_dim3A_388 = arith.constant 0.000000e+00 : f32
    %broadcast_in_dim3A_389 = vector.broadcast %broadcast_in_dim3A_388 : f32 to vector<16xf32>
    %swap3A_390 = arith.constant 11 : i32
    %swap3A_391 = arith.index_cast %swap3A_390 : i32 to index
    %swap3A_392 = arith.constant 16 : index
    %swap3A_393 = tpu.vector_load %arg8[%swap3A_391, %swap3A_392] {strides = array<i32>} : memref<32x64xf32, #tpu.memory_space<vmem>>, vector<1x16xf32>,
    %swap3A_394 = vector.shape_cast %swap3A_393 : vector<1x16xf32> to vector<16xf32>
    %swap3A_395 = vector.shape_cast %broadcast_in_dim3A_389 : vector<16xf32> to vector<1x16xf32>
    tpu.vector_store %arg8[%swap3A_391, %swap3A_392], %swap3A_395 {strides = array<i32>} : memref<32x64xf32, #tpu.memory_space<vmem>>, vector<1x16xf32>,
    %broadcast_in_dim3A_396 = arith.constant 0.000000e+00 : f32
    %broadcast_in_dim3A_397 = vector.broadcast %broadcast_in_dim3A_396 : f32 to vector<16xf32>
    %swap3A_398 = arith.constant 11 : i32
    %swap3A_399 = arith.index_cast %swap3A_398 : i32 to index
    %swap3A_400 = arith.constant 32 : index
    %swap3A_401 = tpu.vector_load %arg8[%swap3A_399, %swap3A_400] {strides = array<i32>} : memref<32x64xf32, #tpu.memory_space<vmem>>, vector<1x16xf32>,
    %swap3A_402 = vector.shape_cast %swap3A_401 : vector<1x16xf32> to vector<16xf32>
    %swap3A_403 = vector.shape_cast %broadcast_in_dim3A_397 : vector<16xf32> to vector<1x16xf32>
    tpu.vector_store %arg8[%swap3A_399, %swap3A_400], %swap3A_403 {strides = array<i32>} : memref<32x64xf32, #tpu.memory_space<vmem>>, vector<1x16xf32>,
    %broadcast_in_dim3A_404 = arith.constant 0.000000e+00 : f32
    %broadcast_in_dim3A_405 = vector.broadcast %broadcast_in_dim3A_404 : f32 to vector<16xf32>
    %swap3A_406 = arith.constant 11 : i32
    %swap3A_407 = arith.index_cast %swap3A_406 : i32 to index
    %swap3A_408 = arith.constant 48 : index
    %swap3A_409 = tpu.vector_load %arg8[%swap3A_407, %swap3A_408] {strides = array<i32>} : memref<32x64xf32, #tpu.memory_space<vmem>>, vector<1x16xf32>,
    %swap3A_410 = vector.shape_cast %swap3A_409 : vector<1x16xf32> to vector<16xf32>
    %swap3A_411 = vector.shape_cast %broadcast_in_dim3A_405 : vector<16xf32> to vector<1x16xf32>
    tpu.vector_store %arg8[%swap3A_407, %swap3A_408], %swap3A_411 {strides = array<i32>} : memref<32x64xf32, #tpu.memory_space<vmem>>, vector<1x16xf32>,
    %broadcast_in_dim3A_412 = arith.constant 0.000000e+00 : f32
    %broadcast_in_dim3A_413 = vector.broadcast %broadcast_in_dim3A_412 : f32 to vector<16xf32>
    %swap3A_414 = arith.constant 12 : i32
    %swap3A_415 = arith.index_cast %swap3A_414 : i32 to index
    %swap3A_416 = arith.constant 0 : index
    %swap3A_417 = tpu.vector_load %arg8[%swap3A_415, %swap3A_416] {strides = array<i32>} : memref<32x64xf32, #tpu.memory_space<vmem>>, vector<1x16xf32>,
    %swap3A_418 = vector.shape_cast %swap3A_417 : vector<1x16xf32> to vector<16xf32>
    %swap3A_419 = vector.shape_cast %broadcast_in_dim3A_413 : vector<16xf32> to vector<1x16xf32>
    tpu.vector_store %arg8[%swap3A_415, %swap3A_416], %swap3A_419 {strides = array<i32>} : memref<32x64xf32, #tpu.memory_space<vmem>>, vector<1x16xf32>,
    %broadcast_in_dim3A_420 = arith.constant 0.000000e+00 : f32
    %broadcast_in_dim3A_421 = vector.broadcast %broadcast_in_dim3A_420 : f32 to vector<16xf32>
    %swap3A_422 = arith.constant 12 : i32
    %swap3A_423 = arith.index_cast %swap3A_422 : i32 to index
    %swap3A_424 = arith.constant 16 : index
    %swap3A_425 = tpu.vector_load %arg8[%swap3A_423, %swap3A_424] {strides = array<i32>} : memref<32x64xf32, #tpu.memory_space<vmem>>, vector<1x16xf32>,
    %swap3A_426 = vector.shape_cast %swap3A_425 : vector<1x16xf32> to vector<16xf32>
    %swap3A_427 = vector.shape_cast %broadcast_in_dim3A_421 : vector<16xf32> to vector<1x16xf32>
    tpu.vector_store %arg8[%swap3A_423, %swap3A_424], %swap3A_427 {strides = array<i32>} : memref<32x64xf32, #tpu.memory_space<vmem>>, vector<1x16xf32>,
    %broadcast_in_dim3A_428 = arith.constant 0.000000e+00 : f32
    %broadcast_in_dim3A_429 = vector.broadcast %broadcast_in_dim3A_428 : f32 to vector<16xf32>
    %swap3A_430 = arith.constant 12 : i32
    %swap3A_431 = arith.index_cast %swap3A_430 : i32 to index
    %swap3A_432 = arith.constant 32 : index
    %swap3A_433 = tpu.vector_load %arg8[%swap3A_431, %swap3A_432] {strides = array<i32>} : memref<32x64xf32, #tpu.memory_space<vmem>>, vector<1x16xf32>,
    %swap3A_434 = vector.shape_cast %swap3A_433 : vector<1x16xf32> to vector<16xf32>
    %swap3A_435 = vector.shape_cast %broadcast_in_dim3A_429 : vector<16xf32> to vector<1x16xf32>
    tpu.vector_store %arg8[%swap3A_431, %swap3A_432], %swap3A_435 {strides = array<i32>} : memref<32x64xf32, #tpu.memory_space<vmem>>, vector<1x16xf32>,
    %broadcast_in_dim3A_436 = arith.constant 0.000000e+00 : f32
    %broadcast_in_dim3A_437 = vector.broadcast %broadcast_in_dim3A_436 : f32 to vector<16xf32>
    %swap3A_438 = arith.constant 12 : i32
    %swap3A_439 = arith.index_cast %swap3A_438 : i32 to index
    %swap3A_440 = arith.constant 48 : index
    %swap3A_441 = tpu.vector_load %arg8[%swap3A_439, %swap3A_440] {strides = array<i32>} : memref<32x64xf32, #tpu.memory_space<vmem>>, vector<1x16xf32>,
    %swap3A_442 = vector.shape_cast %swap3A_441 : vector<1x16xf32> to vector<16xf32>
    %swap3A_443 = vector.shape_cast %broadcast_in_dim3A_437 : vector<16xf32> to vector<1x16xf32>
    tpu.vector_store %arg8[%swap3A_439, %swap3A_440], %swap3A_443 {strides = array<i32>} : memref<32x64xf32, #tpu.memory_space<vmem>>, vector<1x16xf32>,
    %broadcast_in_dim3A_444 = arith.constant 0.000000e+00 : f32
    %broadcast_in_dim3A_445 = vector.broadcast %broadcast_in_dim3A_444 : f32 to vector<16xf32>
    %swap3A_446 = arith.constant 13 : i32
    %swap3A_447 = arith.index_cast %swap3A_446 : i32 to index
    %swap3A_448 = arith.constant 0 : index
    %swap3A_449 = tpu.vector_load %arg8[%swap3A_447, %swap3A_448] {strides = array<i32>} : memref<32x64xf32, #tpu.memory_space<vmem>>, vector<1x16xf32>,
    %swap3A_450 = vector.shape_cast %swap3A_449 : vector<1x16xf32> to vector<16xf32>
    %swap3A_451 = vector.shape_cast %broadcast_in_dim3A_445 : vector<16xf32> to vector<1x16xf32>
    tpu.vector_store %arg8[%swap3A_447, %swap3A_448], %swap3A_451 {strides = array<i32>} : memref<32x64xf32, #tpu.memory_space<vmem>>, vector<1x16xf32>,
    %broadcast_in_dim3A_452 = arith.constant 0.000000e+00 : f32
    %broadcast_in_dim3A_453 = vector.broadcast %broadcast_in_dim3A_452 : f32 to vector<16xf32>
    %swap3A_454 = arith.constant 13 : i32
    %swap3A_455 = arith.index_cast %swap3A_454 : i32 to index
    %swap3A_456 = arith.constant 16 : index
    %swap3A_457 = tpu.vector_load %arg8[%swap3A_455, %swap3A_456] {strides = array<i32>} : memref<32x64xf32, #tpu.memory_space<vmem>>, vector<1x16xf32>,
    %swap3A_458 = vector.shape_cast %swap3A_457 : vector<1x16xf32> to vector<16xf32>
    %swap3A_459 = vector.shape_cast %broadcast_in_dim3A_453 : vector<16xf32> to vector<1x16xf32>
    tpu.vector_store %arg8[%swap3A_455, %swap3A_456], %swap3A_459 {strides = array<i32>} : memref<32x64xf32, #tpu.memory_space<vmem>>, vector<1x16xf32>,
    %broadcast_in_dim3A_460 = arith.constant 0.000000e+00 : f32
    %broadcast_in_dim3A_461 = vector.broadcast %broadcast_in_dim3A_460 : f32 to vector<16xf32>
    %swap3A_462 = arith.constant 13 : i32
    %swap3A_463 = arith.index_cast %swap3A_462 : i32 to index
    %swap3A_464 = arith.constant 32 : index
    %swap3A_465 = tpu.vector_load %arg8[%swap3A_463, %swap3A_464] {strides = array<i32>} : memref<32x64xf32, #tpu.memory_space<vmem>>, vector<1x16xf32>,
    %swap3A_466 = vector.shape_cast %swap3A_465 : vector<1x16xf32> to vector<16xf32>
    %swap3A_467 = vector.shape_cast %broadcast_in_dim3A_461 : vector<16xf32> to vector<1x16xf32>
    tpu.vector_store %arg8[%swap3A_463, %swap3A_464], %swap3A_467 {strides = array<i32>} : memref<32x64xf32, #tpu.memory_space<vmem>>, vector<1x16xf32>,
    %broadcast_in_dim3A_468 = arith.constant 0.000000e+00 : f32
    %broadcast_in_dim3A_469 = vector.broadcast %broadcast_in_dim3A_468 : f32 to vector<16xf32>
    %swap3A_470 = arith.constant 13 : i32
    %swap3A_471 = arith.index_cast %swap3A_470 : i32 to index
    %swap3A_472 = arith.constant 48 : index
    %swap3A_473 = tpu.vector_load %arg8[%swap3A_471, %swap3A_472] {strides = array<i32>} : memref<32x64xf32, #tpu.memory_space<vmem>>, vector<1x16xf32>,
    %swap3A_474 = vector.shape_cast %swap3A_473 : vector<1x16xf32> to vector<16xf32>
    %swap3A_475 = vector.shape_cast %broadcast_in_dim3A_469 : vector<16xf32> to vector<1x16xf32>
    tpu.vector_store %arg8[%swap3A_471, %swap3A_472], %swap3A_475 {strides = array<i32>} : memref<32x64xf32, #tpu.memory_space<vmem>>, vector<1x16xf32>,
    %broadcast_in_dim3A_476 = arith.constant 0.000000e+00 : f32
    %broadcast_in_dim3A_477 = vector.broadcast %broadcast_in_dim3A_476 : f32 to vector<16xf32>
    %swap3A_478 = arith.constant 14 : i32
    %swap3A_479 = arith.index_cast %swap3A_478 : i32 to index
    %swap3A_480 = arith.constant 0 : index
    %swap3A_481 = tpu.vector_load %arg8[%swap3A_479, %swap3A_480] {strides = array<i32>} : memref<32x64xf32, #tpu.memory_space<vmem>>, vector<1x16xf32>,
    %swap3A_482 = vector.shape_cast %swap3A_481 : vector<1x16xf32> to vector<16xf32>
    %swap3A_483 = vector.shape_cast %broadcast_in_dim3A_477 : vector<16xf32> to vector<1x16xf32>
    tpu.vector_store %arg8[%swap3A_479, %swap3A_480], %swap3A_483 {strides = array<i32>} : memref<32x64xf32, #tpu.memory_space<vmem>>, vector<1x16xf32>,
    %broadcast_in_dim3A_484 = arith.constant 0.000000e+00 : f32
    %broadcast_in_dim3A_485 = vector.broadcast %broadcast_in_dim3A_484 : f32 to vector<16xf32>
    %swap3A_486 = arith.constant 14 : i32
    %swap3A_487 = arith.index_cast %swap3A_486 : i32 to index
    %swap3A_488 = arith.constant 16 : index
    %swap3A_489 = tpu.vector_load %arg8[%swap3A_487, %swap3A_488] {strides = array<i32>} : memref<32x64xf32, #tpu.memory_space<vmem>>, vector<1x16xf32>,
    %swap3A_490 = vector.shape_cast %swap3A_489 : vector<1x16xf32> to vector<16xf32>
    %swap3A_491 = vector.shape_cast %broadcast_in_dim3A_485 : vector<16xf32> to vector<1x16xf32>
    tpu.vector_store %arg8[%swap3A_487, %swap3A_488], %swap3A_491 {strides = array<i32>} : memref<32x64xf32, #tpu.memory_space<vmem>>, vector<1x16xf32>,
    %broadcast_in_dim3A_492 = arith.constant 0.000000e+00 : f32
    %broadcast_in_dim3A_493 = vector.broadcast %broadcast_in_dim3A_492 : f32 to vector<16xf32>
    %swap3A_494 = arith.constant 14 : i32
    %swap3A_495 = arith.index_cast %swap3A_494 : i32 to index
    %swap3A_496 = arith.constant 32 : index
    %swap3A_497 = tpu.vector_load %arg8[%swap3A_495, %swap3A_496] {strides = array<i32>} : memref<32x64xf32, #tpu.memory_space<vmem>>, vector<1x16xf32>,
    %swap3A_498 = vector.shape_cast %swap3A_497 : vector<1x16xf32> to vector<16xf32>
    %swap3A_499 = vector.shape_cast %broadcast_in_dim3A_493 : vector<16xf32> to vector<1x16xf32>
    tpu.vector_store %arg8[%swap3A_495, %swap3A_496], %swap3A_499 {strides = array<i32>} : memref<32x64xf32, #tpu.memory_space<vmem>>, vector<1x16xf32>,
    %broadcast_in_dim3A_500 = arith.constant 0.000000e+00 : f32
    %broadcast_in_dim3A_501 = vector.broadcast %broadcast_in_dim3A_500 : f32 to vector<16xf32>
    %swap3A_502 = arith.constant 14 : i32
    %swap3A_503 = arith.index_cast %swap3A_502 : i32 to index
    %swap3A_504 = arith.constant 48 : index
    %swap3A_505 = tpu.vector_load %arg8[%swap3A_503, %swap3A_504] {strides = array<i32>} : memref<32x64xf32, #tpu.memory_space<vmem>>, vector<1x16xf32>,
    %swap3A_506 = vector.shape_cast %swap3A_505 : vector<1x16xf32> to vector<16xf32>
    %swap3A_507 = vector.shape_cast %broadcast_in_dim3A_501 : vector<16xf32> to vector<1x16xf32>
    tpu.vector_store %arg8[%swap3A_503, %swap3A_504], %swap3A_507 {strides = array<i32>} : memref<32x64xf32, #tpu.memory_space<vmem>>, vector<1x16xf32>,
    %broadcast_in_dim3A_508 = arith.constant 0.000000e+00 : f32
    %broadcast_in_dim3A_509 = vector.broadcast %broadcast_in_dim3A_508 : f32 to vector<16xf32>
    %swap3A_510 = arith.constant 15 : i32
    %swap3A_511 = arith.index_cast %swap3A_510 : i32 to index
    %swap3A_512 = arith.constant 0 : index
    %swap3A_513 = tpu.vector_load %arg8[%swap3A_511, %swap3A_512] {strides = array<i32>} : memref<32x64xf32, #tpu.memory_space<vmem>>, vector<1x16xf32>,
    %swap3A_514 = vector.shape_cast %swap3A_513 : vector<1x16xf32> to vector<16xf32>
    %swap3A_515 = vector.shape_cast %broadcast_in_dim3A_509 : vector<16xf32> to vector<1x16xf32>
    tpu.vector_store %arg8[%swap3A_511, %swap3A_512], %swap3A_515 {strides = array<i32>} : memref<32x64xf32, #tpu.memory_space<vmem>>, vector<1x16xf32>,
    %broadcast_in_dim3A_516 = arith.constant 0.000000e+00 : f32
    %broadcast_in_dim3A_517 = vector.broadcast %broadcast_in_dim3A_516 : f32 to vector<16xf32>
    %swap3A_518 = arith.constant 15 : i32
    %swap3A_519 = arith.index_cast %swap3A_518 : i32 to index
    %swap3A_520 = arith.constant 16 : index
    %swap3A_521 = tpu.vector_load %arg8[%swap3A_519, %swap3A_520] {strides = array<i32>} : memref<32x64xf32, #tpu.memory_space<vmem>>, vector<1x16xf32>,
    %swap3A_522 = vector.shape_cast %swap3A_521 : vector<1x16xf32> to vector<16xf32>
    %swap3A_523 = vector.shape_cast %broadcast_in_dim3A_517 : vector<16xf32> to vector<1x16xf32>
    tpu.vector_store %arg8[%swap3A_519, %swap3A_520], %swap3A_523 {strides = array<i32>} : memref<32x64xf32, #tpu.memory_space<vmem>>, vector<1x16xf32>,
    %broadcast_in_dim3A_524 = arith.constant 0.000000e+00 : f32
    %broadcast_in_dim3A_525 = vector.broadcast %broadcast_in_dim3A_524 : f32 to vector<16xf32>
    %swap3A_526 = arith.constant 15 : i32
    %swap3A_527 = arith.index_cast %swap3A_526 : i32 to index
    %swap3A_528 = arith.constant 32 : index
    %swap3A_529 = tpu.vector_load %arg8[%swap3A_527, %swap3A_528] {strides = array<i32>} : memref<32x64xf32, #tpu.memory_space<vmem>>, vector<1x16xf32>,
    %swap3A_530 = vector.shape_cast %swap3A_529 : vector<1x16xf32> to vector<16xf32>
    %swap3A_531 = vector.shape_cast %broadcast_in_dim3A_525 : vector<16xf32> to vector<1x16xf32>
    tpu.vector_store %arg8[%swap3A_527, %swap3A_528], %swap3A_531 {strides = array<i32>} : memref<32x64xf32, #tpu.memory_space<vmem>>, vector<1x16xf32>,
    %broadcast_in_dim3A_532 = arith.constant 0.000000e+00 : f32
    %broadcast_in_dim3A_533 = vector.broadcast %broadcast_in_dim3A_532 : f32 to vector<16xf32>
    %swap3A_534 = arith.constant 15 : i32
    %swap3A_535 = arith.index_cast %swap3A_534 : i32 to index
    %swap3A_536 = arith.constant 48 : index
    %swap3A_537 = tpu.vector_load %arg8[%swap3A_535, %swap3A_536] {strides = array<i32>} : memref<32x64xf32, #tpu.memory_space<vmem>>, vector<1x16xf32>,
    %swap3A_538 = vector.shape_cast %swap3A_537 : vector<1x16xf32> to vector<16xf32>
    %swap3A_539 = vector.shape_cast %broadcast_in_dim3A_533 : vector<16xf32> to vector<1x16xf32>
    tpu.vector_store %arg8[%swap3A_535, %swap3A_536], %swap3A_539 {strides = array<i32>} : memref<32x64xf32, #tpu.memory_space<vmem>>, vector<1x16xf32>,
    %broadcast_in_dim3A_540 = arith.constant 0.000000e+00 : f32
    %broadcast_in_dim3A_541 = vector.broadcast %broadcast_in_dim3A_540 : f32 to vector<16xf32>
    %swap3A_542 = arith.constant 16 : i32
    %swap3A_543 = arith.index_cast %swap3A_542 : i32 to index
    %swap3A_544 = arith.constant 0 : index
    %swap3A_545 = tpu.vector_load %arg8[%swap3A_543, %swap3A_544] {strides = array<i32>} : memref<32x64xf32, #tpu.memory_space<vmem>>, vector<1x16xf32>,
    %swap3A_546 = vector.shape_cast %swap3A_545 : vector<1x16xf32> to vector<16xf32>
    %swap3A_547 = vector.shape_cast %broadcast_in_dim3A_541 : vector<16xf32> to vector<1x16xf32>
    tpu.vector_store %arg8[%swap3A_543, %swap3A_544], %swap3A_547 {strides = array<i32>} : memref<32x64xf32, #tpu.memory_space<vmem>>, vector<1x16xf32>,
    %broadcast_in_dim3A_548 = arith.constant 0.000000e+00 : f32
    %broadcast_in_dim3A_549 = vector.broadcast %broadcast_in_dim3A_548 : f32 to vector<16xf32>
    %swap3A_550 = arith.constant 16 : i32
    %swap3A_551 = arith.index_cast %swap3A_550 : i32 to index
    %swap3A_552 = arith.constant 16 : index
    %swap3A_553 = tpu.vector_load %arg8[%swap3A_551, %swap3A_552] {strides = array<i32>} : memref<32x64xf32, #tpu.memory_space<vmem>>, vector<1x16xf32>,
    %swap3A_554 = vector.shape_cast %swap3A_553 : vector<1x16xf32> to vector<16xf32>
    %swap3A_555 = vector.shape_cast %broadcast_in_dim3A_549 : vector<16xf32> to vector<1x16xf32>
    tpu.vector_store %arg8[%swap3A_551, %swap3A_552], %swap3A_555 {strides = array<i32>} : memref<32x64xf32, #tpu.memory_space<vmem>>, vector<1x16xf32>,
    %broadcast_in_dim3A_556 = arith.constant 0.000000e+00 : f32
    %broadcast_in_dim3A_557 = vector.broadcast %broadcast_in_dim3A_556 : f32 to vector<16xf32>
    %swap3A_558 = arith.constant 16 : i32
    %swap3A_559 = arith.index_cast %swap3A_558 : i32 to index
    %swap3A_560 = arith.constant 32 : index
    %swap3A_561 = tpu.vector_load %arg8[%swap3A_559, %swap3A_560] {strides = array<i32>} : memref<32x64xf32, #tpu.memory_space<vmem>>, vector<1x16xf32>,
    %swap3A_562 = vector.shape_cast %swap3A_561 : vector<1x16xf32> to vector<16xf32>
    %swap3A_563 = vector.shape_cast %broadcast_in_dim3A_557 : vector<16xf32> to vector<1x16xf32>
    tpu.vector_store %arg8[%swap3A_559, %swap3A_560], %swap3A_563 {strides = array<i32>} : memref<32x64xf32, #tpu.memory_space<vmem>>, vector<1x16xf32>,
    %broadcast_in_dim3A_564 = arith.constant 0.000000e+00 : f32
    %broadcast_in_dim3A_565 = vector.broadcast %broadcast_in_dim3A_564 : f32 to vector<16xf32>
    %swap3A_566 = arith.constant 16 : i32
    %swap3A_567 = arith.index_cast %swap3A_566 : i32 to index
    %swap3A_568 = arith.constant 48 : index
    %swap3A_569 = tpu.vector_load %arg8[%swap3A_567, %swap3A_568] {strides = array<i32>} : memref<32x64xf32, #tpu.memory_space<vmem>>, vector<1x16xf32>,
    %swap3A_570 = vector.shape_cast %swap3A_569 : vector<1x16xf32> to vector<16xf32>
    %swap3A_571 = vector.shape_cast %broadcast_in_dim3A_565 : vector<16xf32> to vector<1x16xf32>
    tpu.vector_store %arg8[%swap3A_567, %swap3A_568], %swap3A_571 {strides = array<i32>} : memref<32x64xf32, #tpu.memory_space<vmem>>, vector<1x16xf32>,
    %broadcast_in_dim3A_572 = arith.constant 0.000000e+00 : f32
    %broadcast_in_dim3A_573 = vector.broadcast %broadcast_in_dim3A_572 : f32 to vector<16xf32>
    %swap3A_574 = arith.constant 17 : i32
    %swap3A_575 = arith.index_cast %swap3A_574 : i32 to index
    %swap3A_576 = arith.constant 0 : index
    %swap3A_577 = tpu.vector_load %arg8[%swap3A_575, %swap3A_576] {strides = array<i32>} : memref<32x64xf32, #tpu.memory_space<vmem>>, vector<1x16xf32>,
    %swap3A_578 = vector.shape_cast %swap3A_577 : vector<1x16xf32> to vector<16xf32>
    %swap3A_579 = vector.shape_cast %broadcast_in_dim3A_573 : vector<16xf32> to vector<1x16xf32>
    tpu.vector_store %arg8[%swap3A_575, %swap3A_576], %swap3A_579 {strides = array<i32>} : memref<32x64xf32, #tpu.memory_space<vmem>>, vector<1x16xf32>,
    %broadcast_in_dim3A_580 = arith.constant 0.000000e+00 : f32
    %broadcast_in_dim3A_581 = vector.broadcast %broadcast_in_dim3A_580 : f32 to vector<16xf32>
    %swap3A_582 = arith.constant 17 : i32
    %swap3A_583 = arith.index_cast %swap3A_582 : i32 to index
    %swap3A_584 = arith.constant 16 : index
    %swap3A_585 = tpu.vector_load %arg8[%swap3A_583, %swap3A_584] {strides = array<i32>} : memref<32x64xf32, #tpu.memory_space<vmem>>, vector<1x16xf32>,
    %swap3A_586 = vector.shape_cast %swap3A_585 : vector<1x16xf32> to vector<16xf32>
    %swap3A_587 = vector.shape_cast %broadcast_in_dim3A_581 : vector<16xf32> to vector<1x16xf32>
    tpu.vector_store %arg8[%swap3A_583, %swap3A_584], %swap3A_587 {strides = array<i32>} : memref<32x64xf32, #tpu.memory_space<vmem>>, vector<1x16xf32>,
    %broadcast_in_dim3A_588 = arith.constant 0.000000e+00 : f32
    %broadcast_in_dim3A_589 = vector.broadcast %broadcast_in_dim3A_588 : f32 to vector<16xf32>
    %swap3A_590 = arith.constant 17 : i32
    %swap3A_591 = arith.index_cast %swap3A_590 : i32 to index
    %swap3A_592 = arith.constant 32 : index
    %swap3A_593 = tpu.vector_load %arg8[%swap3A_591, %swap3A_592] {strides = array<i32>} : memref<32x64xf32, #tpu.memory_space<vmem>>, vector<1x16xf32>,
    %swap3A_594 = vector.shape_cast %swap3A_593 : vector<1x16xf32> to vector<16xf32>
    %swap3A_595 = vector.shape_cast %broadcast_in_dim3A_589 : vector<16xf32> to vector<1x16xf32>
    tpu.vector_store %arg8[%swap3A_591, %swap3A_592], %swap3A_595 {strides = array<i32>} : memref<32x64xf32, #tpu.memory_space<vmem>>, vector<1x16xf32>,
    %broadcast_in_dim3A_596 = arith.constant 0.000000e+00 : f32
    %broadcast_in_dim3A_597 = vector.broadcast %broadcast_in_dim3A_596 : f32 to vector<16xf32>
    %swap3A_598 = arith.constant 17 : i32
    %swap3A_599 = arith.index_cast %swap3A_598 : i32 to index
    %swap3A_600 = arith.constant 48 : index
    %swap3A_601 = tpu.vector_load %arg8[%swap3A_599, %swap3A_600] {strides = array<i32>} : memref<32x64xf32, #tpu.memory_space<vmem>>, vector<1x16xf32>,
    %swap3A_602 = vector.shape_cast %swap3A_601 : vector<1x16xf32> to vector<16xf32>
    %swap3A_603 = vector.shape_cast %broadcast_in_dim3A_597 : vector<16xf32> to vector<1x16xf32>
    tpu.vector_store %arg8[%swap3A_599, %swap3A_600], %swap3A_603 {strides = array<i32>} : memref<32x64xf32, #tpu.memory_space<vmem>>, vector<1x16xf32>,
    %broadcast_in_dim3A_604 = arith.constant 0.000000e+00 : f32
    %broadcast_in_dim3A_605 = vector.broadcast %broadcast_in_dim3A_604 : f32 to vector<16xf32>
    %swap3A_606 = arith.constant 18 : i32
    %swap3A_607 = arith.index_cast %swap3A_606 : i32 to index
    %swap3A_608 = arith.constant 0 : index
    %swap3A_609 = tpu.vector_load %arg8[%swap3A_607, %swap3A_608] {strides = array<i32>} : memref<32x64xf32, #tpu.memory_space<vmem>>, vector<1x16xf32>,
    %swap3A_610 = vector.shape_cast %swap3A_609 : vector<1x16xf32> to vector<16xf32>
    %swap3A_611 = vector.shape_cast %broadcast_in_dim3A_605 : vector<16xf32> to vector<1x16xf32>
    tpu.vector_store %arg8[%swap3A_607, %swap3A_608], %swap3A_611 {strides = array<i32>} : memref<32x64xf32, #tpu.memory_space<vmem>>, vector<1x16xf32>,
    %broadcast_in_dim3A_612 = arith.constant 0.000000e+00 : f32
    %broadcast_in_dim3A_613 = vector.broadcast %broadcast_in_dim3A_612 : f32 to vector<16xf32>
    %swap3A_614 = arith.constant 18 : i32
    %swap3A_615 = arith.index_cast %swap3A_614 : i32 to index
    %swap3A_616 = arith.constant 16 : index
    %swap3A_617 = tpu.vector_load %arg8[%swap3A_615, %swap3A_616] {strides = array<i32>} : memref<32x64xf32, #tpu.memory_space<vmem>>, vector<1x16xf32>,
    %swap3A_618 = vector.shape_cast %swap3A_617 : vector<1x16xf32> to vector<16xf32>
    %swap3A_619 = vector.shape_cast %broadcast_in_dim3A_613 : vector<16xf32> to vector<1x16xf32>
    tpu.vector_store %arg8[%swap3A_615, %swap3A_616], %swap3A_619 {strides = array<i32>} : memref<32x64xf32, #tpu.memory_space<vmem>>, vector<1x16xf32>,
    %broadcast_in_dim3A_620 = arith.constant 0.000000e+00 : f32
    %broadcast_in_dim3A_621 = vector.broadcast %broadcast_in_dim3A_620 : f32 to vector<16xf32>
    %swap3A_622 = arith.constant 18 : i32
    %swap3A_623 = arith.index_cast %swap3A_622 : i32 to index
    %swap3A_624 = arith.constant 32 : index
    %swap3A_625 = tpu.vector_load %arg8[%swap3A_623, %swap3A_624] {strides = array<i32>} : memref<32x64xf32, #tpu.memory_space<vmem>>, vector<1x16xf32>,
    %swap3A_626 = vector.shape_cast %swap3A_625 : vector<1x16xf32> to vector<16xf32>
    %swap3A_627 = vector.shape_cast %broadcast_in_dim3A_621 : vector<16xf32> to vector<1x16xf32>
    tpu.vector_store %arg8[%swap3A_623, %swap3A_624], %swap3A_627 {strides = array<i32>} : memref<32x64xf32, #tpu.memory_space<vmem>>, vector<1x16xf32>,
    %broadcast_in_dim3A_628 = arith.constant 0.000000e+00 : f32
    %broadcast_in_dim3A_629 = vector.broadcast %broadcast_in_dim3A_628 : f32 to vector<16xf32>
    %swap3A_630 = arith.constant 18 : i32
    %swap3A_631 = arith.index_cast %swap3A_630 : i32 to index
    %swap3A_632 = arith.constant 48 : index
    %swap3A_633 = tpu.vector_load %arg8[%swap3A_631, %swap3A_632] {strides = array<i32>} : memref<32x64xf32, #tpu.memory_space<vmem>>, vector<1x16xf32>,
    %swap3A_634 = vector.shape_cast %swap3A_633 : vector<1x16xf32> to vector<16xf32>
    %swap3A_635 = vector.shape_cast %broadcast_in_dim3A_629 : vector<16xf32> to vector<1x16xf32>
    tpu.vector_store %arg8[%swap3A_631, %swap3A_632], %swap3A_635 {strides = array<i32>} : memref<32x64xf32, #tpu.memory_space<vmem>>, vector<1x16xf32>,
    %broadcast_in_dim3A_636 = arith.constant 0.000000e+00 : f32
    %broadcast_in_dim3A_637 = vector.broadcast %broadcast_in_dim3A_636 : f32 to vector<16xf32>
    %swap3A_638 = arith.constant 19 : i32
    %swap3A_639 = arith.index_cast %swap3A_638 : i32 to index
    %swap3A_640 = arith.constant 0 : index
    %swap3A_641 = tpu.vector_load %arg8[%swap3A_639, %swap3A_640] {strides = array<i32>} : memref<32x64xf32, #tpu.memory_space<vmem>>, vector<1x16xf32>,
    %swap3A_642 = vector.shape_cast %swap3A_641 : vector<1x16xf32> to vector<16xf32>
    %swap3A_643 = vector.shape_cast %broadcast_in_dim3A_637 : vector<16xf32> to vector<1x16xf32>
    tpu.vector_store %arg8[%swap3A_639, %swap3A_640], %swap3A_643 {strides = array<i32>} : memref<32x64xf32, #tpu.memory_space<vmem>>, vector<1x16xf32>,
    %broadcast_in_dim3A_644 = arith.constant 0.000000e+00 : f32
    %broadcast_in_dim3A_645 = vector.broadcast %broadcast_in_dim3A_644 : f32 to vector<16xf32>
    %swap3A_646 = arith.constant 19 : i32
    %swap3A_647 = arith.index_cast %swap3A_646 : i32 to index
    %swap3A_648 = arith.constant 16 : index
    %swap3A_649 = tpu.vector_load %arg8[%swap3A_647, %swap3A_648] {strides = array<i32>} : memref<32x64xf32, #tpu.memory_space<vmem>>, vector<1x16xf32>,
    %swap3A_650 = vector.shape_cast %swap3A_649 : vector<1x16xf32> to vector<16xf32>
    %swap3A_651 = vector.shape_cast %broadcast_in_dim3A_645 : vector<16xf32> to vector<1x16xf32>
    tpu.vector_store %arg8[%swap3A_647, %swap3A_648], %swap3A_651 {strides = array<i32>} : memref<32x64xf32, #tpu.memory_space<vmem>>, vector<1x16xf32>,
    %broadcast_in_dim3A_652 = arith.constant 0.000000e+00 : f32
    %broadcast_in_dim3A_653 = vector.broadcast %broadcast_in_dim3A_652 : f32 to vector<16xf32>
    %swap3A_654 = arith.constant 19 : i32
    %swap3A_655 = arith.index_cast %swap3A_654 : i32 to index
    %swap3A_656 = arith.constant 32 : index
    %swap3A_657 = tpu.vector_load %arg8[%swap3A_655, %swap3A_656] {strides = array<i32>} : memref<32x64xf32, #tpu.memory_space<vmem>>, vector<1x16xf32>,
    %swap3A_658 = vector.shape_cast %swap3A_657 : vector<1x16xf32> to vector<16xf32>
    %swap3A_659 = vector.shape_cast %broadcast_in_dim3A_653 : vector<16xf32> to vector<1x16xf32>
    tpu.vector_store %arg8[%swap3A_655, %swap3A_656], %swap3A_659 {strides = array<i32>} : memref<32x64xf32, #tpu.memory_space<vmem>>, vector<1x16xf32>,
    %broadcast_in_dim3A_660 = arith.constant 0.000000e+00 : f32
    %broadcast_in_dim3A_661 = vector.broadcast %broadcast_in_dim3A_660 : f32 to vector<16xf32>
    %swap3A_662 = arith.constant 19 : i32
    %swap3A_663 = arith.index_cast %swap3A_662 : i32 to index
    %swap3A_664 = arith.constant 48 : index
    %swap3A_665 = tpu.vector_load %arg8[%swap3A_663, %swap3A_664] {strides = array<i32>} : memref<32x64xf32, #tpu.memory_space<vmem>>, vector<1x16xf32>,
    %swap3A_666 = vector.shape_cast %swap3A_665 : vector<1x16xf32> to vector<16xf32>
    %swap3A_667 = vector.shape_cast %broadcast_in_dim3A_661 : vector<16xf32> to vector<1x16xf32>
    tpu.vector_store %arg8[%swap3A_663, %swap3A_664], %swap3A_667 {strides = array<i32>} : memref<32x64xf32, #tpu.memory_space<vmem>>, vector<1x16xf32>,
    %broadcast_in_dim3A_668 = arith.constant 0.000000e+00 : f32
    %broadcast_in_dim3A_669 = vector.broadcast %broadcast_in_dim3A_668 : f32 to vector<16xf32>
    %swap3A_670 = arith.constant 20 : i32
    %swap3A_671 = arith.index_cast %swap3A_670 : i32 to index
    %swap3A_672 = arith.constant 0 : index
    %swap3A_673 = tpu.vector_load %arg8[%swap3A_671, %swap3A_672] {strides = array<i32>} : memref<32x64xf32, #tpu.memory_space<vmem>>, vector<1x16xf32>,
    %swap3A_674 = vector.shape_cast %swap3A_673 : vector<1x16xf32> to vector<16xf32>
    %swap3A_675 = vector.shape_cast %broadcast_in_dim3A_669 : vector<16xf32> to vector<1x16xf32>
    tpu.vector_store %arg8[%swap3A_671, %swap3A_672], %swap3A_675 {strides = array<i32>} : memref<32x64xf32, #tpu.memory_space<vmem>>, vector<1x16xf32>,
    %broadcast_in_dim3A_676 = arith.constant 0.000000e+00 : f32
    %broadcast_in_dim3A_677 = vector.broadcast %broadcast_in_dim3A_676 : f32 to vector<16xf32>
    %swap3A_678 = arith.constant 20 : i32
    %swap3A_679 = arith.index_cast %swap3A_678 : i32 to index
    %swap3A_680 = arith.constant 16 : index
    %swap3A_681 = tpu.vector_load %arg8[%swap3A_679, %swap3A_680] {strides = array<i32>} : memref<32x64xf32, #tpu.memory_space<vmem>>, vector<1x16xf32>,
    %swap3A_682 = vector.shape_cast %swap3A_681 : vector<1x16xf32> to vector<16xf32>
    %swap3A_683 = vector.shape_cast %broadcast_in_dim3A_677 : vector<16xf32> to vector<1x16xf32>
    tpu.vector_store %arg8[%swap3A_679, %swap3A_680], %swap3A_683 {strides = array<i32>} : memref<32x64xf32, #tpu.memory_space<vmem>>, vector<1x16xf32>,
    %broadcast_in_dim3A_684 = arith.constant 0.000000e+00 : f32
    %broadcast_in_dim3A_685 = vector.broadcast %broadcast_in_dim3A_684 : f32 to vector<16xf32>
    %swap3A_686 = arith.constant 20 : i32
    %swap3A_687 = arith.index_cast %swap3A_686 : i32 to index
    %swap3A_688 = arith.constant 32 : index
    %swap3A_689 = tpu.vector_load %arg8[%swap3A_687, %swap3A_688] {strides = array<i32>} : memref<32x64xf32, #tpu.memory_space<vmem>>, vector<1x16xf32>,
    %swap3A_690 = vector.shape_cast %swap3A_689 : vector<1x16xf32> to vector<16xf32>
    %swap3A_691 = vector.shape_cast %broadcast_in_dim3A_685 : vector<16xf32> to vector<1x16xf32>
    tpu.vector_store %arg8[%swap3A_687, %swap3A_688], %swap3A_691 {strides = array<i32>} : memref<32x64xf32, #tpu.memory_space<vmem>>, vector<1x16xf32>,
    %broadcast_in_dim3A_692 = arith.constant 0.000000e+00 : f32
    %broadcast_in_dim3A_693 = vector.broadcast %broadcast_in_dim3A_692 : f32 to vector<16xf32>
    %swap3A_694 = arith.constant 20 : i32
    %swap3A_695 = arith.index_cast %swap3A_694 : i32 to index
    %swap3A_696 = arith.constant 48 : index
    %swap3A_697 = tpu.vector_load %arg8[%swap3A_695, %swap3A_696] {strides = array<i32>} : memref<32x64xf32, #tpu.memory_space<vmem>>, vector<1x16xf32>,
    %swap3A_698 = vector.shape_cast %swap3A_697 : vector<1x16xf32> to vector<16xf32>
    %swap3A_699 = vector.shape_cast %broadcast_in_dim3A_693 : vector<16xf32> to vector<1x16xf32>
    tpu.vector_store %arg8[%swap3A_695, %swap3A_696], %swap3A_699 {strides = array<i32>} : memref<32x64xf32, #tpu.memory_space<vmem>>, vector<1x16xf32>,
    %broadcast_in_dim3A_700 = arith.constant 0.000000e+00 : f32
    %broadcast_in_dim3A_701 = vector.broadcast %broadcast_in_dim3A_700 : f32 to vector<16xf32>
    %swap3A_702 = arith.constant 21 : i32
    %swap3A_703 = arith.index_cast %swap3A_702 : i32 to index
    %swap3A_704 = arith.constant 0 : index
    %swap3A_705 = tpu.vector_load %arg8[%swap3A_703, %swap3A_704] {strides = array<i32>} : memref<32x64xf32, #tpu.memory_space<vmem>>, vector<1x16xf32>,
    %swap3A_706 = vector.shape_cast %swap3A_705 : vector<1x16xf32> to vector<16xf32>
    %swap3A_707 = vector.shape_cast %broadcast_in_dim3A_701 : vector<16xf32> to vector<1x16xf32>
    tpu.vector_store %arg8[%swap3A_703, %swap3A_704], %swap3A_707 {strides = array<i32>} : memref<32x64xf32, #tpu.memory_space<vmem>>, vector<1x16xf32>,
    %broadcast_in_dim3A_708 = arith.constant 0.000000e+00 : f32
    %broadcast_in_dim3A_709 = vector.broadcast %broadcast_in_dim3A_708 : f32 to vector<16xf32>
    %swap3A_710 = arith.constant 21 : i32
    %swap3A_711 = arith.index_cast %swap3A_710 : i32 to index
    %swap3A_712 = arith.constant 16 : index
    %swap3A_713 = tpu.vector_load %arg8[%swap3A_711, %swap3A_712] {strides = array<i32>} : memref<32x64xf32, #tpu.memory_space<vmem>>, vector<1x16xf32>,
    %swap3A_714 = vector.shape_cast %swap3A_713 : vector<1x16xf32> to vector<16xf32>
    %swap3A_715 = vector.shape_cast %broadcast_in_dim3A_709 : vector<16xf32> to vector<1x16xf32>
    tpu.vector_store %arg8[%swap3A_711, %swap3A_712], %swap3A_715 {strides = array<i32>} : memref<32x64xf32, #tpu.memory_space<vmem>>, vector<1x16xf32>,
    %broadcast_in_dim3A_716 = arith.constant 0.000000e+00 : f32
    %broadcast_in_dim3A_717 = vector.broadcast %broadcast_in_dim3A_716 : f32 to vector<16xf32>
    %swap3A_718 = arith.constant 21 : i32
    %swap3A_719 = arith.index_cast %swap3A_718 : i32 to index
    %swap3A_720 = arith.constant 32 : index
    %swap3A_721 = tpu.vector_load %arg8[%swap3A_719, %swap3A_720] {strides = array<i32>} : memref<32x64xf32, #tpu.memory_space<vmem>>, vector<1x16xf32>,
    %swap3A_722 = vector.shape_cast %swap3A_721 : vector<1x16xf32> to vector<16xf32>
    %swap3A_723 = vector.shape_cast %broadcast_in_dim3A_717 : vector<16xf32> to vector<1x16xf32>
    tpu.vector_store %arg8[%swap3A_719, %swap3A_720], %swap3A_723 {strides = array<i32>} : memref<32x64xf32, #tpu.memory_space<vmem>>, vector<1x16xf32>,
    %broadcast_in_dim3A_724 = arith.constant 0.000000e+00 : f32
    %broadcast_in_dim3A_725 = vector.broadcast %broadcast_in_dim3A_724 : f32 to vector<16xf32>
    %swap3A_726 = arith.constant 21 : i32
    %swap3A_727 = arith.index_cast %swap3A_726 : i32 to index
    %swap3A_728 = arith.constant 48 : index
    %swap3A_729 = tpu.vector_load %arg8[%swap3A_727, %swap3A_728] {strides = array<i32>} : memref<32x64xf32, #tpu.memory_space<vmem>>, vector<1x16xf32>,
    %swap3A_730 = vector.shape_cast %swap3A_729 : vector<1x16xf32> to vector<16xf32>
    %swap3A_731 = vector.shape_cast %broadcast_in_dim3A_725 : vector<16xf32> to vector<1x16xf32>
    tpu.vector_store %arg8[%swap3A_727, %swap3A_728], %swap3A_731 {strides = array<i32>} : memref<32x64xf32, #tpu.memory_space<vmem>>, vector<1x16xf32>,
    %broadcast_in_dim3A_732 = arith.constant 0.000000e+00 : f32
    %broadcast_in_dim3A_733 = vector.broadcast %broadcast_in_dim3A_732 : f32 to vector<16xf32>
    %swap3A_734 = arith.constant 22 : i32
    %swap3A_735 = arith.index_cast %swap3A_734 : i32 to index
    %swap3A_736 = arith.constant 0 : index
    %swap3A_737 = tpu.vector_load %arg8[%swap3A_735, %swap3A_736] {strides = array<i32>} : memref<32x64xf32, #tpu.memory_space<vmem>>, vector<1x16xf32>,
    %swap3A_738 = vector.shape_cast %swap3A_737 : vector<1x16xf32> to vector<16xf32>
    %swap3A_739 = vector.shape_cast %broadcast_in_dim3A_733 : vector<16xf32> to vector<1x16xf32>
    tpu.vector_store %arg8[%swap3A_735, %swap3A_736], %swap3A_739 {strides = array<i32>} : memref<32x64xf32, #tpu.memory_space<vmem>>, vector<1x16xf32>,
    %broadcast_in_dim3A_740 = arith.constant 0.000000e+00 : f32
    %broadcast_in_dim3A_741 = vector.broadcast %broadcast_in_dim3A_740 : f32 to vector<16xf32>
    %swap3A_742 = arith.constant 22 : i32
    %swap3A_743 = arith.index_cast %swap3A_742 : i32 to index
    %swap3A_744 = arith.constant 16 : index
    %swap3A_745 = tpu.vector_load %arg8[%swap3A_743, %swap3A_744] {strides = array<i32>} : memref<32x64xf32, #tpu.memory_space<vmem>>, vector<1x16xf32>,
    %swap3A_746 = vector.shape_cast %swap3A_745 : vector<1x16xf32> to vector<16xf32>
    %swap3A_747 = vector.shape_cast %broadcast_in_dim3A_741 : vector<16xf32> to vector<1x16xf32>
    tpu.vector_store %arg8[%swap3A_743, %swap3A_744], %swap3A_747 {strides = array<i32>} : memref<32x64xf32, #tpu.memory_space<vmem>>, vector<1x16xf32>,
    %broadcast_in_dim3A_748 = arith.constant 0.000000e+00 : f32
    %broadcast_in_dim3A_749 = vector.broadcast %broadcast_in_dim3A_748 : f32 to vector<16xf32>
    %swap3A_750 = arith.constant 22 : i32
    %swap3A_751 = arith.index_cast %swap3A_750 : i32 to index
    %swap3A_752 = arith.constant 32 : index
    %swap3A_753 = tpu.vector_load %arg8[%swap3A_751, %swap3A_752] {strides = array<i32>} : memref<32x64xf32, #tpu.memory_space<vmem>>, vector<1x16xf32>,
    %swap3A_754 = vector.shape_cast %swap3A_753 : vector<1x16xf32> to vector<16xf32>
    %swap3A_755 = vector.shape_cast %broadcast_in_dim3A_749 : vector<16xf32> to vector<1x16xf32>
    tpu.vector_store %arg8[%swap3A_751, %swap3A_752], %swap3A_755 {strides = array<i32>} : memref<32x64xf32, #tpu.memory_space<vmem>>, vector<1x16xf32>,
    %broadcast_in_dim3A_756 = arith.constant 0.000000e+00 : f32
    %broadcast_in_dim3A_757 = vector.broadcast %broadcast_in_dim3A_756 : f32 to vector<16xf32>
    %swap3A_758 = arith.constant 22 : i32
    %swap3A_759 = arith.index_cast %swap3A_758 : i32 to index
    %swap3A_760 = arith.constant 48 : index
    %swap3A_761 = tpu.vector_load %arg8[%swap3A_759, %swap3A_760] {strides = array<i32>} : memref<32x64xf32, #tpu.memory_space<vmem>>, vector<1x16xf32>,
    %swap3A_762 = vector.shape_cast %swap3A_761 : vector<1x16xf32> to vector<16xf32>
    %swap3A_763 = vector.shape_cast %broadcast_in_dim3A_757 : vector<16xf32> to vector<1x16xf32>
    tpu.vector_store %arg8[%swap3A_759, %swap3A_760], %swap3A_763 {strides = array<i32>} : memref<32x64xf32, #tpu.memory_space<vmem>>, vector<1x16xf32>,
    %broadcast_in_dim3A_764 = arith.constant 0.000000e+00 : f32
    %broadcast_in_dim3A_765 = vector.broadcast %broadcast_in_dim3A_764 : f32 to vector<16xf32>
    %swap3A_766 = arith.constant 23 : i32
    %swap3A_767 = arith.index_cast %swap3A_766 : i32 to index
    %swap3A_768 = arith.constant 0 : index
    %swap3A_769 = tpu.vector_load %arg8[%swap3A_767, %swap3A_768] {strides = array<i32>} : memref<32x64xf32, #tpu.memory_space<vmem>>, vector<1x16xf32>,
    %swap3A_770 = vector.shape_cast %swap3A_769 : vector<1x16xf32> to vector<16xf32>
    %swap3A_771 = vector.shape_cast %broadcast_in_dim3A_765 : vector<16xf32> to vector<1x16xf32>
    tpu.vector_store %arg8[%swap3A_767, %swap3A_768], %swap3A_771 {strides = array<i32>} : memref<32x64xf32, #tpu.memory_space<vmem>>, vector<1x16xf32>,
    %broadcast_in_dim3A_772 = arith.constant 0.000000e+00 : f32
    %broadcast_in_dim3A_773 = vector.broadcast %broadcast_in_dim3A_772 : f32 to vector<16xf32>
    %swap3A_774 = arith.constant 23 : i32
    %swap3A_775 = arith.index_cast %swap3A_774 : i32 to index
    %swap3A_776 = arith.constant 16 : index
    %swap3A_777 = tpu.vector_load %arg8[%swap3A_775, %swap3A_776] {strides = array<i32>} : memref<32x64xf32, #tpu.memory_space<vmem>>, vector<1x16xf32>,
    %swap3A_778 = vector.shape_cast %swap3A_777 : vector<1x16xf32> to vector<16xf32>
    %swap3A_779 = vector.shape_cast %broadcast_in_dim3A_773 : vector<16xf32> to vector<1x16xf32>
    tpu.vector_store %arg8[%swap3A_775, %swap3A_776], %swap3A_779 {strides = array<i32>} : memref<32x64xf32, #tpu.memory_space<vmem>>, vector<1x16xf32>,
    %broadcast_in_dim3A_780 = arith.constant 0.000000e+00 : f32
    %broadcast_in_dim3A_781 = vector.broadcast %broadcast_in_dim3A_780 : f32 to vector<16xf32>
    %swap3A_782 = arith.constant 23 : i32
    %swap3A_783 = arith.index_cast %swap3A_782 : i32 to index
    %swap3A_784 = arith.constant 32 : index
    %swap3A_785 = tpu.vector_load %arg8[%swap3A_783, %swap3A_784] {strides = array<i32>} : memref<32x64xf32, #tpu.memory_space<vmem>>, vector<1x16xf32>,
    %swap3A_786 = vector.shape_cast %swap3A_785 : vector<1x16xf32> to vector<16xf32>
    %swap3A_787 = vector.shape_cast %broadcast_in_dim3A_781 : vector<16xf32> to vector<1x16xf32>
    tpu.vector_store %arg8[%swap3A_783, %swap3A_784], %swap3A_787 {strides = array<i32>} : memref<32x64xf32, #tpu.memory_space<vmem>>, vector<1x16xf32>,
    %broadcast_in_dim3A_788 = arith.constant 0.000000e+00 : f32
    %broadcast_in_dim3A_789 = vector.broadcast %broadcast_in_dim3A_788 : f32 to vector<16xf32>
    %swap3A_790 = arith.constant 23 : i32
    %swap3A_791 = arith.index_cast %swap3A_790 : i32 to index
    %swap3A_792 = arith.constant 48 : index
    %swap3A_793 = tpu.vector_load %arg8[%swap3A_791, %swap3A_792] {strides = array<i32>} : memref<32x64xf32, #tpu.memory_space<vmem>>, vector<1x16xf32>,
    %swap3A_794 = vector.shape_cast %swap3A_793 : vector<1x16xf32> to vector<16xf32>
    %swap3A_795 = vector.shape_cast %broadcast_in_dim3A_789 : vector<16xf32> to vector<1x16xf32>
    tpu.vector_store %arg8[%swap3A_791, %swap3A_792], %swap3A_795 {strides = array<i32>} : memref<32x64xf32, #tpu.memory_space<vmem>>, vector<1x16xf32>,
    %broadcast_in_dim3A_796 = arith.constant 0.000000e+00 : f32
    %broadcast_in_dim3A_797 = vector.broadcast %broadcast_in_dim3A_796 : f32 to vector<16xf32>
    %swap3A_798 = arith.constant 24 : i32
    %swap3A_799 = arith.index_cast %swap3A_798 : i32 to index
    %swap3A_800 = arith.constant 0 : index
    %swap3A_801 = tpu.vector_load %arg8[%swap3A_799, %swap3A_800] {strides = array<i32>} : memref<32x64xf32, #tpu.memory_space<vmem>>, vector<1x16xf32>,
    %swap3A_802 = vector.shape_cast %swap3A_801 : vector<1x16xf32> to vector<16xf32>
    %swap3A_803 = vector.shape_cast %broadcast_in_dim3A_797 : vector<16xf32> to vector<1x16xf32>
    tpu.vector_store %arg8[%swap3A_799, %swap3A_800], %swap3A_803 {strides = array<i32>} : memref<32x64xf32, #tpu.memory_space<vmem>>, vector<1x16xf32>,
    %broadcast_in_dim3A_804 = arith.constant 0.000000e+00 : f32
    %broadcast_in_dim3A_805 = vector.broadcast %broadcast_in_dim3A_804 : f32 to vector<16xf32>
    %swap3A_806 = arith.constant 24 : i32
    %swap3A_807 = arith.index_cast %swap3A_806 : i32 to index
    %swap3A_808 = arith.constant 16 : index
    %swap3A_809 = tpu.vector_load %arg8[%swap3A_807, %swap3A_808] {strides = array<i32>} : memref<32x64xf32, #tpu.memory_space<vmem>>, vector<1x16xf32>,
    %swap3A_810 = vector.shape_cast %swap3A_809 : vector<1x16xf32> to vector<16xf32>
    %swap3A_811 = vector.shape_cast %broadcast_in_dim3A_805 : vector<16xf32> to vector<1x16xf32>
    tpu.vector_store %arg8[%swap3A_807, %swap3A_808], %swap3A_811 {strides = array<i32>} : memref<32x64xf32, #tpu.memory_space<vmem>>, vector<1x16xf32>,
    %broadcast_in_dim3A_812 = arith.constant 0.000000e+00 : f32
    %broadcast_in_dim3A_813 = vector.broadcast %broadcast_in_dim3A_812 : f32 to vector<16xf32>
    %swap3A_814 = arith.constant 24 : i32
    %swap3A_815 = arith.index_cast %swap3A_814 : i32 to index
    %swap3A_816 = arith.constant 32 : index
    %swap3A_817 = tpu.vector_load %arg8[%swap3A_815, %swap3A_816] {strides = array<i32>} : memref<32x64xf32, #tpu.memory_space<vmem>>, vector<1x16xf32>,
    %swap3A_818 = vector.shape_cast %swap3A_817 : vector<1x16xf32> to vector<16xf32>
    %swap3A_819 = vector.shape_cast %broadcast_in_dim3A_813 : vector<16xf32> to vector<1x16xf32>
    tpu.vector_store %arg8[%swap3A_815, %swap3A_816], %swap3A_819 {strides = array<i32>} : memref<32x64xf32, #tpu.memory_space<vmem>>, vector<1x16xf32>,
    %broadcast_in_dim3A_820 = arith.constant 0.000000e+00 : f32
    %broadcast_in_dim3A_821 = vector.broadcast %broadcast_in_dim3A_820 : f32 to vector<16xf32>
    %swap3A_822 = arith.constant 24 : i32
    %swap3A_823 = arith.index_cast %swap3A_822 : i32 to index
    %swap3A_824 = arith.constant 48 : index
    %swap3A_825 = tpu.vector_load %arg8[%swap3A_823, %swap3A_824] {strides = array<i32>} : memref<32x64xf32, #tpu.memory_space<vmem>>, vector<1x16xf32>,
    %swap3A_826 = vector.shape_cast %swap3A_825 : vector<1x16xf32> to vector<16xf32>
    %swap3A_827 = vector.shape_cast %broadcast_in_dim3A_821 : vector<16xf32> to vector<1x16xf32>
    tpu.vector_store %arg8[%swap3A_823, %swap3A_824], %swap3A_827 {strides = array<i32>} : memref<32x64xf32, #tpu.memory_space<vmem>>, vector<1x16xf32>,
    %broadcast_in_dim3A_828 = arith.constant 0.000000e+00 : f32
    %broadcast_in_dim3A_829 = vector.broadcast %broadcast_in_dim3A_828 : f32 to vector<16xf32>
    %swap3A_830 = arith.constant 25 : i32
    %swap3A_831 = arith.index_cast %swap3A_830 : i32 to index
    %swap3A_832 = arith.constant 0 : index
    %swap3A_833 = tpu.vector_load %arg8[%swap3A_831, %swap3A_832] {strides = array<i32>} : memref<32x64xf32, #tpu.memory_space<vmem>>, vector<1x16xf32>,
    %swap3A_834 = vector.shape_cast %swap3A_833 : vector<1x16xf32> to vector<16xf32>
    %swap3A_835 = vector.shape_cast %broadcast_in_dim3A_829 : vector<16xf32> to vector<1x16xf32>
    tpu.vector_store %arg8[%swap3A_831, %swap3A_832], %swap3A_835 {strides = array<i32>} : memref<32x64xf32, #tpu.memory_space<vmem>>, vector<1x16xf32>,
    %broadcast_in_dim3A_836 = arith.constant 0.000000e+00 : f32
    %broadcast_in_dim3A_837 = vector.broadcast %broadcast_in_dim3A_836 : f32 to vector<16xf32>
    %swap3A_838 = arith.constant 25 : i32
    %swap3A_839 = arith.index_cast %swap3A_838 : i32 to index
    %swap3A_840 = arith.constant 16 : index
    %swap3A_841 = tpu.vector_load %arg8[%swap3A_839, %swap3A_840] {strides = array<i32>} : memref<32x64xf32, #tpu.memory_space<vmem>>, vector<1x16xf32>,
    %swap3A_842 = vector.shape_cast %swap3A_841 : vector<1x16xf32> to vector<16xf32>
    %swap3A_843 = vector.shape_cast %broadcast_in_dim3A_837 : vector<16xf32> to vector<1x16xf32>
    tpu.vector_store %arg8[%swap3A_839, %swap3A_840], %swap3A_843 {strides = array<i32>} : memref<32x64xf32, #tpu.memory_space<vmem>>, vector<1x16xf32>,
    %broadcast_in_dim3A_844 = arith.constant 0.000000e+00 : f32
    %broadcast_in_dim3A_845 = vector.broadcast %broadcast_in_dim3A_844 : f32 to vector<16xf32>
    %swap3A_846 = arith.constant 25 : i32
    %swap3A_847 = arith.index_cast %swap3A_846 : i32 to index
    %swap3A_848 = arith.constant 32 : index
    %swap3A_849 = tpu.vector_load %arg8[%swap3A_847, %swap3A_848] {strides = array<i32>} : memref<32x64xf32, #tpu.memory_space<vmem>>, vector<1x16xf32>,
    %swap3A_850 = vector.shape_cast %swap3A_849 : vector<1x16xf32> to vector<16xf32>
    %swap3A_851 = vector.shape_cast %broadcast_in_dim3A_845 : vector<16xf32> to vector<1x16xf32>
    tpu.vector_store %arg8[%swap3A_847, %swap3A_848], %swap3A_851 {strides = array<i32>} : memref<32x64xf32, #tpu.memory_space<vmem>>, vector<1x16xf32>,
    %broadcast_in_dim3A_852 = arith.constant 0.000000e+00 : f32
    %broadcast_in_dim3A_853 = vector.broadcast %broadcast_in_dim3A_852 : f32 to vector<16xf32>
    %swap3A_854 = arith.constant 25 : i32
    %swap3A_855 = arith.index_cast %swap3A_854 : i32 to index
    %swap3A_856 = arith.constant 48 : index
    %swap3A_857 = tpu.vector_load %arg8[%swap3A_855, %swap3A_856] {strides = array<i32>} : memref<32x64xf32, #tpu.memory_space<vmem>>, vector<1x16xf32>,
    %swap3A_858 = vector.shape_cast %swap3A_857 : vector<1x16xf32> to vector<16xf32>
    %swap3A_859 = vector.shape_cast %broadcast_in_dim3A_853 : vector<16xf32> to vector<1x16xf32>
    tpu.vector_store %arg8[%swap3A_855, %swap3A_856], %swap3A_859 {strides = array<i32>} : memref<32x64xf32, #tpu.memory_space<vmem>>, vector<1x16xf32>,
    %broadcast_in_dim3A_860 = arith.constant 0.000000e+00 : f32
    %broadcast_in_dim3A_861 = vector.broadcast %broadcast_in_dim3A_860 : f32 to vector<16xf32>
    %swap3A_862 = arith.constant 26 : i32
    %swap3A_863 = arith.index_cast %swap3A_862 : i32 to index
    %swap3A_864 = arith.constant 0 : index
    %swap3A_865 = tpu.vector_load %arg8[%swap3A_863, %swap3A_864] {strides = array<i32>} : memref<32x64xf32, #tpu.memory_space<vmem>>, vector<1x16xf32>,
    %swap3A_866 = vector.shape_cast %swap3A_865 : vector<1x16xf32> to vector<16xf32>
    %swap3A_867 = vector.shape_cast %broadcast_in_dim3A_861 : vector<16xf32> to vector<1x16xf32>
    tpu.vector_store %arg8[%swap3A_863, %swap3A_864], %swap3A_867 {strides = array<i32>} : memref<32x64xf32, #tpu.memory_space<vmem>>, vector<1x16xf32>,
    %broadcast_in_dim3A_868 = arith.constant 0.000000e+00 : f32
    %broadcast_in_dim3A_869 = vector.broadcast %broadcast_in_dim3A_868 : f32 to vector<16xf32>
    %swap3A_870 = arith.constant 26 : i32
    %swap3A_871 = arith.index_cast %swap3A_870 : i32 to index
    %swap3A_872 = arith.constant 16 : index
    %swap3A_873 = tpu.vector_load %arg8[%swap3A_871, %swap3A_872] {strides = array<i32>} : memref<32x64xf32, #tpu.memory_space<vmem>>, vector<1x16xf32>,
    %swap3A_874 = vector.shape_cast %swap3A_873 : vector<1x16xf32> to vector<16xf32>
    %swap3A_875 = vector.shape_cast %broadcast_in_dim3A_869 : vector<16xf32> to vector<1x16xf32>
    tpu.vector_store %arg8[%swap3A_871, %swap3A_872], %swap3A_875 {strides = array<i32>} : memref<32x64xf32, #tpu.memory_space<vmem>>, vector<1x16xf32>,
    %broadcast_in_dim3A_876 = arith.constant 0.000000e+00 : f32
    %broadcast_in_dim3A_877 = vector.broadcast %broadcast_in_dim3A_876 : f32 to vector<16xf32>
    %swap3A_878 = arith.constant 26 : i32
    %swap3A_879 = arith.index_cast %swap3A_878 : i32 to index
    %swap3A_880 = arith.constant 32 : index
    %swap3A_881 = tpu.vector_load %arg8[%swap3A_879, %swap3A_880] {strides = array<i32>} : memref<32x64xf32, #tpu.memory_space<vmem>>, vector<1x16xf32>,
    %swap3A_882 = vector.shape_cast %swap3A_881 : vector<1x16xf32> to vector<16xf32>
    %swap3A_883 = vector.shape_cast %broadcast_in_dim3A_877 : vector<16xf32> to vector<1x16xf32>
    tpu.vector_store %arg8[%swap3A_879, %swap3A_880], %swap3A_883 {strides = array<i32>} : memref<32x64xf32, #tpu.memory_space<vmem>>, vector<1x16xf32>,
    %broadcast_in_dim3A_884 = arith.constant 0.000000e+00 : f32
    %broadcast_in_dim3A_885 = vector.broadcast %broadcast_in_dim3A_884 : f32 to vector<16xf32>
    %swap3A_886 = arith.constant 26 : i32
    %swap3A_887 = arith.index_cast %swap3A_886 : i32 to index
    %swap3A_888 = arith.constant 48 : index
    %swap3A_889 = tpu.vector_load %arg8[%swap3A_887, %swap3A_888] {strides = array<i32>} : memref<32x64xf32, #tpu.memory_space<vmem>>, vector<1x16xf32>,
    %swap3A_890 = vector.shape_cast %swap3A_889 : vector<1x16xf32> to vector<16xf32>
    %swap3A_891 = vector.shape_cast %broadcast_in_dim3A_885 : vector<16xf32> to vector<1x16xf32>
    tpu.vector_store %arg8[%swap3A_887, %swap3A_888], %swap3A_891 {strides = array<i32>} : memref<32x64xf32, #tpu.memory_space<vmem>>, vector<1x16xf32>,
    %broadcast_in_dim3A_892 = arith.constant 0.000000e+00 : f32
    %broadcast_in_dim3A_893 = vector.broadcast %broadcast_in_dim3A_892 : f32 to vector<16xf32>
    %swap3A_894 = arith.constant 27 : i32
    %swap3A_895 = arith.index_cast %swap3A_894 : i32 to index
    %swap3A_896 = arith.constant 0 : index
    %swap3A_897 = tpu.vector_load %arg8[%swap3A_895, %swap3A_896] {strides = array<i32>} : memref<32x64xf32, #tpu.memory_space<vmem>>, vector<1x16xf32>,
    %swap3A_898 = vector.shape_cast %swap3A_897 : vector<1x16xf32> to vector<16xf32>
    %swap3A_899 = vector.shape_cast %broadcast_in_dim3A_893 : vector<16xf32> to vector<1x16xf32>
    tpu.vector_store %arg8[%swap3A_895, %swap3A_896], %swap3A_899 {strides = array<i32>} : memref<32x64xf32, #tpu.memory_space<vmem>>, vector<1x16xf32>,
    %broadcast_in_dim3A_900 = arith.constant 0.000000e+00 : f32
    %broadcast_in_dim3A_901 = vector.broadcast %broadcast_in_dim3A_900 : f32 to vector<16xf32>
    %swap3A_902 = arith.constant 27 : i32
    %swap3A_903 = arith.index_cast %swap3A_902 : i32 to index
    %swap3A_904 = arith.constant 16 : index
    %swap3A_905 = tpu.vector_load %arg8[%swap3A_903, %swap3A_904] {strides = array<i32>} : memref<32x64xf32, #tpu.memory_space<vmem>>, vector<1x16xf32>,
    %swap3A_906 = vector.shape_cast %swap3A_905 : vector<1x16xf32> to vector<16xf32>
    %swap3A_907 = vector.shape_cast %broadcast_in_dim3A_901 : vector<16xf32> to vector<1x16xf32>
    tpu.vector_store %arg8[%swap3A_903, %swap3A_904], %swap3A_907 {strides = array<i32>} : memref<32x64xf32, #tpu.memory_space<vmem>>, vector<1x16xf32>,
    %broadcast_in_dim3A_908 = arith.constant 0.000000e+00 : f32
    %broadcast_in_dim3A_909 = vector.broadcast %broadcast_in_dim3A_908 : f32 to vector<16xf32>
    %swap3A_910 = arith.constant 27 : i32
    %swap3A_911 = arith.index_cast %swap3A_910 : i32 to index
    %swap3A_912 = arith.constant 32 : index
    %swap3A_913 = tpu.vector_load %arg8[%swap3A_911, %swap3A_912] {strides = array<i32>} : memref<32x64xf32, #tpu.memory_space<vmem>>, vector<1x16xf32>,
    %swap3A_914 = vector.shape_cast %swap3A_913 : vector<1x16xf32> to vector<16xf32>
    %swap3A_915 = vector.shape_cast %broadcast_in_dim3A_909 : vector<16xf32> to vector<1x16xf32>
    tpu.vector_store %arg8[%swap3A_911, %swap3A_912], %swap3A_915 {strides = array<i32>} : memref<32x64xf32, #tpu.memory_space<vmem>>, vector<1x16xf32>,
    %broadcast_in_dim3A_916 = arith.constant 0.000000e+00 : f32
    %broadcast_in_dim3A_917 = vector.broadcast %broadcast_in_dim3A_916 : f32 to vector<16xf32>
    %swap3A_918 = arith.constant 27 : i32
    %swap3A_919 = arith.index_cast %swap3A_918 : i32 to index
    %swap3A_920 = arith.constant 48 : index
    %swap3A_921 = tpu.vector_load %arg8[%swap3A_919, %swap3A_920] {strides = array<i32>} : memref<32x64xf32, #tpu.memory_space<vmem>>, vector<1x16xf32>,
    %swap3A_922 = vector.shape_cast %swap3A_921 : vector<1x16xf32> to vector<16xf32>
    %swap3A_923 = vector.shape_cast %broadcast_in_dim3A_917 : vector<16xf32> to vector<1x16xf32>
    tpu.vector_store %arg8[%swap3A_919, %swap3A_920], %swap3A_923 {strides = array<i32>} : memref<32x64xf32, #tpu.memory_space<vmem>>, vector<1x16xf32>,
    %broadcast_in_dim3A_924 = arith.constant 0.000000e+00 : f32
    %broadcast_in_dim3A_925 = vector.broadcast %broadcast_in_dim3A_924 : f32 to vector<16xf32>
    %swap3A_926 = arith.constant 28 : i32
    %swap3A_927 = arith.index_cast %swap3A_926 : i32 to index
    %swap3A_928 = arith.constant 0 : index
    %swap3A_929 = tpu.vector_load %arg8[%swap3A_927, %swap3A_928] {strides = array<i32>} : memref<32x64xf32, #tpu.memory_space<vmem>>, vector<1x16xf32>,
    %swap3A_930 = vector.shape_cast %swap3A_929 : vector<1x16xf32> to vector<16xf32>
    %swap3A_931 = vector.shape_cast %broadcast_in_dim3A_925 : vector<16xf32> to vector<1x16xf32>
    tpu.vector_store %arg8[%swap3A_927, %swap3A_928], %swap3A_931 {strides = array<i32>} : memref<32x64xf32, #tpu.memory_space<vmem>>, vector<1x16xf32>,
    %broadcast_in_dim3A_932 = arith.constant 0.000000e+00 : f32
    %broadcast_in_dim3A_933 = vector.broadcast %broadcast_in_dim3A_932 : f32 to vector<16xf32>
    %swap3A_934 = arith.constant 28 : i32
    %swap3A_935 = arith.index_cast %swap3A_934 : i32 to index
    %swap3A_936 = arith.constant 16 : index
    %swap3A_937 = tpu.vector_load %arg8[%swap3A_935, %swap3A_936] {strides = array<i32>} : memref<32x64xf32, #tpu.memory_space<vmem>>, vector<1x16xf32>,
    %swap3A_938 = vector.shape_cast %swap3A_937 : vector<1x16xf32> to vector<16xf32>
    %swap3A_939 = vector.shape_cast %broadcast_in_dim3A_933 : vector<16xf32> to vector<1x16xf32>
    tpu.vector_store %arg8[%swap3A_935, %swap3A_936], %swap3A_939 {strides = array<i32>} : memref<32x64xf32, #tpu.memory_space<vmem>>, vector<1x16xf32>,
    %broadcast_in_dim3A_940 = arith.constant 0.000000e+00 : f32
    %broadcast_in_dim3A_941 = vector.broadcast %broadcast_in_dim3A_940 : f32 to vector<16xf32>
    %swap3A_942 = arith.constant 28 : i32
    %swap3A_943 = arith.index_cast %swap3A_942 : i32 to index
    %swap3A_944 = arith.constant 32 : index
    %swap3A_945 = tpu.vector_load %arg8[%swap3A_943, %swap3A_944] {strides = array<i32>} : memref<32x64xf32, #tpu.memory_space<vmem>>, vector<1x16xf32>,
    %swap3A_946 = vector.shape_cast %swap3A_945 : vector<1x16xf32> to vector<16xf32>
    %swap3A_947 = vector.shape_cast %broadcast_in_dim3A_941 : vector<16xf32> to vector<1x16xf32>
    tpu.vector_store %arg8[%swap3A_943, %swap3A_944], %swap3A_947 {strides = array<i32>} : memref<32x64xf32, #tpu.memory_space<vmem>>, vector<1x16xf32>,
    %broadcast_in_dim3A_948 = arith.constant 0.000000e+00 : f32
    %broadcast_in_dim3A_949 = vector.broadcast %broadcast_in_dim3A_948 : f32 to vector<16xf32>
    %swap3A_950 = arith.constant 28 : i32
    %swap3A_951 = arith.index_cast %swap3A_950 : i32 to index
    %swap3A_952 = arith.constant 48 : index
    %swap3A_953 = tpu.vector_load %arg8[%swap3A_951, %swap3A_952] {strides = array<i32>} : memref<32x64xf32, #tpu.memory_space<vmem>>, vector<1x16xf32>,
    %swap3A_954 = vector.shape_cast %swap3A_953 : vector<1x16xf32> to vector<16xf32>
    %swap3A_955 = vector.shape_cast %broadcast_in_dim3A_949 : vector<16xf32> to vector<1x16xf32>
    tpu.vector_store %arg8[%swap3A_951, %swap3A_952], %swap3A_955 {strides = array<i32>} : memref<32x64xf32, #tpu.memory_space<vmem>>, vector<1x16xf32>,
    %broadcast_in_dim3A_956 = arith.constant 0.000000e+00 : f32
    %broadcast_in_dim3A_957 = vector.broadcast %broadcast_in_dim3A_956 : f32 to vector<16xf32>
    %swap3A_958 = arith.constant 29 : i32
    %swap3A_959 = arith.index_cast %swap3A_958 : i32 to index
    %swap3A_960 = arith.constant 0 : index
    %swap3A_961 = tpu.vector_load %arg8[%swap3A_959, %swap3A_960] {strides = array<i32>} : memref<32x64xf32, #tpu.memory_space<vmem>>, vector<1x16xf32>,
    %swap3A_962 = vector.shape_cast %swap3A_961 : vector<1x16xf32> to vector<16xf32>
    %swap3A_963 = vector.shape_cast %broadcast_in_dim3A_957 : vector<16xf32> to vector<1x16xf32>
    tpu.vector_store %arg8[%swap3A_959, %swap3A_960], %swap3A_963 {strides = array<i32>} : memref<32x64xf32, #tpu.memory_space<vmem>>, vector<1x16xf32>,
    %broadcast_in_dim3A_964 = arith.constant 0.000000e+00 : f32
    %broadcast_in_dim3A_965 = vector.broadcast %broadcast_in_dim3A_964 : f32 to vector<16xf32>
    %swap3A_966 = arith.constant 29 : i32
    %swap3A_967 = arith.index_cast %swap3A_966 : i32 to index
    %swap3A_968 = arith.constant 16 : index
    %swap3A_969 = tpu.vector_load %arg8[%swap3A_967, %swap3A_968] {strides = array<i32>} : memref<32x64xf32, #tpu.memory_space<vmem>>, vector<1x16xf32>,
    %swap3A_970 = vector.shape_cast %swap3A_969 : vector<1x16xf32> to vector<16xf32>
    %swap3A_971 = vector.shape_cast %broadcast_in_dim3A_965 : vector<16xf32> to vector<1x16xf32>
    tpu.vector_store %arg8[%swap3A_967, %swap3A_968], %swap3A_971 {strides = array<i32>} : memref<32x64xf32, #tpu.memory_space<vmem>>, vector<1x16xf32>,
    %broadcast_in_dim3A_972 = arith.constant 0.000000e+00 : f32
    %broadcast_in_dim3A_973 = vector.broadcast %broadcast_in_dim3A_972 : f32 to vector<16xf32>
    %swap3A_974 = arith.constant 29 : i32
    %swap3A_975 = arith.index_cast %swap3A_974 : i32 to index
    %swap3A_976 = arith.constant 32 : index
    %swap3A_977 = tpu.vector_load %arg8[%swap3A_975, %swap3A_976] {strides = array<i32>} : memref<32x64xf32, #tpu.memory_space<vmem>>, vector<1x16xf32>,
    %swap3A_978 = vector.shape_cast %swap3A_977 : vector<1x16xf32> to vector<16xf32>
    %swap3A_979 = vector.shape_cast %broadcast_in_dim3A_973 : vector<16xf32> to vector<1x16xf32>
    tpu.vector_store %arg8[%swap3A_975, %swap3A_976], %swap3A_979 {strides = array<i32>} : memref<32x64xf32, #tpu.memory_space<vmem>>, vector<1x16xf32>,
    %broadcast_in_dim3A_980 = arith.constant 0.000000e+00 : f32
    %broadcast_in_dim3A_981 = vector.broadcast %broadcast_in_dim3A_980 : f32 to vector<16xf32>
    %swap3A_982 = arith.constant 29 : i32
    %swap3A_983 = arith.index_cast %swap3A_982 : i32 to index
    %swap3A_984 = arith.constant 48 : index
    %swap3A_985 = tpu.vector_load %arg8[%swap3A_983, %swap3A_984] {strides = array<i32>} : memref<32x64xf32, #tpu.memory_space<vmem>>, vector<1x16xf32>,
    %swap3A_986 = vector.shape_cast %swap3A_985 : vector<1x16xf32> to vector<16xf32>
    %swap3A_987 = vector.shape_cast %broadcast_in_dim3A_981 : vector<16xf32> to vector<1x16xf32>
    tpu.vector_store %arg8[%swap3A_983, %swap3A_984], %swap3A_987 {strides = array<i32>} : memref<32x64xf32, #tpu.memory_space<vmem>>, vector<1x16xf32>,
    %broadcast_in_dim3A_988 = arith.constant 0.000000e+00 : f32
    %broadcast_in_dim3A_989 = vector.broadcast %broadcast_in_dim3A_988 : f32 to vector<16xf32>
    %swap3A_990 = arith.constant 30 : i32
    %swap3A_991 = arith.index_cast %swap3A_990 : i32 to index
    %swap3A_992 = arith.constant 0 : index
    %swap3A_993 = tpu.vector_load %arg8[%swap3A_991, %swap3A_992] {strides = array<i32>} : memref<32x64xf32, #tpu.memory_space<vmem>>, vector<1x16xf32>,
    %swap3A_994 = vector.shape_cast %swap3A_993 : vector<1x16xf32> to vector<16xf32>
    %swap3A_995 = vector.shape_cast %broadcast_in_dim3A_989 : vector<16xf32> to vector<1x16xf32>
    tpu.vector_store %arg8[%swap3A_991, %swap3A_992], %swap3A_995 {strides = array<i32>} : memref<32x64xf32, #tpu.memory_space<vmem>>, vector<1x16xf32>,
    %broadcast_in_dim3A_996 = arith.constant 0.000000e+00 : f32
    %broadcast_in_dim3A_997 = vector.broadcast %broadcast_in_dim3A_996 : f32 to vector<16xf32>
    %swap3A_998 = arith.constant 30 : i32
    %swap3A_999 = arith.index_cast %swap3A_998 : i32 to index
    %swap3A_1000 = arith.constant 16 : index
    %swap3A_1001 = tpu.vector_load %arg8[%swap3A_999, %swap3A_1000] {strides = array<i32>} : memref<32x64xf32, #tpu.memory_space<vmem>>, vector<1x16xf32>,
    %swap3A_1002 = vector.shape_cast %swap3A_1001 : vector<1x16xf32> to vector<16xf32>
    %swap3A_1003 = vector.shape_cast %broadcast_in_dim3A_997 : vector<16xf32> to vector<1x16xf32>
    tpu.vector_store %arg8[%swap3A_999, %swap3A_1000], %swap3A_1003 {strides = array<i32>} : memref<32x64xf32, #tpu.memory_space<vmem>>, vector<1x16xf32>,
    %broadcast_in_dim3A_1004 = arith.constant 0.000000e+00 : f32
    %broadcast_in_dim3A_1005 = vector.broadcast %broadcast_in_dim3A_1004 : f32 to vector<16xf32>
    %swap3A_1006 = arith.constant 30 : i32
    %swap3A_1007 = arith.index_cast %swap3A_1006 : i32 to index
    %swap3A_1008 = arith.constant 32 : index
    %swap3A_1009 = tpu.vector_load %arg8[%swap3A_1007, %swap3A_1008] {strides = array<i32>} : memref<32x64xf32, #tpu.memory_space<vmem>>, vector<1x16xf32>,
    %swap3A_1010 = vector.shape_cast %swap3A_1009 : vector<1x16xf32> to vector<16xf32>
    %swap3A_1011 = vector.shape_cast %broadcast_in_dim3A_1005 : vector<16xf32> to vector<1x16xf32>
    tpu.vector_store %arg8[%swap3A_1007, %swap3A_1008], %swap3A_1011 {strides = array<i32>} : memref<32x64xf32, #tpu.memory_space<vmem>>, vector<1x16xf32>,
    %broadcast_in_dim3A_1012 = arith.constant 0.000000e+00 : f32
    %broadcast_in_dim3A_1013 = vector.broadcast %broadcast_in_dim3A_1012 : f32 to vector<16xf32>
    %swap3A_1014 = arith.constant 30 : i32
    %swap3A_1015 = arith.index_cast %swap3A_1014 : i32 to index
    %swap3A_1016 = arith.constant 48 : index
    %swap3A_1017 = tpu.vector_load %arg8[%swap3A_1015, %swap3A_1016] {strides = array<i32>} : memref<32x64xf32, #tpu.memory_space<vmem>>, vector<1x16xf32>,
    %swap3A_1018 = vector.shape_cast %swap3A_1017 : vector<1x16xf32> to vector<16xf32>
    %swap3A_1019 = vector.shape_cast %broadcast_in_dim3A_1013 : vector<16xf32> to vector<1x16xf32>
    tpu.vector_store %arg8[%swap3A_1015, %swap3A_1016], %swap3A_1019 {strides = array<i32>} : memref<32x64xf32, #tpu.memory_space<vmem>>, vector<1x16xf32>,
    %broadcast_in_dim3A_1020 = arith.constant 0.000000e+00 : f32
    %broadcast_in_dim3A_1021 = vector.broadcast %broadcast_in_dim3A_1020 : f32 to vector<16xf32>
    %swap3A_1022 = arith.constant 31 : i32
    %swap3A_1023 = arith.index_cast %swap3A_1022 : i32 to index
    %swap3A_1024 = arith.constant 0 : index
    %swap3A_1025 = tpu.vector_load %arg8[%swap3A_1023, %swap3A_1024] {strides = array<i32>} : memref<32x64xf32, #tpu.memory_space<vmem>>, vector<1x16xf32>,
    %swap3A_1026 = vector.shape_cast %swap3A_1025 : vector<1x16xf32> to vector<16xf32>
    %swap3A_1027 = vector.shape_cast %broadcast_in_dim3A_1021 : vector<16xf32> to vector<1x16xf32>
    tpu.vector_store %arg8[%swap3A_1023, %swap3A_1024], %swap3A_1027 {strides = array<i32>} : memref<32x64xf32, #tpu.memory_space<vmem>>, vector<1x16xf32>,
    %broadcast_in_dim3A_1028 = arith.constant 0.000000e+00 : f32
    %broadcast_in_dim3A_1029 = vector.broadcast %broadcast_in_dim3A_1028 : f32 to vector<16xf32>
    %swap3A_1030 = arith.constant 31 : i32
    %swap3A_1031 = arith.index_cast %swap3A_1030 : i32 to index
    %swap3A_1032 = arith.constant 16 : index
    %swap3A_1033 = tpu.vector_load %arg8[%swap3A_1031, %swap3A_1032] {strides = array<i32>} : memref<32x64xf32, #tpu.memory_space<vmem>>, vector<1x16xf32>,
    %swap3A_1034 = vector.shape_cast %swap3A_1033 : vector<1x16xf32> to vector<16xf32>
    %swap3A_1035 = vector.shape_cast %broadcast_in_dim3A_1029 : vector<16xf32> to vector<1x16xf32>
    tpu.vector_store %arg8[%swap3A_1031, %swap3A_1032], %swap3A_1035 {strides = array<i32>} : memref<32x64xf32, #tpu.memory_space<vmem>>, vector<1x16xf32>,
    %broadcast_in_dim3A_1036 = arith.constant 0.000000e+00 : f32
    %broadcast_in_dim3A_1037 = vector.broadcast %broadcast_in_dim3A_1036 : f32 to vector<16xf32>
    %swap3A_1038 = arith.constant 31 : i32
    %swap3A_1039 = arith.index_cast %swap3A_1038 : i32 to index
    %swap3A_1040 = arith.constant 32 : index
    %swap3A_1041 = tpu.vector_load %arg8[%swap3A_1039, %swap3A_1040] {strides = array<i32>} : memref<32x64xf32, #tpu.memory_space<vmem>>, vector<1x16xf32>,
    %swap3A_1042 = vector.shape_cast %swap3A_1041 : vector<1x16xf32> to vector<16xf32>
    %swap3A_1043 = vector.shape_cast %broadcast_in_dim3A_1037 : vector<16xf32> to vector<1x16xf32>
    tpu.vector_store %arg8[%swap3A_1039, %swap3A_1040], %swap3A_1043 {strides = array<i32>} : memref<32x64xf32, #tpu.memory_space<vmem>>, vector<1x16xf32>,
    %broadcast_in_dim3A_1044 = arith.constant 0.000000e+00 : f32
    %broadcast_in_dim3A_1045 = vector.broadcast %broadcast_in_dim3A_1044 : f32 to vector<16xf32>
    %swap3A_1046 = arith.constant 31 : i32
    %swap3A_1047 = arith.index_cast %swap3A_1046 : i32 to index
    %swap3A_1048 = arith.constant 48 : index
    %swap3A_1049 = tpu.vector_load %arg8[%swap3A_1047, %swap3A_1048] {strides = array<i32>} : memref<32x64xf32, #tpu.memory_space<vmem>>, vector<1x16xf32>,
    %swap3A_1050 = vector.shape_cast %swap3A_1049 : vector<1x16xf32> to vector<16xf32>
    %swap3A_1051 = vector.shape_cast %broadcast_in_dim3A_1045 : vector<16xf32> to vector<1x16xf32>
    tpu.vector_store %arg8[%swap3A_1047, %swap3A_1048], %swap3A_1051 {strides = array<i32>} : memref<32x64xf32, #tpu.memory_space<vmem>>, vector<1x16xf32>,
    %scan3A = arith.constant 0 : i32
    %scan3A_1052 = arith.constant 0 : i32
    %scan3A_1053 = arith.constant 20 : i32
    %scan3A_1054 = arith.addi %scan3A_1052, %scan3A_1053 : i32
    %scan3A_1055 = arith.constant 1 : i32
    scf.for %scan3A_1170 = %scan3A_1052 to %scan3A_1054 step %scan3A_1055  : i32 {
      %mul3A_1171 = arith.constant 640 : i32
      %mul3A_1172 = arith.muli %arg1, %mul3A_1171 : i32
      %mul3A_1173 = arith.constant 32 : i32
      %mul3A_1174 = arith.muli %scan3A_1170, %mul3A_1173 : i32
      %add3A_1175 = arith.addi %mul3A_1172, %mul3A_1174 : i32
      "tpu.region"() ({
        %run_scoped3A = tpu.sem_alloc : memref<!tpu.dma_semaphore, #tpu.memory_space<semaphore_mem>>
        %dma_start3A_1176 = arith.constant 0 : i32
        %dma_start3A_1177 = tpu.memref_slice %arg9[%add3A_1175, %dma_start3A_1176] : memref<10240x64xf32, #tpu.memory_space<vmem_shared>> -> memref<32x64xf32, #tpu.memory_space<vmem_shared>>
        %dma_start3A_1178 = arith.constant 0 : i32
        %dma_start3A_1179 = tpu.memref_slice %arg9[%add3A_1175, %dma_start3A_1178] : memref<10240x64xf32, #tpu.memory_space<vmem_shared>> -> memref<32x64xf32, #tpu.memory_space<vmem_shared>>
        tpu.enqueue_dma source(%arg8 : memref<32x64xf32, #tpu.memory_space<vmem>>) target(%dma_start3A_1179 : memref<32x64xf32, #tpu.memory_space<vmem_shared>>) target_semaphore(%run_scoped3A : memref<!tpu.dma_semaphore, #tpu.memory_space<semaphore_mem>>)
        %dma_wait3A_1180 = arith.constant 0 : i32
        %dma_wait3A_1181 = tpu.memref_slice %arg9[%add3A_1175, %dma_wait3A_1180] : memref<10240x64xf32, #tpu.memory_space<vmem_shared>> -> memref<32x64xf32, #tpu.memory_space<vmem_shared>>
        %dma_wait3A_1182 = arith.constant 0 : i32
        %dma_wait3A_1183 = tpu.memref_slice %arg9[%add3A_1175, %dma_wait3A_1182] : memref<10240x64xf32, #tpu.memory_space<vmem_shared>> -> memref<32x64xf32, #tpu.memory_space<vmem_shared>>
        tpu.wait_dma2 semaphore(%run_scoped3A : memref<!tpu.dma_semaphore, #tpu.memory_space<semaphore_mem>>) src(%arg8 : memref<32x64xf32, #tpu.memory_space<vmem>>) dst(%dma_wait3A_1183 : memref<32x64xf32, #tpu.memory_space<vmem_shared>>)
        tpu.yield
      }) : () -> ()
    }
    %scan3A_1056 = arith.constant 20 : i32
    %dma_wait3A = arith.constant 0 : i32
    %dma_wait3A_1057 = arith.constant 0 : i32
    %dma_wait3A_1058 = arith.constant 0 : i32
    %dma_wait3A_1059 = tpu.memref_slice %arg5[%dma_wait3A_1057, %dma_wait3A_1058] : memref<79x128xi32, #tpu.memory_space<vmem>> -> memref<78x128xi32, #tpu.memory_space<vmem>>
    %dma_wait3A_1060 = arith.constant 0 : i32
    %dma_wait3A_1061 = tpu.memref_slice %arg3[%dma_wait3A, %mul3A_2, %dma_wait3A_1060] : memref<2x2500x128xi32, #tpu.memory_space<hbm>> -> memref<1x78x128xi32, #tpu.memory_space<hbm>>
    %dma_wait3A_1062 = tpu.memref_squeeze %dma_wait3A_1061 : memref<1x78x128xi32, #tpu.memory_space<hbm>> -> memref<78x128xi32, #tpu.memory_space<hbm>>
    %dma_wait3A_1063 = arith.constant 0 : i32
    %dma_wait3A_1064 = arith.constant 0 : i32
    %dma_wait3A_1065 = tpu.memref_slice %arg5[%dma_wait3A_1063, %dma_wait3A_1064] : memref<79x128xi32, #tpu.memory_space<vmem>> -> memref<78x128xi32, #tpu.memory_space<vmem>>
    %dma_wait3A_1066 = arith.constant 0 : i32
    %dma_wait3A_1067 = tpu.memref_slice %arg3[%dma_wait3A, %mul3A_2, %dma_wait3A_1066] : memref<2x2500x128xi32, #tpu.memory_space<hbm>> -> memref<1x78x128xi32, #tpu.memory_space<hbm>>
    %dma_wait3A_1068 = tpu.memref_squeeze %dma_wait3A_1067 : memref<1x78x128xi32, #tpu.memory_space<hbm>> -> memref<78x128xi32, #tpu.memory_space<hbm>>
    tpu.wait_dma2 semaphore(%arg10 : memref<!tpu.dma_semaphore, #tpu.memory_space<semaphore_mem>>) src(%dma_wait3A_1068 : memref<78x128xi32, #tpu.memory_space<hbm>>) dst(%dma_wait3A_1065 : memref<78x128xi32, #tpu.memory_space<vmem>>)
    %dma_wait3A_1069 = arith.constant 1 : i32
    %dma_wait3A_1070 = arith.constant 0 : i32
    %dma_wait3A_1071 = arith.constant 0 : i32
    %dma_wait3A_1072 = tpu.memref_slice %arg6[%dma_wait3A_1070, %dma_wait3A_1071] : memref<79x128xi32, #tpu.memory_space<vmem>> -> memref<78x128xi32, #tpu.memory_space<vmem>>
    %dma_wait3A_1073 = arith.constant 0 : i32
    %dma_wait3A_1074 = tpu.memref_slice %arg3[%dma_wait3A_1069, %mul3A_2, %dma_wait3A_1073] : memref<2x2500x128xi32, #tpu.memory_space<hbm>> -> memref<1x78x128xi32, #tpu.memory_space<hbm>>
    %dma_wait3A_1075 = tpu.memref_squeeze %dma_wait3A_1074 : memref<1x78x128xi32, #tpu.memory_space<hbm>> -> memref<78x128xi32, #tpu.memory_space<hbm>>
    %dma_wait3A_1076 = arith.constant 0 : i32
    %dma_wait3A_1077 = arith.constant 0 : i32
    %dma_wait3A_1078 = tpu.memref_slice %arg6[%dma_wait3A_1076, %dma_wait3A_1077] : memref<79x128xi32, #tpu.memory_space<vmem>> -> memref<78x128xi32, #tpu.memory_space<vmem>>
    %dma_wait3A_1079 = arith.constant 0 : i32
    %dma_wait3A_1080 = tpu.memref_slice %arg3[%dma_wait3A_1069, %mul3A_2, %dma_wait3A_1079] : memref<2x2500x128xi32, #tpu.memory_space<hbm>> -> memref<1x78x128xi32, #tpu.memory_space<hbm>>
    %dma_wait3A_1081 = tpu.memref_squeeze %dma_wait3A_1080 : memref<1x78x128xi32, #tpu.memory_space<hbm>> -> memref<78x128xi32, #tpu.memory_space<hbm>>
    tpu.wait_dma2 semaphore(%arg11 : memref<!tpu.dma_semaphore, #tpu.memory_space<semaphore_mem>>) src(%dma_wait3A_1081 : memref<78x128xi32, #tpu.memory_space<hbm>>) dst(%dma_wait3A_1078 : memref<78x128xi32, #tpu.memory_space<vmem>>)
    %barrier3A = arith.constant 0 : index
    tpu.barrier barrier_id(%barrier3A)
    %dma_start3A_1082 = arith.constant 0 : i32
    %dma_start3A_1083 = arith.constant 0 : i32
    %dma_start3A_1084 = arith.constant 0 : i32
    %dma_start3A_1085 = arith.constant 0 : i32
    %dma_start3A_1086 = tpu.memref_slice %arg7[%dma_start3A_1083, %dma_start3A_1084, %dma_start3A_1085] : memref<6x128x64xf32, #tpu.memory_space<vmem>> -> memref<1x128x64xf32, #tpu.memory_space<vmem>>
    %dma_start3A_1087 = tpu.memref_squeeze %dma_start3A_1086 : memref<1x128x64xf32, #tpu.memory_space<vmem>> -> memref<128x64xf32, #tpu.memory_space<vmem>>
    %dma_start3A_1088 = arith.constant 0 : i32
    %dma_start3A_1089 = tpu.memref_slice %arg5[%dma_start3A_1082, %dma_start3A_1088] : memref<79x128xi32, #tpu.memory_space<vmem>> -> memref<1x128xi32, #tpu.memory_space<vmem>>
    %dma_start3A_1090 = tpu.memref_squeeze %dma_start3A_1089 : memref<1x128xi32, #tpu.memory_space<vmem>> -> memref<128xi32, #tpu.memory_space<vmem>>
    %dma_start3A_1091 = arith.constant 0 : i32
    %dma_start3A_1092 = arith.constant 0 : i32
    %dma_start3A_1093 = tpu.memref_slice %arg2[%dma_start3A_1091, %dma_start3A_1092] : memref<10240x64xf32, #tpu.memory_space<hbm>> -> memref<10240x64xf32, #tpu.memory_space<hbm>>
    tpu.enqueue_indirect_dma source(%dma_start3A_1093 : memref<10240x64xf32, #tpu.memory_space<hbm>>) target(%dma_start3A_1087 : memref<128x64xf32, #tpu.memory_space<vmem>>) offsets(%dma_start3A_1090 : memref<128xi32, #tpu.memory_space<vmem>>) semaphore(%arg10 : memref<!tpu.dma_semaphore, #tpu.memory_space<semaphore_mem>>)
    %dma_start3A_1094 = arith.constant 1 : i32
    %dma_start3A_1095 = arith.constant 1 : i32
    %dma_start3A_1096 = arith.constant 0 : i32
    %dma_start3A_1097 = arith.constant 0 : i32
    %dma_start3A_1098 = tpu.memref_slice %arg7[%dma_start3A_1095, %dma_start3A_1096, %dma_start3A_1097] : memref<6x128x64xf32, #tpu.memory_space<vmem>> -> memref<1x128x64xf32, #tpu.memory_space<vmem>>
    %dma_start3A_1099 = tpu.memref_squeeze %dma_start3A_1098 : memref<1x128x64xf32, #tpu.memory_space<vmem>> -> memref<128x64xf32, #tpu.memory_space<vmem>>
    %dma_start3A_1100 = arith.constant 0 : i32
    %dma_start3A_1101 = tpu.memref_slice %arg5[%dma_start3A_1094, %dma_start3A_1100] : memref<79x128xi32, #tpu.memory_space<vmem>> -> memref<1x128xi32, #tpu.memory_space<vmem>>
    %dma_start3A_1102 = tpu.memref_squeeze %dma_start3A_1101 : memref<1x128xi32, #tpu.memory_space<vmem>> -> memref<128xi32, #tpu.memory_space<vmem>>
    %dma_start3A_1103 = arith.constant 0 : i32
    %dma_start3A_1104 = arith.constant 0 : i32
    %dma_start3A_1105 = tpu.memref_slice %arg2[%dma_start3A_1103, %dma_start3A_1104] : memref<10240x64xf32, #tpu.memory_space<hbm>> -> memref<10240x64xf32, #tpu.memory_space<hbm>>
    tpu.enqueue_indirect_dma source(%dma_start3A_1105 : memref<10240x64xf32, #tpu.memory_space<hbm>>) target(%dma_start3A_1099 : memref<128x64xf32, #tpu.memory_space<vmem>>) offsets(%dma_start3A_1102 : memref<128xi32, #tpu.memory_space<vmem>>) semaphore(%arg11 : memref<!tpu.dma_semaphore, #tpu.memory_space<semaphore_mem>>)
    %dma_start3A_1106 = arith.constant 2 : i32
    %dma_start3A_1107 = arith.constant 2 : i32
    %dma_start3A_1108 = arith.constant 0 : i32
    %dma_start3A_1109 = arith.constant 0 : i32
    %dma_start3A_1110 = tpu.memref_slice %arg7[%dma_start3A_1107, %dma_start3A_1108, %dma_start3A_1109] : memref<6x128x64xf32, #tpu.memory_space<vmem>> -> memref<1x128x64xf32, #tpu.memory_space<vmem>>
    %dma_start3A_1111 = tpu.memref_squeeze %dma_start3A_1110 : memref<1x128x64xf32, #tpu.memory_space<vmem>> -> memref<128x64xf32, #tpu.memory_space<vmem>>
    %dma_start3A_1112 = arith.constant 0 : i32
    %dma_start3A_1113 = tpu.memref_slice %arg5[%dma_start3A_1106, %dma_start3A_1112] : memref<79x128xi32, #tpu.memory_space<vmem>> -> memref<1x128xi32, #tpu.memory_space<vmem>>
    %dma_start3A_1114 = tpu.memref_squeeze %dma_start3A_1113 : memref<1x128xi32, #tpu.memory_space<vmem>> -> memref<128xi32, #tpu.memory_space<vmem>>
    %dma_start3A_1115 = arith.constant 0 : i32
    %dma_start3A_1116 = arith.constant 0 : i32
    %dma_start3A_1117 = tpu.memref_slice %arg2[%dma_start3A_1115, %dma_start3A_1116] : memref<10240x64xf32, #tpu.memory_space<hbm>> -> memref<10240x64xf32, #tpu.memory_space<hbm>>
    tpu.enqueue_indirect_dma source(%dma_start3A_1117 : memref<10240x64xf32, #tpu.memory_space<hbm>>) target(%dma_start3A_1111 : memref<128x64xf32, #tpu.memory_space<vmem>>) offsets(%dma_start3A_1114 : memref<128xi32, #tpu.memory_space<vmem>>) semaphore(%arg12 : memref<!tpu.dma_semaphore, #tpu.memory_space<semaphore_mem>>)
    %dma_start3A_1118 = arith.constant 3 : i32
    %dma_start3A_1119 = arith.constant 3 : i32
    %dma_start3A_1120 = arith.constant 0 : i32
    %dma_start3A_1121 = arith.constant 0 : i32
    %dma_start3A_1122 = tpu.memref_slice %arg7[%dma_start3A_1119, %dma_start3A_1120, %dma_start3A_1121] : memref<6x128x64xf32, #tpu.memory_space<vmem>> -> memref<1x128x64xf32, #tpu.memory_space<vmem>>
    %dma_start3A_1123 = tpu.memref_squeeze %dma_start3A_1122 : memref<1x128x64xf32, #tpu.memory_space<vmem>> -> memref<128x64xf32, #tpu.memory_space<vmem>>
    %dma_start3A_1124 = arith.constant 0 : i32
    %dma_start3A_1125 = tpu.memref_slice %arg5[%dma_start3A_1118, %dma_start3A_1124] : memref<79x128xi32, #tpu.memory_space<vmem>> -> memref<1x128xi32, #tpu.memory_space<vmem>>
    %dma_start3A_1126 = tpu.memref_squeeze %dma_start3A_1125 : memref<1x128xi32, #tpu.memory_space<vmem>> -> memref<128xi32, #tpu.memory_space<vmem>>
    %dma_start3A_1127 = arith.constant 0 : i32
    %dma_start3A_1128 = arith.constant 0 : i32
    %dma_start3A_1129 = tpu.memref_slice %arg2[%dma_start3A_1127, %dma_start3A_1128] : memref<10240x64xf32, #tpu.memory_space<hbm>> -> memref<10240x64xf32, #tpu.memory_space<hbm>>
    tpu.enqueue_indirect_dma source(%dma_start3A_1129 : memref<10240x64xf32, #tpu.memory_space<hbm>>) target(%dma_start3A_1123 : memref<128x64xf32, #tpu.memory_space<vmem>>) offsets(%dma_start3A_1126 : memref<128xi32, #tpu.memory_space<vmem>>) semaphore(%arg13 : memref<!tpu.dma_semaphore, #tpu.memory_space<semaphore_mem>>)
    %dma_start3A_1130 = arith.constant 4 : i32
    %dma_start3A_1131 = arith.constant 4 : i32
    %dma_start3A_1132 = arith.constant 0 : i32
    %dma_start3A_1133 = arith.constant 0 : i32
    %dma_start3A_1134 = tpu.memref_slice %arg7[%dma_start3A_1131, %dma_start3A_1132, %dma_start3A_1133] : memref<6x128x64xf32, #tpu.memory_space<vmem>> -> memref<1x128x64xf32, #tpu.memory_space<vmem>>
    %dma_start3A_1135 = tpu.memref_squeeze %dma_start3A_1134 : memref<1x128x64xf32, #tpu.memory_space<vmem>> -> memref<128x64xf32, #tpu.memory_space<vmem>>
    %dma_start3A_1136 = arith.constant 0 : i32
    %dma_start3A_1137 = tpu.memref_slice %arg5[%dma_start3A_1130, %dma_start3A_1136] : memref<79x128xi32, #tpu.memory_space<vmem>> -> memref<1x128xi32, #tpu.memory_space<vmem>>
    %dma_start3A_1138 = tpu.memref_squeeze %dma_start3A_1137 : memref<1x128xi32, #tpu.memory_space<vmem>> -> memref<128xi32, #tpu.memory_space<vmem>>
    %dma_start3A_1139 = arith.constant 0 : i32
    %dma_start3A_1140 = arith.constant 0 : i32
    %dma_start3A_1141 = tpu.memref_slice %arg2[%dma_start3A_1139, %dma_start3A_1140] : memref<10240x64xf32, #tpu.memory_space<hbm>> -> memref<10240x64xf32, #tpu.memory_space<hbm>>
    tpu.enqueue_indirect_dma source(%dma_start3A_1141 : memref<10240x64xf32, #tpu.memory_space<hbm>>) target(%dma_start3A_1135 : memref<128x64xf32, #tpu.memory_space<vmem>>) offsets(%dma_start3A_1138 : memref<128xi32, #tpu.memory_space<vmem>>) semaphore(%arg14 : memref<!tpu.dma_semaphore, #tpu.memory_space<semaphore_mem>>)
    %scan3A_1142 = arith.constant 0 : i32
    %scan3A_1143 = arith.constant 0 : i32
    %scan3A_1144 = arith.constant 13 : i32
    %scan3A_1145 = arith.addi %scan3A_1143, %scan3A_1144 : i32
    %scan3A_1146 = arith.constant 1 : i32
    scf.for %scan3A_1170 = %scan3A_1143 to %scan3A_1145 step %scan3A_1146  : i32 {
      %mul3A_1171 = arith.constant 6 : i32
      %mul3A_1172 = arith.muli %scan3A_1170, %mul3A_1171 : i32
      %add3A_1173 = arith.constant 0 : i32
      %add3A_1174 = arith.addi %mul3A_1172, %add3A_1173 : i32
      %dma_wait3A_1175 = arith.constant 0 : i32
      %dma_wait3A_1176 = arith.constant 0 : i32
      %dma_wait3A_1177 = arith.constant 0 : i32
      %dma_wait3A_1178 = tpu.memref_slice %arg7[%dma_wait3A_1175, %dma_wait3A_1176, %dma_wait3A_1177] : memref<6x128x64xf32, #tpu.memory_space<vmem>> -> memref<1x128x64xf32, #tpu.memory_space<vmem>>
      %dma_wait3A_1179 = tpu.memref_squeeze %dma_wait3A_1178 : memref<1x128x64xf32, #tpu.memory_space<vmem>> -> memref<128x64xf32, #tpu.memory_space<vmem>>
      %dma_wait3A_1180 = arith.constant 0 : i32
      %dma_wait3A_1181 = tpu.memref_slice %arg5[%add3A_1174, %dma_wait3A_1180] : memref<79x128xi32, #tpu.memory_space<vmem>> -> memref<1x128xi32, #tpu.memory_space<vmem>>
      %dma_wait3A_1182 = tpu.memref_squeeze %dma_wait3A_1181 : memref<1x128xi32, #tpu.memory_space<vmem>> -> memref<128xi32, #tpu.memory_space<vmem>>
      %dma_wait3A_1183 = arith.constant 0 : i32
      %dma_wait3A_1184 = arith.constant 0 : i32
      %dma_wait3A_1185 = tpu.memref_slice %arg2[%dma_wait3A_1183, %dma_wait3A_1184] : memref<10240x64xf32, #tpu.memory_space<hbm>> -> memref<10240x64xf32, #tpu.memory_space<hbm>>
      tpu.wait_indirect_dma semaphore(%arg10 : memref<!tpu.dma_semaphore, #tpu.memory_space<semaphore_mem>>) src(%dma_wait3A_1185 : memref<10240x64xf32, #tpu.memory_space<hbm>>) dst(%dma_wait3A_1179 : memref<128x64xf32, #tpu.memory_space<vmem>>)
      %dma_start3A_1186 = arith.constant 0 : i32
      %dma_start3A_1187 = arith.constant 0 : i32
      %dma_start3A_1188 = arith.constant 0 : i32
      %dma_start3A_1189 = tpu.memref_slice %arg7[%dma_start3A_1186, %dma_start3A_1187, %dma_start3A_1188] : memref<6x128x64xf32, #tpu.memory_space<vmem>> -> memref<1x128x64xf32, #tpu.memory_space<vmem>>
      %dma_start3A_1190 = tpu.memref_squeeze %dma_start3A_1189 : memref<1x128x64xf32, #tpu.memory_space<vmem>> -> memref<128x64xf32, #tpu.memory_space<vmem>>
      %dma_start3A_1191 = arith.constant 0 : i32
      %dma_start3A_1192 = tpu.memref_slice %arg6[%add3A_1174, %dma_start3A_1191] : memref<79x128xi32, #tpu.memory_space<vmem>> -> memref<1x128xi32, #tpu.memory_space<vmem>>
      %dma_start3A_1193 = tpu.memref_squeeze %dma_start3A_1192 : memref<1x128xi32, #tpu.memory_space<vmem>> -> memref<128xi32, #tpu.memory_space<vmem>>
      %dma_start3A_1194 = arith.constant 0 : i32
      %dma_start3A_1195 = arith.constant 0 : i32
      %dma_start3A_1196 = tpu.memref_slice %arg9[%dma_start3A_1194, %dma_start3A_1195] : memref<10240x64xf32, #tpu.memory_space<vmem_shared>> -> memref<10240x64xf32, #tpu.memory_space<vmem_shared>>
      tpu.enqueue_indirect_dma source(%dma_start3A_1190 : memref<128x64xf32, #tpu.memory_space<vmem>>) target(%dma_start3A_1196 : memref<10240x64xf32, #tpu.memory_space<vmem_shared>>) offsets(%dma_start3A_1193 : memref<128xi32, #tpu.memory_space<vmem>>) semaphore(%arg16 : memref<!tpu.dma_semaphore, #tpu.memory_space<semaphore_mem>>) {add = true}
      %gt3A = arith.constant 0 : i32
      %gt3A_1197 = arith.cmpi sgt, %scan3A_1170, %gt3A : i32
      %convert_element_type3A_1198 = arith.extui %gt3A_1197 : i1 to i32
      %cond3A_1199 = arith.constant 0 : i32
      %cond3A_1200 = arith.cmpi ne, %convert_element_type3A_1198, %cond3A_1199 : i32
      scf.if %cond3A_1200 {
        %dma_wait3A_1424 = arith.constant 5 : i32
        %dma_wait3A_1425 = arith.constant 0 : i32
        %dma_wait3A_1426 = arith.constant 0 : i32
        %dma_wait3A_1427 = tpu.memref_slice %arg7[%dma_wait3A_1424, %dma_wait3A_1425, %dma_wait3A_1426] : memref<6x128x64xf32, #tpu.memory_space<vmem>> -> memref<1x128x64xf32, #tpu.memory_space<vmem>>
        %dma_wait3A_1428 = tpu.memref_squeeze %dma_wait3A_1427 : memref<1x128x64xf32, #tpu.memory_space<vmem>> -> memref<128x64xf32, #tpu.memory_space<vmem>>
        %dma_wait3A_1429 = arith.constant 0 : i32
        %dma_wait3A_1430 = tpu.memref_slice %arg6[%add3A_1174, %dma_wait3A_1429] : memref<79x128xi32, #tpu.memory_space<vmem>> -> memref<1x128xi32, #tpu.memory_space<vmem>>
        %dma_wait3A_1431 = tpu.memref_squeeze %dma_wait3A_1430 : memref<1x128xi32, #tpu.memory_space<vmem>> -> memref<128xi32, #tpu.memory_space<vmem>>
        %dma_wait3A_1432 = arith.constant 0 : i32
        %dma_wait3A_1433 = arith.constant 0 : i32
        %dma_wait3A_1434 = tpu.memref_slice %arg9[%dma_wait3A_1432, %dma_wait3A_1433] : memref<10240x64xf32, #tpu.memory_space<vmem_shared>> -> memref<10240x64xf32, #tpu.memory_space<vmem_shared>>
        tpu.wait_indirect_dma semaphore(%arg21 : memref<!tpu.dma_semaphore, #tpu.memory_space<semaphore_mem>>) src(%dma_wait3A_1428 : memref<128x64xf32, #tpu.memory_space<vmem>>) dst(%dma_wait3A_1434 : memref<10240x64xf32, #tpu.memory_space<vmem_shared>>)
      } else {
      }
      %add3A_1201 = arith.constant 5 : i32
      %add3A_1202 = arith.addi %add3A_1174, %add3A_1201 : i32
      %dma_start3A_1203 = arith.constant 5 : i32
      %dma_start3A_1204 = arith.constant 0 : i32
      %dma_start3A_1205 = arith.constant 0 : i32
      %dma_start3A_1206 = tpu.memref_slice %arg7[%dma_start3A_1203, %dma_start3A_1204, %dma_start3A_1205] : memref<6x128x64xf32, #tpu.memory_space<vmem>> -> memref<1x128x64xf32, #tpu.memory_space<vmem>>
      %dma_start3A_1207 = tpu.memref_squeeze %dma_start3A_1206 : memref<1x128x64xf32, #tpu.memory_space<vmem>> -> memref<128x64xf32, #tpu.memory_space<vmem>>
      %dma_start3A_1208 = arith.constant 0 : i32
      %dma_start3A_1209 = tpu.memref_slice %arg5[%add3A_1202, %dma_start3A_1208] : memref<79x128xi32, #tpu.memory_space<vmem>> -> memref<1x128xi32, #tpu.memory_space<vmem>>
      %dma_start3A_1210 = tpu.memref_squeeze %dma_start3A_1209 : memref<1x128xi32, #tpu.memory_space<vmem>> -> memref<128xi32, #tpu.memory_space<vmem>>
      %dma_start3A_1211 = arith.constant 0 : i32
      %dma_start3A_1212 = arith.constant 0 : i32
      %dma_start3A_1213 = tpu.memref_slice %arg2[%dma_start3A_1211, %dma_start3A_1212] : memref<10240x64xf32, #tpu.memory_space<hbm>> -> memref<10240x64xf32, #tpu.memory_space<hbm>>
      tpu.enqueue_indirect_dma source(%dma_start3A_1213 : memref<10240x64xf32, #tpu.memory_space<hbm>>) target(%dma_start3A_1207 : memref<128x64xf32, #tpu.memory_space<vmem>>) offsets(%dma_start3A_1210 : memref<128xi32, #tpu.memory_space<vmem>>) semaphore(%arg15 : memref<!tpu.dma_semaphore, #tpu.memory_space<semaphore_mem>>)
      %mul3A_1214 = arith.constant 6 : i32
      %mul3A_1215 = arith.muli %scan3A_1170, %mul3A_1214 : i32
      %add3A_1216 = arith.constant 1 : i32
      %add3A_1217 = arith.addi %mul3A_1215, %add3A_1216 : i32
      %dma_wait3A_1218 = arith.constant 1 : i32
      %dma_wait3A_1219 = arith.constant 0 : i32
      %dma_wait3A_1220 = arith.constant 0 : i32
      %dma_wait3A_1221 = tpu.memref_slice %arg7[%dma_wait3A_1218, %dma_wait3A_1219, %dma_wait3A_1220] : memref<6x128x64xf32, #tpu.memory_space<vmem>> -> memref<1x128x64xf32, #tpu.memory_space<vmem>>
      %dma_wait3A_1222 = tpu.memref_squeeze %dma_wait3A_1221 : memref<1x128x64xf32, #tpu.memory_space<vmem>> -> memref<128x64xf32, #tpu.memory_space<vmem>>
      %dma_wait3A_1223 = arith.constant 0 : i32
      %dma_wait3A_1224 = tpu.memref_slice %arg5[%add3A_1217, %dma_wait3A_1223] : memref<79x128xi32, #tpu.memory_space<vmem>> -> memref<1x128xi32, #tpu.memory_space<vmem>>
      %dma_wait3A_1225 = tpu.memref_squeeze %dma_wait3A_1224 : memref<1x128xi32, #tpu.memory_space<vmem>> -> memref<128xi32, #tpu.memory_space<vmem>>
      %dma_wait3A_1226 = arith.constant 0 : i32
      %dma_wait3A_1227 = arith.constant 0 : i32
      %dma_wait3A_1228 = tpu.memref_slice %arg2[%dma_wait3A_1226, %dma_wait3A_1227] : memref<10240x64xf32, #tpu.memory_space<hbm>> -> memref<10240x64xf32, #tpu.memory_space<hbm>>
      tpu.wait_indirect_dma semaphore(%arg11 : memref<!tpu.dma_semaphore, #tpu.memory_space<semaphore_mem>>) src(%dma_wait3A_1228 : memref<10240x64xf32, #tpu.memory_space<hbm>>) dst(%dma_wait3A_1222 : memref<128x64xf32, #tpu.memory_space<vmem>>)
      %dma_start3A_1229 = arith.constant 1 : i32
      %dma_start3A_1230 = arith.constant 0 : i32
      %dma_start3A_1231 = arith.constant 0 : i32
      %dma_start3A_1232 = tpu.memref_slice %arg7[%dma_start3A_1229, %dma_start3A_1230, %dma_start3A_1231] : memref<6x128x64xf32, #tpu.memory_space<vmem>> -> memref<1x128x64xf32, #tpu.memory_space<vmem>>
      %dma_start3A_1233 = tpu.memref_squeeze %dma_start3A_1232 : memref<1x128x64xf32, #tpu.memory_space<vmem>> -> memref<128x64xf32, #tpu.memory_space<vmem>>
      %dma_start3A_1234 = arith.constant 0 : i32
      %dma_start3A_1235 = tpu.memref_slice %arg6[%add3A_1217, %dma_start3A_1234] : memref<79x128xi32, #tpu.memory_space<vmem>> -> memref<1x128xi32, #tpu.memory_space<vmem>>
      %dma_start3A_1236 = tpu.memref_squeeze %dma_start3A_1235 : memref<1x128xi32, #tpu.memory_space<vmem>> -> memref<128xi32, #tpu.memory_space<vmem>>
      %dma_start3A_1237 = arith.constant 0 : i32
      %dma_start3A_1238 = arith.constant 0 : i32
      %dma_start3A_1239 = tpu.memref_slice %arg9[%dma_start3A_1237, %dma_start3A_1238] : memref<10240x64xf32, #tpu.memory_space<vmem_shared>> -> memref<10240x64xf32, #tpu.memory_space<vmem_shared>>
      tpu.enqueue_indirect_dma source(%dma_start3A_1233 : memref<128x64xf32, #tpu.memory_space<vmem>>) target(%dma_start3A_1239 : memref<10240x64xf32, #tpu.memory_space<vmem_shared>>) offsets(%dma_start3A_1236 : memref<128xi32, #tpu.memory_space<vmem>>) semaphore(%arg17 : memref<!tpu.dma_semaphore, #tpu.memory_space<semaphore_mem>>) {add = true}
      %dma_wait3A_1240 = arith.constant 0 : i32
      %dma_wait3A_1241 = arith.constant 0 : i32
      %dma_wait3A_1242 = arith.constant 0 : i32
      %dma_wait3A_1243 = tpu.memref_slice %arg7[%dma_wait3A_1240, %dma_wait3A_1241, %dma_wait3A_1242] : memref<6x128x64xf32, #tpu.memory_space<vmem>> -> memref<1x128x64xf32, #tpu.memory_space<vmem>>
      %dma_wait3A_1244 = tpu.memref_squeeze %dma_wait3A_1243 : memref<1x128x64xf32, #tpu.memory_space<vmem>> -> memref<128x64xf32, #tpu.memory_space<vmem>>
      %dma_wait3A_1245 = arith.constant 0 : i32
      %dma_wait3A_1246 = tpu.memref_slice %arg6[%add3A_1217, %dma_wait3A_1245] : memref<79x128xi32, #tpu.memory_space<vmem>> -> memref<1x128xi32, #tpu.memory_space<vmem>>
      %dma_wait3A_1247 = tpu.memref_squeeze %dma_wait3A_1246 : memref<1x128xi32, #tpu.memory_space<vmem>> -> memref<128xi32, #tpu.memory_space<vmem>>
      %dma_wait3A_1248 = arith.constant 0 : i32
      %dma_wait3A_1249 = arith.constant 0 : i32
      %dma_wait3A_1250 = tpu.memref_slice %arg9[%dma_wait3A_1248, %dma_wait3A_1249] : memref<10240x64xf32, #tpu.memory_space<vmem_shared>> -> memref<10240x64xf32, #tpu.memory_space<vmem_shared>>
      tpu.wait_indirect_dma semaphore(%arg16 : memref<!tpu.dma_semaphore, #tpu.memory_space<semaphore_mem>>) src(%dma_wait3A_1244 : memref<128x64xf32, #tpu.memory_space<vmem>>) dst(%dma_wait3A_1250 : memref<10240x64xf32, #tpu.memory_space<vmem_shared>>)
      %lt3A_1251 = arith.constant 12 : i32
      %lt3A_1252 = arith.cmpi slt, %scan3A_1170, %lt3A_1251 : i32
      %convert_element_type3A_1253 = arith.extui %lt3A_1252 : i1 to i32
      %cond3A_1254 = arith.constant 0 : i32
      %cond3A_1255 = arith.cmpi ne, %convert_element_type3A_1253, %cond3A_1254 : i32
      scf.if %cond3A_1255 {
        %add3A_1424 = arith.constant 5 : i32
        %add3A_1425 = arith.addi %add3A_1217, %add3A_1424 : i32
        %dma_start3A_1426 = arith.constant 0 : i32
        %dma_start3A_1427 = arith.constant 0 : i32
        %dma_start3A_1428 = arith.constant 0 : i32
        %dma_start3A_1429 = tpu.memref_slice %arg7[%dma_start3A_1426, %dma_start3A_1427, %dma_start3A_1428] : memref<6x128x64xf32, #tpu.memory_space<vmem>> -> memref<1x128x64xf32, #tpu.memory_space<vmem>>
        %dma_start3A_1430 = tpu.memref_squeeze %dma_start3A_1429 : memref<1x128x64xf32, #tpu.memory_space<vmem>> -> memref<128x64xf32, #tpu.memory_space<vmem>>
        %dma_start3A_1431 = arith.constant 0 : i32
        %dma_start3A_1432 = tpu.memref_slice %arg5[%add3A_1425, %dma_start3A_1431] : memref<79x128xi32, #tpu.memory_space<vmem>> -> memref<1x128xi32, #tpu.memory_space<vmem>>
        %dma_start3A_1433 = tpu.memref_squeeze %dma_start3A_1432 : memref<1x128xi32, #tpu.memory_space<vmem>> -> memref<128xi32, #tpu.memory_space<vmem>>
        %dma_start3A_1434 = arith.constant 0 : i32
        %dma_start3A_1435 = arith.constant 0 : i32
        %dma_start3A_1436 = tpu.memref_slice %arg2[%dma_start3A_1434, %dma_start3A_1435] : memref<10240x64xf32, #tpu.memory_space<hbm>> -> memref<10240x64xf32, #tpu.memory_space<hbm>>
        tpu.enqueue_indirect_dma source(%dma_start3A_1436 : memref<10240x64xf32, #tpu.memory_space<hbm>>) target(%dma_start3A_1430 : memref<128x64xf32, #tpu.memory_space<vmem>>) offsets(%dma_start3A_1433 : memref<128xi32, #tpu.memory_space<vmem>>) semaphore(%arg10 : memref<!tpu.dma_semaphore, #tpu.memory_space<semaphore_mem>>)
      } else {
      }
      %mul3A_1256 = arith.constant 6 : i32
      %mul3A_1257 = arith.muli %scan3A_1170, %mul3A_1256 : i32
      %add3A_1258 = arith.constant 2 : i32
      %add3A_1259 = arith.addi %mul3A_1257, %add3A_1258 : i32
      %dma_wait3A_1260 = arith.constant 2 : i32
      %dma_wait3A_1261 = arith.constant 0 : i32
      %dma_wait3A_1262 = arith.constant 0 : i32
      %dma_wait3A_1263 = tpu.memref_slice %arg7[%dma_wait3A_1260, %dma_wait3A_1261, %dma_wait3A_1262] : memref<6x128x64xf32, #tpu.memory_space<vmem>> -> memref<1x128x64xf32, #tpu.memory_space<vmem>>
      %dma_wait3A_1264 = tpu.memref_squeeze %dma_wait3A_1263 : memref<1x128x64xf32, #tpu.memory_space<vmem>> -> memref<128x64xf32, #tpu.memory_space<vmem>>
      %dma_wait3A_1265 = arith.constant 0 : i32
      %dma_wait3A_1266 = tpu.memref_slice %arg5[%add3A_1259, %dma_wait3A_1265] : memref<79x128xi32, #tpu.memory_space<vmem>> -> memref<1x128xi32, #tpu.memory_space<vmem>>
      %dma_wait3A_1267 = tpu.memref_squeeze %dma_wait3A_1266 : memref<1x128xi32, #tpu.memory_space<vmem>> -> memref<128xi32, #tpu.memory_space<vmem>>
      %dma_wait3A_1268 = arith.constant 0 : i32
      %dma_wait3A_1269 = arith.constant 0 : i32
      %dma_wait3A_1270 = tpu.memref_slice %arg2[%dma_wait3A_1268, %dma_wait3A_1269] : memref<10240x64xf32, #tpu.memory_space<hbm>> -> memref<10240x64xf32, #tpu.memory_space<hbm>>
      tpu.wait_indirect_dma semaphore(%arg12 : memref<!tpu.dma_semaphore, #tpu.memory_space<semaphore_mem>>) src(%dma_wait3A_1270 : memref<10240x64xf32, #tpu.memory_space<hbm>>) dst(%dma_wait3A_1264 : memref<128x64xf32, #tpu.memory_space<vmem>>)
      %dma_start3A_1271 = arith.constant 2 : i32
      %dma_start3A_1272 = arith.constant 0 : i32
      %dma_start3A_1273 = arith.constant 0 : i32
      %dma_start3A_1274 = tpu.memref_slice %arg7[%dma_start3A_1271, %dma_start3A_1272, %dma_start3A_1273] : memref<6x128x64xf32, #tpu.memory_space<vmem>> -> memref<1x128x64xf32, #tpu.memory_space<vmem>>
      %dma_start3A_1275 = tpu.memref_squeeze %dma_start3A_1274 : memref<1x128x64xf32, #tpu.memory_space<vmem>> -> memref<128x64xf32, #tpu.memory_space<vmem>>
      %dma_start3A_1276 = arith.constant 0 : i32
      %dma_start3A_1277 = tpu.memref_slice %arg6[%add3A_1259, %dma_start3A_1276] : memref<79x128xi32, #tpu.memory_space<vmem>> -> memref<1x128xi32, #tpu.memory_space<vmem>>
      %dma_start3A_1278 = tpu.memref_squeeze %dma_start3A_1277 : memref<1x128xi32, #tpu.memory_space<vmem>> -> memref<128xi32, #tpu.memory_space<vmem>>
      %dma_start3A_1279 = arith.constant 0 : i32
      %dma_start3A_1280 = arith.constant 0 : i32
      %dma_start3A_1281 = tpu.memref_slice %arg9[%dma_start3A_1279, %dma_start3A_1280] : memref<10240x64xf32, #tpu.memory_space<vmem_shared>> -> memref<10240x64xf32, #tpu.memory_space<vmem_shared>>
      tpu.enqueue_indirect_dma source(%dma_start3A_1275 : memref<128x64xf32, #tpu.memory_space<vmem>>) target(%dma_start3A_1281 : memref<10240x64xf32, #tpu.memory_space<vmem_shared>>) offsets(%dma_start3A_1278 : memref<128xi32, #tpu.memory_space<vmem>>) semaphore(%arg18 : memref<!tpu.dma_semaphore, #tpu.memory_space<semaphore_mem>>) {add = true}
      %dma_wait3A_1282 = arith.constant 1 : i32
      %dma_wait3A_1283 = arith.constant 0 : i32
      %dma_wait3A_1284 = arith.constant 0 : i32
      %dma_wait3A_1285 = tpu.memref_slice %arg7[%dma_wait3A_1282, %dma_wait3A_1283, %dma_wait3A_1284] : memref<6x128x64xf32, #tpu.memory_space<vmem>> -> memref<1x128x64xf32, #tpu.memory_space<vmem>>
      %dma_wait3A_1286 = tpu.memref_squeeze %dma_wait3A_1285 : memref<1x128x64xf32, #tpu.memory_space<vmem>> -> memref<128x64xf32, #tpu.memory_space<vmem>>
      %dma_wait3A_1287 = arith.constant 0 : i32
      %dma_wait3A_1288 = tpu.memref_slice %arg6[%add3A_1259, %dma_wait3A_1287] : memref<79x128xi32, #tpu.memory_space<vmem>> -> memref<1x128xi32, #tpu.memory_space<vmem>>
      %dma_wait3A_1289 = tpu.memref_squeeze %dma_wait3A_1288 : memref<1x128xi32, #tpu.memory_space<vmem>> -> memref<128xi32, #tpu.memory_space<vmem>>
      %dma_wait3A_1290 = arith.constant 0 : i32
      %dma_wait3A_1291 = arith.constant 0 : i32
      %dma_wait3A_1292 = tpu.memref_slice %arg9[%dma_wait3A_1290, %dma_wait3A_1291] : memref<10240x64xf32, #tpu.memory_space<vmem_shared>> -> memref<10240x64xf32, #tpu.memory_space<vmem_shared>>
      tpu.wait_indirect_dma semaphore(%arg17 : memref<!tpu.dma_semaphore, #tpu.memory_space<semaphore_mem>>) src(%dma_wait3A_1286 : memref<128x64xf32, #tpu.memory_space<vmem>>) dst(%dma_wait3A_1292 : memref<10240x64xf32, #tpu.memory_space<vmem_shared>>)
      %lt3A_1293 = arith.constant 12 : i32
      %lt3A_1294 = arith.cmpi slt, %scan3A_1170, %lt3A_1293 : i32
      %convert_element_type3A_1295 = arith.extui %lt3A_1294 : i1 to i32
      %cond3A_1296 = arith.constant 0 : i32
      %cond3A_1297 = arith.cmpi ne, %convert_element_type3A_1295, %cond3A_1296 : i32
      scf.if %cond3A_1297 {
        %add3A_1424 = arith.constant 5 : i32
        %add3A_1425 = arith.addi %add3A_1259, %add3A_1424 : i32
        %dma_start3A_1426 = arith.constant 1 : i32
        %dma_start3A_1427 = arith.constant 0 : i32
        %dma_start3A_1428 = arith.constant 0 : i32
        %dma_start3A_1429 = tpu.memref_slice %arg7[%dma_start3A_1426, %dma_start3A_1427, %dma_start3A_1428] : memref<6x128x64xf32, #tpu.memory_space<vmem>> -> memref<1x128x64xf32, #tpu.memory_space<vmem>>
        %dma_start3A_1430 = tpu.memref_squeeze %dma_start3A_1429 : memref<1x128x64xf32, #tpu.memory_space<vmem>> -> memref<128x64xf32, #tpu.memory_space<vmem>>
        %dma_start3A_1431 = arith.constant 0 : i32
        %dma_start3A_1432 = tpu.memref_slice %arg5[%add3A_1425, %dma_start3A_1431] : memref<79x128xi32, #tpu.memory_space<vmem>> -> memref<1x128xi32, #tpu.memory_space<vmem>>
        %dma_start3A_1433 = tpu.memref_squeeze %dma_start3A_1432 : memref<1x128xi32, #tpu.memory_space<vmem>> -> memref<128xi32, #tpu.memory_space<vmem>>
        %dma_start3A_1434 = arith.constant 0 : i32
        %dma_start3A_1435 = arith.constant 0 : i32
        %dma_start3A_1436 = tpu.memref_slice %arg2[%dma_start3A_1434, %dma_start3A_1435] : memref<10240x64xf32, #tpu.memory_space<hbm>> -> memref<10240x64xf32, #tpu.memory_space<hbm>>
        tpu.enqueue_indirect_dma source(%dma_start3A_1436 : memref<10240x64xf32, #tpu.memory_space<hbm>>) target(%dma_start3A_1430 : memref<128x64xf32, #tpu.memory_space<vmem>>) offsets(%dma_start3A_1433 : memref<128xi32, #tpu.memory_space<vmem>>) semaphore(%arg11 : memref<!tpu.dma_semaphore, #tpu.memory_space<semaphore_mem>>)
      } else {
      }
      %mul3A_1298 = arith.constant 6 : i32
      %mul3A_1299 = arith.muli %scan3A_1170, %mul3A_1298 : i32
      %add3A_1300 = arith.constant 3 : i32
      %add3A_1301 = arith.addi %mul3A_1299, %add3A_1300 : i32
      %dma_wait3A_1302 = arith.constant 3 : i32
      %dma_wait3A_1303 = arith.constant 0 : i32
      %dma_wait3A_1304 = arith.constant 0 : i32
      %dma_wait3A_1305 = tpu.memref_slice %arg7[%dma_wait3A_1302, %dma_wait3A_1303, %dma_wait3A_1304] : memref<6x128x64xf32, #tpu.memory_space<vmem>> -> memref<1x128x64xf32, #tpu.memory_space<vmem>>
      %dma_wait3A_1306 = tpu.memref_squeeze %dma_wait3A_1305 : memref<1x128x64xf32, #tpu.memory_space<vmem>> -> memref<128x64xf32, #tpu.memory_space<vmem>>
      %dma_wait3A_1307 = arith.constant 0 : i32
      %dma_wait3A_1308 = tpu.memref_slice %arg5[%add3A_1301, %dma_wait3A_1307] : memref<79x128xi32, #tpu.memory_space<vmem>> -> memref<1x128xi32, #tpu.memory_space<vmem>>
      %dma_wait3A_1309 = tpu.memref_squeeze %dma_wait3A_1308 : memref<1x128xi32, #tpu.memory_space<vmem>> -> memref<128xi32, #tpu.memory_space<vmem>>
      %dma_wait3A_1310 = arith.constant 0 : i32
      %dma_wait3A_1311 = arith.constant 0 : i32
      %dma_wait3A_1312 = tpu.memref_slice %arg2[%dma_wait3A_1310, %dma_wait3A_1311] : memref<10240x64xf32, #tpu.memory_space<hbm>> -> memref<10240x64xf32, #tpu.memory_space<hbm>>
      tpu.wait_indirect_dma semaphore(%arg13 : memref<!tpu.dma_semaphore, #tpu.memory_space<semaphore_mem>>) src(%dma_wait3A_1312 : memref<10240x64xf32, #tpu.memory_space<hbm>>) dst(%dma_wait3A_1306 : memref<128x64xf32, #tpu.memory_space<vmem>>)
      %dma_start3A_1313 = arith.constant 3 : i32
      %dma_start3A_1314 = arith.constant 0 : i32
      %dma_start3A_1315 = arith.constant 0 : i32
      %dma_start3A_1316 = tpu.memref_slice %arg7[%dma_start3A_1313, %dma_start3A_1314, %dma_start3A_1315] : memref<6x128x64xf32, #tpu.memory_space<vmem>> -> memref<1x128x64xf32, #tpu.memory_space<vmem>>
      %dma_start3A_1317 = tpu.memref_squeeze %dma_start3A_1316 : memref<1x128x64xf32, #tpu.memory_space<vmem>> -> memref<128x64xf32, #tpu.memory_space<vmem>>
      %dma_start3A_1318 = arith.constant 0 : i32
      %dma_start3A_1319 = tpu.memref_slice %arg6[%add3A_1301, %dma_start3A_1318] : memref<79x128xi32, #tpu.memory_space<vmem>> -> memref<1x128xi32, #tpu.memory_space<vmem>>
      %dma_start3A_1320 = tpu.memref_squeeze %dma_start3A_1319 : memref<1x128xi32, #tpu.memory_space<vmem>> -> memref<128xi32, #tpu.memory_space<vmem>>
      %dma_start3A_1321 = arith.constant 0 : i32
      %dma_start3A_1322 = arith.constant 0 : i32
      %dma_start3A_1323 = tpu.memref_slice %arg9[%dma_start3A_1321, %dma_start3A_1322] : memref<10240x64xf32, #tpu.memory_space<vmem_shared>> -> memref<10240x64xf32, #tpu.memory_space<vmem_shared>>
      tpu.enqueue_indirect_dma source(%dma_start3A_1317 : memref<128x64xf32, #tpu.memory_space<vmem>>) target(%dma_start3A_1323 : memref<10240x64xf32, #tpu.memory_space<vmem_shared>>) offsets(%dma_start3A_1320 : memref<128xi32, #tpu.memory_space<vmem>>) semaphore(%arg19 : memref<!tpu.dma_semaphore, #tpu.memory_space<semaphore_mem>>) {add = true}
      %dma_wait3A_1324 = arith.constant 2 : i32
      %dma_wait3A_1325 = arith.constant 0 : i32
      %dma_wait3A_1326 = arith.constant 0 : i32
      %dma_wait3A_1327 = tpu.memref_slice %arg7[%dma_wait3A_1324, %dma_wait3A_1325, %dma_wait3A_1326] : memref<6x128x64xf32, #tpu.memory_space<vmem>> -> memref<1x128x64xf32, #tpu.memory_space<vmem>>
      %dma_wait3A_1328 = tpu.memref_squeeze %dma_wait3A_1327 : memref<1x128x64xf32, #tpu.memory_space<vmem>> -> memref<128x64xf32, #tpu.memory_space<vmem>>
      %dma_wait3A_1329 = arith.constant 0 : i32
      %dma_wait3A_1330 = tpu.memref_slice %arg6[%add3A_1301, %dma_wait3A_1329] : memref<79x128xi32, #tpu.memory_space<vmem>> -> memref<1x128xi32, #tpu.memory_space<vmem>>
      %dma_wait3A_1331 = tpu.memref_squeeze %dma_wait3A_1330 : memref<1x128xi32, #tpu.memory_space<vmem>> -> memref<128xi32, #tpu.memory_space<vmem>>
      %dma_wait3A_1332 = arith.constant 0 : i32
      %dma_wait3A_1333 = arith.constant 0 : i32
      %dma_wait3A_1334 = tpu.memref_slice %arg9[%dma_wait3A_1332, %dma_wait3A_1333] : memref<10240x64xf32, #tpu.memory_space<vmem_shared>> -> memref<10240x64xf32, #tpu.memory_space<vmem_shared>>
      tpu.wait_indirect_dma semaphore(%arg18 : memref<!tpu.dma_semaphore, #tpu.memory_space<semaphore_mem>>) src(%dma_wait3A_1328 : memref<128x64xf32, #tpu.memory_space<vmem>>) dst(%dma_wait3A_1334 : memref<10240x64xf32, #tpu.memory_space<vmem_shared>>)
      %lt3A_1335 = arith.constant 12 : i32
      %lt3A_1336 = arith.cmpi slt, %scan3A_1170, %lt3A_1335 : i32
      %convert_element_type3A_1337 = arith.extui %lt3A_1336 : i1 to i32
      %cond3A_1338 = arith.constant 0 : i32
      %cond3A_1339 = arith.cmpi ne, %convert_element_type3A_1337, %cond3A_1338 : i32
      scf.if %cond3A_1339 {
        %add3A_1424 = arith.constant 5 : i32
        %add3A_1425 = arith.addi %add3A_1301, %add3A_1424 : i32
        %dma_start3A_1426 = arith.constant 2 : i32
        %dma_start3A_1427 = arith.constant 0 : i32
        %dma_start3A_1428 = arith.constant 0 : i32
        %dma_start3A_1429 = tpu.memref_slice %arg7[%dma_start3A_1426, %dma_start3A_1427, %dma_start3A_1428] : memref<6x128x64xf32, #tpu.memory_space<vmem>> -> memref<1x128x64xf32, #tpu.memory_space<vmem>>
        %dma_start3A_1430 = tpu.memref_squeeze %dma_start3A_1429 : memref<1x128x64xf32, #tpu.memory_space<vmem>> -> memref<128x64xf32, #tpu.memory_space<vmem>>
        %dma_start3A_1431 = arith.constant 0 : i32
        %dma_start3A_1432 = tpu.memref_slice %arg5[%add3A_1425, %dma_start3A_1431] : memref<79x128xi32, #tpu.memory_space<vmem>> -> memref<1x128xi32, #tpu.memory_space<vmem>>
        %dma_start3A_1433 = tpu.memref_squeeze %dma_start3A_1432 : memref<1x128xi32, #tpu.memory_space<vmem>> -> memref<128xi32, #tpu.memory_space<vmem>>
        %dma_start3A_1434 = arith.constant 0 : i32
        %dma_start3A_1435 = arith.constant 0 : i32
        %dma_start3A_1436 = tpu.memref_slice %arg2[%dma_start3A_1434, %dma_start3A_1435] : memref<10240x64xf32, #tpu.memory_space<hbm>> -> memref<10240x64xf32, #tpu.memory_space<hbm>>
        tpu.enqueue_indirect_dma source(%dma_start3A_1436 : memref<10240x64xf32, #tpu.memory_space<hbm>>) target(%dma_start3A_1430 : memref<128x64xf32, #tpu.memory_space<vmem>>) offsets(%dma_start3A_1433 : memref<128xi32, #tpu.memory_space<vmem>>) semaphore(%arg12 : memref<!tpu.dma_semaphore, #tpu.memory_space<semaphore_mem>>)
      } else {
      }
      %mul3A_1340 = arith.constant 6 : i32
      %mul3A_1341 = arith.muli %scan3A_1170, %mul3A_1340 : i32
      %add3A_1342 = arith.constant 4 : i32
      %add3A_1343 = arith.addi %mul3A_1341, %add3A_1342 : i32
      %dma_wait3A_1344 = arith.constant 4 : i32
      %dma_wait3A_1345 = arith.constant 0 : i32
      %dma_wait3A_1346 = arith.constant 0 : i32
      %dma_wait3A_1347 = tpu.memref_slice %arg7[%dma_wait3A_1344, %dma_wait3A_1345, %dma_wait3A_1346] : memref<6x128x64xf32, #tpu.memory_space<vmem>> -> memref<1x128x64xf32, #tpu.memory_space<vmem>>
      %dma_wait3A_1348 = tpu.memref_squeeze %dma_wait3A_1347 : memref<1x128x64xf32, #tpu.memory_space<vmem>> -> memref<128x64xf32, #tpu.memory_space<vmem>>
      %dma_wait3A_1349 = arith.constant 0 : i32
      %dma_wait3A_1350 = tpu.memref_slice %arg5[%add3A_1343, %dma_wait3A_1349] : memref<79x128xi32, #tpu.memory_space<vmem>> -> memref<1x128xi32, #tpu.memory_space<vmem>>
      %dma_wait3A_1351 = tpu.memref_squeeze %dma_wait3A_1350 : memref<1x128xi32, #tpu.memory_space<vmem>> -> memref<128xi32, #tpu.memory_space<vmem>>
      %dma_wait3A_1352 = arith.constant 0 : i32
      %dma_wait3A_1353 = arith.constant 0 : i32
      %dma_wait3A_1354 = tpu.memref_slice %arg2[%dma_wait3A_1352, %dma_wait3A_1353] : memref<10240x64xf32, #tpu.memory_space<hbm>> -> memref<10240x64xf32, #tpu.memory_space<hbm>>
      tpu.wait_indirect_dma semaphore(%arg14 : memref<!tpu.dma_semaphore, #tpu.memory_space<semaphore_mem>>) src(%dma_wait3A_1354 : memref<10240x64xf32, #tpu.memory_space<hbm>>) dst(%dma_wait3A_1348 : memref<128x64xf32, #tpu.memory_space<vmem>>)
      %dma_start3A_1355 = arith.constant 4 : i32
      %dma_start3A_1356 = arith.constant 0 : i32
      %dma_start3A_1357 = arith.constant 0 : i32
      %dma_start3A_1358 = tpu.memref_slice %arg7[%dma_start3A_1355, %dma_start3A_1356, %dma_start3A_1357] : memref<6x128x64xf32, #tpu.memory_space<vmem>> -> memref<1x128x64xf32, #tpu.memory_space<vmem>>
      %dma_start3A_1359 = tpu.memref_squeeze %dma_start3A_1358 : memref<1x128x64xf32, #tpu.memory_space<vmem>> -> memref<128x64xf32, #tpu.memory_space<vmem>>
      %dma_start3A_1360 = arith.constant 0 : i32
      %dma_start3A_1361 = tpu.memref_slice %arg6[%add3A_1343, %dma_start3A_1360] : memref<79x128xi32, #tpu.memory_space<vmem>> -> memref<1x128xi32, #tpu.memory_space<vmem>>
      %dma_start3A_1362 = tpu.memref_squeeze %dma_start3A_1361 : memref<1x128xi32, #tpu.memory_space<vmem>> -> memref<128xi32, #tpu.memory_space<vmem>>
      %dma_start3A_1363 = arith.constant 0 : i32
      %dma_start3A_1364 = arith.constant 0 : i32
      %dma_start3A_1365 = tpu.memref_slice %arg9[%dma_start3A_1363, %dma_start3A_1364] : memref<10240x64xf32, #tpu.memory_space<vmem_shared>> -> memref<10240x64xf32, #tpu.memory_space<vmem_shared>>
      tpu.enqueue_indirect_dma source(%dma_start3A_1359 : memref<128x64xf32, #tpu.memory_space<vmem>>) target(%dma_start3A_1365 : memref<10240x64xf32, #tpu.memory_space<vmem_shared>>) offsets(%dma_start3A_1362 : memref<128xi32, #tpu.memory_space<vmem>>) semaphore(%arg20 : memref<!tpu.dma_semaphore, #tpu.memory_space<semaphore_mem>>) {add = true}
      %dma_wait3A_1366 = arith.constant 3 : i32
      %dma_wait3A_1367 = arith.constant 0 : i32
      %dma_wait3A_1368 = arith.constant 0 : i32
      %dma_wait3A_1369 = tpu.memref_slice %arg7[%dma_wait3A_1366, %dma_wait3A_1367, %dma_wait3A_1368] : memref<6x128x64xf32, #tpu.memory_space<vmem>> -> memref<1x128x64xf32, #tpu.memory_space<vmem>>
      %dma_wait3A_1370 = tpu.memref_squeeze %dma_wait3A_1369 : memref<1x128x64xf32, #tpu.memory_space<vmem>> -> memref<128x64xf32, #tpu.memory_space<vmem>>
      %dma_wait3A_1371 = arith.constant 0 : i32
      %dma_wait3A_1372 = tpu.memref_slice %arg6[%add3A_1343, %dma_wait3A_1371] : memref<79x128xi32, #tpu.memory_space<vmem>> -> memref<1x128xi32, #tpu.memory_space<vmem>>
      %dma_wait3A_1373 = tpu.memref_squeeze %dma_wait3A_1372 : memref<1x128xi32, #tpu.memory_space<vmem>> -> memref<128xi32, #tpu.memory_space<vmem>>
      %dma_wait3A_1374 = arith.constant 0 : i32
      %dma_wait3A_1375 = arith.constant 0 : i32
      %dma_wait3A_1376 = tpu.memref_slice %arg9[%dma_wait3A_1374, %dma_wait3A_1375] : memref<10240x64xf32, #tpu.memory_space<vmem_shared>> -> memref<10240x64xf32, #tpu.memory_space<vmem_shared>>
      tpu.wait_indirect_dma semaphore(%arg19 : memref<!tpu.dma_semaphore, #tpu.memory_space<semaphore_mem>>) src(%dma_wait3A_1370 : memref<128x64xf32, #tpu.memory_space<vmem>>) dst(%dma_wait3A_1376 : memref<10240x64xf32, #tpu.memory_space<vmem_shared>>)
      %lt3A_1377 = arith.constant 12 : i32
      %lt3A_1378 = arith.cmpi slt, %scan3A_1170, %lt3A_1377 : i32
      %convert_element_type3A_1379 = arith.extui %lt3A_1378 : i1 to i32
      %cond3A_1380 = arith.constant 0 : i32
      %cond3A_1381 = arith.cmpi ne, %convert_element_type3A_1379, %cond3A_1380 : i32
      scf.if %cond3A_1381 {
        %add3A_1424 = arith.constant 5 : i32
        %add3A_1425 = arith.addi %add3A_1343, %add3A_1424 : i32
        %dma_start3A_1426 = arith.constant 3 : i32
        %dma_start3A_1427 = arith.constant 0 : i32
        %dma_start3A_1428 = arith.constant 0 : i32
        %dma_start3A_1429 = tpu.memref_slice %arg7[%dma_start3A_1426, %dma_start3A_1427, %dma_start3A_1428] : memref<6x128x64xf32, #tpu.memory_space<vmem>> -> memref<1x128x64xf32, #tpu.memory_space<vmem>>
        %dma_start3A_1430 = tpu.memref_squeeze %dma_start3A_1429 : memref<1x128x64xf32, #tpu.memory_space<vmem>> -> memref<128x64xf32, #tpu.memory_space<vmem>>
        %dma_start3A_1431 = arith.constant 0 : i32
        %dma_start3A_1432 = tpu.memref_slice %arg5[%add3A_1425, %dma_start3A_1431] : memref<79x128xi32, #tpu.memory_space<vmem>> -> memref<1x128xi32, #tpu.memory_space<vmem>>
        %dma_start3A_1433 = tpu.memref_squeeze %dma_start3A_1432 : memref<1x128xi32, #tpu.memory_space<vmem>> -> memref<128xi32, #tpu.memory_space<vmem>>
        %dma_start3A_1434 = arith.constant 0 : i32
        %dma_start3A_1435 = arith.constant 0 : i32
        %dma_start3A_1436 = tpu.memref_slice %arg2[%dma_start3A_1434, %dma_start3A_1435] : memref<10240x64xf32, #tpu.memory_space<hbm>> -> memref<10240x64xf32, #tpu.memory_space<hbm>>
        tpu.enqueue_indirect_dma source(%dma_start3A_1436 : memref<10240x64xf32, #tpu.memory_space<hbm>>) target(%dma_start3A_1430 : memref<128x64xf32, #tpu.memory_space<vmem>>) offsets(%dma_start3A_1433 : memref<128xi32, #tpu.memory_space<vmem>>) semaphore(%arg13 : memref<!tpu.dma_semaphore, #tpu.memory_space<semaphore_mem>>)
      } else {
      }
      %mul3A_1382 = arith.constant 6 : i32
      %mul3A_1383 = arith.muli %scan3A_1170, %mul3A_1382 : i32
      %add3A_1384 = arith.constant 5 : i32
      %add3A_1385 = arith.addi %mul3A_1383, %add3A_1384 : i32
      %dma_wait3A_1386 = arith.constant 5 : i32
      %dma_wait3A_1387 = arith.constant 0 : i32
      %dma_wait3A_1388 = arith.constant 0 : i32
      %dma_wait3A_1389 = tpu.memref_slice %arg7[%dma_wait3A_1386, %dma_wait3A_1387, %dma_wait3A_1388] : memref<6x128x64xf32, #tpu.memory_space<vmem>> -> memref<1x128x64xf32, #tpu.memory_space<vmem>>
      %dma_wait3A_1390 = tpu.memref_squeeze %dma_wait3A_1389 : memref<1x128x64xf32, #tpu.memory_space<vmem>> -> memref<128x64xf32, #tpu.memory_space<vmem>>
      %dma_wait3A_1391 = arith.constant 0 : i32
      %dma_wait3A_1392 = tpu.memref_slice %arg5[%add3A_1385, %dma_wait3A_1391] : memref<79x128xi32, #tpu.memory_space<vmem>> -> memref<1x128xi32, #tpu.memory_space<vmem>>
      %dma_wait3A_1393 = tpu.memref_squeeze %dma_wait3A_1392 : memref<1x128xi32, #tpu.memory_space<vmem>> -> memref<128xi32, #tpu.memory_space<vmem>>
      %dma_wait3A_1394 = arith.constant 0 : i32
      %dma_wait3A_1395 = arith.constant 0 : i32
      %dma_wait3A_1396 = tpu.memref_slice %arg2[%dma_wait3A_1394, %dma_wait3A_1395] : memref<10240x64xf32, #tpu.memory_space<hbm>> -> memref<10240x64xf32, #tpu.memory_space<hbm>>
      tpu.wait_indirect_dma semaphore(%arg15 : memref<!tpu.dma_semaphore, #tpu.memory_space<semaphore_mem>>) src(%dma_wait3A_1396 : memref<10240x64xf32, #tpu.memory_space<hbm>>) dst(%dma_wait3A_1390 : memref<128x64xf32, #tpu.memory_space<vmem>>)
      %dma_start3A_1397 = arith.constant 5 : i32
      %dma_start3A_1398 = arith.constant 0 : i32
      %dma_start3A_1399 = arith.constant 0 : i32
      %dma_start3A_1400 = tpu.memref_slice %arg7[%dma_start3A_1397, %dma_start3A_1398, %dma_start3A_1399] : memref<6x128x64xf32, #tpu.memory_space<vmem>> -> memref<1x128x64xf32, #tpu.memory_space<vmem>>
      %dma_start3A_1401 = tpu.memref_squeeze %dma_start3A_1400 : memref<1x128x64xf32, #tpu.memory_space<vmem>> -> memref<128x64xf32, #tpu.memory_space<vmem>>
      %dma_start3A_1402 = arith.constant 0 : i32
      %dma_start3A_1403 = tpu.memref_slice %arg6[%add3A_1385, %dma_start3A_1402] : memref<79x128xi32, #tpu.memory_space<vmem>> -> memref<1x128xi32, #tpu.memory_space<vmem>>
      %dma_start3A_1404 = tpu.memref_squeeze %dma_start3A_1403 : memref<1x128xi32, #tpu.memory_space<vmem>> -> memref<128xi32, #tpu.memory_space<vmem>>
      %dma_start3A_1405 = arith.constant 0 : i32
      %dma_start3A_1406 = arith.constant 0 : i32
      %dma_start3A_1407 = tpu.memref_slice %arg9[%dma_start3A_1405, %dma_start3A_1406] : memref<10240x64xf32, #tpu.memory_space<vmem_shared>> -> memref<10240x64xf32, #tpu.memory_space<vmem_shared>>
      tpu.enqueue_indirect_dma source(%dma_start3A_1401 : memref<128x64xf32, #tpu.memory_space<vmem>>) target(%dma_start3A_1407 : memref<10240x64xf32, #tpu.memory_space<vmem_shared>>) offsets(%dma_start3A_1404 : memref<128xi32, #tpu.memory_space<vmem>>) semaphore(%arg21 : memref<!tpu.dma_semaphore, #tpu.memory_space<semaphore_mem>>) {add = true}
      %dma_wait3A_1408 = arith.constant 4 : i32
      %dma_wait3A_1409 = arith.constant 0 : i32
      %dma_wait3A_1410 = arith.constant 0 : i32
      %dma_wait3A_1411 = tpu.memref_slice %arg7[%dma_wait3A_1408, %dma_wait3A_1409, %dma_wait3A_1410] : memref<6x128x64xf32, #tpu.memory_space<vmem>> -> memref<1x128x64xf32, #tpu.memory_space<vmem>>
      %dma_wait3A_1412 = tpu.memref_squeeze %dma_wait3A_1411 : memref<1x128x64xf32, #tpu.memory_space<vmem>> -> memref<128x64xf32, #tpu.memory_space<vmem>>
      %dma_wait3A_1413 = arith.constant 0 : i32
      %dma_wait3A_1414 = tpu.memref_slice %arg6[%add3A_1385, %dma_wait3A_1413] : memref<79x128xi32, #tpu.memory_space<vmem>> -> memref<1x128xi32, #tpu.memory_space<vmem>>
      %dma_wait3A_1415 = tpu.memref_squeeze %dma_wait3A_1414 : memref<1x128xi32, #tpu.memory_space<vmem>> -> memref<128xi32, #tpu.memory_space<vmem>>
      %dma_wait3A_1416 = arith.constant 0 : i32
      %dma_wait3A_1417 = arith.constant 0 : i32
      %dma_wait3A_1418 = tpu.memref_slice %arg9[%dma_wait3A_1416, %dma_wait3A_1417] : memref<10240x64xf32, #tpu.memory_space<vmem_shared>> -> memref<10240x64xf32, #tpu.memory_space<vmem_shared>>
      tpu.wait_indirect_dma semaphore(%arg20 : memref<!tpu.dma_semaphore, #tpu.memory_space<semaphore_mem>>) src(%dma_wait3A_1412 : memref<128x64xf32, #tpu.memory_space<vmem>>) dst(%dma_wait3A_1418 : memref<10240x64xf32, #tpu.memory_space<vmem_shared>>)
      %lt3A_1419 = arith.constant 12 : i32
      %lt3A_1420 = arith.cmpi slt, %scan3A_1170, %lt3A_1419 : i32
      %convert_element_type3A_1421 = arith.extui %lt3A_1420 : i1 to i32
      %cond3A_1422 = arith.constant 0 : i32
      %cond3A_1423 = arith.cmpi ne, %convert_element_type3A_1421, %cond3A_1422 : i32
      scf.if %cond3A_1423 {
        %add3A_1424 = arith.constant 5 : i32
        %add3A_1425 = arith.addi %add3A_1385, %add3A_1424 : i32
        %dma_start3A_1426 = arith.constant 4 : i32
        %dma_start3A_1427 = arith.constant 0 : i32
        %dma_start3A_1428 = arith.constant 0 : i32
        %dma_start3A_1429 = tpu.memref_slice %arg7[%dma_start3A_1426, %dma_start3A_1427, %dma_start3A_1428] : memref<6x128x64xf32, #tpu.memory_space<vmem>> -> memref<1x128x64xf32, #tpu.memory_space<vmem>>
        %dma_start3A_1430 = tpu.memref_squeeze %dma_start3A_1429 : memref<1x128x64xf32, #tpu.memory_space<vmem>> -> memref<128x64xf32, #tpu.memory_space<vmem>>
        %dma_start3A_1431 = arith.constant 0 : i32
        %dma_start3A_1432 = tpu.memref_slice %arg5[%add3A_1425, %dma_start3A_1431] : memref<79x128xi32, #tpu.memory_space<vmem>> -> memref<1x128xi32, #tpu.memory_space<vmem>>
        %dma_start3A_1433 = tpu.memref_squeeze %dma_start3A_1432 : memref<1x128xi32, #tpu.memory_space<vmem>> -> memref<128xi32, #tpu.memory_space<vmem>>
        %dma_start3A_1434 = arith.constant 0 : i32
        %dma_start3A_1435 = arith.constant 0 : i32
        %dma_start3A_1436 = tpu.memref_slice %arg2[%dma_start3A_1434, %dma_start3A_1435] : memref<10240x64xf32, #tpu.memory_space<hbm>> -> memref<10240x64xf32, #tpu.memory_space<hbm>>
        tpu.enqueue_indirect_dma source(%dma_start3A_1436 : memref<10240x64xf32, #tpu.memory_space<hbm>>) target(%dma_start3A_1430 : memref<128x64xf32, #tpu.memory_space<vmem>>) offsets(%dma_start3A_1433 : memref<128xi32, #tpu.memory_space<vmem>>) semaphore(%arg14 : memref<!tpu.dma_semaphore, #tpu.memory_space<semaphore_mem>>)
      } else {
      }
    }
    %scan3A_1147 = arith.constant 13 : i32
    %dma_wait3A_1148 = arith.constant 5 : i32
    %dma_wait3A_1149 = arith.constant 0 : i32
    %dma_wait3A_1150 = arith.constant 0 : i32
    %dma_wait3A_1151 = arith.constant 0 : i32
    %dma_wait3A_1152 = tpu.memref_slice %arg7[%dma_wait3A_1148, %dma_wait3A_1150, %dma_wait3A_1151] : memref<6x128x64xf32, #tpu.memory_space<vmem>> -> memref<1x128x64xf32, #tpu.memory_space<vmem>>
    %dma_wait3A_1153 = tpu.memref_squeeze %dma_wait3A_1152 : memref<1x128x64xf32, #tpu.memory_space<vmem>> -> memref<128x64xf32, #tpu.memory_space<vmem>>
    %dma_wait3A_1154 = arith.constant 0 : i32
    %dma_wait3A_1155 = tpu.memref_slice %arg6[%dma_wait3A_1149, %dma_wait3A_1154] : memref<79x128xi32, #tpu.memory_space<vmem>> -> memref<1x128xi32, #tpu.memory_space<vmem>>
    %dma_wait3A_1156 = tpu.memref_squeeze %dma_wait3A_1155 : memref<1x128xi32, #tpu.memory_space<vmem>> -> memref<128xi32, #tpu.memory_space<vmem>>
    %dma_wait3A_1157 = arith.constant 0 : i32
    %dma_wait3A_1158 = arith.constant 0 : i32
    %dma_wait3A_1159 = tpu.memref_slice %arg9[%dma_wait3A_1157, %dma_wait3A_1158] : memref<10240x64xf32, #tpu.memory_space<vmem_shared>> -> memref<10240x64xf32, #tpu.memory_space<vmem_shared>>
    tpu.wait_indirect_dma semaphore(%arg21 : memref<!tpu.dma_semaphore, #tpu.memory_space<semaphore_mem>>) src(%dma_wait3A_1153 : memref<128x64xf32, #tpu.memory_space<vmem>>) dst(%dma_wait3A_1159 : memref<10240x64xf32, #tpu.memory_space<vmem_shared>>)
    %lt3A_1160 = arith.constant 4 : i32
    %lt3A_1161 = arith.cmpi slt, %add3A, %lt3A_1160 : i32
    %convert_element_type3A_1162 = arith.extui %lt3A_1161 : i1 to i32
    %cond3A_1163 = arith.constant 0 : i32
    %cond3A_1164 = arith.cmpi ne, %convert_element_type3A_1162, %cond3A_1163 : i32
    scf.if %cond3A_1164 {
      %dma_start3A_1170 = arith.constant 78 : i32
      %dma_start3A_1171 = arith.constant 0 : i32
      %dma_start3A_1172 = arith.constant 0 : i32
      %dma_start3A_1173 = arith.constant 0 : i32
      %dma_start3A_1174 = tpu.memref_slice %arg7[%dma_start3A_1171, %dma_start3A_1172, %dma_start3A_1173] : memref<6x128x64xf32, #tpu.memory_space<vmem>> -> memref<1x128x64xf32, #tpu.memory_space<vmem>>
      %dma_start3A_1175 = tpu.memref_squeeze %dma_start3A_1174 : memref<1x128x64xf32, #tpu.memory_space<vmem>> -> memref<128x64xf32, #tpu.memory_space<vmem>>
      %dma_start3A_1176 = arith.constant 0 : i32
      %dma_start3A_1177 = tpu.memref_slice %arg5[%dma_start3A_1170, %dma_start3A_1176] : memref<79x128xi32, #tpu.memory_space<vmem>> -> memref<1x128xi32, #tpu.memory_space<vmem>>
      %dma_start3A_1178 = tpu.memref_squeeze %dma_start3A_1177 : memref<1x128xi32, #tpu.memory_space<vmem>> -> memref<128xi32, #tpu.memory_space<vmem>>
      %dma_start3A_1179 = arith.constant 0 : i32
      %dma_start3A_1180 = arith.constant 0 : i32
      %dma_start3A_1181 = tpu.memref_slice %arg2[%dma_start3A_1179, %dma_start3A_1180] : memref<10240x64xf32, #tpu.memory_space<hbm>> -> memref<10240x64xf32, #tpu.memory_space<hbm>>
      tpu.enqueue_indirect_dma source(%dma_start3A_1181 : memref<10240x64xf32, #tpu.memory_space<hbm>>) target(%dma_start3A_1175 : memref<128x64xf32, #tpu.memory_space<vmem>>) offsets(%dma_start3A_1178 : memref<128xi32, #tpu.memory_space<vmem>>) semaphore(%arg10 : memref<!tpu.dma_semaphore, #tpu.memory_space<semaphore_mem>>)
      %dma_wait3A_1182 = arith.constant 78 : i32
      %dma_wait3A_1183 = arith.constant 0 : i32
      %dma_wait3A_1184 = arith.constant 0 : i32
      %dma_wait3A_1185 = arith.constant 0 : i32
      %dma_wait3A_1186 = tpu.memref_slice %arg7[%dma_wait3A_1183, %dma_wait3A_1184, %dma_wait3A_1185] : memref<6x128x64xf32, #tpu.memory_space<vmem>> -> memref<1x128x64xf32, #tpu.memory_space<vmem>>
      %dma_wait3A_1187 = tpu.memref_squeeze %dma_wait3A_1186 : memref<1x128x64xf32, #tpu.memory_space<vmem>> -> memref<128x64xf32, #tpu.memory_space<vmem>>
      %dma_wait3A_1188 = arith.constant 0 : i32
      %dma_wait3A_1189 = tpu.memref_slice %arg5[%dma_wait3A_1182, %dma_wait3A_1188] : memref<79x128xi32, #tpu.memory_space<vmem>> -> memref<1x128xi32, #tpu.memory_space<vmem>>
      %dma_wait3A_1190 = tpu.memref_squeeze %dma_wait3A_1189 : memref<1x128xi32, #tpu.memory_space<vmem>> -> memref<128xi32, #tpu.memory_space<vmem>>
      %dma_wait3A_1191 = arith.constant 0 : i32
      %dma_wait3A_1192 = arith.constant 0 : i32
      %dma_wait3A_1193 = tpu.memref_slice %arg2[%dma_wait3A_1191, %dma_wait3A_1192] : memref<10240x64xf32, #tpu.memory_space<hbm>> -> memref<10240x64xf32, #tpu.memory_space<hbm>>
      tpu.wait_indirect_dma semaphore(%arg10 : memref<!tpu.dma_semaphore, #tpu.memory_space<semaphore_mem>>) src(%dma_wait3A_1193 : memref<10240x64xf32, #tpu.memory_space<hbm>>) dst(%dma_wait3A_1187 : memref<128x64xf32, #tpu.memory_space<vmem>>)
      %run_scoped3A = arith.constant 0 : i32
      %run_scoped3A_1194 = arith.constant 78 : i32
      "tpu.region"() ({
        %run_scoped3A_1195 = tpu.sem_alloc : memref<!tpu.dma_semaphore, #tpu.memory_space<semaphore_mem>>
        %dma_start3A_1196 = arith.constant 0 : i32
        %dma_start3A_1197 = arith.constant 0 : i32
        %dma_start3A_1198 = tpu.memref_slice %arg7[%run_scoped3A, %dma_start3A_1196, %dma_start3A_1197] : memref<6x128x64xf32, #tpu.memory_space<vmem>> -> memref<1x128x64xf32, #tpu.memory_space<vmem>>
        %dma_start3A_1199 = tpu.memref_squeeze %dma_start3A_1198 : memref<1x128x64xf32, #tpu.memory_space<vmem>> -> memref<128x64xf32, #tpu.memory_space<vmem>>
        %dma_start3A_1200 = arith.constant 0 : i32
        %dma_start3A_1201 = tpu.memref_slice %arg6[%run_scoped3A_1194, %dma_start3A_1200] : memref<79x128xi32, #tpu.memory_space<vmem>> -> memref<1x128xi32, #tpu.memory_space<vmem>>
        %dma_start3A_1202 = tpu.memref_squeeze %dma_start3A_1201 : memref<1x128xi32, #tpu.memory_space<vmem>> -> memref<128xi32, #tpu.memory_space<vmem>>
        %dma_start3A_1203 = arith.constant 0 : i32
        %dma_start3A_1204 = arith.constant 0 : i32
        %dma_start3A_1205 = tpu.memref_slice %arg9[%dma_start3A_1203, %dma_start3A_1204] : memref<10240x64xf32, #tpu.memory_space<vmem_shared>> -> memref<10240x64xf32, #tpu.memory_space<vmem_shared>>
        tpu.enqueue_indirect_dma source(%dma_start3A_1199 : memref<128x64xf32, #tpu.memory_space<vmem>>) target(%dma_start3A_1205 : memref<10240x64xf32, #tpu.memory_space<vmem_shared>>) offsets(%dma_start3A_1202 : memref<128xi32, #tpu.memory_space<vmem>>) semaphore(%run_scoped3A_1195 : memref<!tpu.dma_semaphore, #tpu.memory_space<semaphore_mem>>) {add = true}
        %dma_wait3A_1206 = arith.constant 0 : i32
        %dma_wait3A_1207 = arith.constant 0 : i32
        %dma_wait3A_1208 = tpu.memref_slice %arg7[%run_scoped3A, %dma_wait3A_1206, %dma_wait3A_1207] : memref<6x128x64xf32, #tpu.memory_space<vmem>> -> memref<1x128x64xf32, #tpu.memory_space<vmem>>
        %dma_wait3A_1209 = tpu.memref_squeeze %dma_wait3A_1208 : memref<1x128x64xf32, #tpu.memory_space<vmem>> -> memref<128x64xf32, #tpu.memory_space<vmem>>
        %dma_wait3A_1210 = arith.constant 0 : i32
        %dma_wait3A_1211 = tpu.memref_slice %arg6[%run_scoped3A_1194, %dma_wait3A_1210] : memref<79x128xi32, #tpu.memory_space<vmem>> -> memref<1x128xi32, #tpu.memory_space<vmem>>
        %dma_wait3A_1212 = tpu.memref_squeeze %dma_wait3A_1211 : memref<1x128xi32, #tpu.memory_space<vmem>> -> memref<128xi32, #tpu.memory_space<vmem>>
        %dma_wait3A_1213 = arith.constant 0 : i32
        %dma_wait3A_1214 = arith.constant 0 : i32
        %dma_wait3A_1215 = tpu.memref_slice %arg9[%dma_wait3A_1213, %dma_wait3A_1214] : memref<10240x64xf32, #tpu.memory_space<vmem_shared>> -> memref<10240x64xf32, #tpu.memory_space<vmem_shared>>
        tpu.wait_indirect_dma semaphore(%run_scoped3A_1195 : memref<!tpu.dma_semaphore, #tpu.memory_space<semaphore_mem>>) src(%dma_wait3A_1209 : memref<128x64xf32, #tpu.memory_space<vmem>>) dst(%dma_wait3A_1215 : memref<10240x64xf32, #tpu.memory_space<vmem_shared>>)
        tpu.yield
      }) : () -> ()
    } else {
    }
    %barrier3A_1165 = arith.constant 0 : index
    tpu.barrier barrier_id(%barrier3A_1165)
    %mul3A_1166 = arith.constant 640 : i32
    %mul3A_1167 = arith.muli %arg1, %mul3A_1166 : i32
    %mul3A_1168 = arith.constant 640 : i32
    %mul3A_1169 = arith.muli %arg1, %mul3A_1168 : i32
    "tpu.region"() ({
      %run_scoped3A = tpu.sem_alloc : memref<!tpu.dma_semaphore, #tpu.memory_space<semaphore_mem>>
      %dma_start3A_1170 = arith.constant 0 : i32
      %dma_start3A_1171 = tpu.memref_slice %arg4[%arg0, %mul3A_1169, %dma_start3A_1170] : memref<2x10240x64xf32, #tpu.memory_space<hbm>> -> memref<1x640x64xf32, #tpu.memory_space<hbm>>
      %dma_start3A_1172 = tpu.memref_squeeze %dma_start3A_1171 : memref<1x640x64xf32, #tpu.memory_space<hbm>> -> memref<640x64xf32, #tpu.memory_space<hbm>>
      %dma_start3A_1173 = arith.constant 0 : i32
      %dma_start3A_1174 = tpu.memref_slice %arg9[%mul3A_1167, %dma_start3A_1173] : memref<10240x64xf32, #tpu.memory_space<vmem_shared>> -> memref<640x64xf32, #tpu.memory_space<vmem_shared>>
      tpu.enqueue_dma source(%dma_start3A_1174 : memref<640x64xf32, #tpu.memory_space<vmem_shared>>) target(%dma_start3A_1172 : memref<640x64xf32, #tpu.memory_space<hbm>>) target_semaphore(%run_scoped3A : memref<!tpu.dma_semaphore, #tpu.memory_space<semaphore_mem>>)
      %dma_wait3A_1175 = arith.constant 0 : i32
      %dma_wait3A_1176 = tpu.memref_slice %arg4[%arg0, %mul3A_1169, %dma_wait3A_1175] : memref<2x10240x64xf32, #tpu.memory_space<hbm>> -> memref<1x640x64xf32, #tpu.memory_space<hbm>>
      %dma_wait3A_1177 = tpu.memref_squeeze %dma_wait3A_1176 : memref<1x640x64xf32, #tpu.memory_space<hbm>> -> memref<640x64xf32, #tpu.memory_space<hbm>>
      %dma_wait3A_1178 = arith.constant 0 : i32
      %dma_wait3A_1179 = tpu.memref_slice %arg9[%mul3A_1167, %dma_wait3A_1178] : memref<10240x64xf32, #tpu.memory_space<vmem_shared>> -> memref<640x64xf32, #tpu.memory_space<vmem_shared>>
      tpu.wait_dma2 semaphore(%run_scoped3A : memref<!tpu.dma_semaphore, #tpu.memory_space<semaphore_mem>>) src(%dma_wait3A_1179 : memref<640x64xf32, #tpu.memory_space<vmem_shared>>) dst(%dma_wait3A_1177 : memref<640x64xf32, #tpu.memory_space<hbm>>)
      tpu.yield
    }) : () -> ()
    return
  }
}

module attributes {stable_mosaic.version = 14 : i64} {
  func.func @_mm1_body(%arg0: i32, %arg1: memref<5120x128xf32, #tpu.memory_space<vmem>>, %arg2: memref<128x64xf32, #tpu.memory_space<vmem>>, %arg3: memref<2x5120xf32, #tpu.memory_space<vmem>>, %arg4: memref<5120x64xf32, #tpu.memory_space<vmem>>) attributes {dimension_semantics = [#tpu.dimension_semantics<arbitrary>], iteration_bounds = array<i64: 2>, scalar_prefetch = 0 : i64, scratch_operands = 0 : i64, tpu.core_type = #tpu.core_type<tc>, window_params = [{transform_indices = @transform_0, window_bounds = array<i64: 5120, 128>}, {pipeline_mode = #tpu.pipeline_mode<synchronous>, transform_indices = @transform_1, window_bounds = array<i64: 128, 64>}, {transform_indices = @transform_2, window_bounds = array<i64: 2, 5120>}, {transform_indices = @transform_3, window_bounds = array<i64: 5120, 64>}]} {
    %get3A = arith.constant 0 : index
    %get3A_0 = arith.constant 0 : index
    %get3A_1 = vector.load %arg3[%get3A, %get3A_0] : memref<2x5120xf32, #tpu.memory_space<vmem>>, vector<1x5120xf32>
    %get3A_2 = vector.shape_cast %get3A_1 : vector<1x5120xf32> to vector<5120xf32>
    %get3A_3 = arith.constant 1 : index
    %get3A_4 = arith.constant 0 : index
    %get3A_5 = vector.load %arg3[%get3A_3, %get3A_4] : memref<2x5120xf32, #tpu.memory_space<vmem>>, vector<1x5120xf32>
    %get3A_6 = vector.shape_cast %get3A_5 : vector<1x5120xf32> to vector<5120xf32>
    %add3A = arith.addf %get3A_2, %get3A_6 : vector<5120xf32>
    %add3A_7 = arith.constant 1.000000e+00 : f32
    %add3A_8 = vector.broadcast %add3A_7 : f32 to vector<5120xf32>
    %add3A_9 = arith.addf %add3A, %add3A_8 : vector<5120xf32>
    %rsqrt3A = math.rsqrt %add3A_9 : vector<5120xf32>
    %get3A_10 = arith.constant 0 : index
    %get3A_11 = arith.constant 0 : index
    %get3A_12 = vector.load %arg1[%get3A_10, %get3A_11] : memref<5120x128xf32, #tpu.memory_space<vmem>>, vector<5120x128xf32>
    %get3A_13 = arith.constant 0 : index
    %get3A_14 = arith.constant 0 : index
    %get3A_15 = vector.load %arg2[%get3A_13, %get3A_14] : memref<128x64xf32, #tpu.memory_space<vmem>>, vector<128x64xf32>
    %dot_general3A = arith.constant dense<0.000000e+00> : vector<5120x64xf32>
    %dot_general3A_16 = tpu.matmul %get3A_12, %get3A_15, %dot_general3A {dimension_numbers = #tpu.dot_dimension_numbers<[1], [0], [0], [1], [0, 0, 1, 1], [], []>, transpose_lhs_hint = false} : vector<5120x128xf32>, vector<128x64xf32>, vector<5120x64xf32> -> vector<5120x64xf32>
    %broadcast_in_dim3A = vector.shape_cast %rsqrt3A : vector<5120xf32> to vector<5120x1xf32>
    %mul3A = vector.broadcast %broadcast_in_dim3A : vector<5120x1xf32> to vector<5120x64xf32>
    %mul3A_17 = arith.mulf %dot_general3A_16, %mul3A : vector<5120x64xf32>
    %swap3A = arith.constant 0 : index
    %swap3A_18 = arith.constant 0 : index
    %swap3A_19 = vector.load %arg4[%swap3A, %swap3A_18] : memref<5120x64xf32, #tpu.memory_space<vmem>>, vector<5120x64xf32>
    tpu.vector_store %arg4[%swap3A, %swap3A_18], %mul3A_17 {strides = array<i32>} : memref<5120x64xf32, #tpu.memory_space<vmem>>, vector<5120x64xf32>,
    return
  }
  func.func @transform_0(%arg0: i32) -> (i32, i32) {
    %c0_i32 = arith.constant 0 : i32
    %c0_i32_0 = arith.constant 0 : i32
    return %arg0, %c0_i32 : i32, i32
  }
  func.func @transform_1(%arg0: i32) -> (i32, i32) {
    %c0_i32 = arith.constant 0 : i32
    %c0_i32_0 = arith.constant 0 : i32
    %c0_i32_1 = arith.constant 0 : i32
    return %c0_i32, %c0_i32_0 : i32, i32
  }
  func.func @transform_2(%arg0: i32) -> (i32, i32) {
    %c0_i32 = arith.constant 0 : i32
    %c0_i32_0 = arith.constant 0 : i32
    return %c0_i32, %arg0 : i32, i32
  }
  func.func @transform_3(%arg0: i32) -> (i32, i32) {
    %c0_i32 = arith.constant 0 : i32
    %c0_i32_0 = arith.constant 0 : i32
    return %arg0, %c0_i32 : i32, i32
  }
}

module attributes {stable_mosaic.version = 14 : i64} {
  func.func @_mm2_body(%arg0: i32, %arg1: memref<2x5120xf32, #tpu.memory_space<vmem>>, %arg2: memref<2x5120x64xf32, #tpu.memory_space<vmem>>, %arg3: memref<5120x64xf32, #tpu.memory_space<vmem>>, %arg4: memref<1x64xf32, #tpu.memory_space<vmem>>, %arg5: memref<64x40xf32, #tpu.memory_space<vmem>>, %arg6: memref<5120x40xf32, #tpu.memory_space<vmem>>) attributes {dimension_semantics = [#tpu.dimension_semantics<arbitrary>], iteration_bounds = array<i64: 2>, scalar_prefetch = 0 : i64, scratch_operands = 0 : i64, tpu.core_type = #tpu.core_type<tc>, window_params = [{transform_indices = @transform_0, window_bounds = array<i64: 2, 5120>}, {transform_indices = @transform_1, window_bounds = array<i64: 2, 5120, 64>}, {transform_indices = @transform_2, window_bounds = array<i64: 5120, 64>}, {pipeline_mode = #tpu.pipeline_mode<synchronous>, transform_indices = @transform_3, window_bounds = array<i64: 1, 64>}, {pipeline_mode = #tpu.pipeline_mode<synchronous>, transform_indices = @transform_4, window_bounds = array<i64: 64, 40>}, {transform_indices = @transform_5, window_bounds = array<i64: 5120, 40>}]} {
    %get3A = arith.constant 0 : index
    %get3A_0 = arith.constant 0 : index
    %get3A_1 = vector.load %arg1[%get3A, %get3A_0] : memref<2x5120xf32, #tpu.memory_space<vmem>>, vector<1x5120xf32>
    %get3A_2 = vector.shape_cast %get3A_1 : vector<1x5120xf32> to vector<5120xf32>
    %get3A_3 = arith.constant 1 : index
    %get3A_4 = arith.constant 0 : index
    %get3A_5 = vector.load %arg1[%get3A_3, %get3A_4] : memref<2x5120xf32, #tpu.memory_space<vmem>>, vector<1x5120xf32>
    %get3A_6 = vector.shape_cast %get3A_5 : vector<1x5120xf32> to vector<5120xf32>
    %add3A = arith.addf %get3A_2, %get3A_6 : vector<5120xf32>
    %add3A_7 = arith.constant 1.000000e+00 : f32
    %add3A_8 = vector.broadcast %add3A_7 : f32 to vector<5120xf32>
    %add3A_9 = arith.addf %add3A, %add3A_8 : vector<5120xf32>
    %rsqrt3A = math.rsqrt %add3A_9 : vector<5120xf32>
    %get3A_10 = arith.constant 0 : index
    %get3A_11 = arith.constant 0 : index
    %get3A_12 = arith.constant 0 : index
    %get3A_13 = vector.load %arg2[%get3A_10, %get3A_11, %get3A_12] : memref<2x5120x64xf32, #tpu.memory_space<vmem>>, vector<1x5120x64xf32>
    %get3A_14 = vector.shape_cast %get3A_13 : vector<1x5120x64xf32> to vector<5120x64xf32>
    %get3A_15 = arith.constant 1 : index
    %get3A_16 = arith.constant 0 : index
    %get3A_17 = arith.constant 0 : index
    %get3A_18 = vector.load %arg2[%get3A_15, %get3A_16, %get3A_17] : memref<2x5120x64xf32, #tpu.memory_space<vmem>>, vector<1x5120x64xf32>
    %get3A_19 = vector.shape_cast %get3A_18 : vector<1x5120x64xf32> to vector<5120x64xf32>
    %add3A_20 = arith.addf %get3A_14, %get3A_19 : vector<5120x64xf32>
    %get3A_21 = arith.constant 0 : index
    %get3A_22 = arith.constant 0 : index
    %get3A_23 = vector.load %arg3[%get3A_21, %get3A_22] : memref<5120x64xf32, #tpu.memory_space<vmem>>, vector<5120x64xf32>
    %add3A_24 = arith.addf %add3A_20, %get3A_23 : vector<5120x64xf32>
    %broadcast_in_dim3A = vector.shape_cast %rsqrt3A : vector<5120xf32> to vector<5120x1xf32>
    %mul3A = vector.broadcast %broadcast_in_dim3A : vector<5120x1xf32> to vector<5120x64xf32>
    %mul3A_25 = arith.mulf %add3A_24, %mul3A : vector<5120x64xf32>
    %get3A_26 = arith.constant 0 : index
    %get3A_27 = arith.constant 0 : index
    %get3A_28 = vector.load %arg4[%get3A_26, %get3A_27] : memref<1x64xf32, #tpu.memory_space<vmem>>, vector<1x64xf32>
    %add3A_29 = vector.broadcast %get3A_28 : vector<1x64xf32> to vector<5120x64xf32>
    %add3A_30 = arith.addf %mul3A_25, %add3A_29 : vector<5120x64xf32>
    %max3A = arith.constant 0.000000e+00 : f32
    %max3A_31 = vector.broadcast %max3A : f32 to vector<5120x64xf32>
    %max3A_32 = arith.maximumf %add3A_30, %max3A_31 : vector<5120x64xf32>
    %get3A_33 = arith.constant 0 : index
    %get3A_34 = arith.constant 0 : index
    %get3A_35 = vector.load %arg5[%get3A_33, %get3A_34] : memref<64x40xf32, #tpu.memory_space<vmem>>, vector<64x40xf32>
    %dot_general3A = arith.constant dense<0.000000e+00> : vector<5120x40xf32>
    %dot_general3A_36 = tpu.matmul %max3A_32, %get3A_35, %dot_general3A {dimension_numbers = #tpu.dot_dimension_numbers<[1], [0], [0], [1], [0, 0, 1, 1], [], []>, transpose_lhs_hint = false} : vector<5120x64xf32>, vector<64x40xf32>, vector<5120x40xf32> -> vector<5120x40xf32>
    %broadcast_in_dim3A_37 = vector.shape_cast %rsqrt3A : vector<5120xf32> to vector<5120x1xf32>
    %mul3A_38 = vector.broadcast %broadcast_in_dim3A_37 : vector<5120x1xf32> to vector<5120x40xf32>
    %mul3A_39 = arith.mulf %dot_general3A_36, %mul3A_38 : vector<5120x40xf32>
    %swap3A = arith.constant 0 : index
    %swap3A_40 = arith.constant 0 : index
    %swap3A_41 = vector.load %arg6[%swap3A, %swap3A_40] : memref<5120x40xf32, #tpu.memory_space<vmem>>, vector<5120x40xf32>
    tpu.vector_store %arg6[%swap3A, %swap3A_40], %mul3A_39 {strides = array<i32>} : memref<5120x40xf32, #tpu.memory_space<vmem>>, vector<5120x40xf32>,
    return
  }
  func.func @transform_0(%arg0: i32) -> (i32, i32) {
    %c0_i32 = arith.constant 0 : i32
    %c0_i32_0 = arith.constant 0 : i32
    return %c0_i32, %arg0 : i32, i32
  }
  func.func @transform_1(%arg0: i32) -> (i32, i32, i32) {
    %c0_i32 = arith.constant 0 : i32
    %c0_i32_0 = arith.constant 0 : i32
    %c0_i32_1 = arith.constant 0 : i32
    return %c0_i32, %arg0, %c0_i32_0 : i32, i32, i32
  }
  func.func @transform_2(%arg0: i32) -> (i32, i32) {
    %c0_i32 = arith.constant 0 : i32
    %c0_i32_0 = arith.constant 0 : i32
    return %arg0, %c0_i32 : i32, i32
  }
  func.func @transform_3(%arg0: i32) -> (i32, i32) {
    %c0_i32 = arith.constant 0 : i32
    %c0_i32_0 = arith.constant 0 : i32
    %c0_i32_1 = arith.constant 0 : i32
    return %c0_i32, %c0_i32_0 : i32, i32
  }
  func.func @transform_4(%arg0: i32) -> (i32, i32) {
    %c0_i32 = arith.constant 0 : i32
    %c0_i32_0 = arith.constant 0 : i32
    %c0_i32_1 = arith.constant 0 : i32
    return %c0_i32, %c0_i32_0 : i32, i32
  }
  func.func @transform_5(%arg0: i32) -> (i32, i32) {
    %c0_i32 = arith.constant 0 : i32
    %c0_i32_0 = arith.constant 0 : i32
    return %arg0, %c0_i32 : i32, i32
  }
}

module attributes {stable_mosaic.version = 14 : i64} {
  func.func @_fin_body(%arg0: i32, %arg1: memref<2x5120xf32, #tpu.memory_space<vmem>>, %arg2: memref<2x5120x40xf32, #tpu.memory_space<vmem>>, %arg3: memref<5120x40xf32, #tpu.memory_space<vmem>>, %arg4: memref<1x40xf32, #tpu.memory_space<vmem>>, %arg5: memref<5120x40xf32, #tpu.memory_space<vmem>>) attributes {dimension_semantics = [#tpu.dimension_semantics<arbitrary>], iteration_bounds = array<i64: 2>, scalar_prefetch = 0 : i64, scratch_operands = 0 : i64, tpu.core_type = #tpu.core_type<tc>, window_params = [{transform_indices = @transform_0, window_bounds = array<i64: 2, 5120>}, {transform_indices = @transform_1, window_bounds = array<i64: 2, 5120, 40>}, {transform_indices = @transform_2, window_bounds = array<i64: 5120, 40>}, {pipeline_mode = #tpu.pipeline_mode<synchronous>, transform_indices = @transform_3, window_bounds = array<i64: 1, 40>}, {transform_indices = @transform_4, window_bounds = array<i64: 5120, 40>}]} {
    %get3A = arith.constant 0 : index
    %get3A_0 = arith.constant 0 : index
    %get3A_1 = vector.load %arg1[%get3A, %get3A_0] : memref<2x5120xf32, #tpu.memory_space<vmem>>, vector<1x5120xf32>
    %get3A_2 = vector.shape_cast %get3A_1 : vector<1x5120xf32> to vector<5120xf32>
    %get3A_3 = arith.constant 1 : index
    %get3A_4 = arith.constant 0 : index
    %get3A_5 = vector.load %arg1[%get3A_3, %get3A_4] : memref<2x5120xf32, #tpu.memory_space<vmem>>, vector<1x5120xf32>
    %get3A_6 = vector.shape_cast %get3A_5 : vector<1x5120xf32> to vector<5120xf32>
    %add3A = arith.addf %get3A_2, %get3A_6 : vector<5120xf32>
    %add3A_7 = arith.constant 1.000000e+00 : f32
    %add3A_8 = vector.broadcast %add3A_7 : f32 to vector<5120xf32>
    %add3A_9 = arith.addf %add3A, %add3A_8 : vector<5120xf32>
    %rsqrt3A = math.rsqrt %add3A_9 : vector<5120xf32>
    %get3A_10 = arith.constant 0 : index
    %get3A_11 = arith.constant 0 : index
    %get3A_12 = arith.constant 0 : index
    %get3A_13 = vector.load %arg2[%get3A_10, %get3A_11, %get3A_12] : memref<2x5120x40xf32, #tpu.memory_space<vmem>>, vector<1x5120x40xf32>
    %get3A_14 = vector.shape_cast %get3A_13 : vector<1x5120x40xf32> to vector<5120x40xf32>
    %get3A_15 = arith.constant 1 : index
    %get3A_16 = arith.constant 0 : index
    %get3A_17 = arith.constant 0 : index
    %get3A_18 = vector.load %arg2[%get3A_15, %get3A_16, %get3A_17] : memref<2x5120x40xf32, #tpu.memory_space<vmem>>, vector<1x5120x40xf32>
    %get3A_19 = vector.shape_cast %get3A_18 : vector<1x5120x40xf32> to vector<5120x40xf32>
    %add3A_20 = arith.addf %get3A_14, %get3A_19 : vector<5120x40xf32>
    %get3A_21 = arith.constant 0 : index
    %get3A_22 = arith.constant 0 : index
    %get3A_23 = vector.load %arg3[%get3A_21, %get3A_22] : memref<5120x40xf32, #tpu.memory_space<vmem>>, vector<5120x40xf32>
    %add3A_24 = arith.addf %add3A_20, %get3A_23 : vector<5120x40xf32>
    %broadcast_in_dim3A = vector.shape_cast %rsqrt3A : vector<5120xf32> to vector<5120x1xf32>
    %mul3A = vector.broadcast %broadcast_in_dim3A : vector<5120x1xf32> to vector<5120x40xf32>
    %mul3A_25 = arith.mulf %add3A_24, %mul3A : vector<5120x40xf32>
    %get3A_26 = arith.constant 0 : index
    %get3A_27 = arith.constant 0 : index
    %get3A_28 = vector.load %arg4[%get3A_26, %get3A_27] : memref<1x40xf32, #tpu.memory_space<vmem>>, vector<1x40xf32>
    %add3A_29 = vector.broadcast %get3A_28 : vector<1x40xf32> to vector<5120x40xf32>
    %add3A_30 = arith.addf %mul3A_25, %add3A_29 : vector<5120x40xf32>
    %reduce_max3A = arith.constant dense<0xFF800000> : vector<5120xf32>
    %reduce_max3A_31 = vector.multi_reduction <maximumf>, %add3A_30, %reduce_max3A [1] : vector<5120x40xf32> to vector<5120xf32>
    %broadcast_in_dim3A_32 = vector.shape_cast %reduce_max3A_31 : vector<5120xf32> to vector<5120x1xf32>
    %sub3A = vector.broadcast %broadcast_in_dim3A_32 : vector<5120x1xf32> to vector<5120x40xf32>
    %sub3A_33 = arith.subf %add3A_30, %sub3A : vector<5120x40xf32>
    %exp3A = math.exp %sub3A_33 : vector<5120x40xf32>
    %reduce_sum3A = arith.constant dense<0.000000e+00> : vector<5120xf32>
    %reduce_sum3A_34 = vector.multi_reduction <add>, %exp3A, %reduce_sum3A [1] : vector<5120x40xf32> to vector<5120xf32>
    %broadcast_in_dim3A_35 = vector.shape_cast %reduce_sum3A_34 : vector<5120xf32> to vector<5120x1xf32>
    %log3A = math.log %broadcast_in_dim3A_35 : vector<5120x1xf32>
    %add3A_36 = arith.addf %log3A, %broadcast_in_dim3A_32 : vector<5120x1xf32>
    %sub3A_37 = vector.broadcast %add3A_36 : vector<5120x1xf32> to vector<5120x40xf32>
    %sub3A_38 = arith.subf %add3A_30, %sub3A_37 : vector<5120x40xf32>
    %swap3A = arith.constant 0 : index
    %swap3A_39 = arith.constant 0 : index
    %swap3A_40 = vector.load %arg5[%swap3A, %swap3A_39] : memref<5120x40xf32, #tpu.memory_space<vmem>>, vector<5120x40xf32>
    tpu.vector_store %arg5[%swap3A, %swap3A_39], %sub3A_38 {strides = array<i32>} : memref<5120x40xf32, #tpu.memory_space<vmem>>, vector<5120x40xf32>,
    return
  }
  func.func @transform_0(%arg0: i32) -> (i32, i32) {
    %c0_i32 = arith.constant 0 : i32
    %c0_i32_0 = arith.constant 0 : i32
    return %c0_i32, %arg0 : i32, i32
  }
  func.func @transform_1(%arg0: i32) -> (i32, i32, i32) {
    %c0_i32 = arith.constant 0 : i32
    %c0_i32_0 = arith.constant 0 : i32
    %c0_i32_1 = arith.constant 0 : i32
    return %c0_i32, %arg0, %c0_i32_0 : i32, i32, i32
  }
  func.func @transform_2(%arg0: i32) -> (i32, i32) {
    %c0_i32 = arith.constant 0 : i32
    %c0_i32_0 = arith.constant 0 : i32
    return %arg0, %c0_i32 : i32, i32
  }
  func.func @transform_3(%arg0: i32) -> (i32, i32) {
    %c0_i32 = arith.constant 0 : i32
    %c0_i32_0 = arith.constant 0 : i32
    %c0_i32_1 = arith.constant 0 : i32
    return %c0_i32, %c0_i32_0 : i32, i32
  }
  func.func @transform_4(%arg0: i32) -> (i32, i32) {
    %c0_i32 = arith.constant 0 : i32
    %c0_i32_0 = arith.constant 0 : i32
    return %arg0, %c0_i32 : i32, i32
  }
}

</mosaic_0001>

<sc_bundles>
// kernel: kernel.11.cloned.1.call-start
scs
__scs_entry_jumppad:
0x0: {  	(pc) =	sbr.rel $0x88, $3  }
0x1: {  	(tag) =	ssettag $0x0;
	lr =	simm.s32 $0x1  }
0x2: {  	[smem:$0x3F9B] =	sst lr;
	_ =	strace $0xD0000000  }
0x3: {  	_ = 	snop  }
0x4: {  	_ = 	snop  }
0x5: {  	_ = 	snop  }
0x6: {  	_ = 	snop  }
0x7: {  	_ = 	snop  }
__scs_overlays_trampoline_lowered:
0x8: {  	[smem:$0x3FAA] =	sst s0  }
0x9: {  	[smem:$0x3FAB] =	sst s1  }
0xa: {  	[smem:$0x3FAC] =	sst s2  }
0xb: {  	[smem:$0x3FAD] =	sst s3  }
0xc: {  	[smem:$0x3FAE] =	sst s4  }
0xd: {  	[smem:$0x3FAF] =	sst s5  }
0xe: {  	[smem:$0x3FB0] =	sst s6  }
0xf: {  	[smem:$0x3FB1] =	sst s7  }
0x10: {  	[smem:$0x3FB2] =	sst s8  }
0x11: {  	[smem:$0x3FB3] =	sst s9;
	s0 =	simm.s32 @!p0 $0x0  }
0x12: {  	s1 =	sld [smem:$0x3F99];
	s0 =	simm.s32 @p0 $0x1  }
0x13: {  	[smem:$0x3FB4] =	sst s0;
	s0 =	simm.s32 @!p1 $0x0  }
0x14: {  	s2 =	sld [smem:$0x3F98];
	s0 =	simm.s32 @p1 $0x1  }
0x15: {  	[smem:$0x3FB5] =	sst s0;
	s0 =	simm.s32 @!p2 $0x0  }
0x16: {  	s3 =	sld [smem:$0x3FDB];
	s0 =	simm.s32 @p2 $0x1  }
0x17: {  	s4 =	simm.s32 $0x1BF5;
	[smem:$0x3FB7] =	sst s0  }
0x18: {  	s0 =	sld [smem:$0x3F9A];
	_ =	swait.ge [sflag:s4], $0x0  }
0x19: {  	s7 =	sld [smem:$0x3F9B]  }
0x1a: {  	s8 =	sadd.s32 $0xFFFFE003, lr  }
0x1b: {  	s9 =	sadd.s32 $0xFFFFFEF7, lr;
	s5 =	simm.s32 $0xFFFFFFFF;
	p2 =	slt.u32 s8, $0xFFFFF086  }
0x1c: {  	p1 =	slt.u32 s9, $0xF7A;
	s5 =	simm.s32 @!p2 $0x0  }
0x1d: {  	s5 =	simm.s32 @p1 $0x1;
	p0 =	seq.s32 s7, s2  }
0x1e: {  	s7 =	smul.u32 @!p0 $0xF7A, s2;
	p2 =	seq.s32 @!p0 s5, $0x0  }
0x1f: {  	s9 =	smul.u32 $0xF7A, s1;
	s8 =	simm.s32 @!p0 $0x1BF5;
	p2 =	por !p2, p0  }
0x20: {  	[sflag:s8] =	ssyncset.s32 @!p0 $0xFFFFF086;
	s6 =	sadd.s32 @!p0 s3, s7;
	s7 =	simm.s32 @!p0 $0x108  }
0x21: {  	s3 =	sadd.s32 s3, s9;
	s6 =	sadd.s32 @!p0 $0x88, s6;
	s7 =	simm.s32 @p2 $0x1082  }
0x22: {  	[simem:s7], [sflag:s8] =	dma.local @!p0 [hbm:s6], $0xF7A  }
0x23: {  	s9 =	sor.u32 $0xD0000000, s2;
	s6 =	simm.s32 $0x108;
	_ =	swait.ge @!p0 [sflag:s8], $0x0  }
0x24: {  	s3 =	sadd.s32 $0x88, s3;
	s6 =	simm.s32 @!p1 $0x1082;
	[sflag:s4] =	ssyncset.s32 $0xFFFFF086  }
0x25: {  	[simem:s6], [sflag:s4] =	dma.local [hbm:s3], $0xF7A  }
0x26: {  	[smem:$0x3F9B] =	sst s1;
	(tag) =	ssettag s2;
	_ =	strace s9  }
0x27: {  	s1 =	sld [smem:$0x3FAB]  }
0x28: {  	s2 =	sld [smem:$0x3FAC]  }
0x29: {  	s4 =	sld [smem:$0x3FAE]  }
0x2a: {  	p0 =	seq.s32 s5, $0x0;
	s5 =	sld [smem:$0x3FAF]  }
0x2b: {  	s6 =	sld [smem:$0x3FB0]  }
0x2c: {  	s7 =	sld [smem:$0x3FB1]  }
0x2d: {  	s3 =	simm.s32 $0x108;
	s8 =	sld [smem:$0x3FB2]  }
0x2e: {  	s3 =	simm.s32 @!p0 $0x1082;
	s9 =	sld [smem:$0x3FB3]  }
0x2f: {  	lr =	sadd.s32 s0, s3;
	s0 =	sld [smem:$0x3FAA]  }
0x30: {  	s3 =	sld [smem:$0x3FAD]  }
0x31: {  	[smem:$0x3FB6] =	sst s10  }
0x32: {  	s10 =	sld [smem:$0x3FB4];
	_ =	sdelay $0x3  }
0x33: {  	p0 =	seq.s32 s10, $0x1;
	s10 =	sld [smem:$0x3FB6];
	_ =	sdelay $0x3  }
0x34: {  	[smem:$0x3FB6] =	sst s10  }
0x35: {  	s10 =	sld [smem:$0x3FB5];
	_ =	sdelay $0x3  }
0x36: {  	p1 =	seq.s32 s10, $0x1;
	s10 =	sld [smem:$0x3FB6];
	_ =	sdelay $0x3  }
0x37: {  	[smem:$0x3FB6] =	sst s10  }
0x38: {  	s10 =	sld [smem:$0x3FB7]  }
0x39: {  	_ = 	snop;
	(pc) =	sbr.ind lr, $3  }
0x3a: {  	_ = 	snop  }
0x3b: {  	_ = 	snop  }
0x3c: {  	p2 =	seq.s32 s10, $0x1;
	s10 =	sld [smem:$0x3FB6]  }
0x3d: {  	_ =	shalt  }
0x3e: {  	_ =	shalt  }
0x3f: {  	_ =	shalt  }
0x40: {  	_ =	shalt  }
0x41: {  	_ =	shalt  }
0x42: {  	_ =	shalt  }
0x43: {  	_ =	shalt  }
0x44: {  	_ =	shalt  }
0x45: {  	_ =	shalt  }
0x46: {  	_ =	shalt  }
0x47: {  	_ =	shalt  }
0x48: {  	_ =	shalt  }
0x49: {  	_ =	shalt  }
0x4a: {  	_ =	shalt  }
0x4b: {  	_ =	shalt  }
0x4c: {  	_ =	shalt  }
0x4d: {  	_ =	shalt  }
0x4e: {  	_ =	shalt  }
0x4f: {  	_ =	shalt  }
0x50: {  	_ =	shalt  }
0x51: {  	_ =	shalt  }
0x52: {  	_ =	shalt  }
0x53: {  	_ =	shalt  }
0x54: {  	_ =	shalt  }
0x55: {  	_ =	shalt  }
0x56: {  	_ =	shalt  }
0x57: {  	_ =	shalt  }
0x58: {  	_ =	shalt  }
0x59: {  	_ =	shalt  }
0x5a: {  	_ =	shalt  }
0x5b: {  	_ =	shalt  }
0x5c: {  	_ =	shalt  }
0x5d: {  	_ =	shalt  }
0x5e: {  	_ =	shalt  }
0x5f: {  	_ =	shalt  }
0x60: {  	_ =	shalt  }
0x61: {  	_ =	shalt  }
0x62: {  	_ =	shalt  }
0x63: {  	_ =	shalt  }
0x64: {  	_ =	shalt  }
0x65: {  	_ =	shalt  }
0x66: {  	_ =	shalt  }
0x67: {  	_ =	shalt  }
0x68: {  	_ =	shalt  }
0x69: {  	_ =	shalt  }
0x6a: {  	_ =	shalt  }
0x6b: {  	_ =	shalt  }
0x6c: {  	_ =	shalt  }
0x6d: {  	_ =	shalt  }
0x6e: {  	_ =	shalt  }
0x6f: {  	_ =	shalt  }
0x70: {  	_ =	shalt  }
0x71: {  	_ =	shalt  }
0x72: {  	_ =	shalt  }
0x73: {  	_ =	shalt  }
0x74: {  	_ =	shalt  }
0x75: {  	_ =	shalt  }
0x76: {  	_ =	shalt  }
0x77: {  	_ =	shalt  }
0x78: {  	_ =	shalt  }
0x79: {  	_ =	shalt  }
0x7a: {  	_ =	shalt  }
0x7b: {  	_ =	shalt  }
0x7c: {  	_ =	shalt  }
0x7d: {  	_ =	shalt  }
0x7e: {  	_ =	shalt  }
0x7f: {  	_ =	shalt  }
0x80: {  	_ =	shalt  }
0x81: {  	_ =	shalt  }
0x82: {  	_ =	shalt  }
0x83: {  	_ =	shalt  }
0x84: {  	_ =	shalt  }
0x85: {  	_ =	shalt  }
0x86: {  	_ =	shalt  }
0x87: {  	_ =	shalt  }
.Lfunc_end0:
.L_simem_size_0:
called_computation.1_lowered:
.L_overlay_start_0:
0x88: {  	s2 =	sld [smem:$0x3FD9]  }
0x89: {  	s3 =	sld [smem:$0x3FFE];
	_ =	sdelay $0x1  }
0x8a: {  	s1 =	srdreg.scid  }
0x8b: {  	s0 =	sand.u32 $0x1, s1  }
0x8c: {  	s16 =	sshll.u32 s0, $0xA;
	s2 =	sadd.s32 s3, s2  }
0x8d: {  	s2 =	sadd.s32 s2, s16  }
0x8e: {  	[smem:$0x3FC2] =	sst s2  }
0x8f: {  	_ = 	snop  }
0x90: {  	(tm) =	ssettm $0x1  }
0x91: {  	s17 =	sld [smem:$0x3FFB];
	_ =	sdelay $0x3  }
0x92: {  	_ =	strace s17  }
0x93: {  	s2 =	sld [smem:$0x3FFC];
	_ =	sdelay $0x3  }
0x94: {  	_ =	strace s2  }
0x95: {  	s2 =	sld [smem:$0x3FFD];
	_ =	sdelay $0x3  }
0x96: {  	_ =	strace s2  }
0x97: {  	_ =	strace $0x8FFFFFFF  }
0x98: {  	s18 =	sld [smem:$0x3FDB];
	_ =	sdelay $0x1  }
0x99: {  	s19 =	simm.s32 $_scs_section_size  }
0x9a: {  	s4 =	simm.s32 $_size__tile_overlayer_lowered;
	s5 =	simm.s32 $_tile_overlayer_lowered  }
0x9b: {  	s22 =	simm.s32 $0x1BFF;
	s21 =	sshll.u32 s5, $0x1;
	s2 =	sadd.s32 s19, s18  }
0x9c: {  	s6 =	simm.s32 $0x0;
	s20 =	sshll.u32 s4, $0x1;
	s4 =	sadd.s32 s21, s2  }
0x9d: {  	[timem:s6], [sflag:s22] =	dma.local [hbm:s4], s20  }
0x9e: {  	_ =	swait.ge [sflag:s22], s20  }
0x9f: {  	s3 =	ssub.s32 $0x0, s20;
	[sflag:s22] =	ssyncset.done $0x0  }
0xa0: {  	[sflag:s22] =	ssyncadd.s32 s3;
	_ =	sdelay $0x1  }
0xa1: {  	s23 =	simm.s32 $0x1B8B  }
0xa2: {  	_ =	swait.ge [sflag:s23], $0x1  }
0xa3: {  	[sflag:s23] =	ssyncset.done $0x0  }
0xa4: {  	s25 =	simm.s32 $0x1B8E;
	s24 =	sld [smem:$0x3FFE];
	[sflag:s23] =	ssyncadd.s32 $0xFFFFFFFF  }
0xa5: {  	s26 =	simm.s32 $execute0_lowered;
	[smem:$0x3FD2] =	sst s25  }
0xa6: {  	s4 =	sshll.u32 s26, $0x1;
	_ =	strace $0x80000049;
	[dreg:$0x1] =	wrdreg $0xFFFFFFFF  }
0xa7: {  	s28 =	simm.s32 $_size_execute0_lowered;
	s2 =	sadd.s32 s2, s4;
	[dreg:$0x0] =	wrdreg $0x0  }
0xa8: {  	s4 =	sshll.u32 s28, $0x1;
	[dreg:$0x2] =	wrdreg s2  }
0xa9: {  	[dreg:$0x3] =	wrdreg s4  }
0xaa: {  	[dreg:$0x4] =	wrdreg $0xC0  }
0xab: {  	_ =	task [dreg:s6], $0x5FFFF  }
0xac: {  	[dreg:$0x1] =	wrdreg $0xFFFFFFFF  }
0xad: {  	[dreg:$0x0] =	wrdreg $0x60  }
0xae: {  	[dreg:$0x2] =	wrdreg s24  }
0xaf: {  	[dreg:$0x3] =	wrdreg $0x117000  }
0xb0: {  	[dreg:$0x4] =	wrdreg $0x9  }
0xb1: {  	_ =	task.clear_ibuf [dreg:s6], $0x5FFFF;
	_ =	strace $0x90000049  }
0xb2: {  	s29 =	simm.s32 $0x9;
	_ =	strace $0x8000004B  }
0xb3: {  	_ =	swait.ge [sflag:s29], $0x1  }
0xb4: {  	[sflag:s29] =	ssyncadd.s32 $0xFFFFFFFF  }
0xb5: {  	_ =	strace $0x9000004B  }
0xb6: {  	_ =	sfence  }
0xb7: {  	s30 =	sld [smem:$0x0];
	_ =	sdelay $0x2  }
0xb8: {  	s31 =	sshll.u32 s1, $0xD;
	s1 =	sshrl.u32 s1, $0x2  }
0xb9: {  	s3 =	sand.u32 $0x4000, s31;
	s1 =	sadd.s32 s1, s30  }
0xba: {  	s0 =	sor.u32 s3, s0;
	s1 =	sshll.u32 s1, $0x11  }
0xbb: {  	s0 =	sor.u32 s1, s0  }
0xbc: {  	s0 =	sadd.s32 $0x8F2B, s0  }
0xbd: {  	[sflag:s0] =	ssyncadd.remote.s32 $0x1  }
0xbe: {  	_ =	sfence.sel $0xFFFF  }
0xbf: {  	[dreg:$0x0] =	wrdreg $0xFFFFFFFF;
	(pc) =	sbr.abs _section_cstart, $3  }
0xc0: {  	[dreg:$0x1] =	wrdreg $0xFFFFFFFF  }
0xc1: {  	_ =	task.clear_ibuf [dreg:s6], $0x2FFFF;
	_ =	strace $0x9FFFFFFF  }
0xc2: {  	(tm) =	ssettm $0x7FFFFFFF  }
0xc3: {  	_ =	shalt  }
tec
execute0_lowered:
.L_overlay_start_1:
0x0: {  	(tag) =	ssettag $0x1  }
0x1: {  	s0 =	rddreg [dreg:$0x0]  }
0x2: {  	s1 =	rddreg [dreg:$0x1]  }
0x3: {  	s2 =	srdreg.scid;
	s3 =	simm.s32 $0x0;
	s11 =	stileid.u32  }
0x4: {  	s2 =	sand.u32 $0x1, s2;
	[smem:$0x7FF] =	sst s3;
	s6 =	smul.u32 $0xA000, s11  }
0x5: {  	s4 =	sadd.s32 $0x15600, s0;
	s9 =	sadd.s32 $0x1C00, s0;
	s7 =	sshll.u32 s2, $0x4  }
0x6: {  	s5 =	smul.u32 $0xA0000, s2;
	s2 =	ssub.s32 $0x2, s2;
	s7 =	sor.u32 s11, s7  }
0x7: {  	s10 =	sshll.u32 s11, $0x4;
	s31 =	sshrl.u32 s2, $0x1;
	s8 =	smul.u32 $0x2700, s7  }
0x8: {  	_ =	strace $0x8000004A;
	s5 =	sadd.s32 s6, s5;
	s2 =	ssub.s32 s2, s31  }
0x9: {  	s5 =	sshrl.u32 s5, $0x3;
	s2 =	smax.u32 s2, $0x1;
	s8 =	sshrl.u32 s8, $0x3  }
0xa: {  	s0 =	sadd.s32 s5, s0;
	[dreg:$0x8] =	wrdreg s2;
	s8 =	sadd.s32 s9, s8  }
0xb: {  	s11 =	smul.u32 $0x28000, s11;
	s0 =	sadd.s32 $0x29600, s0;
	[dreg:$0x3] =	wrdreg s8  }
0xc: {  	s9 =	sadd.s32 s10, s9;
	s8 =	sadd.s32 $0x9C40, s8;
	[dreg:$0x7] =	wrdreg s0  }
0xd: {  	s12 =	sadd.s32 s6, s1;
	s10 =	sadd.s32 $0x9C00, s9;
	[dreg:$0x4] =	wrdreg s8  }
0xe: {  	s11 =	sshrl.u32 s11, $0x2;
	s5 =	sadd.s32 $0x13840, s9;
	[dreg:$0x5] =	wrdreg s10  }
0xf: {  	s9 =	sadd.s32 s11, s1;
	s0 =	sshrl.u32 s12, $0x3;
	[dreg:$0x6] =	wrdreg s5  }
0x10: {  	s13 =	sadd.s32 $0x800, s9;
	[dreg:$0x16] =	wrdreg s0  }
0x11: {  	s14 =	sadd.s32 $0x1000, s9;
	[dreg:$0x9] =	wrdreg s13  }
0x12: {  	s15 =	sadd.s32 $0x1800, s9;
	[dreg:$0xa] =	wrdreg s14  }
0x13: {  	s16 =	sadd.s32 $0x2000, s9;
	[dreg:$0xb] =	wrdreg s15  }
0x14: {  	s17 =	sadd.s32 $0x2800, s9;
	[dreg:$0xc] =	wrdreg s16  }
0x15: {  	s18 =	sadd.s32 $0x3000, s9;
	[dreg:$0xd] =	wrdreg s17  }
0x16: {  	s19 =	sadd.s32 $0x3800, s9;
	[dreg:$0xe] =	wrdreg s18  }
0x17: {  	s20 =	sadd.s32 $0x4000, s9;
	[dreg:$0xf] =	wrdreg s19  }
0x18: {  	s21 =	sadd.s32 $0x4800, s9;
	[dreg:$0x10] =	wrdreg s20  }
0x19: {  	p0 =	sgt.u32 s7, $0x3;
	s22 =	sadd.s32 $0x5000, s9;
	[dreg:$0x11] =	wrdreg s21  }
0x1a: {  	s6 =	simm.s32 $0xD;
	s23 =	sadd.s32 $0x5800, s9;
	[dreg:$0x12] =	wrdreg s22  }
0x1b: {  	s7 =	simm.s32 $0x1;
	s24 =	sadd.s32 $0x6000, s9;
	[dreg:$0x13] =	wrdreg s23  }
0x1c: {  	s2 =	simm.s32 $0x10F00;
	s25 =	sadd.s32 $0x6800, s9;
	[dreg:$0x14] =	wrdreg s24  }
0x1d: {  	s11 =	simm.s32 $0x4F00;
	s26 =	sadd.s32 $0x7000, s9;
	[dreg:$0x15] =	wrdreg s25  }
0x1e: {  	s12 =	simm.s32 $0x6F00;
	s28 =	sadd.s32 $0x7800, s9;
	[dreg:$0x17] =	wrdreg s26  }
0x1f: {  	s29 =	sadd.s32 $0x8000, s9;
	s30 =	sadd.s32 $0x8800, s9;
	[dreg:$0x18] =	wrdreg s28  }
0x20: {  	s31 =	sadd.s32 $0x9000, s9;
	s0 =	sadd.s32 $0x9800, s9;
	[dreg:$0x19] =	wrdreg s29  }
.Ltmp0:
0x21: {  	s8 =	simm.s32 $0x2;
	[dreg:$0x1a] =	wrdreg s30;
	(pc) =	sbr.rel .LBB2_1-.Ltmp0, $4  }
0x22: {  	s10 =	simm.s32 $0x80;
	s5 =	simm.s32 $0x7;
	[dreg:$0x1b] =	wrdreg s31  }
0x23: {  	s13 =	simm.s32 $0xAF00;
	s14 =	simm.s32 $0xCF00;
	s15 =	simm.s32 $0xEF00  }
0x24: {  	s16 =	simm.s32 $0x4;
	s17 =	simm.s32 $0x9;
	s18 =	simm.s32 $0x6  }
0x25: {  	v0 =	vimm.f32 $0.0e+00;
	s19 =	simm.s32 $0xB;
	s20 =	simm.s32 $0xC;
	s21 =	simm.s32 $0x0  }
.LBB2_4:
0x26: {  	_ =	swait.ge [sflag:s20], $0x2000  }
0x27: {  	s22 =	simm.s32 @!p0 $0x80;
	[sflag:s20] =	ssyncset.done $0x0  }
0x28: {  	s23 =	simm.s32 @!p0 $0x2700;
	s24 =	simm.s32 @!p0 $0x4F00;
	[sflag:s20] =	ssyncadd.s32 $0xFFFFE000  }
0x29: {  	[tilespmem:s24], [sflag:$0x1] =	stream.indirect.gather @!p0 [hbm4b:s4+s22], $0x40, s23, s22, $0xb8;
	[tilespmem:$0x1B700] =	vst v63  }
0x2a: {  	s23 =	simm.s32 @!p0 $0x1  }
0x2b: {  	_ =	swait.ge @!p0 [sflag:s23], $0x2000  }
0x2c: {  	[sflag:s23] =	ssyncset.done @!p0 $0x0  }
0x2d: {  	[sflag:s23] =	ssyncadd.s32 @!p0 $0xFFFFE000;
	s23 =	simm.s32 @!p0 $0x4E80  }
0x2e: {  	[spmem:s1] =	stream.indirect.scatter.add.f32 @!p0 [tilespmem:s24], [sflag:$0xD], $0x40, s23, s22, $0xb8;
	[tilespmem:$0x1B700] =	vst v63  }
0x2f: {  	s22 =	simm.s32 @!p0 $0xD  }
0x30: {  	_ =	swait.ge @!p0 [sflag:s22], $0x2000  }
0x31: {  	[sflag:s22] =	ssyncset.done @!p0 $0x0  }
0x32: {  	[sflag:s22] =	ssyncadd.s32 @!p0 $0xFFFFE000  }
0x33: {  	s28 =	stileid.u32;
	[bflag:$0x0] =	sbarrier.arrive $0xFFFF  }
0x34: {  	s22 =	sshll.u32 s28, $0x6;
	s29 =	rddreg [dreg:$0x7]  }
0x35: {  	s22 =	sor.u32 $0x1C0D, s22;
	s30 =	rddreg [dreg:$0x16]  }
0x36: {  	[hbm:s29], [sflag:s22] =	dma.local [spmem:s30], $0x1400  }
0x37: {  	_ =	swait.ge [sflag:s6], $0x1400  }
0x38: {  	s21 =	sadd.s32 $0x1, s21;
	s31 =	rddreg [dreg:$0x8]  }
0x39: {  	p1 =	sne.s32 s21, s31  }
.Ltmp1:
0x3a: {  	_ = 	snop;
	(pc) =	sbr.rel @!p1 .LBB2_5-.Ltmp1, $3  }
0x3b: {  	_ =	sdelay $0x1  }
0x3c: {  	[sflag:s6] =	ssyncset.done $0x0  }
0x3d: {  	[sflag:s6] =	ssyncadd.s32 $0xFFFFEC00  }
.LBB2_1:
0x3e: {  	s22 =	rddreg [dreg:$0x3]  }
0x3f: {  	[tilespmem:s3], [sflag:$0x1] =	stream.linear.gather [hbm4b:s22+s3], $0x2700, $0x38;
	[tilespmem:$0x1B700] =	vst v63  }
0x40: {  	s24 =	rddreg [dreg:$0x4];
	s23 =	simm.s32 $0x2780  }
0x41: {  	[tilespmem:s23], [sflag:$0x2] =	stream.linear.gather [hbm4b:s24+s3], $0x2700, $0x38;
	[tilespmem:$0x1B700] =	vst v63  }
0x42: {  	s22 =	simm.s32 @!p0 $0x0;
	s23 =	simm.s32 @!p0 $0x2700;
	s24 =	rddreg [dreg:$0x5]  }
0x43: {  	[tilespmem:s23], [sflag:$0xD] =	stream.linear.gather @!p0 [hbm4b:s24+s22], $0x80, $0x38;
	[tilespmem:$0x1B700] =	vst v63  }
0x44: {  	s23 =	simm.s32 @!p0 $0xD  }
0x45: {  	_ =	swait.ge @!p0 [sflag:s23], $0x80  }
0x46: {  	[sflag:s23] =	ssyncset.done @!p0 $0x0  }
0x47: {  	s24 =	simm.s32 @!p0 $0x4E80;
	s25 =	rddreg [dreg:$0x6];
	[sflag:s23] =	ssyncadd.s32 @!p0 $0xFFFFFF80  }
0x48: {  	[tilespmem:s24], [sflag:$0xD] =	stream.linear.gather @!p0 [hbm4b:s25+s22], $0x80, $0x38;
	[tilespmem:$0x1B700] =	vst v63  }
0x49: {  	_ =	swait.ge @!p0 [sflag:s23], $0x80  }
0x4a: {  	[sflag:s23] =	ssyncset.done @!p0 $0x0  }
0x4b: {  	[sflag:s23] =	ssyncadd.s32 @!p0 $0xFFFFFF80  }
0x4c: {  	[tilespmem:$0x10F00] =	vst v0  }
0x4d: {  	[tilespmem:$0x10F10] =	vst v0  }
0x4e: {  	[tilespmem:$0x10F20] =	vst v0  }
0x4f: {  	[tilespmem:$0x10F30] =	vst v0  }
0x50: {  	[tilespmem:$0x10F40] =	vst v0  }
0x51: {  	[tilespmem:$0x10F50] =	vst v0  }
0x52: {  	[tilespmem:$0x10F60] =	vst v0  }
0x53: {  	[tilespmem:$0x10F70] =	vst v0  }
0x54: {  	[tilespmem:$0x10F80] =	vst v0  }
0x55: {  	[tilespmem:$0x10F90] =	vst v0  }
0x56: {  	[tilespmem:$0x10FA0] =	vst v0  }
0x57: {  	[tilespmem:$0x10FB0] =	vst v0  }
0x58: {  	[tilespmem:$0x10FC0] =	vst v0  }
0x59: {  	[tilespmem:$0x10FD0] =	vst v0  }
0x5a: {  	[tilespmem:$0x10FE0] =	vst v0  }
0x5b: {  	[tilespmem:$0x10FF0] =	vst v0  }
0x5c: {  	[tilespmem:$0x11000] =	vst v0  }
0x5d: {  	[tilespmem:$0x11010] =	vst v0  }
0x5e: {  	[tilespmem:$0x11020] =	vst v0  }
0x5f: {  	[tilespmem:$0x11030] =	vst v0  }
0x60: {  	[tilespmem:$0x11040] =	vst v0  }
0x61: {  	[tilespmem:$0x11050] =	vst v0  }
0x62: {  	[tilespmem:$0x11060] =	vst v0  }
0x63: {  	[tilespmem:$0x11070] =	vst v0  }
0x64: {  	[tilespmem:$0x11080] =	vst v0  }
0x65: {  	[tilespmem:$0x11090] =	vst v0  }
0x66: {  	[tilespmem:$0x110A0] =	vst v0  }
0x67: {  	[tilespmem:$0x110B0] =	vst v0  }
0x68: {  	[tilespmem:$0x110C0] =	vst v0  }
0x69: {  	[tilespmem:$0x110D0] =	vst v0  }
0x6a: {  	[tilespmem:$0x110E0] =	vst v0  }
0x6b: {  	[tilespmem:$0x110F0] =	vst v0  }
0x6c: {  	[tilespmem:$0x11100] =	vst v0  }
0x6d: {  	[tilespmem:$0x11110] =	vst v0  }
0x6e: {  	[tilespmem:$0x11120] =	vst v0  }
0x6f: {  	[tilespmem:$0x11130] =	vst v0  }
0x70: {  	[tilespmem:$0x11140] =	vst v0  }
0x71: {  	[tilespmem:$0x11150] =	vst v0  }
0x72: {  	[tilespmem:$0x11160] =	vst v0  }
0x73: {  	[tilespmem:$0x11170] =	vst v0  }
0x74: {  	[tilespmem:$0x11180] =	vst v0  }
0x75: {  	[tilespmem:$0x11190] =	vst v0  }
0x76: {  	[tilespmem:$0x111A0] =	vst v0  }
0x77: {  	[tilespmem:$0x111B0] =	vst v0  }
0x78: {  	[tilespmem:$0x111C0] =	vst v0  }
0x79: {  	[tilespmem:$0x111D0] =	vst v0  }
0x7a: {  	[tilespmem:$0x111E0] =	vst v0  }
0x7b: {  	[tilespmem:$0x111F0] =	vst v0  }
0x7c: {  	[tilespmem:$0x11200] =	vst v0  }
0x7d: {  	[tilespmem:$0x11210] =	vst v0  }
0x7e: {  	[tilespmem:$0x11220] =	vst v0  }
0x7f: {  	[tilespmem:$0x11230] =	vst v0  }
0x80: {  	[tilespmem:$0x11240] =	vst v0  }
0x81: {  	[tilespmem:$0x11250] =	vst v0  }
0x82: {  	[tilespmem:$0x11260] =	vst v0  }
0x83: {  	[tilespmem:$0x11270] =	vst v0  }
0x84: {  	[tilespmem:$0x11280] =	vst v0  }
0x85: {  	[tilespmem:$0x11290] =	vst v0  }
0x86: {  	[tilespmem:$0x112A0] =	vst v0  }
0x87: {  	[tilespmem:$0x112B0] =	vst v0  }
0x88: {  	[tilespmem:$0x112C0] =	vst v0  }
0x89: {  	[tilespmem:$0x112D0] =	vst v0  }
0x8a: {  	[tilespmem:$0x112E0] =	vst v0  }
0x8b: {  	[tilespmem:$0x112F0] =	vst v0  }
0x8c: {  	[tilespmem:$0x11300] =	vst v0  }
0x8d: {  	[tilespmem:$0x11310] =	vst v0  }
0x8e: {  	[tilespmem:$0x11320] =	vst v0  }
0x8f: {  	[tilespmem:$0x11330] =	vst v0  }
0x90: {  	[tilespmem:$0x11340] =	vst v0  }
0x91: {  	[tilespmem:$0x11350] =	vst v0  }
0x92: {  	[tilespmem:$0x11360] =	vst v0  }
0x93: {  	[tilespmem:$0x11370] =	vst v0  }
0x94: {  	[tilespmem:$0x11380] =	vst v0  }
0x95: {  	[tilespmem:$0x11390] =	vst v0  }
0x96: {  	[tilespmem:$0x113A0] =	vst v0  }
0x97: {  	[tilespmem:$0x113B0] =	vst v0  }
0x98: {  	[tilespmem:$0x113C0] =	vst v0  }
0x99: {  	[tilespmem:$0x113D0] =	vst v0  }
0x9a: {  	[tilespmem:$0x113E0] =	vst v0  }
0x9b: {  	[tilespmem:$0x113F0] =	vst v0  }
0x9c: {  	[tilespmem:$0x11400] =	vst v0  }
0x9d: {  	[tilespmem:$0x11410] =	vst v0  }
0x9e: {  	[tilespmem:$0x11420] =	vst v0  }
0x9f: {  	[tilespmem:$0x11430] =	vst v0  }
0xa0: {  	[tilespmem:$0x11440] =	vst v0  }
0xa1: {  	[tilespmem:$0x11450] =	vst v0  }
0xa2: {  	[tilespmem:$0x11460] =	vst v0  }
0xa3: {  	[tilespmem:$0x11470] =	vst v0  }
0xa4: {  	[tilespmem:$0x11480] =	vst v0  }
0xa5: {  	[tilespmem:$0x11490] =	vst v0  }
0xa6: {  	[tilespmem:$0x114A0] =	vst v0  }
0xa7: {  	[tilespmem:$0x114B0] =	vst v0  }
0xa8: {  	[tilespmem:$0x114C0] =	vst v0  }
0xa9: {  	[tilespmem:$0x114D0] =	vst v0  }
0xaa: {  	[tilespmem:$0x114E0] =	vst v0  }
0xab: {  	[tilespmem:$0x114F0] =	vst v0  }
0xac: {  	[tilespmem:$0x11500] =	vst v0  }
0xad: {  	[tilespmem:$0x11510] =	vst v0  }
0xae: {  	[tilespmem:$0x11520] =	vst v0  }
0xaf: {  	[tilespmem:$0x11530] =	vst v0  }
0xb0: {  	[tilespmem:$0x11540] =	vst v0  }
0xb1: {  	[tilespmem:$0x11550] =	vst v0  }
0xb2: {  	[tilespmem:$0x11560] =	vst v0  }
0xb3: {  	[tilespmem:$0x11570] =	vst v0  }
0xb4: {  	[tilespmem:$0x11580] =	vst v0  }
0xb5: {  	[tilespmem:$0x11590] =	vst v0  }
0xb6: {  	[tilespmem:$0x115A0] =	vst v0  }
0xb7: {  	[tilespmem:$0x115B0] =	vst v0  }
0xb8: {  	[tilespmem:$0x115C0] =	vst v0  }
0xb9: {  	[tilespmem:$0x115D0] =	vst v0  }
0xba: {  	[tilespmem:$0x115E0] =	vst v0  }
0xbb: {  	[tilespmem:$0x115F0] =	vst v0  }
0xbc: {  	[tilespmem:$0x11600] =	vst v0  }
0xbd: {  	[tilespmem:$0x11610] =	vst v0  }
0xbe: {  	[tilespmem:$0x11620] =	vst v0  }
0xbf: {  	[tilespmem:$0x11630] =	vst v0  }
0xc0: {  	[tilespmem:$0x11640] =	vst v0  }
0xc1: {  	[tilespmem:$0x11650] =	vst v0  }
0xc2: {  	[tilespmem:$0x11660] =	vst v0  }
0xc3: {  	[tilespmem:$0x11670] =	vst v0  }
0xc4: {  	[tilespmem:$0x11680] =	vst v0  }
0xc5: {  	[tilespmem:$0x11690] =	vst v0  }
0xc6: {  	[tilespmem:$0x116A0] =	vst v0  }
0xc7: {  	[tilespmem:$0x116B0] =	vst v0  }
0xc8: {  	[tilespmem:$0x116C0] =	vst v0  }
0xc9: {  	[tilespmem:$0x116D0] =	vst v0  }
0xca: {  	[tilespmem:$0x116E0] =	vst v0  }
0xcb: {  	[tilespmem:$0x116F0] =	vst v0  }
0xcc: {  	[spmem:s9] =	stream.linear.scatter [tilespmem:s2], [sflag:$0xD], $0x800, $0x38;
	[tilespmem:$0x1B700] =	vst v63  }
0xcd: {  	_ =	swait.ge [sflag:s6], $0x800  }
0xce: {  	[sflag:s6] =	ssyncset.done $0x0  }
0xcf: {  	s25 =	rddreg [dreg:$0x9];
	[sflag:s6] =	ssyncadd.s32 $0xFFFFF800  }
0xd0: {  	[spmem:s25] =	stream.linear.scatter [tilespmem:s2], [sflag:$0xD], $0x800, $0x38;
	[tilespmem:$0x1B700] =	vst v63  }
0xd1: {  	_ =	swait.ge [sflag:s6], $0x800  }
0xd2: {  	[sflag:s6] =	ssyncset.done $0x0  }
0xd3: {  	s26 =	rddreg [dreg:$0xa];
	[sflag:s6] =	ssyncadd.s32 $0xFFFFF800  }
0xd4: {  	[spmem:s26] =	stream.linear.scatter [tilespmem:s2], [sflag:$0xD], $0x800, $0x38;
	[tilespmem:$0x1B700] =	vst v63  }
0xd5: {  	_ =	swait.ge [sflag:s6], $0x800  }
0xd6: {  	[sflag:s6] =	ssyncset.done $0x0  }
0xd7: {  	s28 =	rddreg [dreg:$0xb];
	[sflag:s6] =	ssyncadd.s32 $0xFFFFF800  }
0xd8: {  	[spmem:s28] =	stream.linear.scatter [tilespmem:s2], [sflag:$0xD], $0x800, $0x38;
	[tilespmem:$0x1B700] =	vst v63  }
0xd9: {  	_ =	swait.ge [sflag:s6], $0x800  }
0xda: {  	[sflag:s6] =	ssyncset.done $0x0  }
0xdb: {  	s29 =	rddreg [dreg:$0xc];
	[sflag:s6] =	ssyncadd.s32 $0xFFFFF800  }
0xdc: {  	[spmem:s29] =	stream.linear.scatter [tilespmem:s2], [sflag:$0xD], $0x800, $0x38;
	[tilespmem:$0x1B700] =	vst v63  }
0xdd: {  	_ =	swait.ge [sflag:s6], $0x800  }
0xde: {  	[sflag:s6] =	ssyncset.done $0x0  }
0xdf: {  	s30 =	rddreg [dreg:$0xd];
	[sflag:s6] =	ssyncadd.s32 $0xFFFFF800  }
0xe0: {  	[spmem:s30] =	stream.linear.scatter [tilespmem:s2], [sflag:$0xD], $0x800, $0x38;
	[tilespmem:$0x1B700] =	vst v63  }
0xe1: {  	_ =	swait.ge [sflag:s6], $0x800  }
0xe2: {  	[sflag:s6] =	ssyncset.done $0x0  }
0xe3: {  	s31 =	rddreg [dreg:$0xe];
	[sflag:s6] =	ssyncadd.s32 $0xFFFFF800  }
0xe4: {  	[spmem:s31] =	stream.linear.scatter [tilespmem:s2], [sflag:$0xD], $0x800, $0x38;
	[tilespmem:$0x1B700] =	vst v63  }
0xe5: {  	_ =	swait.ge [sflag:s6], $0x800  }
0xe6: {  	[sflag:s6] =	ssyncset.done $0x0  }
0xe7: {  	s23 =	rddreg [dreg:$0xf];
	[sflag:s6] =	ssyncadd.s32 $0xFFFFF800  }
0xe8: {  	[spmem:s23] =	stream.linear.scatter [tilespmem:s2], [sflag:$0xD], $0x800, $0x38;
	[tilespmem:$0x1B700] =	vst v63  }
0xe9: {  	_ =	swait.ge [sflag:s6], $0x800  }
0xea: {  	[sflag:s6] =	ssyncset.done $0x0  }
0xeb: {  	s24 =	rddreg [dreg:$0x10];
	[sflag:s6] =	ssyncadd.s32 $0xFFFFF800  }
0xec: {  	[spmem:s24] =	stream.linear.scatter [tilespmem:s2], [sflag:$0xD], $0x800, $0x38;
	[tilespmem:$0x1B700] =	vst v63  }
0xed: {  	_ =	swait.ge [sflag:s6], $0x800  }
0xee: {  	[sflag:s6] =	ssyncset.done $0x0  }
0xef: {  	s25 =	rddreg [dreg:$0x11];
	[sflag:s6] =	ssyncadd.s32 $0xFFFFF800  }
0xf0: {  	[spmem:s25] =	stream.linear.scatter [tilespmem:s2], [sflag:$0xD], $0x800, $0x38;
	[tilespmem:$0x1B700] =	vst v63  }
0xf1: {  	_ =	swait.ge [sflag:s6], $0x800  }
0xf2: {  	[sflag:s6] =	ssyncset.done $0x0  }
0xf3: {  	s26 =	rddreg [dreg:$0x12];
	[sflag:s6] =	ssyncadd.s32 $0xFFFFF800  }
0xf4: {  	[spmem:s26] =	stream.linear.scatter [tilespmem:s2], [sflag:$0xD], $0x800, $0x38;
	[tilespmem:$0x1B700] =	vst v63  }
0xf5: {  	_ =	swait.ge [sflag:s6], $0x800  }
0xf6: {  	[sflag:s6] =	ssyncset.done $0x0  }
0xf7: {  	s28 =	rddreg [dreg:$0x13];
	[sflag:s6] =	ssyncadd.s32 $0xFFFFF800  }
0xf8: {  	[spmem:s28] =	stream.linear.scatter [tilespmem:s2], [sflag:$0xD], $0x800, $0x38;
	[tilespmem:$0x1B700] =	vst v63  }
0xf9: {  	_ =	swait.ge [sflag:s6], $0x800  }
0xfa: {  	[sflag:s6] =	ssyncset.done $0x0  }
0xfb: {  	s29 =	rddreg [dreg:$0x14];
	[sflag:s6] =	ssyncadd.s32 $0xFFFFF800  }
0xfc: {  	[spmem:s29] =	stream.linear.scatter [tilespmem:s2], [sflag:$0xD], $0x800, $0x38;
	[tilespmem:$0x1B700] =	vst v63  }
0xfd: {  	_ =	swait.ge [sflag:s6], $0x800  }
0xfe: {  	[sflag:s6] =	ssyncset.done $0x0  }
0xff: {  	s30 =	rddreg [dreg:$0x15];
	[sflag:s6] =	ssyncadd.s32 $0xFFFFF800  }
0x100: {  	[spmem:s30] =	stream.linear.scatter [tilespmem:s2], [sflag:$0xD], $0x800, $0x38;
	[tilespmem:$0x1B700] =	vst v63  }
0x101: {  	_ =	swait.ge [sflag:s6], $0x800  }
0x102: {  	[sflag:s6] =	ssyncset.done $0x0  }
0x103: {  	s31 =	rddreg [dreg:$0x17];
	[sflag:s6] =	ssyncadd.s32 $0xFFFFF800  }
0x104: {  	[spmem:s31] =	stream.linear.scatter [tilespmem:s2], [sflag:$0xD], $0x800, $0x38;
	[tilespmem:$0x1B700] =	vst v63  }
0x105: {  	_ =	swait.ge [sflag:s6], $0x800  }
0x106: {  	[sflag:s6] =	ssyncset.done $0x0  }
0x107: {  	s23 =	rddreg [dreg:$0x18];
	[sflag:s6] =	ssyncadd.s32 $0xFFFFF800  }
0x108: {  	[spmem:s23] =	stream.linear.scatter [tilespmem:s2], [sflag:$0xD], $0x800, $0x38;
	[tilespmem:$0x1B700] =	vst v63  }
0x109: {  	_ =	swait.ge [sflag:s6], $0x800  }
0x10a: {  	[sflag:s6] =	ssyncset.done $0x0  }
0x10b: {  	s24 =	rddreg [dreg:$0x19];
	[sflag:s6] =	ssyncadd.s32 $0xFFFFF800  }
0x10c: {  	[spmem:s24] =	stream.linear.scatter [tilespmem:s2], [sflag:$0xD], $0x800, $0x38;
	[tilespmem:$0x1B700] =	vst v63  }
0x10d: {  	_ =	swait.ge [sflag:s6], $0x800  }
0x10e: {  	[sflag:s6] =	ssyncset.done $0x0  }
0x10f: {  	s25 =	rddreg [dreg:$0x1a];
	[sflag:s6] =	ssyncadd.s32 $0xFFFFF800  }
0x110: {  	[spmem:s25] =	stream.linear.scatter [tilespmem:s2], [sflag:$0xD], $0x800, $0x38;
	[tilespmem:$0x1B700] =	vst v63  }
0x111: {  	_ =	swait.ge [sflag:s6], $0x800  }
0x112: {  	[sflag:s6] =	ssyncset.done $0x0  }
0x113: {  	s26 =	rddreg [dreg:$0x1b];
	[sflag:s6] =	ssyncadd.s32 $0xFFFFF800  }
0x114: {  	[spmem:s26] =	stream.linear.scatter [tilespmem:s2], [sflag:$0xD], $0x800, $0x38;
	[tilespmem:$0x1B700] =	vst v63  }
0x115: {  	_ =	swait.ge [sflag:s6], $0x800  }
0x116: {  	[sflag:s6] =	ssyncset.done $0x0  }
0x117: {  	[sflag:s6] =	ssyncadd.s32 $0xFFFFF800  }
0x118: {  	[spmem:s0] =	stream.linear.scatter [tilespmem:s2], [sflag:$0xD], $0x800, $0x38;
	[tilespmem:$0x1B700] =	vst v63  }
0x119: {  	_ =	swait.ge [sflag:s6], $0x800  }
0x11a: {  	[sflag:s6] =	ssyncset.done $0x0  }
0x11b: {  	[sflag:s6] =	ssyncadd.s32 $0xFFFFF800  }
0x11c: {  	_ =	swait.ge [sflag:s7], $0x2700  }
0x11d: {  	[sflag:s7] =	ssyncset.done $0x0  }
0x11e: {  	[sflag:s7] =	ssyncadd.s32 $0xFFFFD900  }
0x11f: {  	_ =	swait.ge [sflag:s8], $0x2700  }
0x120: {  	[sflag:s8] =	ssyncset.done $0x0  }
0x121: {  	[sflag:s8] =	ssyncadd.s32 $0xFFFFD900  }
0x122: {  	[bflag:$0x0] =	sbarrier.arrive $0xFFFF  }
0x123: {  	[tilespmem:s11], [sflag:$0x1] =	stream.indirect.gather [hbm4b:s4+s10], $0x40, s3, s10, $0xb8;
	[tilespmem:$0x1B700] =	vst v63  }
0x124: {  	_ = 	snop  }
0x125: {  	[tilespmem:s12], [sflag:$0x2] =	stream.indirect.gather [hbm4b:s4+s10], $0x40, s10, s10, $0xb8;
	[tilespmem:$0x1B700] =	vst v63  }
0x126: {  	s28 =	simm.s32 $0x100;
	s29 =	simm.s32 $0x8F00  }
0x127: {  	[tilespmem:s29], [sflag:$0x3] =	stream.indirect.gather [hbm4b:s4+s10], $0x40, s28, s10, $0xb8;
	[tilespmem:$0x1B700] =	vst v63  }
0x128: {  	s30 =	simm.s32 $0x180  }
0x129: {  	[tilespmem:s13], [sflag:$0x4] =	stream.indirect.gather [hbm4b:s4+s10], $0x40, s30, s10, $0xb8;
	[tilespmem:$0x1B700] =	vst v63  }
0x12a: {  	s22 =	simm.s32 $0x0;
	s31 =	simm.s32 $0x200  }
0x12b: {  	[tilespmem:s14], [sflag:$0x5] =	stream.indirect.gather [hbm4b:s4+s10], $0x40, s31, s10, $0xb8;
	[tilespmem:$0x1B700] =	vst v63  }
.LBB2_2:
0x12c: {  	_ =	swait.ge [sflag:s7], $0x2000  }
0x12d: {  	s23 =	sshra.s32 s22, $0x2;
	[sflag:s7] =	ssyncset.done $0x0  }
0x12e: {  	p1 =	seq.s32 s22, $0x0;
	s24 =	sadd.s32 $0x2780, s23;
	[sflag:s7] =	ssyncadd.s32 $0xFFFFE000  }
0x12f: {  	[spmem:s1] =	stream.indirect.scatter.add.f32 [tilespmem:s11], [sflag:$0x7], $0x40, s24, s10, $0xb8;
	[tilespmem:$0x1B700] =	vst v63  }
0x130: {  	s24 =	simm.s32 @!p1 $0xC  }
0x131: {  	_ =	swait.ge @!p1 [sflag:s24], $0x2000  }
0x132: {  	[sflag:s24] =	ssyncset.done @!p1 $0x0  }
0x133: {  	s29 =	sadd.s32 $0x280, s23;
	[sflag:s24] =	ssyncadd.s32 @!p1 $0xFFFFE000  }
0x134: {  	[tilespmem:s15], [sflag:$0x6] =	stream.indirect.gather [hbm4b:s4+s10], $0x40, s29, s10, $0xb8;
	[tilespmem:$0x1B700] =	vst v63  }
0x135: {  	_ =	swait.ge [sflag:s8], $0x2000  }
0x136: {  	[sflag:s8] =	ssyncset.done $0x0  }
0x137: {  	s30 =	sadd.s32 $0x2800, s23;
	[sflag:s8] =	ssyncadd.s32 $0xFFFFE000  }
0x138: {  	[spmem:s1] =	stream.indirect.scatter.add.f32 [tilespmem:s12], [sflag:$0x8], $0x40, s30, s10, $0xb8;
	[tilespmem:$0x1B700] =	vst v63  }
0x139: {  	_ =	swait.ge [sflag:s5], $0x2000  }
0x13a: {  	p1 =	seq.s32 s22, $0x9000;
	[sflag:s5] =	ssyncset.done $0x0  }
0x13b: {  	s24 =	simm.s32 @p1 $0x3;
	[sflag:s5] =	ssyncadd.s32 $0xFFFFE000  }
0x13c: {  	_ =	swait.ge @p1 [sflag:s24], $0x2000  }
0x13d: {  	[sflag:s24] =	ssyncset.done @p1 $0x0  }
0x13e: {  	[sflag:s24] =	ssyncadd.s32 @p1 $0xFFFFE000;
	s24 =	sshra.s32 @p1 s22, $0x2  }
0x13f: {  	s26 =	simm.s32 @p1 $0x80;
	s28 =	simm.s32 @p1 $0x8F00;
	s25 =	sadd.s32 @p1 $0x2880, s24  }
0x140: {  	[spmem:s1] =	stream.indirect.scatter.add.f32 @p1 [tilespmem:s28], [sflag:$0x9], $0x40, s25, s26, $0xb8;
	[tilespmem:$0x1B700] =	vst v63  }
0x141: {  	s25 =	simm.s32 @p1 $0x8  }
0x142: {  	_ =	swait.ge @p1 [sflag:s25], $0x2000  }
0x143: {  	[sflag:s25] =	ssyncset.done @p1 $0x0  }
0x144: {  	[sflag:s25] =	ssyncadd.s32 @p1 $0xFFFFE000;
	s25 =	sshra.s32 @!p1 s22, $0x2  }
0x145: {  	s29 =	simm.s32 @!p1 $0x80;
	s30 =	simm.s32 @!p1 $0x4F00;
	s28 =	sadd.s32 @!p1 $0x300, s25  }
0x146: {  	[tilespmem:s30], [sflag:$0x1] =	stream.indirect.gather @!p1 [hbm4b:s4+s29], $0x40, s28, s29, $0xb8;
	[tilespmem:$0x1B700] =	vst v63  }
0x147: {  	s28 =	simm.s32 @!p1 $0x3  }
0x148: {  	_ =	swait.ge @!p1 [sflag:s28], $0x2000  }
0x149: {  	[sflag:s28] =	ssyncset.done @!p1 $0x0  }
0x14a: {  	s30 =	simm.s32 @!p1 $0x8F00;
	[sflag:s28] =	ssyncadd.s32 @!p1 $0xFFFFE000;
	s28 =	sadd.s32 @!p1 $0x2880, s25  }
0x14b: {  	[spmem:s1] =	stream.indirect.scatter.add.f32 @!p1 [tilespmem:s30], [sflag:$0x9], $0x40, s28, s29, $0xb8;
	[tilespmem:$0x1B700] =	vst v63  }
0x14c: {  	s28 =	simm.s32 @!p1 $0x8  }
0x14d: {  	_ =	swait.ge @!p1 [sflag:s28], $0x2000  }
0x14e: {  	[sflag:s28] =	ssyncset.done @!p1 $0x0  }
0x14f: {  	s31 =	simm.s32 @!p1 $0x6F00;
	[sflag:s28] =	ssyncadd.s32 @!p1 $0xFFFFE000;
	s28 =	sadd.s32 @!p1 $0x380, s25  }
0x150: {  	[tilespmem:s31], [sflag:$0x2] =	stream.indirect.gather @!p1 [hbm4b:s4+s29], $0x40, s28, s29, $0xb8;
	[tilespmem:$0x1B700] =	vst v63  }
0x151: {  	_ =	swait.ge [sflag:s16], $0x2000  }
0x152: {  	[sflag:s16] =	ssyncset.done $0x0  }
0x153: {  	s31 =	sadd.s32 $0x2900, s23;
	[sflag:s16] =	ssyncadd.s32 $0xFFFFE000  }
0x154: {  	[spmem:s1] =	stream.indirect.scatter.add.f32 [tilespmem:s13], [sflag:$0xA], $0x40, s31, s10, $0xb8;
	[tilespmem:$0x1B700] =	vst v63  }
0x155: {  	_ =	swait.ge [sflag:s17], $0x2000  }
0x156: {  	[sflag:s17] =	ssyncset.done $0x0  }
0x157: {  	s28 =	simm.s32 @p1 $0x5;
	[sflag:s17] =	ssyncadd.s32 $0xFFFFE000  }
0x158: {  	_ =	swait.ge @p1 [sflag:s28], $0x2000  }
0x159: {  	[sflag:s28] =	ssyncset.done @p1 $0x0  }
0x15a: {  	s24 =	sadd.s32 @p1 $0x2980, s24;
	[sflag:s28] =	ssyncadd.s32 @p1 $0xFFFFE000;
	s28 =	simm.s32 @p1 $0xCF00  }
0x15b: {  	[spmem:s1] =	stream.indirect.scatter.add.f32 @p1 [tilespmem:s28], [sflag:$0xB], $0x40, s24, s26, $0xb8;
	[tilespmem:$0x1B700] =	vst v63  }
0x15c: {  	s24 =	simm.s32 @p1 $0xA  }
0x15d: {  	_ =	swait.ge @p1 [sflag:s24], $0x2000  }
0x15e: {  	[sflag:s24] =	ssyncset.done @p1 $0x0  }
0x15f: {  	[sflag:s24] =	ssyncadd.s32 @p1 $0xFFFFE000;
	s24 =	sadd.s32 @!p1 $0x400, s25  }
0x160: {  	[tilespmem:s30], [sflag:$0x3] =	stream.indirect.gather @!p1 [hbm4b:s4+s29], $0x40, s24, s29, $0xb8;
	[tilespmem:$0x1B700] =	vst v63  }
0x161: {  	s24 =	simm.s32 @!p1 $0x5  }
0x162: {  	_ =	swait.ge @!p1 [sflag:s24], $0x2000  }
0x163: {  	[sflag:s24] =	ssyncset.done @!p1 $0x0  }
0x164: {  	s26 =	simm.s32 @!p1 $0xCF00;
	[sflag:s24] =	ssyncadd.s32 @!p1 $0xFFFFE000;
	s24 =	sadd.s32 @!p1 $0x2980, s25  }
0x165: {  	[spmem:s1] =	stream.indirect.scatter.add.f32 @!p1 [tilespmem:s26], [sflag:$0xB], $0x40, s24, s29, $0xb8;
	[tilespmem:$0x1B700] =	vst v63  }
0x166: {  	s24 =	simm.s32 @!p1 $0xA  }
0x167: {  	_ =	swait.ge @!p1 [sflag:s24], $0x2000  }
0x168: {  	[sflag:s24] =	ssyncset.done @!p1 $0x0  }
0x169: {  	[sflag:s24] =	ssyncadd.s32 @!p1 $0xFFFFE000;
	s24 =	sadd.s32 @!p1 $0x480, s25;
	s25 =	simm.s32 @!p1 $0xAF00  }
0x16a: {  	[tilespmem:s25], [sflag:$0x4] =	stream.indirect.gather @!p1 [hbm4b:s4+s29], $0x40, s24, s29, $0xb8;
	[tilespmem:$0x1B700] =	vst v63  }
0x16b: {  	_ =	swait.ge [sflag:s18], $0x2000  }
0x16c: {  	[sflag:s18] =	ssyncset.done $0x0  }
.Ltmp2:
0x16d: {  	s31 =	sadd.s32 $0x2A00, s23;
	[sflag:s18] =	ssyncadd.s32 $0xFFFFE000;
	(pc) =	sbr.rel @p1 .LBB2_4-.Ltmp2, $4  }
0x16e: {  	[spmem:s1] =	stream.indirect.scatter.add.f32 [tilespmem:s15], [sflag:$0xC], $0x40, s31, s10, $0xb8;
	[tilespmem:$0x1B700] =	vst v63  }
0x16f: {  	_ =	swait.ge [sflag:s19], $0x2000  }
0x170: {  	[sflag:s19] =	ssyncset.done $0x0  }
0x171: {  	[sflag:s19] =	ssyncadd.s32 $0xFFFFE000  }
.Ltmp3:
0x172: {  	(pc) =	sbr.rel .LBB2_2-.Ltmp3, $3  }
0x173: {  	_ =	sdelay $0x1  }
0x174: {  	s23 =	sadd.s32 $0x500, s23;
	s22 =	sadd.s32 $0xC00, s22  }
0x175: {  	[tilespmem:s14], [sflag:$0x5] =	stream.indirect.gather [hbm4b:s4+s10], $0x40, s23, s10, $0xb8;
	[tilespmem:$0x1B700] =	vst v63  }
.LBB2_5:
0x176: {  	_ =	sfence.sel $0x180000  }
0x177: {  	[bflag:$0x0] =	sbarrier.arrive $0xFFFF  }
0x178: {  	_ =	strace $0x9000004A  }
0x179: {  	s0 =	stileid.u32;
	[bflag:$0x2] =	sbarrier.arrive $0xFFFF  }
0x17a: {  	p0 =	sne.s32 s0, $0x0;
	s0 =	rddreg [dreg:$0x2]  }
0x17b: {  	s0 =	sadd.s32 @!p0 $0x100000, s0  }
0x17c: {  	[sflag:s0] =	ssyncadd.tile.s32 @!p0 $0x1;
	_ =	shalt  }
.Lfunc_end2:
_tile_overlayer_lowered:
.L_overlay_start_2:
0x17d: {  	(tag) =	ssettag $0x2  }
0x17e: {  	s0 =	rddreg [dreg:$0x0];
	s2 =	stileid.u32  }
0x17f: {  	s1 =	rddreg [dreg:$0x1];
	p0 =	sne.s32 s2, $0x0  }
0x180: {  	s3 =	rddreg [dreg:$0x2];
	[bflag:$0x3] =	sbarrier.arrive $0xFFFF;
	s2 =	simm.s32 @!p0 $0x1C0D  }
0x181: {  	[timem:s3], [sflag:s2] =	dma.local @!p0 [hbm:s0], s1  }
0x182: {  	s0 =	simm.s32 @!p0 $0xD  }
0x183: {  	_ =	swait.ge @!p0 [sflag:s0], s1  }
0x184: {  	s1 =	ssub.s32 @!p0 $0x0, s1;
	[sflag:s0] =	ssyncset.done @!p0 $0x0  }
0x185: {  	[sflag:s0] =	ssyncadd.s32 @!p0 s1  }
0x186: {  	[bflag:$0x3] =	sbarrier.arrive $0xFFFF  }
0x187: {  	_ =	shalt  }

// kernel: kernel.14.cloned.1.call-start
scs
__scs_entry_jumppad:
0x0: {  	(pc) =	sbr.rel $0x88, $3  }
0x1: {  	(tag) =	ssettag $0x0;
	lr =	simm.s32 $0x1  }
0x2: {  	[smem:$0x3F9B] =	sst lr;
	_ =	strace $0xD0000000  }
0x3: {  	_ = 	snop  }
0x4: {  	_ = 	snop  }
0x5: {  	_ = 	snop  }
0x6: {  	_ = 	snop  }
0x7: {  	_ = 	snop  }
__scs_overlays_trampoline_lowered:
0x8: {  	[smem:$0x3FAA] =	sst s0  }
0x9: {  	[smem:$0x3FAB] =	sst s1  }
0xa: {  	[smem:$0x3FAC] =	sst s2  }
0xb: {  	[smem:$0x3FAD] =	sst s3  }
0xc: {  	[smem:$0x3FAE] =	sst s4  }
0xd: {  	[smem:$0x3FAF] =	sst s5  }
0xe: {  	[smem:$0x3FB0] =	sst s6  }
0xf: {  	[smem:$0x3FB1] =	sst s7  }
0x10: {  	[smem:$0x3FB2] =	sst s8  }
0x11: {  	[smem:$0x3FB3] =	sst s9;
	s0 =	simm.s32 @!p0 $0x0  }
0x12: {  	s1 =	sld [smem:$0x3F99];
	s0 =	simm.s32 @p0 $0x1  }
0x13: {  	[smem:$0x3FB4] =	sst s0;
	s0 =	simm.s32 @!p1 $0x0  }
0x14: {  	s2 =	sld [smem:$0x3F98];
	s0 =	simm.s32 @p1 $0x1  }
0x15: {  	[smem:$0x3FB5] =	sst s0;
	s0 =	simm.s32 @!p2 $0x0  }
0x16: {  	s3 =	sld [smem:$0x3FDB];
	s0 =	simm.s32 @p2 $0x1  }
0x17: {  	s4 =	simm.s32 $0x1BF5;
	[smem:$0x3FB7] =	sst s0  }
0x18: {  	s0 =	sld [smem:$0x3F9A];
	_ =	swait.ge [sflag:s4], $0x0  }
0x19: {  	s7 =	sld [smem:$0x3F9B]  }
0x1a: {  	s8 =	sadd.s32 $0xFFFFE003, lr  }
0x1b: {  	s9 =	sadd.s32 $0xFFFFFEF7, lr;
	s5 =	simm.s32 $0xFFFFFFFF;
	p2 =	slt.u32 s8, $0xFFFFF086  }
0x1c: {  	p1 =	slt.u32 s9, $0xF7A;
	s5 =	simm.s32 @!p2 $0x0  }
0x1d: {  	s5 =	simm.s32 @p1 $0x1;
	p0 =	seq.s32 s7, s2  }
0x1e: {  	s7 =	smul.u32 @!p0 $0xF7A, s2;
	p2 =	seq.s32 @!p0 s5, $0x0  }
0x1f: {  	s9 =	smul.u32 $0xF7A, s1;
	s8 =	simm.s32 @!p0 $0x1BF5;
	p2 =	por !p2, p0  }
0x20: {  	[sflag:s8] =	ssyncset.s32 @!p0 $0xFFFFF086;
	s6 =	sadd.s32 @!p0 s3, s7;
	s7 =	simm.s32 @!p0 $0x108  }
0x21: {  	s3 =	sadd.s32 s3, s9;
	s6 =	sadd.s32 @!p0 $0x88, s6;
	s7 =	simm.s32 @p2 $0x1082  }
0x22: {  	[simem:s7], [sflag:s8] =	dma.local @!p0 [hbm:s6], $0xF7A  }
0x23: {  	s9 =	sor.u32 $0xD0000000, s2;
	s6 =	simm.s32 $0x108;
	_ =	swait.ge @!p0 [sflag:s8], $0x0  }
0x24: {  	s3 =	sadd.s32 $0x88, s3;
	s6 =	simm.s32 @!p1 $0x1082;
	[sflag:s4] =	ssyncset.s32 $0xFFFFF086  }
0x25: {  	[simem:s6], [sflag:s4] =	dma.local [hbm:s3], $0xF7A  }
0x26: {  	[smem:$0x3F9B] =	sst s1;
	(tag) =	ssettag s2;
	_ =	strace s9  }
0x27: {  	s1 =	sld [smem:$0x3FAB]  }
0x28: {  	s2 =	sld [smem:$0x3FAC]  }
0x29: {  	s4 =	sld [smem:$0x3FAE]  }
0x2a: {  	p0 =	seq.s32 s5, $0x0;
	s5 =	sld [smem:$0x3FAF]  }
0x2b: {  	s6 =	sld [smem:$0x3FB0]  }
0x2c: {  	s7 =	sld [smem:$0x3FB1]  }
0x2d: {  	s3 =	simm.s32 $0x108;
	s8 =	sld [smem:$0x3FB2]  }
0x2e: {  	s3 =	simm.s32 @!p0 $0x1082;
	s9 =	sld [smem:$0x3FB3]  }
0x2f: {  	lr =	sadd.s32 s0, s3;
	s0 =	sld [smem:$0x3FAA]  }
0x30: {  	s3 =	sld [smem:$0x3FAD]  }
0x31: {  	[smem:$0x3FB6] =	sst s10  }
0x32: {  	s10 =	sld [smem:$0x3FB4];
	_ =	sdelay $0x3  }
0x33: {  	p0 =	seq.s32 s10, $0x1;
	s10 =	sld [smem:$0x3FB6];
	_ =	sdelay $0x3  }
0x34: {  	[smem:$0x3FB6] =	sst s10  }
0x35: {  	s10 =	sld [smem:$0x3FB5];
	_ =	sdelay $0x3  }
0x36: {  	p1 =	seq.s32 s10, $0x1;
	s10 =	sld [smem:$0x3FB6];
	_ =	sdelay $0x3  }
0x37: {  	[smem:$0x3FB6] =	sst s10  }
0x38: {  	s10 =	sld [smem:$0x3FB7]  }
0x39: {  	_ = 	snop;
	(pc) =	sbr.ind lr, $3  }
0x3a: {  	_ = 	snop  }
0x3b: {  	_ = 	snop  }
0x3c: {  	p2 =	seq.s32 s10, $0x1;
	s10 =	sld [smem:$0x3FB6]  }
0x3d: {  	_ =	shalt  }
0x3e: {  	_ =	shalt  }
0x3f: {  	_ =	shalt  }
0x40: {  	_ =	shalt  }
0x41: {  	_ =	shalt  }
0x42: {  	_ =	shalt  }
0x43: {  	_ =	shalt  }
0x44: {  	_ =	shalt  }
0x45: {  	_ =	shalt  }
0x46: {  	_ =	shalt  }
0x47: {  	_ =	shalt  }
0x48: {  	_ =	shalt  }
0x49: {  	_ =	shalt  }
0x4a: {  	_ =	shalt  }
0x4b: {  	_ =	shalt  }
0x4c: {  	_ =	shalt  }
0x4d: {  	_ =	shalt  }
0x4e: {  	_ =	shalt  }
0x4f: {  	_ =	shalt  }
0x50: {  	_ =	shalt  }
0x51: {  	_ =	shalt  }
0x52: {  	_ =	shalt  }
0x53: {  	_ =	shalt  }
0x54: {  	_ =	shalt  }
0x55: {  	_ =	shalt  }
0x56: {  	_ =	shalt  }
0x57: {  	_ =	shalt  }
0x58: {  	_ =	shalt  }
0x59: {  	_ =	shalt  }
0x5a: {  	_ =	shalt  }
0x5b: {  	_ =	shalt  }
0x5c: {  	_ =	shalt  }
0x5d: {  	_ =	shalt  }
0x5e: {  	_ =	shalt  }
0x5f: {  	_ =	shalt  }
0x60: {  	_ =	shalt  }
0x61: {  	_ =	shalt  }
0x62: {  	_ =	shalt  }
0x63: {  	_ =	shalt  }
0x64: {  	_ =	shalt  }
0x65: {  	_ =	shalt  }
0x66: {  	_ =	shalt  }
0x67: {  	_ =	shalt  }
0x68: {  	_ =	shalt  }
0x69: {  	_ =	shalt  }
0x6a: {  	_ =	shalt  }
0x6b: {  	_ =	shalt  }
0x6c: {  	_ =	shalt  }
0x6d: {  	_ =	shalt  }
0x6e: {  	_ =	shalt  }
0x6f: {  	_ =	shalt  }
0x70: {  	_ =	shalt  }
0x71: {  	_ =	shalt  }
0x72: {  	_ =	shalt  }
0x73: {  	_ =	shalt  }
0x74: {  	_ =	shalt  }
0x75: {  	_ =	shalt  }
0x76: {  	_ =	shalt  }
0x77: {  	_ =	shalt  }
0x78: {  	_ =	shalt  }
0x79: {  	_ =	shalt  }
0x7a: {  	_ =	shalt  }
0x7b: {  	_ =	shalt  }
0x7c: {  	_ =	shalt  }
0x7d: {  	_ =	shalt  }
0x7e: {  	_ =	shalt  }
0x7f: {  	_ =	shalt  }
0x80: {  	_ =	shalt  }
0x81: {  	_ =	shalt  }
0x82: {  	_ =	shalt  }
0x83: {  	_ =	shalt  }
0x84: {  	_ =	shalt  }
0x85: {  	_ =	shalt  }
0x86: {  	_ =	shalt  }
0x87: {  	_ =	shalt  }
.Lfunc_end0:
.L_simem_size_0:
called_computation.2_lowered:
.L_overlay_start_0:
0x88: {  	s2 =	sld [smem:$0x3FD9]  }
0x89: {  	s3 =	sld [smem:$0x3FFE];
	_ =	sdelay $0x1  }
0x8a: {  	s1 =	srdreg.scid  }
0x8b: {  	s0 =	sand.u32 $0x1, s1  }
0x8c: {  	s16 =	sshll.u32 s0, $0xA;
	s2 =	sadd.s32 s3, s2  }
0x8d: {  	s2 =	sadd.s32 s2, s16  }
0x8e: {  	[smem:$0x3FC2] =	sst s2  }
0x8f: {  	_ = 	snop  }
0x90: {  	(tm) =	ssettm $0x1  }
0x91: {  	s17 =	sld [smem:$0x3FFB];
	_ =	sdelay $0x3  }
0x92: {  	_ =	strace s17  }
0x93: {  	s2 =	sld [smem:$0x3FFC];
	_ =	sdelay $0x3  }
0x94: {  	_ =	strace s2  }
0x95: {  	s2 =	sld [smem:$0x3FFD];
	_ =	sdelay $0x3  }
0x96: {  	_ =	strace s2  }
0x97: {  	_ =	strace $0x8FFFFFFF  }
0x98: {  	s18 =	sld [smem:$0x3FDB];
	_ =	sdelay $0x1  }
0x99: {  	s19 =	simm.s32 $_scs_section_size  }
0x9a: {  	s4 =	simm.s32 $_size__tile_overlayer_lowered;
	s5 =	simm.s32 $_tile_overlayer_lowered  }
0x9b: {  	s22 =	simm.s32 $0x1BFF;
	s21 =	sshll.u32 s5, $0x1;
	s2 =	sadd.s32 s19, s18  }
0x9c: {  	s6 =	simm.s32 $0x0;
	s20 =	sshll.u32 s4, $0x1;
	s4 =	sadd.s32 s21, s2  }
0x9d: {  	[timem:s6], [sflag:s22] =	dma.local [hbm:s4], s20  }
0x9e: {  	_ =	swait.ge [sflag:s22], s20  }
0x9f: {  	s3 =	ssub.s32 $0x0, s20;
	[sflag:s22] =	ssyncset.done $0x0  }
0xa0: {  	[sflag:s22] =	ssyncadd.s32 s3;
	_ =	sdelay $0x1  }
0xa1: {  	s23 =	simm.s32 $0x1B8B  }
0xa2: {  	_ =	swait.ge [sflag:s23], $0x1  }
0xa3: {  	[sflag:s23] =	ssyncset.done $0x0  }
0xa4: {  	s25 =	simm.s32 $0x1B8E;
	s24 =	sld [smem:$0x3FFE];
	[sflag:s23] =	ssyncadd.s32 $0xFFFFFFFF  }
0xa5: {  	s26 =	simm.s32 $execute0_lowered;
	[smem:$0x3FD2] =	sst s25  }
0xa6: {  	s4 =	sshll.u32 s26, $0x1;
	_ =	strace $0x8000004C;
	[dreg:$0x1] =	wrdreg $0xFFFFFFFF  }
0xa7: {  	s28 =	simm.s32 $_size_execute0_lowered;
	s2 =	sadd.s32 s2, s4;
	[dreg:$0x0] =	wrdreg $0x0  }
0xa8: {  	s4 =	sshll.u32 s28, $0x1;
	[dreg:$0x2] =	wrdreg s2  }
0xa9: {  	[dreg:$0x3] =	wrdreg s4  }
0xaa: {  	[dreg:$0x4] =	wrdreg $0xC0  }
0xab: {  	_ =	task [dreg:s6], $0x5FFFF  }
0xac: {  	[dreg:$0x1] =	wrdreg $0xFFFFFFFF  }
0xad: {  	[dreg:$0x0] =	wrdreg $0x60  }
0xae: {  	[dreg:$0x2] =	wrdreg s24  }
0xaf: {  	[dreg:$0x3] =	wrdreg $0xCC000  }
0xb0: {  	[dreg:$0x4] =	wrdreg $0x9  }
0xb1: {  	_ =	task.clear_ibuf [dreg:s6], $0x5FFFF;
	_ =	strace $0x9000004C  }
0xb2: {  	s29 =	simm.s32 $0x9;
	_ =	strace $0x8000004E  }
0xb3: {  	_ =	swait.ge [sflag:s29], $0x1  }
0xb4: {  	[sflag:s29] =	ssyncadd.s32 $0xFFFFFFFF  }
0xb5: {  	_ =	strace $0x9000004E  }
0xb6: {  	_ =	sfence  }
0xb7: {  	s30 =	sld [smem:$0x0];
	_ =	sdelay $0x2  }
0xb8: {  	s31 =	sshll.u32 s1, $0xD;
	s1 =	sshrl.u32 s1, $0x2  }
0xb9: {  	s3 =	sand.u32 $0x4000, s31;
	s1 =	sadd.s32 s1, s30  }
0xba: {  	s0 =	sor.u32 s3, s0;
	s1 =	sshll.u32 s1, $0x11  }
0xbb: {  	s0 =	sor.u32 s1, s0  }
0xbc: {  	s0 =	sadd.s32 $0x8F2B, s0  }
0xbd: {  	[sflag:s0] =	ssyncadd.remote.s32 $0x1  }
0xbe: {  	_ =	sfence.sel $0xFFFF  }
0xbf: {  	[dreg:$0x0] =	wrdreg $0xFFFFFFFF;
	(pc) =	sbr.abs _section_cstart, $3  }
0xc0: {  	[dreg:$0x1] =	wrdreg $0xFFFFFFFF  }
0xc1: {  	_ =	task.clear_ibuf [dreg:s6], $0x2FFFF;
	_ =	strace $0x9FFFFFFF  }
0xc2: {  	(tm) =	ssettm $0x7FFFFFFF  }
0xc3: {  	_ =	shalt  }
tec
execute0_lowered:
.L_overlay_start_1:
0x0: {  	(tag) =	ssettag $0x1  }
0x1: {  	s0 =	rddreg [dreg:$0x0];
	s1 =	srdreg.scid  }
0x2: {  	s2 =	rddreg [dreg:$0x1];
	s16 =	stileid.u32;
	s3 =	simm.s32 $0x0  }
0x3: {  	s14 =	simm.s32 $0xD;
	s15 =	simm.s32 $0x1;
	s28 =	simm.s32 $0xB300  }
0x4: {  	s29 =	simm.s32 $0x7;
	s30 =	simm.s32 $0x4;
	s31 =	simm.s32 $0x9  }
0x5: {  	s5 =	sand.u32 $0x1, s1;
	s10 =	smul.u32 $0x6400, s16;
	[smem:$0x7FF] =	sst s3  }
0x6: {  	s8 =	sadd.s32 $0x1C00, s0;
	s21 =	sshll.u32 s16, $0x4;
	s11 =	smul.u32 $0x19000, s16  }
0x7: {  	s4 =	smul.u32 $0x64000, s5;
	s6 =	sshll.u32 s5, $0x4;
	s19 =	ssub.s32 $0x2, s5  }
0x8: {  	_ =	strace $0x8000004D;
	s12 =	sor.u32 s16, s6;
	s9 =	sshrl.u32 s19, $0x1  }
0x9: {  	s25 =	sshrl.u32 s11, $0x2;
	s16 =	simm.s32 $0x2;
	s7 =	sadd.s32 s10, s4  }
0xa: {  	s4 =	sadd.s32 $0x15600, s0;
	s18 =	smul.u32 $0x2700, s12;
	s13 =	ssub.s32 s19, s9  }
0xb: {  	s11 =	sadd.s32 s25, s2;
	p0 =	sgt.u32 s12, $0x3;
	s19 =	simm.s32 $0x6300  }
0xc: {  	s12 =	simm.s32 $0xB;
	s17 =	sshrl.u32 s7, $0x3;
	s26 =	smax.u32 s13, $0x1  }
0xd: {  	s13 =	simm.s32 $0xC700;
	s0 =	sadd.s32 s17, s0;
	s20 =	sshrl.u32 s18, $0x3  }
0xe: {  	[dreg:$0x7] =	wrdreg s26;
	s17 =	simm.s32 $0x80;
	s18 =	simm.s32 $0x4F00  }
0xf: {  	s26 =	simm.s32 $0x9F00;
	s5 =	sadd.s32 s8, s20;
	s8 =	sadd.s32 s21, s8  }
.Ltmp0:
0x10: {  	s0 =	sadd.s32 $0x21E00, s0;
	s20 =	sadd.s32 s10, s2;
	(pc) =	sbr.rel .LBB2_1-.Ltmp0, $4  }
0x11: {  	s21 =	simm.s32 $0x0;
	s22 =	sadd.s32 $0x9C40, s5;
	[dreg:$0x6] =	wrdreg s0  }
0x12: {  	s23 =	sadd.s32 $0x9C00, s8;
	s24 =	sadd.s32 $0x13840, s8;
	[dreg:$0x3] =	wrdreg s22  }
0x13: {  	s25 =	sshrl.u32 s20, $0x3;
	s0 =	simm.s32 $0x6;
	[dreg:$0x4] =	wrdreg s23  }
0x14: {  	v0 =	vimm.f32 $0.0e+00;
	s20 =	simm.s32 $0xC;
	[dreg:$0x5] =	wrdreg s24;
	s23 =	simm.s32 $0x8B00  }
.LBB2_6:
0x15: {  	_ =	swait.ge [sflag:s20], $0x1400  }
0x16: {  	s1 =	simm.s32 @!p0 $0x80;
	[sflag:s20] =	ssyncset.done $0x0  }
0x17: {  	s3 =	simm.s32 @!p0 $0x2700;
	s6 =	simm.s32 @!p0 $0x4F00;
	[sflag:s20] =	ssyncadd.s32 $0xFFFFEC00  }
0x18: {  	[tilespmem:s6], [sflag:$0x1] =	stream.indirect.gather @!p0 [hbm4b:s4+s1], $0x28, s3, s1, $0xb8;
	[tilespmem:$0x13000] =	vst v63  }
0x19: {  	s3 =	simm.s32 @!p0 $0x1  }
0x1a: {  	_ =	swait.ge @!p0 [sflag:s3], $0x1400  }
0x1b: {  	[sflag:s3] =	ssyncset.done @!p0 $0x0  }
0x1c: {  	[sflag:s3] =	ssyncadd.s32 @!p0 $0xFFFFEC00;
	s3 =	simm.s32 @!p0 $0x4E80  }
0x1d: {  	[spmem:s2] =	stream.indirect.scatter.add.f32 @!p0 [tilespmem:s6], [sflag:$0xD], $0x28, s3, s1, $0xb8;
	[tilespmem:$0x13000] =	vst v63  }
0x1e: {  	s1 =	simm.s32 @!p0 $0xD  }
0x1f: {  	_ =	swait.ge @!p0 [sflag:s1], $0x1400  }
0x20: {  	[sflag:s1] =	ssyncset.done @!p0 $0x0  }
0x21: {  	s10 =	stileid.u32;
	[sflag:s1] =	ssyncadd.s32 @!p0 $0xFFFFEC00  }
0x22: {  	s1 =	sshll.u32 s10, $0x6;
	[bflag:$0x0] =	sbarrier.arrive $0xFFFF  }
0x23: {  	s1 =	sor.u32 $0x1C0D, s1;
	s22 =	rddreg [dreg:$0x6]  }
0x24: {  	[hbm:s22], [sflag:s1] =	dma.local [spmem:s25], $0xC80  }
0x25: {  	_ =	swait.ge [sflag:s14], $0xC80  }
0x26: {  	s21 =	sadd.s32 $0x1, s21;
	s24 =	rddreg [dreg:$0x7]  }
0x27: {  	p1 =	sne.s32 s21, s24  }
.Ltmp1:
0x28: {  	_ = 	snop;
	(pc) =	sbr.rel @!p1 .LBB2_7-.Ltmp1, $3  }
0x29: {  	_ =	sdelay $0x1  }
0x2a: {  	[sflag:s14] =	ssyncset.done $0x0  }
0x2b: {  	[sflag:s14] =	ssyncadd.s32 $0xFFFFF380  }
.LBB2_1:
0x2c: {  	s1 =	simm.s32 $0x0  }
0x2d: {  	[tilespmem:s1], [sflag:$0x1] =	stream.linear.gather [hbm4b:s5+s1], $0x2700, $0x38;
	[tilespmem:$0x13000] =	vst v63  }
0x2e: {  	s3 =	rddreg [dreg:$0x3];
	s6 =	simm.s32 $0x2780  }
0x2f: {  	[tilespmem:s6], [sflag:$0x2] =	stream.linear.gather [hbm4b:s3+s1], $0x2700, $0x38;
	[tilespmem:$0x13000] =	vst v63  }
0x30: {  	s22 =	simm.s32 @!p0 $0x0;
	s24 =	simm.s32 @!p0 $0x2700;
	s1 =	rddreg [dreg:$0x4]  }
0x31: {  	[tilespmem:s24], [sflag:$0xD] =	stream.linear.gather @!p0 [hbm4b:s1+s22], $0x80, $0x38;
	[tilespmem:$0x13000] =	vst v63  }
0x32: {  	s24 =	simm.s32 @!p0 $0xD  }
0x33: {  	_ =	swait.ge @!p0 [sflag:s24], $0x80  }
0x34: {  	[sflag:s24] =	ssyncset.done @!p0 $0x0  }
0x35: {  	s1 =	simm.s32 @!p0 $0x4E80;
	s3 =	rddreg [dreg:$0x5];
	[sflag:s24] =	ssyncadd.s32 @!p0 $0xFFFFFF80  }
0x36: {  	[tilespmem:s1], [sflag:$0xD] =	stream.linear.gather @!p0 [hbm4b:s3+s22], $0x80, $0x38;
	[tilespmem:$0x13000] =	vst v63  }
0x37: {  	_ =	swait.ge @!p0 [sflag:s24], $0x80  }
0x38: {  	[sflag:s24] =	ssyncset.done @!p0 $0x0  }
0x39: {  	[sflag:s24] =	ssyncadd.s32 @!p0 $0xFFFFFF80  }
0x3a: {  	[tilespmem:$0xC700] =	vst v0  }
0x3b: {  	[tilespmem:$0xC710] =	vst v0  }
0x3c: {  	[tilespmem:$0xC728] =	vst v0  }
0x3d: {  	[tilespmem:$0xC738] =	vst v0  }
0x3e: {  	[tilespmem:$0xC750] =	vst v0  }
0x3f: {  	[tilespmem:$0xC760] =	vst v0  }
0x40: {  	[tilespmem:$0xC778] =	vst v0  }
0x41: {  	[tilespmem:$0xC788] =	vst v0  }
0x42: {  	[tilespmem:$0xC7A0] =	vst v0  }
0x43: {  	[tilespmem:$0xC7B0] =	vst v0  }
0x44: {  	[tilespmem:$0xC7C8] =	vst v0  }
0x45: {  	[tilespmem:$0xC7D8] =	vst v0  }
0x46: {  	[tilespmem:$0xC7F0] =	vst v0  }
0x47: {  	[tilespmem:$0xC800] =	vst v0  }
0x48: {  	[tilespmem:$0xC818] =	vst v0  }
0x49: {  	[tilespmem:$0xC828] =	vst v0  }
0x4a: {  	[tilespmem:$0xC840] =	vst v0  }
0x4b: {  	[tilespmem:$0xC850] =	vst v0  }
0x4c: {  	[tilespmem:$0xC868] =	vst v0  }
0x4d: {  	[tilespmem:$0xC878] =	vst v0  }
0x4e: {  	[tilespmem:$0xC890] =	vst v0  }
0x4f: {  	[tilespmem:$0xC8A0] =	vst v0  }
0x50: {  	[tilespmem:$0xC8B8] =	vst v0  }
0x51: {  	[tilespmem:$0xC8C8] =	vst v0  }
0x52: {  	[tilespmem:$0xC8E0] =	vst v0  }
0x53: {  	[tilespmem:$0xC8F0] =	vst v0  }
0x54: {  	[tilespmem:$0xC908] =	vst v0  }
0x55: {  	[tilespmem:$0xC918] =	vst v0  }
0x56: {  	[tilespmem:$0xC930] =	vst v0  }
0x57: {  	[tilespmem:$0xC940] =	vst v0  }
0x58: {  	[tilespmem:$0xC958] =	vst v0  }
0x59: {  	[tilespmem:$0xC968] =	vst v0  }
0x5a: {  	[tilespmem:$0xC980] =	vst v0  }
0x5b: {  	[tilespmem:$0xC990] =	vst v0  }
0x5c: {  	[tilespmem:$0xC9A8] =	vst v0  }
0x5d: {  	[tilespmem:$0xC9B8] =	vst v0  }
0x5e: {  	[tilespmem:$0xC9D0] =	vst v0  }
0x5f: {  	[tilespmem:$0xC9E0] =	vst v0  }
0x60: {  	[tilespmem:$0xC9F8] =	vst v0  }
0x61: {  	[tilespmem:$0xCA08] =	vst v0  }
0x62: {  	[tilespmem:$0xCA20] =	vst v0  }
0x63: {  	[tilespmem:$0xCA30] =	vst v0  }
0x64: {  	[tilespmem:$0xCA48] =	vst v0  }
0x65: {  	[tilespmem:$0xCA58] =	vst v0  }
0x66: {  	[tilespmem:$0xCA70] =	vst v0  }
0x67: {  	[tilespmem:$0xCA80] =	vst v0  }
0x68: {  	[tilespmem:$0xCA98] =	vst v0  }
0x69: {  	[tilespmem:$0xCAA8] =	vst v0  }
0x6a: {  	[tilespmem:$0xCAC0] =	vst v0  }
0x6b: {  	[tilespmem:$0xCAD0] =	vst v0  }
0x6c: {  	[tilespmem:$0xCAE8] =	vst v0  }
0x6d: {  	[tilespmem:$0xCAF8] =	vst v0  }
0x6e: {  	[tilespmem:$0xCB10] =	vst v0  }
0x6f: {  	[tilespmem:$0xCB20] =	vst v0  }
0x70: {  	[tilespmem:$0xCB38] =	vst v0  }
0x71: {  	[tilespmem:$0xCB48] =	vst v0  }
0x72: {  	[tilespmem:$0xCB60] =	vst v0  }
0x73: {  	[tilespmem:$0xCB70] =	vst v0  }
0x74: {  	[tilespmem:$0xCB88] =	vst v0  }
0x75: {  	[tilespmem:$0xCB98] =	vst v0  }
0x76: {  	[tilespmem:$0xCBB0] =	vst v0  }
0x77: {  	[tilespmem:$0xCBC0] =	vst v0  }
0x78: {  	[tilespmem:$0xCBD8] =	vst v0  }
0x79: {  	[tilespmem:$0xCBE8] =	vst v0  }
0x7a: {  	[tilespmem:$0xC718] =	vst v0  }
0x7b: {  	[tilespmem:$0xC740] =	vst v0  }
0x7c: {  	[tilespmem:$0xC768] =	vst v0  }
0x7d: {  	[tilespmem:$0xC790] =	vst v0  }
0x7e: {  	[tilespmem:$0xC7B8] =	vst v0  }
0x7f: {  	[tilespmem:$0xC7E0] =	vst v0  }
0x80: {  	[tilespmem:$0xC808] =	vst v0  }
0x81: {  	[tilespmem:$0xC830] =	vst v0  }
0x82: {  	[tilespmem:$0xC858] =	vst v0  }
0x83: {  	[tilespmem:$0xC880] =	vst v0  }
0x84: {  	[tilespmem:$0xC8A8] =	vst v0  }
0x85: {  	[tilespmem:$0xC8D0] =	vst v0  }
0x86: {  	[tilespmem:$0xC8F8] =	vst v0  }
0x87: {  	[tilespmem:$0xC920] =	vst v0  }
0x88: {  	[tilespmem:$0xC948] =	vst v0  }
0x89: {  	[tilespmem:$0xC970] =	vst v0  }
0x8a: {  	[tilespmem:$0xC998] =	vst v0  }
0x8b: {  	[tilespmem:$0xC9C0] =	vst v0  }
0x8c: {  	[tilespmem:$0xC9E8] =	vst v0  }
0x8d: {  	[tilespmem:$0xCA10] =	vst v0  }
0x8e: {  	[tilespmem:$0xCA38] =	vst v0  }
0x8f: {  	[tilespmem:$0xCA60] =	vst v0  }
0x90: {  	[tilespmem:$0xCA88] =	vst v0  }
0x91: {  	[tilespmem:$0xCAB0] =	vst v0  }
0x92: {  	[tilespmem:$0xCAD8] =	vst v0  }
0x93: {  	[tilespmem:$0xCB00] =	vst v0  }
0x94: {  	[tilespmem:$0xCB28] =	vst v0  }
0x95: {  	[tilespmem:$0xCB50] =	vst v0  }
0x96: {  	[tilespmem:$0xCB78] =	vst v0  }
0x97: {  	[tilespmem:$0xCBA0] =	vst v0  }
0x98: {  	[tilespmem:$0xCBC8] =	vst v0  }
0x99: {  	s24 =	sadd.s32 $0x0, s11;
	[tilespmem:$0xCBF0] =	vst v0  }
0x9a: {  	[spmem:s24] =	stream.linear.scatter [tilespmem:s13], [sflag:$0xD], $0x500, $0x38;
	[tilespmem:$0x13000] =	vst v63  }
0x9b: {  	s22 =	simm.s32 $0x1400;
	_ =	swait.ge [sflag:s14], $0x500  }
.LBB2_2:
0x9c: {  	s1 =	sshra.s32 s22, $0x2;
	[sflag:s14] =	ssyncset.done $0x0;
	p1 =	sne.s32 s22, $0x17C00  }
.Ltmp2:
0x9d: {  	s1 =	sadd.s32 s1, s11;
	[sflag:s14] =	ssyncadd.s32 $0xFFFFFB00;
	(pc) =	sbr.rel @p1 .LBB2_2-.Ltmp2, $3  }
0x9e: {  	[spmem:s1] =	stream.linear.scatter [tilespmem:s13], [sflag:$0xD], $0x500, $0x38;
	[tilespmem:$0x13000] =	vst v63  }
0x9f: {  	s22 =	sadd.s32 $0x1400, s22;
	_ =	sdelay $0x1  }
0xa0: {  	_ =	swait.ge [sflag:s14], $0x500  }
0xa1: {  	[sflag:s14] =	ssyncset.done $0x0  }
0xa2: {  	[sflag:s14] =	ssyncadd.s32 $0xFFFFFB00  }
0xa3: {  	_ =	swait.ge [sflag:s15], $0x2700  }
0xa4: {  	[sflag:s15] =	ssyncset.done $0x0  }
0xa5: {  	[sflag:s15] =	ssyncadd.s32 $0xFFFFD900  }
0xa6: {  	_ =	swait.ge [sflag:s16], $0x2700  }
0xa7: {  	[sflag:s16] =	ssyncset.done $0x0  }
0xa8: {  	[sflag:s16] =	ssyncadd.s32 $0xFFFFD900  }
0xa9: {  	s22 =	simm.s32 $0x0;
	[bflag:$0x0] =	sbarrier.arrive $0xFFFF  }
0xaa: {  	[tilespmem:s18], [sflag:$0x1] =	stream.indirect.gather [hbm4b:s4+s17], $0x28, s22, s17, $0xb8;
	[tilespmem:$0x13000] =	vst v63  }
0xab: {  	_ = 	snop  }
0xac: {  	[tilespmem:s19], [sflag:$0x2] =	stream.indirect.gather [hbm4b:s4+s17], $0x28, s17, s17, $0xb8;
	[tilespmem:$0x13000] =	vst v63  }
0xad: {  	s1 =	simm.s32 $0x100;
	s3 =	simm.s32 $0x7700  }
0xae: {  	[tilespmem:s3], [sflag:$0x3] =	stream.indirect.gather [hbm4b:s4+s17], $0x28, s1, s17, $0xb8;
	[tilespmem:$0x13000] =	vst v63  }
0xaf: {  	s10 =	simm.s32 $0x180  }
0xb0: {  	[tilespmem:s23], [sflag:$0x4] =	stream.indirect.gather [hbm4b:s4+s17], $0x28, s10, s17, $0xb8;
	[tilespmem:$0x13000] =	vst v63  }
0xb1: {  	s24 =	simm.s32 $0x200  }
0xb2: {  	[tilespmem:s26], [sflag:$0x5] =	stream.indirect.gather [hbm4b:s4+s17], $0x28, s24, s17, $0xb8;
	[tilespmem:$0x13000] =	vst v63  }
.LBB2_4:
0xb3: {  	_ =	swait.ge [sflag:s15], $0x1400  }
0xb4: {  	s24 =	sshra.s32 s22, $0x2;
	[sflag:s15] =	ssyncset.done $0x0  }
0xb5: {  	p1 =	seq.s32 s22, $0x0;
	s1 =	sadd.s32 $0x2780, s24;
	[sflag:s15] =	ssyncadd.s32 $0xFFFFEC00  }
0xb6: {  	[spmem:s2] =	stream.indirect.scatter.add.f32 [tilespmem:s18], [sflag:$0x7], $0x28, s1, s17, $0xb8;
	[tilespmem:$0x13000] =	vst v63  }
0xb7: {  	s1 =	simm.s32 @!p1 $0xC  }
0xb8: {  	_ =	swait.ge @!p1 [sflag:s1], $0x1400  }
0xb9: {  	[sflag:s1] =	ssyncset.done @!p1 $0x0  }
0xba: {  	s8 =	sadd.s32 $0x280, s24;
	[sflag:s1] =	ssyncadd.s32 @!p1 $0xFFFFEC00  }
0xbb: {  	[tilespmem:s28], [sflag:$0x6] =	stream.indirect.gather [hbm4b:s4+s17], $0x28, s8, s17, $0xb8;
	[tilespmem:$0x13000] =	vst v63  }
0xbc: {  	_ =	swait.ge [sflag:s16], $0x1400  }
0xbd: {  	[sflag:s16] =	ssyncset.done $0x0  }
0xbe: {  	s9 =	sadd.s32 $0x2800, s24;
	[sflag:s16] =	ssyncadd.s32 $0xFFFFEC00  }
0xbf: {  	[spmem:s2] =	stream.indirect.scatter.add.f32 [tilespmem:s19], [sflag:$0x8], $0x28, s9, s17, $0xb8;
	[tilespmem:$0x13000] =	vst v63  }
0xc0: {  	_ =	swait.ge [sflag:s29], $0x1400  }
0xc1: {  	p1 =	seq.s32 s22, $0x9000;
	[sflag:s29] =	ssyncset.done $0x0  }
0xc2: {  	s1 =	simm.s32 @p1 $0x3;
	[sflag:s29] =	ssyncadd.s32 $0xFFFFEC00  }
0xc3: {  	_ =	swait.ge @p1 [sflag:s1], $0x1400  }
0xc4: {  	[sflag:s1] =	ssyncset.done @p1 $0x0  }
0xc5: {  	[sflag:s1] =	ssyncadd.s32 @p1 $0xFFFFEC00;
	s1 =	sshra.s32 @p1 s22, $0x2  }
0xc6: {  	s6 =	simm.s32 @p1 $0x80;
	s7 =	simm.s32 @p1 $0x7700;
	s3 =	sadd.s32 @p1 $0x2880, s1  }
0xc7: {  	[spmem:s2] =	stream.indirect.scatter.add.f32 @p1 [tilespmem:s7], [sflag:$0x9], $0x28, s3, s6, $0xb8;
	[tilespmem:$0x13000] =	vst v63  }
0xc8: {  	s3 =	simm.s32 @p1 $0x8  }
0xc9: {  	_ =	swait.ge @p1 [sflag:s3], $0x1400  }
0xca: {  	[sflag:s3] =	ssyncset.done @p1 $0x0  }
0xcb: {  	[sflag:s3] =	ssyncadd.s32 @p1 $0xFFFFEC00;
	s3 =	sshra.s32 @!p1 s22, $0x2  }
0xcc: {  	s8 =	simm.s32 @!p1 $0x80;
	s9 =	simm.s32 @!p1 $0x4F00;
	s7 =	sadd.s32 @!p1 $0x300, s3  }
0xcd: {  	[tilespmem:s9], [sflag:$0x1] =	stream.indirect.gather @!p1 [hbm4b:s4+s8], $0x28, s7, s8, $0xb8;
	[tilespmem:$0x13000] =	vst v63  }
0xce: {  	s7 =	simm.s32 @!p1 $0x3  }
0xcf: {  	_ =	swait.ge @!p1 [sflag:s7], $0x1400  }
0xd0: {  	[sflag:s7] =	ssyncset.done @!p1 $0x0  }
0xd1: {  	s9 =	simm.s32 @!p1 $0x7700;
	[sflag:s7] =	ssyncadd.s32 @!p1 $0xFFFFEC00;
	s7 =	sadd.s32 @!p1 $0x2880, s3  }
0xd2: {  	[spmem:s2] =	stream.indirect.scatter.add.f32 @!p1 [tilespmem:s9], [sflag:$0x9], $0x28, s7, s8, $0xb8;
	[tilespmem:$0x13000] =	vst v63  }
0xd3: {  	s7 =	simm.s32 @!p1 $0x8  }
0xd4: {  	_ =	swait.ge @!p1 [sflag:s7], $0x1400  }
0xd5: {  	[sflag:s7] =	ssyncset.done @!p1 $0x0  }
0xd6: {  	s10 =	simm.s32 @!p1 $0x6300;
	[sflag:s7] =	ssyncadd.s32 @!p1 $0xFFFFEC00;
	s7 =	sadd.s32 @!p1 $0x380, s3  }
0xd7: {  	[tilespmem:s10], [sflag:$0x2] =	stream.indirect.gather @!p1 [hbm4b:s4+s8], $0x28, s7, s8, $0xb8;
	[tilespmem:$0x13000] =	vst v63  }
0xd8: {  	_ =	swait.ge [sflag:s30], $0x1400  }
0xd9: {  	[sflag:s30] =	ssyncset.done $0x0  }
0xda: {  	s10 =	sadd.s32 $0x2900, s24;
	[sflag:s30] =	ssyncadd.s32 $0xFFFFEC00  }
0xdb: {  	[spmem:s2] =	stream.indirect.scatter.add.f32 [tilespmem:s23], [sflag:$0xA], $0x28, s10, s17, $0xb8;
	[tilespmem:$0x13000] =	vst v63  }
0xdc: {  	_ =	swait.ge [sflag:s31], $0x1400  }
0xdd: {  	[sflag:s31] =	ssyncset.done $0x0  }
0xde: {  	s7 =	simm.s32 @p1 $0x5;
	[sflag:s31] =	ssyncadd.s32 $0xFFFFEC00  }
0xdf: {  	_ =	swait.ge @p1 [sflag:s7], $0x1400  }
0xe0: {  	[sflag:s7] =	ssyncset.done @p1 $0x0  }
0xe1: {  	s1 =	sadd.s32 @p1 $0x2980, s1;
	[sflag:s7] =	ssyncadd.s32 @p1 $0xFFFFEC00;
	s7 =	simm.s32 @p1 $0x9F00  }
0xe2: {  	[spmem:s2] =	stream.indirect.scatter.add.f32 @p1 [tilespmem:s7], [sflag:$0xB], $0x28, s1, s6, $0xb8;
	[tilespmem:$0x13000] =	vst v63  }
0xe3: {  	s1 =	simm.s32 @p1 $0xA  }
0xe4: {  	_ =	swait.ge @p1 [sflag:s1], $0x1400  }
0xe5: {  	[sflag:s1] =	ssyncset.done @p1 $0x0  }
0xe6: {  	[sflag:s1] =	ssyncadd.s32 @p1 $0xFFFFEC00;
	s1 =	sadd.s32 @!p1 $0x400, s3  }
0xe7: {  	[tilespmem:s9], [sflag:$0x3] =	stream.indirect.gather @!p1 [hbm4b:s4+s8], $0x28, s1, s8, $0xb8;
	[tilespmem:$0x13000] =	vst v63  }
0xe8: {  	s1 =	simm.s32 @!p1 $0x5  }
0xe9: {  	_ =	swait.ge @!p1 [sflag:s1], $0x1400  }
0xea: {  	[sflag:s1] =	ssyncset.done @!p1 $0x0  }
0xeb: {  	s6 =	simm.s32 @!p1 $0x9F00;
	[sflag:s1] =	ssyncadd.s32 @!p1 $0xFFFFEC00;
	s1 =	sadd.s32 @!p1 $0x2980, s3  }
0xec: {  	[spmem:s2] =	stream.indirect.scatter.add.f32 @!p1 [tilespmem:s6], [sflag:$0xB], $0x28, s1, s8, $0xb8;
	[tilespmem:$0x13000] =	vst v63  }
0xed: {  	s1 =	simm.s32 @!p1 $0xA  }
0xee: {  	_ =	swait.ge @!p1 [sflag:s1], $0x1400  }
0xef: {  	[sflag:s1] =	ssyncset.done @!p1 $0x0  }
0xf0: {  	[sflag:s1] =	ssyncadd.s32 @!p1 $0xFFFFEC00;
	s1 =	sadd.s32 @!p1 $0x480, s3;
	s3 =	simm.s32 @!p1 $0x8B00  }
0xf1: {  	[tilespmem:s3], [sflag:$0x4] =	stream.indirect.gather @!p1 [hbm4b:s4+s8], $0x28, s1, s8, $0xb8;
	[tilespmem:$0x13000] =	vst v63  }
0xf2: {  	_ =	swait.ge [sflag:s0], $0x1400  }
0xf3: {  	[sflag:s0] =	ssyncset.done $0x0  }
.Ltmp3:
0xf4: {  	s10 =	sadd.s32 $0x2A00, s24;
	[sflag:s0] =	ssyncadd.s32 $0xFFFFEC00;
	(pc) =	sbr.rel @p1 .LBB2_6-.Ltmp3, $4  }
0xf5: {  	[spmem:s2] =	stream.indirect.scatter.add.f32 [tilespmem:s28], [sflag:$0xC], $0x28, s10, s17, $0xb8;
	[tilespmem:$0x13000] =	vst v63  }
0xf6: {  	_ =	swait.ge [sflag:s12], $0x1400  }
0xf7: {  	[sflag:s12] =	ssyncset.done $0x0  }
0xf8: {  	[sflag:s12] =	ssyncadd.s32 $0xFFFFEC00  }
.Ltmp4:
0xf9: {  	(pc) =	sbr.rel .LBB2_4-.Ltmp4, $3  }
0xfa: {  	_ =	sdelay $0x1  }
0xfb: {  	s1 =	sadd.s32 $0x500, s24;
	s22 =	sadd.s32 $0xC00, s22  }
0xfc: {  	[tilespmem:s26], [sflag:$0x5] =	stream.indirect.gather [hbm4b:s4+s17], $0x28, s1, s17, $0xb8;
	[tilespmem:$0x13000] =	vst v63  }
.LBB2_7:
0xfd: {  	_ =	sfence.sel $0x180000  }
0xfe: {  	[bflag:$0x0] =	sbarrier.arrive $0xFFFF  }
0xff: {  	_ =	strace $0x9000004D  }
0x100: {  	s0 =	stileid.u32;
	[bflag:$0x2] =	sbarrier.arrive $0xFFFF  }
0x101: {  	p0 =	sne.s32 s0, $0x0;
	s0 =	rddreg [dreg:$0x2]  }
0x102: {  	s0 =	sadd.s32 @!p0 $0x100000, s0  }
0x103: {  	[sflag:s0] =	ssyncadd.tile.s32 @!p0 $0x1;
	_ =	shalt  }
.Lfunc_end2:
_tile_overlayer_lowered:
.L_overlay_start_2:
0x104: {  	(tag) =	ssettag $0x2  }
0x105: {  	s0 =	rddreg [dreg:$0x0];
	s2 =	stileid.u32  }
0x106: {  	s1 =	rddreg [dreg:$0x1];
	p0 =	sne.s32 s2, $0x0  }
0x107: {  	s3 =	rddreg [dreg:$0x2];
	[bflag:$0x3] =	sbarrier.arrive $0xFFFF;
	s2 =	simm.s32 @!p0 $0x1C0D  }
0x108: {  	[timem:s3], [sflag:s2] =	dma.local @!p0 [hbm:s0], s1  }
0x109: {  	s0 =	simm.s32 @!p0 $0xD  }
0x10a: {  	_ =	swait.ge @!p0 [sflag:s0], s1  }
0x10b: {  	s1 =	ssub.s32 @!p0 $0x0, s1;
	[sflag:s0] =	ssyncset.done @!p0 $0x0  }
0x10c: {  	[sflag:s0] =	ssyncadd.s32 @!p0 s1  }
0x10d: {  	[bflag:$0x3] =	sbarrier.arrive $0xFFFF  }
0x10e: {  	_ =	shalt  }

// kernel: kernel.8.cloned.1.call-start
scs
__scs_entry_jumppad:
0x0: {  	(pc) =	sbr.rel $0x88, $3  }
0x1: {  	(tag) =	ssettag $0x0;
	lr =	simm.s32 $0x1  }
0x2: {  	[smem:$0x3F9B] =	sst lr;
	_ =	strace $0xD0000000  }
0x3: {  	_ = 	snop  }
0x4: {  	_ = 	snop  }
0x5: {  	_ = 	snop  }
0x6: {  	_ = 	snop  }
0x7: {  	_ = 	snop  }
__scs_overlays_trampoline_lowered:
0x8: {  	[smem:$0x3FAA] =	sst s0  }
0x9: {  	[smem:$0x3FAB] =	sst s1  }
0xa: {  	[smem:$0x3FAC] =	sst s2  }
0xb: {  	[smem:$0x3FAD] =	sst s3  }
0xc: {  	[smem:$0x3FAE] =	sst s4  }
0xd: {  	[smem:$0x3FAF] =	sst s5  }
0xe: {  	[smem:$0x3FB0] =	sst s6  }
0xf: {  	[smem:$0x3FB1] =	sst s7  }
0x10: {  	[smem:$0x3FB2] =	sst s8  }
0x11: {  	[smem:$0x3FB3] =	sst s9;
	s0 =	simm.s32 @!p0 $0x0  }
0x12: {  	s1 =	sld [smem:$0x3F99];
	s0 =	simm.s32 @p0 $0x1  }
0x13: {  	[smem:$0x3FB4] =	sst s0;
	s0 =	simm.s32 @!p1 $0x0  }
0x14: {  	s2 =	sld [smem:$0x3F98];
	s0 =	simm.s32 @p1 $0x1  }
0x15: {  	[smem:$0x3FB5] =	sst s0;
	s0 =	simm.s32 @!p2 $0x0  }
0x16: {  	s3 =	sld [smem:$0x3FDB];
	s0 =	simm.s32 @p2 $0x1  }
0x17: {  	s4 =	simm.s32 $0x1BF5;
	[smem:$0x3FB7] =	sst s0  }
0x18: {  	s0 =	sld [smem:$0x3F9A];
	_ =	swait.ge [sflag:s4], $0x0  }
0x19: {  	s7 =	sld [smem:$0x3F9B]  }
0x1a: {  	s8 =	sadd.s32 $0xFFFFE003, lr  }
0x1b: {  	s9 =	sadd.s32 $0xFFFFFEF7, lr;
	s5 =	simm.s32 $0xFFFFFFFF;
	p2 =	slt.u32 s8, $0xFFFFF086  }
0x1c: {  	p1 =	slt.u32 s9, $0xF7A;
	s5 =	simm.s32 @!p2 $0x0  }
0x1d: {  	s5 =	simm.s32 @p1 $0x1;
	p0 =	seq.s32 s7, s2  }
0x1e: {  	s7 =	smul.u32 @!p0 $0xF7A, s2;
	p2 =	seq.s32 @!p0 s5, $0x0  }
0x1f: {  	s9 =	smul.u32 $0xF7A, s1;
	s8 =	simm.s32 @!p0 $0x1BF5;
	p2 =	por !p2, p0  }
0x20: {  	[sflag:s8] =	ssyncset.s32 @!p0 $0xFFFFF086;
	s6 =	sadd.s32 @!p0 s3, s7;
	s7 =	simm.s32 @!p0 $0x108  }
0x21: {  	s3 =	sadd.s32 s3, s9;
	s6 =	sadd.s32 @!p0 $0x88, s6;
	s7 =	simm.s32 @p2 $0x1082  }
0x22: {  	[simem:s7], [sflag:s8] =	dma.local @!p0 [hbm:s6], $0xF7A  }
0x23: {  	s9 =	sor.u32 $0xD0000000, s2;
	s6 =	simm.s32 $0x108;
	_ =	swait.ge @!p0 [sflag:s8], $0x0  }
0x24: {  	s3 =	sadd.s32 $0x88, s3;
	s6 =	simm.s32 @!p1 $0x1082;
	[sflag:s4] =	ssyncset.s32 $0xFFFFF086  }
0x25: {  	[simem:s6], [sflag:s4] =	dma.local [hbm:s3], $0xF7A  }
0x26: {  	[smem:$0x3F9B] =	sst s1;
	(tag) =	ssettag s2;
	_ =	strace s9  }
0x27: {  	s1 =	sld [smem:$0x3FAB]  }
0x28: {  	s2 =	sld [smem:$0x3FAC]  }
0x29: {  	s4 =	sld [smem:$0x3FAE]  }
0x2a: {  	p0 =	seq.s32 s5, $0x0;
	s5 =	sld [smem:$0x3FAF]  }
0x2b: {  	s6 =	sld [smem:$0x3FB0]  }
0x2c: {  	s7 =	sld [smem:$0x3FB1]  }
0x2d: {  	s3 =	simm.s32 $0x108;
	s8 =	sld [smem:$0x3FB2]  }
0x2e: {  	s3 =	simm.s32 @!p0 $0x1082;
	s9 =	sld [smem:$0x3FB3]  }
0x2f: {  	lr =	sadd.s32 s0, s3;
	s0 =	sld [smem:$0x3FAA]  }
0x30: {  	s3 =	sld [smem:$0x3FAD]  }
0x31: {  	[smem:$0x3FB6] =	sst s10  }
0x32: {  	s10 =	sld [smem:$0x3FB4];
	_ =	sdelay $0x3  }
0x33: {  	p0 =	seq.s32 s10, $0x1;
	s10 =	sld [smem:$0x3FB6];
	_ =	sdelay $0x3  }
0x34: {  	[smem:$0x3FB6] =	sst s10  }
0x35: {  	s10 =	sld [smem:$0x3FB5];
	_ =	sdelay $0x3  }
0x36: {  	p1 =	seq.s32 s10, $0x1;
	s10 =	sld [smem:$0x3FB6];
	_ =	sdelay $0x3  }
0x37: {  	[smem:$0x3FB6] =	sst s10  }
0x38: {  	s10 =	sld [smem:$0x3FB7]  }
0x39: {  	_ = 	snop;
	(pc) =	sbr.ind lr, $3  }
0x3a: {  	_ = 	snop  }
0x3b: {  	_ = 	snop  }
0x3c: {  	p2 =	seq.s32 s10, $0x1;
	s10 =	sld [smem:$0x3FB6]  }
0x3d: {  	_ =	shalt  }
0x3e: {  	_ =	shalt  }
0x3f: {  	_ =	shalt  }
0x40: {  	_ =	shalt  }
0x41: {  	_ =	shalt  }
0x42: {  	_ =	shalt  }
0x43: {  	_ =	shalt  }
0x44: {  	_ =	shalt  }
0x45: {  	_ =	shalt  }
0x46: {  	_ =	shalt  }
0x47: {  	_ =	shalt  }
0x48: {  	_ =	shalt  }
0x49: {  	_ =	shalt  }
0x4a: {  	_ =	shalt  }
0x4b: {  	_ =	shalt  }
0x4c: {  	_ =	shalt  }
0x4d: {  	_ =	shalt  }
0x4e: {  	_ =	shalt  }
0x4f: {  	_ =	shalt  }
0x50: {  	_ =	shalt  }
0x51: {  	_ =	shalt  }
0x52: {  	_ =	shalt  }
0x53: {  	_ =	shalt  }
0x54: {  	_ =	shalt  }
0x55: {  	_ =	shalt  }
0x56: {  	_ =	shalt  }
0x57: {  	_ =	shalt  }
0x58: {  	_ =	shalt  }
0x59: {  	_ =	shalt  }
0x5a: {  	_ =	shalt  }
0x5b: {  	_ =	shalt  }
0x5c: {  	_ =	shalt  }
0x5d: {  	_ =	shalt  }
0x5e: {  	_ =	shalt  }
0x5f: {  	_ =	shalt  }
0x60: {  	_ =	shalt  }
0x61: {  	_ =	shalt  }
0x62: {  	_ =	shalt  }
0x63: {  	_ =	shalt  }
0x64: {  	_ =	shalt  }
0x65: {  	_ =	shalt  }
0x66: {  	_ =	shalt  }
0x67: {  	_ =	shalt  }
0x68: {  	_ =	shalt  }
0x69: {  	_ =	shalt  }
0x6a: {  	_ =	shalt  }
0x6b: {  	_ =	shalt  }
0x6c: {  	_ =	shalt  }
0x6d: {  	_ =	shalt  }
0x6e: {  	_ =	shalt  }
0x6f: {  	_ =	shalt  }
0x70: {  	_ =	shalt  }
0x71: {  	_ =	shalt  }
0x72: {  	_ =	shalt  }
0x73: {  	_ =	shalt  }
0x74: {  	_ =	shalt  }
0x75: {  	_ =	shalt  }
0x76: {  	_ =	shalt  }
0x77: {  	_ =	shalt  }
0x78: {  	_ =	shalt  }
0x79: {  	_ =	shalt  }
0x7a: {  	_ =	shalt  }
0x7b: {  	_ =	shalt  }
0x7c: {  	_ =	shalt  }
0x7d: {  	_ =	shalt  }
0x7e: {  	_ =	shalt  }
0x7f: {  	_ =	shalt  }
0x80: {  	_ =	shalt  }
0x81: {  	_ =	shalt  }
0x82: {  	_ =	shalt  }
0x83: {  	_ =	shalt  }
0x84: {  	_ =	shalt  }
0x85: {  	_ =	shalt  }
0x86: {  	_ =	shalt  }
0x87: {  	_ =	shalt  }
.Lfunc_end0:
.L_simem_size_0:
called_computation_lowered:
.L_overlay_start_0:
0x88: {  	s2 =	sld [smem:$0x3FD9]  }
0x89: {  	s3 =	sld [smem:$0x3FFE];
	_ =	sdelay $0x1  }
0x8a: {  	s1 =	srdreg.scid  }
0x8b: {  	s0 =	sand.u32 $0x1, s1  }
0x8c: {  	s17 =	sshll.u32 s0, $0xA;
	s2 =	sadd.s32 s3, s2  }
0x8d: {  	s2 =	sadd.s32 s2, s17  }
0x8e: {  	[smem:$0x3FC2] =	sst s2  }
0x8f: {  	_ = 	snop  }
0x90: {  	s2 =	sld [smem:$0x3FD0];
	(tm) =	ssettm $0x1  }
0x91: {  	s18 =	sld [smem:$0x3FFB];
	_ =	sdelay $0x3  }
0x92: {  	_ =	strace s18  }
0x93: {  	s3 =	sld [smem:$0x3FFC];
	_ =	sdelay $0x3  }
0x94: {  	_ =	strace s3  }
0x95: {  	s3 =	sld [smem:$0x3FFD];
	_ =	sdelay $0x3  }
0x96: {  	_ =	strace s3  }
0x97: {  	_ =	strace $0x8FFFFFFF  }
0x98: {  	s19 =	sld [smem:$0x3FDB];
	_ =	sdelay $0x1  }
0x99: {  	s4 =	simm.s32 $_scs_section_size  }
0x9a: {  	s5 =	simm.s32 $_size__tile_overlayer_lowered;
	s6 =	simm.s32 $_tile_overlayer_lowered  }
0x9b: {  	s22 =	simm.s32 $0x1BFF;
	s21 =	sshll.u32 s6, $0x1;
	s3 =	sadd.s32 s4, s19  }
0x9c: {  	s7 =	simm.s32 $0x0;
	s20 =	sshll.u32 s5, $0x1;
	s5 =	sadd.s32 s21, s3  }
0x9d: {  	[timem:s7], [sflag:s22] =	dma.local [hbm:s5], s20  }
0x9e: {  	_ =	swait.ge [sflag:s22], s20  }
0x9f: {  	s4 =	ssub.s32 $0x0, s20;
	[sflag:s22] =	ssyncset.done $0x0  }
0xa0: {  	[sflag:s22] =	ssyncadd.s32 s4;
	_ =	sdelay $0x1  }
0xa1: {  	s23 =	simm.s32 $0x1B8B  }
0xa2: {  	_ =	swait.ge [sflag:s23], $0x1  }
0xa3: {  	[sflag:s23] =	ssyncset.done $0x0  }
0xa4: {  	s25 =	simm.s32 $0x1B8E;
	s24 =	sld [smem:$0x3FFE];
	[sflag:s23] =	ssyncadd.s32 $0xFFFFFFFF  }
0xa5: {  	s26 =	simm.s32 $execute0_lowered;
	[smem:$0x3FD2] =	sst s25  }
0xa6: {  	s5 =	sshll.u32 s26, $0x1;
	_ =	strace $0x80000046;
	[dreg:$0x1] =	wrdreg $0xFFFFFFFF  }
0xa7: {  	s28 =	simm.s32 $_size_execute0_lowered;
	s3 =	sadd.s32 s3, s5;
	[dreg:$0x0] =	wrdreg $0x0  }
0xa8: {  	s5 =	sshll.u32 s28, $0x1;
	[dreg:$0x2] =	wrdreg s3  }
0xa9: {  	[dreg:$0x3] =	wrdreg s5  }
0xaa: {  	[dreg:$0x4] =	wrdreg $0xC0  }
0xab: {  	_ =	task [dreg:s7], $0x5FFFF  }
0xac: {  	[dreg:$0x1] =	wrdreg $0xFFFFFFFF  }
0xad: {  	[dreg:$0x0] =	wrdreg $0x60  }
0xae: {  	[dreg:$0x2] =	wrdreg s24  }
0xaf: {  	[dreg:$0x3] =	wrdreg s2  }
0xb0: {  	[dreg:$0x4] =	wrdreg $0x2A800  }
0xb1: {  	[dreg:$0x5] =	wrdreg $0x9  }
0xb2: {  	_ =	task.clear_ibuf [dreg:s7], $0x6FFFF;
	_ =	strace $0x90000046  }
0xb3: {  	s29 =	simm.s32 $0x9;
	_ =	strace $0x80000048  }
0xb4: {  	_ =	swait.ge [sflag:s29], $0x1  }
0xb5: {  	[sflag:s29] =	ssyncadd.s32 $0xFFFFFFFF  }
0xb6: {  	_ =	strace $0x90000048  }
0xb7: {  	_ =	sfence  }
0xb8: {  	s30 =	sld [smem:$0x0];
	_ =	sdelay $0x2  }
0xb9: {  	s31 =	sshll.u32 s1, $0xD;
	s1 =	sshrl.u32 s1, $0x2  }
0xba: {  	s3 =	sand.u32 $0x4000, s31;
	s1 =	sadd.s32 s1, s30  }
0xbb: {  	s0 =	sor.u32 s3, s0;
	s1 =	sshll.u32 s1, $0x11  }
0xbc: {  	s0 =	sor.u32 s1, s0  }
0xbd: {  	s0 =	sadd.s32 $0x8F2B, s0  }
0xbe: {  	[sflag:s0] =	ssyncadd.remote.s32 $0x1  }
0xbf: {  	_ =	sfence.sel $0xFFFF  }
0xc0: {  	[dreg:$0x0] =	wrdreg $0xFFFFFFFF;
	(pc) =	sbr.abs _section_cstart, $3  }
0xc1: {  	[dreg:$0x1] =	wrdreg $0xFFFFFFFF  }
0xc2: {  	_ =	task.clear_ibuf [dreg:s7], $0x2FFFF;
	_ =	strace $0x9FFFFFFF  }
0xc3: {  	(tm) =	ssettm $0x7FFFFFFF  }
tec
execute0_lowered:
.L_overlay_start_1:
0x0: {  	(tag) =	ssettag $0x1  }
0x1: {  	s4 =	rddreg [dreg:$0x0]  }
0x2: {  	s7 =	rddreg [dreg:$0x1]  }
0x3: {  	s1 =	rddreg [dreg:$0x2];
	s2 =	srdreg.scid  }
0x4: {  	s0 =	rddreg [dreg:$0x3];
	s3 =	simm.s32 $0x0;
	s12 =	simm.s32 $0x2780  }
0x5: {  	s13 =	simm.s32 $0x1;
	s16 =	simm.s32 $0x0;
	s5 =	sand.u32 $0x1, s2  }
0x6: {  	s2 =	stileid.u32;
	[smem:$0x7FF] =	sst s3;
	s8 =	sadd.s32 $0x1C00, s4  }
0x7: {  	s6 =	sshll.u32 s5, $0x4;
	_ =	strace $0x80000047;
	s10 =	smul.u32 $0x280, s2  }
0x8: {  	s28 =	ssub.s32 $0x2, s5;
	s5 =	smul.u32 $0x2800, s5;
	s9 =	sor.u32 s2, s6  }
0x9: {  	s14 =	sshll.u32 s2, $0x6;
	s11 =	sshrl.u32 s28, $0x1;
	s6 =	smul.u32 $0x2700, s9  }
0xa: {  	s30 =	sshll.u32 s2, $0x4;
	s14 =	sor.u32 $0x1C02, s14;
	s11 =	ssub.s32 s28, s11  }
0xb: {  	s31 =	sadd.s32 s10, s5;
	p0 =	sgt.u32 s9, $0x3;
	s6 =	sshrl.u32 s6, $0x3  }
0xc: {  	s9 =	simm.s32 $0x2;
	s29 =	sadd.s32 s8, s6;
	s6 =	sadd.s32 s30, s8  }
0xd: {  	s8 =	sshrl.u32 s31, $0x3;
	s4 =	sadd.s32 $0x9C40, s29;
	s5 =	sadd.s32 $0x13840, s6  }
0xe: {  	s6 =	sadd.s32 s10, s1;
	s7 =	sadd.s32 s7, s8;
	s8 =	smax.u32 s11, $0x1  }
0xf: {  	v0 =	vimm.f32 $0.0e+00;
	v1 =	vimm.f32 $1.000000000e+00;
	s10 =	simm.s32 $0x2800;
	s11 =	simm.s32 $0x80;
	s15 =	sshrl.u32 s6, $0x3  }
.LBB2_1:
0x10: {  	[tilespmem:s3], [sflag:$0x2] =	stream.linear.gather [hbm4b:s4+s3], $0x2700, $0x38;
	[tilespmem:$0x2D00] =	vst v63  }
0x11: {  	_ =	swait.ge [sflag:s9], $0x2700  }
0x12: {  	[sflag:s9] =	ssyncset.done $0x0  }
0x13: {  	s17 =	simm.s32 @!p0 $0x0;
	s18 =	simm.s32 @!p0 $0x2700;
	[sflag:s9] =	ssyncadd.s32 $0xFFFFD900  }
0x14: {  	[tilespmem:s18], [sflag:$0x2] =	stream.linear.gather @!p0 [hbm4b:s5+s17], $0x80, $0x38;
	[tilespmem:$0x2D00] =	vst v63  }
0x15: {  	s17 =	simm.s32 @!p0 $0x2  }
0x16: {  	_ =	swait.ge @!p0 [sflag:s17], $0x80  }
0x17: {  	[sflag:s17] =	ssyncset.done @!p0 $0x0  }
0x18: {  	[sflag:s17] =	ssyncadd.s32 @!p0 $0xFFFFFF80  }
0x19: {  	[tilespmem:$0x2800] =	vst v0  }
0x1a: {  	[tilespmem:$0x2810] =	vst v0  }
0x1b: {  	[tilespmem:$0x2820] =	vst v0  }
0x1c: {  	[tilespmem:$0x2830] =	vst v0  }
0x1d: {  	[tilespmem:$0x2840] =	vst v0  }
0x1e: {  	[tilespmem:$0x2850] =	vst v0  }
0x1f: {  	[tilespmem:$0x2860] =	vst v0  }
0x20: {  	[tilespmem:$0x2870] =	vst v0  }
0x21: {  	[tilespmem:$0x2880] =	vst v0  }
0x22: {  	[tilespmem:$0x2890] =	vst v0  }
0x23: {  	[tilespmem:$0x28A0] =	vst v0  }
0x24: {  	[tilespmem:$0x28B0] =	vst v0  }
0x25: {  	[tilespmem:$0x28C0] =	vst v0  }
0x26: {  	[tilespmem:$0x28D0] =	vst v0  }
0x27: {  	[tilespmem:$0x28E0] =	vst v0  }
0x28: {  	[tilespmem:$0x28F0] =	vst v0  }
0x29: {  	[tilespmem:$0x2900] =	vst v0  }
0x2a: {  	[tilespmem:$0x2910] =	vst v0  }
0x2b: {  	[tilespmem:$0x2920] =	vst v0  }
0x2c: {  	[tilespmem:$0x2930] =	vst v0  }
0x2d: {  	[tilespmem:$0x2940] =	vst v0  }
0x2e: {  	[tilespmem:$0x2950] =	vst v0  }
0x2f: {  	[tilespmem:$0x2960] =	vst v0  }
0x30: {  	[tilespmem:$0x2970] =	vst v0  }
0x31: {  	[tilespmem:$0x2980] =	vst v0  }
0x32: {  	[tilespmem:$0x2990] =	vst v0  }
0x33: {  	[tilespmem:$0x29A0] =	vst v0  }
0x34: {  	[tilespmem:$0x29B0] =	vst v0  }
0x35: {  	[tilespmem:$0x29C0] =	vst v0  }
0x36: {  	[tilespmem:$0x29D0] =	vst v0  }
0x37: {  	[tilespmem:$0x29E0] =	vst v0  }
0x38: {  	[tilespmem:$0x29F0] =	vst v0  }
0x39: {  	[tilespmem:$0x2A00] =	vst v0  }
0x3a: {  	[tilespmem:$0x2A10] =	vst v0  }
0x3b: {  	[tilespmem:$0x2A20] =	vst v0  }
0x3c: {  	[tilespmem:$0x2A30] =	vst v0  }
0x3d: {  	[tilespmem:$0x2A40] =	vst v0  }
0x3e: {  	[tilespmem:$0x2A50] =	vst v0  }
0x3f: {  	[tilespmem:$0x2A60] =	vst v0  }
0x40: {  	[tilespmem:$0x2A70] =	vst v0  }
0x41: {  	[tilespmem:$0x2780] =	vst v1  }
0x42: {  	[tilespmem:$0x2790] =	vst v1  }
0x43: {  	[tilespmem:$0x27A0] =	vst v1  }
0x44: {  	[tilespmem:$0x27B0] =	vst v1  }
0x45: {  	[tilespmem:$0x27C0] =	vst v1  }
0x46: {  	[tilespmem:$0x27D0] =	vst v1  }
0x47: {  	[tilespmem:$0x27E0] =	vst v1  }
0x48: {  	[tilespmem:$0x27F0] =	vst v1  }
0x49: {  	[spmem:s6] =	stream.linear.scatter [tilespmem:s10], [sflag:$0x2], $0x280, $0x38;
	[tilespmem:$0x2D00] =	vst v63  }
0x4a: {  	_ =	swait.ge [sflag:s9], $0x280  }
0x4b: {  	[sflag:s9] =	ssyncset.done $0x0  }
0x4c: {  	[sflag:s9] =	ssyncadd.s32 $0xFFFFFD80  }
0x4d: {  	s18 =	simm.s32 $0x0;
	[bflag:$0x0] =	sbarrier.arrive $0xFFFF  }
0x4e: {  	[spmem:s1] =	stream.indirect.scatter.add.f32 [tilespmem:s12], [sflag:$0x1], $0x1, s18, s11, $0xb8;
	[tilespmem:$0x2D00] =	vst v63  }
0x4f: {  	s19 =	simm.s32 $0x80  }
0x50: {  	[spmem:s1] =	stream.indirect.scatter.add.f32 [tilespmem:s12], [sflag:$0x1], $0x1, s19, s11, $0xb8;
	[tilespmem:$0x2D00] =	vst v63  }
0x51: {  	s20 =	simm.s32 $0x100  }
0x52: {  	[spmem:s1] =	stream.indirect.scatter.add.f32 [tilespmem:s12], [sflag:$0x1], $0x1, s20, s11, $0xb8;
	[tilespmem:$0x2D00] =	vst v63  }
0x53: {  	s21 =	simm.s32 $0x180  }
0x54: {  	[spmem:s1] =	stream.indirect.scatter.add.f32 [tilespmem:s12], [sflag:$0x1], $0x1, s21, s11, $0xb8;
	[tilespmem:$0x2D00] =	vst v63  }
0x55: {  	s22 =	simm.s32 $0x200  }
0x56: {  	[spmem:s1] =	stream.indirect.scatter.add.f32 [tilespmem:s12], [sflag:$0x1], $0x1, s22, s11, $0xb8;
	[tilespmem:$0x2D00] =	vst v63  }
0x57: {  	s23 =	simm.s32 $0x280  }
0x58: {  	[spmem:s1] =	stream.indirect.scatter.add.f32 [tilespmem:s12], [sflag:$0x1], $0x1, s23, s11, $0xb8;
	[tilespmem:$0x2D00] =	vst v63  }
0x59: {  	s24 =	simm.s32 $0x300  }
0x5a: {  	[spmem:s1] =	stream.indirect.scatter.add.f32 [tilespmem:s12], [sflag:$0x1], $0x1, s24, s11, $0xb8;
	[tilespmem:$0x2D00] =	vst v63  }
0x5b: {  	s25 =	simm.s32 $0x380  }
0x5c: {  	[spmem:s1] =	stream.indirect.scatter.add.f32 [tilespmem:s12], [sflag:$0x1], $0x1, s25, s11, $0xb8;
	[tilespmem:$0x2D00] =	vst v63  }
0x5d: {  	s26 =	simm.s32 $0x400  }
0x5e: {  	[spmem:s1] =	stream.indirect.scatter.add.f32 [tilespmem:s12], [sflag:$0x1], $0x1, s26, s11, $0xb8;
	[tilespmem:$0x2D00] =	vst v63  }
0x5f: {  	s28 =	simm.s32 $0x480  }
0x60: {  	[spmem:s1] =	stream.indirect.scatter.add.f32 [tilespmem:s12], [sflag:$0x1], $0x1, s28, s11, $0xb8;
	[tilespmem:$0x2D00] =	vst v63  }
0x61: {  	s29 =	simm.s32 $0x500  }
0x62: {  	[spmem:s1] =	stream.indirect.scatter.add.f32 [tilespmem:s12], [sflag:$0x1], $0x1, s29, s11, $0xb8;
	[tilespmem:$0x2D00] =	vst v63  }
0x63: {  	s30 =	simm.s32 $0x580  }
0x64: {  	[spmem:s1] =	stream.indirect.scatter.add.f32 [tilespmem:s12], [sflag:$0x1], $0x1, s30, s11, $0xb8;
	[tilespmem:$0x2D00] =	vst v63  }
0x65: {  	s31 =	simm.s32 $0x600  }
0x66: {  	[spmem:s1] =	stream.indirect.scatter.add.f32 [tilespmem:s12], [sflag:$0x1], $0x1, s31, s11, $0xb8;
	[tilespmem:$0x2D00] =	vst v63  }
0x67: {  	s18 =	simm.s32 $0x680  }
0x68: {  	[spmem:s1] =	stream.indirect.scatter.add.f32 [tilespmem:s12], [sflag:$0x1], $0x1, s18, s11, $0xb8;
	[tilespmem:$0x2D00] =	vst v63  }
0x69: {  	s19 =	simm.s32 $0x700  }
0x6a: {  	[spmem:s1] =	stream.indirect.scatter.add.f32 [tilespmem:s12], [sflag:$0x1], $0x1, s19, s11, $0xb8;
	[tilespmem:$0x2D00] =	vst v63  }
0x6b: {  	s20 =	simm.s32 $0x780  }
0x6c: {  	[spmem:s1] =	stream.indirect.scatter.add.f32 [tilespmem:s12], [sflag:$0x1], $0x1, s20, s11, $0xb8;
	[tilespmem:$0x2D00] =	vst v63  }
0x6d: {  	s21 =	simm.s32 $0x800  }
0x6e: {  	[spmem:s1] =	stream.indirect.scatter.add.f32 [tilespmem:s12], [sflag:$0x1], $0x1, s21, s11, $0xb8;
	[tilespmem:$0x2D00] =	vst v63  }
0x6f: {  	s22 =	simm.s32 $0x880  }
0x70: {  	[spmem:s1] =	stream.indirect.scatter.add.f32 [tilespmem:s12], [sflag:$0x1], $0x1, s22, s11, $0xb8;
	[tilespmem:$0x2D00] =	vst v63  }
0x71: {  	s23 =	simm.s32 $0x900  }
0x72: {  	[spmem:s1] =	stream.indirect.scatter.add.f32 [tilespmem:s12], [sflag:$0x1], $0x1, s23, s11, $0xb8;
	[tilespmem:$0x2D00] =	vst v63  }
0x73: {  	s24 =	simm.s32 $0x980  }
0x74: {  	[spmem:s1] =	stream.indirect.scatter.add.f32 [tilespmem:s12], [sflag:$0x1], $0x1, s24, s11, $0xb8;
	[tilespmem:$0x2D00] =	vst v63  }
0x75: {  	s25 =	simm.s32 $0xA00  }
0x76: {  	[spmem:s1] =	stream.indirect.scatter.add.f32 [tilespmem:s12], [sflag:$0x1], $0x1, s25, s11, $0xb8;
	[tilespmem:$0x2D00] =	vst v63  }
0x77: {  	s26 =	simm.s32 $0xA80  }
0x78: {  	[spmem:s1] =	stream.indirect.scatter.add.f32 [tilespmem:s12], [sflag:$0x1], $0x1, s26, s11, $0xb8;
	[tilespmem:$0x2D00] =	vst v63  }
0x79: {  	s28 =	simm.s32 $0xB00  }
0x7a: {  	[spmem:s1] =	stream.indirect.scatter.add.f32 [tilespmem:s12], [sflag:$0x1], $0x1, s28, s11, $0xb8;
	[tilespmem:$0x2D00] =	vst v63  }
0x7b: {  	s29 =	simm.s32 $0xB80  }
0x7c: {  	[spmem:s1] =	stream.indirect.scatter.add.f32 [tilespmem:s12], [sflag:$0x1], $0x1, s29, s11, $0xb8;
	[tilespmem:$0x2D00] =	vst v63  }
0x7d: {  	s30 =	simm.s32 $0xC00  }
0x7e: {  	[spmem:s1] =	stream.indirect.scatter.add.f32 [tilespmem:s12], [sflag:$0x1], $0x1, s30, s11, $0xb8;
	[tilespmem:$0x2D00] =	vst v63  }
0x7f: {  	s31 =	simm.s32 $0xC80  }
0x80: {  	[spmem:s1] =	stream.indirect.scatter.add.f32 [tilespmem:s12], [sflag:$0x1], $0x1, s31, s11, $0xb8;
	[tilespmem:$0x2D00] =	vst v63  }
0x81: {  	_ =	swait.ge [sflag:s13], $0x80  }
0x82: {  	[sflag:s13] =	ssyncset.done $0x0  }
0x83: {  	[sflag:s13] =	ssyncadd.s32 $0xFFFFFF80  }
0x84: {  	_ =	swait.ge [sflag:s13], $0x80  }
0x85: {  	[sflag:s13] =	ssyncset.done $0x0  }
0x86: {  	[sflag:s13] =	ssyncadd.s32 $0xFFFFFF80  }
0x87: {  	_ =	swait.ge [sflag:s13], $0x80  }
0x88: {  	[sflag:s13] =	ssyncset.done $0x0  }
0x89: {  	[sflag:s13] =	ssyncadd.s32 $0xFFFFFF80  }
0x8a: {  	_ =	swait.ge [sflag:s13], $0x80  }
0x8b: {  	[sflag:s13] =	ssyncset.done $0x0  }
0x8c: {  	[sflag:s13] =	ssyncadd.s32 $0xFFFFFF80  }
0x8d: {  	_ =	swait.ge [sflag:s13], $0x80  }
0x8e: {  	[sflag:s13] =	ssyncset.done $0x0  }
0x8f: {  	[sflag:s13] =	ssyncadd.s32 $0xFFFFFF80  }
0x90: {  	_ =	swait.ge [sflag:s13], $0x80  }
0x91: {  	[sflag:s13] =	ssyncset.done $0x0  }
0x92: {  	[sflag:s13] =	ssyncadd.s32 $0xFFFFFF80  }
0x93: {  	_ =	swait.ge [sflag:s13], $0x80  }
0x94: {  	[sflag:s13] =	ssyncset.done $0x0  }
0x95: {  	[sflag:s13] =	ssyncadd.s32 $0xFFFFFF80  }
0x96: {  	_ =	swait.ge [sflag:s13], $0x80  }
0x97: {  	[sflag:s13] =	ssyncset.done $0x0  }
0x98: {  	[sflag:s13] =	ssyncadd.s32 $0xFFFFFF80  }
0x99: {  	_ =	swait.ge [sflag:s13], $0x80  }
0x9a: {  	[sflag:s13] =	ssyncset.done $0x0  }
0x9b: {  	[sflag:s13] =	ssyncadd.s32 $0xFFFFFF80  }
0x9c: {  	_ =	swait.ge [sflag:s13], $0x80  }
0x9d: {  	[sflag:s13] =	ssyncset.done $0x0  }
0x9e: {  	[sflag:s13] =	ssyncadd.s32 $0xFFFFFF80  }
0x9f: {  	_ =	swait.ge [sflag:s13], $0x80  }
0xa0: {  	[sflag:s13] =	ssyncset.done $0x0  }
0xa1: {  	[sflag:s13] =	ssyncadd.s32 $0xFFFFFF80  }
0xa2: {  	_ =	swait.ge [sflag:s13], $0x80  }
0xa3: {  	[sflag:s13] =	ssyncset.done $0x0  }
0xa4: {  	[sflag:s13] =	ssyncadd.s32 $0xFFFFFF80  }
0xa5: {  	_ =	swait.ge [sflag:s13], $0x80  }
0xa6: {  	[sflag:s13] =	ssyncset.done $0x0  }
0xa7: {  	[sflag:s13] =	ssyncadd.s32 $0xFFFFFF80  }
0xa8: {  	_ =	swait.ge [sflag:s13], $0x80  }
0xa9: {  	[sflag:s13] =	ssyncset.done $0x0  }
0xaa: {  	[sflag:s13] =	ssyncadd.s32 $0xFFFFFF80  }
0xab: {  	_ =	swait.ge [sflag:s13], $0x80  }
0xac: {  	[sflag:s13] =	ssyncset.done $0x0  }
0xad: {  	[sflag:s13] =	ssyncadd.s32 $0xFFFFFF80  }
0xae: {  	_ =	swait.ge [sflag:s13], $0x80  }
0xaf: {  	[sflag:s13] =	ssyncset.done $0x0  }
0xb0: {  	[sflag:s13] =	ssyncadd.s32 $0xFFFFFF80  }
0xb1: {  	_ =	swait.ge [sflag:s13], $0x80  }
0xb2: {  	[sflag:s13] =	ssyncset.done $0x0  }
0xb3: {  	[sflag:s13] =	ssyncadd.s32 $0xFFFFFF80  }
0xb4: {  	_ =	swait.ge [sflag:s13], $0x80  }
0xb5: {  	[sflag:s13] =	ssyncset.done $0x0  }
0xb6: {  	[sflag:s13] =	ssyncadd.s32 $0xFFFFFF80  }
0xb7: {  	_ =	swait.ge [sflag:s13], $0x80  }
0xb8: {  	[sflag:s13] =	ssyncset.done $0x0  }
0xb9: {  	[sflag:s13] =	ssyncadd.s32 $0xFFFFFF80  }
0xba: {  	_ =	swait.ge [sflag:s13], $0x80  }
0xbb: {  	[sflag:s13] =	ssyncset.done $0x0  }
0xbc: {  	[sflag:s13] =	ssyncadd.s32 $0xFFFFFF80  }
0xbd: {  	_ =	swait.ge [sflag:s13], $0x80  }
0xbe: {  	[sflag:s13] =	ssyncset.done $0x0  }
0xbf: {  	[sflag:s13] =	ssyncadd.s32 $0xFFFFFF80  }
0xc0: {  	_ =	swait.ge [sflag:s13], $0x80  }
0xc1: {  	[sflag:s13] =	ssyncset.done $0x0  }
0xc2: {  	[sflag:s13] =	ssyncadd.s32 $0xFFFFFF80  }
0xc3: {  	_ =	swait.ge [sflag:s13], $0x80  }
0xc4: {  	[sflag:s13] =	ssyncset.done $0x0  }
0xc5: {  	[sflag:s13] =	ssyncadd.s32 $0xFFFFFF80  }
0xc6: {  	_ =	swait.ge [sflag:s13], $0x80  }
0xc7: {  	[sflag:s13] =	ssyncset.done $0x0  }
0xc8: {  	[sflag:s13] =	ssyncadd.s32 $0xFFFFFF80  }
0xc9: {  	_ =	swait.ge [sflag:s13], $0x80  }
0xca: {  	[sflag:s13] =	ssyncset.done $0x0  }
0xcb: {  	[sflag:s13] =	ssyncadd.s32 $0xFFFFFF80  }
0xcc: {  	_ =	swait.ge [sflag:s13], $0x80  }
0xcd: {  	s17 =	simm.s32 $0x3400;
	[sflag:s13] =	ssyncset.done $0x0  }
.LBB2_2:
0xce: {  	p1 =	sne.s32 s17, $0x6800  }
0xcf: {  	[sflag:s13] =	ssyncadd.s32 $0xFFFFFF80;
	s18 =	smov.u32 s17;
	s17 =	sadd.s32 $0x3400, s17  }
0xd0: {  	s18 =	sshra.s32 s18, $0x2  }
0xd1: {  	[spmem:s1] =	stream.indirect.scatter.add.f32 [tilespmem:s12], [sflag:$0x1], $0x1, s18, s11, $0xb8;
	[tilespmem:$0x2D00] =	vst v63  }
0xd2: {  	s19 =	sadd.s32 $0x80, s18  }
0xd3: {  	[spmem:s1] =	stream.indirect.scatter.add.f32 [tilespmem:s12], [sflag:$0x1], $0x1, s19, s11, $0xb8;
	[tilespmem:$0x2D00] =	vst v63  }
0xd4: {  	s19 =	sadd.s32 $0x100, s18  }
0xd5: {  	[spmem:s1] =	stream.indirect.scatter.add.f32 [tilespmem:s12], [sflag:$0x1], $0x1, s19, s11, $0xb8;
	[tilespmem:$0x2D00] =	vst v63  }
0xd6: {  	s19 =	sadd.s32 $0x180, s18  }
0xd7: {  	[spmem:s1] =	stream.indirect.scatter.add.f32 [tilespmem:s12], [sflag:$0x1], $0x1, s19, s11, $0xb8;
	[tilespmem:$0x2D00] =	vst v63  }
0xd8: {  	s19 =	sadd.s32 $0x200, s18  }
0xd9: {  	[spmem:s1] =	stream.indirect.scatter.add.f32 [tilespmem:s12], [sflag:$0x1], $0x1, s19, s11, $0xb8;
	[tilespmem:$0x2D00] =	vst v63  }
0xda: {  	s19 =	sadd.s32 $0x280, s18  }
0xdb: {  	[spmem:s1] =	stream.indirect.scatter.add.f32 [tilespmem:s12], [sflag:$0x1], $0x1, s19, s11, $0xb8;
	[tilespmem:$0x2D00] =	vst v63  }
0xdc: {  	s19 =	sadd.s32 $0x300, s18  }
0xdd: {  	[spmem:s1] =	stream.indirect.scatter.add.f32 [tilespmem:s12], [sflag:$0x1], $0x1, s19, s11, $0xb8;
	[tilespmem:$0x2D00] =	vst v63  }
0xde: {  	s19 =	sadd.s32 $0x380, s18  }
0xdf: {  	[spmem:s1] =	stream.indirect.scatter.add.f32 [tilespmem:s12], [sflag:$0x1], $0x1, s19, s11, $0xb8;
	[tilespmem:$0x2D00] =	vst v63  }
0xe0: {  	s19 =	sadd.s32 $0x400, s18  }
0xe1: {  	[spmem:s1] =	stream.indirect.scatter.add.f32 [tilespmem:s12], [sflag:$0x1], $0x1, s19, s11, $0xb8;
	[tilespmem:$0x2D00] =	vst v63  }
0xe2: {  	s19 =	sadd.s32 $0x480, s18  }
0xe3: {  	[spmem:s1] =	stream.indirect.scatter.add.f32 [tilespmem:s12], [sflag:$0x1], $0x1, s19, s11, $0xb8;
	[tilespmem:$0x2D00] =	vst v63  }
0xe4: {  	s19 =	sadd.s32 $0x500, s18  }
0xe5: {  	[spmem:s1] =	stream.indirect.scatter.add.f32 [tilespmem:s12], [sflag:$0x1], $0x1, s19, s11, $0xb8;
	[tilespmem:$0x2D00] =	vst v63  }
0xe6: {  	s19 =	sadd.s32 $0x580, s18  }
0xe7: {  	[spmem:s1] =	stream.indirect.scatter.add.f32 [tilespmem:s12], [sflag:$0x1], $0x1, s19, s11, $0xb8;
	[tilespmem:$0x2D00] =	vst v63  }
0xe8: {  	s19 =	sadd.s32 $0x600, s18  }
0xe9: {  	[spmem:s1] =	stream.indirect.scatter.add.f32 [tilespmem:s12], [sflag:$0x1], $0x1, s19, s11, $0xb8;
	[tilespmem:$0x2D00] =	vst v63  }
0xea: {  	s19 =	sadd.s32 $0x680, s18  }
0xeb: {  	[spmem:s1] =	stream.indirect.scatter.add.f32 [tilespmem:s12], [sflag:$0x1], $0x1, s19, s11, $0xb8;
	[tilespmem:$0x2D00] =	vst v63  }
0xec: {  	s19 =	sadd.s32 $0x700, s18  }
0xed: {  	[spmem:s1] =	stream.indirect.scatter.add.f32 [tilespmem:s12], [sflag:$0x1], $0x1, s19, s11, $0xb8;
	[tilespmem:$0x2D00] =	vst v63  }
0xee: {  	s19 =	sadd.s32 $0x780, s18  }
0xef: {  	[spmem:s1] =	stream.indirect.scatter.add.f32 [tilespmem:s12], [sflag:$0x1], $0x1, s19, s11, $0xb8;
	[tilespmem:$0x2D00] =	vst v63  }
0xf0: {  	s19 =	sadd.s32 $0x800, s18  }
0xf1: {  	[spmem:s1] =	stream.indirect.scatter.add.f32 [tilespmem:s12], [sflag:$0x1], $0x1, s19, s11, $0xb8;
	[tilespmem:$0x2D00] =	vst v63  }
0xf2: {  	s19 =	sadd.s32 $0x880, s18  }
0xf3: {  	[spmem:s1] =	stream.indirect.scatter.add.f32 [tilespmem:s12], [sflag:$0x1], $0x1, s19, s11, $0xb8;
	[tilespmem:$0x2D00] =	vst v63  }
0xf4: {  	s19 =	sadd.s32 $0x900, s18  }
0xf5: {  	[spmem:s1] =	stream.indirect.scatter.add.f32 [tilespmem:s12], [sflag:$0x1], $0x1, s19, s11, $0xb8;
	[tilespmem:$0x2D00] =	vst v63  }
0xf6: {  	s19 =	sadd.s32 $0x980, s18  }
0xf7: {  	[spmem:s1] =	stream.indirect.scatter.add.f32 [tilespmem:s12], [sflag:$0x1], $0x1, s19, s11, $0xb8;
	[tilespmem:$0x2D00] =	vst v63  }
0xf8: {  	s19 =	sadd.s32 $0xA00, s18  }
0xf9: {  	[spmem:s1] =	stream.indirect.scatter.add.f32 [tilespmem:s12], [sflag:$0x1], $0x1, s19, s11, $0xb8;
	[tilespmem:$0x2D00] =	vst v63  }
0xfa: {  	s19 =	sadd.s32 $0xA80, s18  }
0xfb: {  	[spmem:s1] =	stream.indirect.scatter.add.f32 [tilespmem:s12], [sflag:$0x1], $0x1, s19, s11, $0xb8;
	[tilespmem:$0x2D00] =	vst v63  }
0xfc: {  	s19 =	sadd.s32 $0xB00, s18  }
0xfd: {  	[spmem:s1] =	stream.indirect.scatter.add.f32 [tilespmem:s12], [sflag:$0x1], $0x1, s19, s11, $0xb8;
	[tilespmem:$0x2D00] =	vst v63  }
0xfe: {  	s19 =	sadd.s32 $0xB80, s18  }
0xff: {  	[spmem:s1] =	stream.indirect.scatter.add.f32 [tilespmem:s12], [sflag:$0x1], $0x1, s19, s11, $0xb8;
	[tilespmem:$0x2D00] =	vst v63  }
0x100: {  	s19 =	sadd.s32 $0xC00, s18  }
0x101: {  	[spmem:s1] =	stream.indirect.scatter.add.f32 [tilespmem:s12], [sflag:$0x1], $0x1, s19, s11, $0xb8;
	[tilespmem:$0x2D00] =	vst v63  }
0x102: {  	s18 =	sadd.s32 $0xC80, s18  }
0x103: {  	[spmem:s1] =	stream.indirect.scatter.add.f32 [tilespmem:s12], [sflag:$0x1], $0x1, s18, s11, $0xb8;
	[tilespmem:$0x2D00] =	vst v63  }
0x104: {  	_ =	swait.ge [sflag:s13], $0x80  }
0x105: {  	[sflag:s13] =	ssyncset.done $0x0  }
0x106: {  	[sflag:s13] =	ssyncadd.s32 $0xFFFFFF80  }
0x107: {  	_ =	swait.ge [sflag:s13], $0x80  }
0x108: {  	[sflag:s13] =	ssyncset.done $0x0  }
0x109: {  	[sflag:s13] =	ssyncadd.s32 $0xFFFFFF80  }
0x10a: {  	_ =	swait.ge [sflag:s13], $0x80  }
0x10b: {  	[sflag:s13] =	ssyncset.done $0x0  }
0x10c: {  	[sflag:s13] =	ssyncadd.s32 $0xFFFFFF80  }
0x10d: {  	_ =	swait.ge [sflag:s13], $0x80  }
0x10e: {  	[sflag:s13] =	ssyncset.done $0x0  }
0x10f: {  	[sflag:s13] =	ssyncadd.s32 $0xFFFFFF80  }
0x110: {  	_ =	swait.ge [sflag:s13], $0x80  }
0x111: {  	[sflag:s13] =	ssyncset.done $0x0  }
0x112: {  	[sflag:s13] =	ssyncadd.s32 $0xFFFFFF80  }
0x113: {  	_ =	swait.ge [sflag:s13], $0x80  }
0x114: {  	[sflag:s13] =	ssyncset.done $0x0  }
0x115: {  	[sflag:s13] =	ssyncadd.s32 $0xFFFFFF80  }
0x116: {  	_ =	swait.ge [sflag:s13], $0x80  }
0x117: {  	[sflag:s13] =	ssyncset.done $0x0  }
0x118: {  	[sflag:s13] =	ssyncadd.s32 $0xFFFFFF80  }
0x119: {  	_ =	swait.ge [sflag:s13], $0x80  }
0x11a: {  	[sflag:s13] =	ssyncset.done $0x0  }
0x11b: {  	[sflag:s13] =	ssyncadd.s32 $0xFFFFFF80  }
0x11c: {  	_ =	swait.ge [sflag:s13], $0x80  }
0x11d: {  	[sflag:s13] =	ssyncset.done $0x0  }
0x11e: {  	[sflag:s13] =	ssyncadd.s32 $0xFFFFFF80  }
0x11f: {  	_ =	swait.ge [sflag:s13], $0x80  }
0x120: {  	[sflag:s13] =	ssyncset.done $0x0  }
0x121: {  	[sflag:s13] =	ssyncadd.s32 $0xFFFFFF80  }
0x122: {  	_ =	swait.ge [sflag:s13], $0x80  }
0x123: {  	[sflag:s13] =	ssyncset.done $0x0  }
0x124: {  	[sflag:s13] =	ssyncadd.s32 $0xFFFFFF80  }
0x125: {  	_ =	swait.ge [sflag:s13], $0x80  }
0x126: {  	[sflag:s13] =	ssyncset.done $0x0  }
0x127: {  	[sflag:s13] =	ssyncadd.s32 $0xFFFFFF80  }
0x128: {  	_ =	swait.ge [sflag:s13], $0x80  }
0x129: {  	[sflag:s13] =	ssyncset.done $0x0  }
0x12a: {  	[sflag:s13] =	ssyncadd.s32 $0xFFFFFF80  }
0x12b: {  	_ =	swait.ge [sflag:s13], $0x80  }
0x12c: {  	[sflag:s13] =	ssyncset.done $0x0  }
0x12d: {  	[sflag:s13] =	ssyncadd.s32 $0xFFFFFF80  }
0x12e: {  	_ =	swait.ge [sflag:s13], $0x80  }
0x12f: {  	[sflag:s13] =	ssyncset.done $0x0  }
0x130: {  	[sflag:s13] =	ssyncadd.s32 $0xFFFFFF80  }
0x131: {  	_ =	swait.ge [sflag:s13], $0x80  }
0x132: {  	[sflag:s13] =	ssyncset.done $0x0  }
0x133: {  	[sflag:s13] =	ssyncadd.s32 $0xFFFFFF80  }
0x134: {  	_ =	swait.ge [sflag:s13], $0x80  }
0x135: {  	[sflag:s13] =	ssyncset.done $0x0  }
0x136: {  	[sflag:s13] =	ssyncadd.s32 $0xFFFFFF80  }
0x137: {  	_ =	swait.ge [sflag:s13], $0x80  }
0x138: {  	[sflag:s13] =	ssyncset.done $0x0  }
0x139: {  	[sflag:s13] =	ssyncadd.s32 $0xFFFFFF80  }
0x13a: {  	_ =	swait.ge [sflag:s13], $0x80  }
0x13b: {  	[sflag:s13] =	ssyncset.done $0x0  }
0x13c: {  	[sflag:s13] =	ssyncadd.s32 $0xFFFFFF80  }
0x13d: {  	_ =	swait.ge [sflag:s13], $0x80  }
0x13e: {  	[sflag:s13] =	ssyncset.done $0x0  }
0x13f: {  	[sflag:s13] =	ssyncadd.s32 $0xFFFFFF80  }
0x140: {  	_ =	swait.ge [sflag:s13], $0x80  }
0x141: {  	[sflag:s13] =	ssyncset.done $0x0  }
0x142: {  	[sflag:s13] =	ssyncadd.s32 $0xFFFFFF80  }
0x143: {  	_ =	swait.ge [sflag:s13], $0x80  }
0x144: {  	[sflag:s13] =	ssyncset.done $0x0  }
0x145: {  	[sflag:s13] =	ssyncadd.s32 $0xFFFFFF80  }
0x146: {  	_ =	swait.ge [sflag:s13], $0x80  }
0x147: {  	[sflag:s13] =	ssyncset.done $0x0  }
0x148: {  	[sflag:s13] =	ssyncadd.s32 $0xFFFFFF80  }
0x149: {  	_ =	swait.ge [sflag:s13], $0x80  }
0x14a: {  	[sflag:s13] =	ssyncset.done $0x0  }
0x14b: {  	[sflag:s13] =	ssyncadd.s32 $0xFFFFFF80  }
.Ltmp0:
0x14c: {  	_ =	swait.ge [sflag:s13], $0x80;
	(pc) =	sbr.rel @p1 .LBB2_2-.Ltmp0, $4  }
0x14d: {  	[sflag:s13] =	ssyncset.done $0x0  }
0x14e: {  	[sflag:s13] =	ssyncadd.s32 $0xFFFFFF80  }
0x14f: {  	_ =	swait.ge [sflag:s13], $0x80  }
0x150: {  	[sflag:s13] =	ssyncset.done $0x0  }
0x151: {  	[sflag:s13] =	ssyncadd.s32 $0xFFFFFF80  }
0x152: {  	s17 =	simm.s32 @!p0 $0x80;
	s18 =	simm.s32 @!p0 $0x2700;
	s19 =	simm.s32 @!p0 $0x2780  }
0x153: {  	[spmem:s1] =	stream.indirect.scatter.add.f32 @!p0 [tilespmem:s19], [sflag:$0x2], $0x1, s18, s17, $0xb8;
	[tilespmem:$0x2D00] =	vst v63  }
0x154: {  	s17 =	simm.s32 @!p0 $0x2  }
0x155: {  	_ =	swait.ge @!p0 [sflag:s17], $0x80  }
0x156: {  	s16 =	sadd.s32 $0x1, s16;
	[sflag:s17] =	ssyncset.done @!p0 $0x0  }
0x157: {  	p1 =	sne.s32 s16, s8;
	[sflag:s17] =	ssyncadd.s32 @!p0 $0xFFFFFF80  }
.Ltmp1:
0x158: {  	[bflag:$0x0] =	sbarrier.arrive $0xFFFF;
	(pc) =	sbr.rel @p1 .LBB2_1-.Ltmp1, $4  }
0x159: {  	[hbm:s7], [sflag:s14] =	dma.local [spmem:s15], $0x50  }
0x15a: {  	_ =	swait.ge [sflag:s9], $0x50  }
0x15b: {  	[sflag:s9] =	ssyncset.done $0x0  }
0x15c: {  	[sflag:s9] =	ssyncadd.s32 $0xFFFFFFB0  }
0x15d: {  	_ =	sfence.sel $0x180000  }
0x15e: {  	[bflag:$0x0] =	sbarrier.arrive $0xFFFF  }
0x15f: {  	p0 =	sne.s32 s2, $0x0;
	_ =	strace $0x90000047  }
0x160: {  	s0 =	sadd.s32 @!p0 $0x100000, s0;
	[bflag:$0x2] =	sbarrier.arrive $0xFFFF  }
0x161: {  	[sflag:s0] =	ssyncadd.tile.s32 @!p0 $0x1;
	_ =	shalt  }
.Lfunc_end2:
_tile_overlayer_lowered:
.L_overlay_start_2:
0x162: {  	(tag) =	ssettag $0x2  }
0x163: {  	s0 =	rddreg [dreg:$0x0];
	s2 =	stileid.u32  }
0x164: {  	s1 =	rddreg [dreg:$0x1];
	p0 =	sne.s32 s2, $0x0  }
0x165: {  	s3 =	rddreg [dreg:$0x2];
	[bflag:$0x3] =	sbarrier.arrive $0xFFFF;
	s2 =	simm.s32 @!p0 $0x1C02  }
0x166: {  	[timem:s3], [sflag:s2] =	dma.local @!p0 [hbm:s0], s1  }
0x167: {  	s0 =	simm.s32 @!p0 $0x2  }
0x168: {  	_ =	swait.ge @!p0 [sflag:s0], s1  }
0x169: {  	s1 =	ssub.s32 @!p0 $0x0, s1;
	[sflag:s0] =	ssyncset.done @!p0 $0x0  }
0x16a: {  	[sflag:s0] =	ssyncadd.s32 @!p0 s1  }
0x16b: {  	[bflag:$0x3] =	sbarrier.arrive $0xFFFF  }
0x16c: {  	_ =	shalt  }

</sc_bundles>
